<compile_context>
chip_gen: v7x
topology: tpu7x:2x2x1
jax: 0.10.2.dev20260603
libtpu: 0.0.44.dev20260713+nightly
codegen_flags: <defaults>
</compile_context>

<pallas_src>
import functools

import jax
import jax.numpy as jnp
from jax import lax
from jax.experimental import pallas as pl
from jax.experimental.pallas import tpu as pltpu
from jax.experimental.pallas import tpu_sc as plsc

NCORE = 2
NSUB = 16
CH = 128
F = 24
HID = 32
P = 12
BN = 512


def _sc_degree(dst3, zrow, np_, nch):
    per = np_ // NSUB
    mesh = plsc.VectorSubcoreMesh(core_axis_name="c", subcore_axis_name="s")

    @functools.partial(
        pl.kernel,
        out_type=jax.ShapeDtypeStruct((NCORE * np_,), jnp.float32),
        mesh=mesh,
        scratch_types=[
            pltpu.VMEM((nch, CH), jnp.int32),
            pltpu.VMEM((CH,), jnp.float32),
            pltpu.VMEM_SHARED((np_,), jnp.float32),
        ],
    )
    def k(dst_h, z_h, out_h, idx_v, ones_v, deg_s):
        cid = lax.axis_index("c")
        sid = lax.axis_index("s")
        wid = cid * NSUB + sid
        pltpu.sync_copy(z_h, deg_s.at[pl.ds(sid * per, per)])
        pltpu.sync_copy(dst_h.at[wid], idx_v)
        for i in range(CH // 16):
            ones_v[pl.ds(i * 16, 16)] = jnp.ones((16,), jnp.float32)
        plsc.subcore_barrier()

        def body(j, carry):
            pltpu.sync_copy(ones_v, deg_s.at[idx_v.at[j]], add=True)
            return carry

        lax.fori_loop(0, nch, body, 0)
        plsc.subcore_barrier()
        off = pl.multiple_of(wid * per, per)
        pltpu.sync_copy(deg_s.at[pl.ds(sid * per, per)],
                        out_h.at[pl.ds(off, per)])

    return k(dst3, zrow)


def _sc_scatter(xs, src4, dst4, ztile, np_, nblk, nb):
    per = np_ // NSUB
    mesh = plsc.VectorSubcoreMesh(core_axis_name="c", subcore_axis_name="s")

    @functools.partial(
        pl.kernel,
        out_type=jax.ShapeDtypeStruct((NCORE * np_, F), jnp.float32),
        mesh=mesh,
        scratch_types=[
            pltpu.VMEM((nb, CH), jnp.int32),
            pltpu.VMEM((nb, CH), jnp.int32),
            pltpu.VMEM((2, CH, F), jnp.float32),
            pltpu.VMEM_SHARED((np_, F), jnp.float32),
            pltpu.SemaphoreType.DMA,
            pltpu.SemaphoreType.DMA,
        ],
        compiler_params=pltpu.CompilerParams(use_tc_tiling_on_sc=False),
    )
    def k(xs_h, src_h, dst_h, z_h, out_h, src_v, dst_v, rows_v, acc_s,
          sem0, sem1):
        cid = lax.axis_index("c")
        sid = lax.axis_index("s")
        wid = cid * NSUB + sid
        pltpu.sync_copy(z_h, acc_s.at[pl.ds(sid * per, per)])
        plsc.subcore_barrier()

        sems = (sem0, sem1)

        @pl.loop(0, nblk)
        def block(t):
            pltpu.sync_copy(src_h.at[wid, t], src_v)
            pltpu.sync_copy(dst_h.at[wid, t], dst_v)
            pltpu.async_copy(xs_h.at[src_v.at[0]], rows_v.at[0], sem0)
            for c in range(nb):
                b = c % 2
                if c + 1 < nb:
                    pltpu.async_copy(xs_h.at[src_v.at[c + 1]],
                                     rows_v.at[1 - b], sems[1 - b])
                pltpu.make_async_copy(xs_h.at[src_v.at[c]],
                                      rows_v.at[b], sems[b]).wait()
                pltpu.sync_copy(rows_v.at[b], acc_s.at[dst_v.at[c]],
                                add=True)

        plsc.subcore_barrier()
        off = pl.multiple_of(wid * per, per)
        pltpu.sync_copy(acc_s.at[pl.ds(sid * per, per)],
                        out_h.at[pl.ds(off, per)])

    return k(xs, src4, dst4, ztile)


def _tc_scale(degp, x24, np_):

    def body(deg_ref, x_ref, xs_ref, dinv_ref):
        deg = deg_ref[0] + deg_ref[1] + 1.0
        dinv = lax.rsqrt(deg)
        xs_ref[...] = x_ref[...] * dinv[:, None]
        dinv_ref[...] = dinv[:, None]

    grid = np_ // BN
    return pl.pallas_call(
        body,
        grid=(grid,),
        in_specs=[
            pl.BlockSpec((2, BN), lambda i: (0, i)),
            pl.BlockSpec((BN, F), lambda i: (i, 0)),
        ],
        out_specs=[
            pl.BlockSpec((BN, F), lambda i: (i, 0)),
            pl.BlockSpec((BN, 1), lambda i: (i, 0)),
        ],
        out_shape=[
            jax.ShapeDtypeStruct((np_, F), jnp.float32),
            jax.ShapeDtypeStruct((np_, 1), jnp.float32),
        ],
    )(degp, x24)


def _tc_gru(Spart, xs, dinv, W3, L3, b3, lb3, att, Wlin, blin, np_):

    def body(S_ref, xs_ref, dinv_ref, W3_ref, L3_ref, b3_ref, lb3_ref,
             att_ref, Wlin_ref, blin_ref, out_ref):
        ax = (S_ref[0] + S_ref[1] + xs_ref[...]) * dinv_ref[...]
        att_v = att_ref[...]
        e = jnp.exp(att_v - jnp.max(att_v))
        probs = e / jnp.sum(e)

        f32 = jnp.float32
        WzL = jnp.dot(W3_ref[0], L3_ref[0, :HID, :], preferred_element_type=f32)
        WrL = jnp.dot(W3_ref[1], L3_ref[1, :HID, :], preferred_element_type=f32)
        WhL = jnp.dot(W3_ref[2], L3_ref[2, :HID, :], preferred_element_type=f32)
        cz = jnp.dot(b3_ref[0:1, :], L3_ref[0, :HID, :],
                     preferred_element_type=f32) + lb3_ref[0:1, :]
        cr = jnp.dot(b3_ref[1:2, :], L3_ref[1, :HID, :],
                     preferred_element_type=f32) + lb3_ref[1:2, :]
        chh = jnp.dot(b3_ref[2:3, :], L3_ref[2, :HID, :],
                      preferred_element_type=f32) + lb3_ref[2:3, :]
        Lzr_bot = jnp.concatenate(
            [L3_ref[0, HID:, :], L3_ref[1, HID:, :]], axis=1)
        Lh_bot = L3_ref[2, HID:, :]

        Hs = jnp.zeros((BN, HID), f32)
        Hacc = jnp.zeros((BN, HID), f32)
        for p in range(P):
            x0 = ax[:, p:p + 1]
            x1 = ax[:, P + p:P + p + 1]
            zin = x0 * WzL[0:1, :] + x1 * WzL[1:2, :] + cz
            rin = x0 * WrL[0:1, :] + x1 * WrL[1:2, :] + cr
            hin = x0 * WhL[0:1, :] + x1 * WhL[1:2, :] + chh
            zr = jnp.dot(Hs, Lzr_bot, preferred_element_type=f32)
            Z = jax.nn.sigmoid(zr[:, :HID] + zin)
            R = jax.nn.sigmoid(zr[:, HID:] + rin)
            Ht = jnp.tanh(jnp.dot(Hs * R, Lh_bot,
                                  preferred_element_type=f32) + hin)
            Hs = Z * Hs + (1.0 - Z) * Ht
            Hacc = Hacc + probs[:, p:p + 1] * Hs
        out_ref[...] = (jnp.dot(jnp.maximum(Hacc, 0.0), Wlin_ref[...],
                                preferred_element_type=f32)
                        + blin_ref[...])

    grid = np_ // BN
    fixed = lambda i: (0, 0)
    fixed3 = lambda i: (0, 0, 0)
    return pl.pallas_call(
        body,
        grid=(grid,),
        in_specs=[
            pl.BlockSpec((2, BN, F), lambda i: (0, i, 0)),
            pl.BlockSpec((BN, F), lambda i: (i, 0)),
            pl.BlockSpec((BN, 1), lambda i: (i, 0)),
            pl.BlockSpec((3, 2, HID), fixed3),
            pl.BlockSpec((3, 2 * HID, HID), fixed3),
            pl.BlockSpec((3, HID), fixed),
            pl.BlockSpec((3, HID), fixed),
            pl.BlockSpec((1, P), fixed),
            pl.BlockSpec((HID, P), fixed),
            pl.BlockSpec((1, P), fixed),
        ],
        out_specs=pl.BlockSpec((BN, P), lambda i: (i, 0)),
        out_shape=jax.ShapeDtypeStruct((np_, P), jnp.float32),
    )(Spart, xs, dinv, W3, L3, b3, lb3, att, Wlin, blin)


def kernel(x, edge_index, Wz, bz, Lz, lbz, Wr, br, Lr, lbr, Wh, bh, Lh, lbh,
           att, Wlin, blin):
    n = x.shape[0]
    e = edge_index.shape[1]

    np_ = -(-n // 2048) * 2048
    dustbin = np_ - 1

    NB = 28
    nch = -(-e // (NCORE * NSUB * CH))
    nch = -(-nch // NB) * NB
    nblk = nch // NB
    pe = NCORE * NSUB * nch * CH
    pad = pe - e
    src = jnp.concatenate(
        [edge_index[0], jnp.full((pad,), dustbin, jnp.int32)])
    dst = jnp.concatenate(
        [edge_index[1], jnp.full((pad,), dustbin, jnp.int32)])
    dst3 = dst.reshape(NCORE * NSUB, nch, CH)
    src4 = src.reshape(NCORE * NSUB, nblk, NB, CH)
    dst4 = dst.reshape(NCORE * NSUB, nblk, NB, CH)

    per = np_ // NSUB
    zrow = jnp.zeros((per,), jnp.float32)
    ztile = jnp.zeros((per, F), jnp.float32)

    x24 = x.reshape(n, F)
    x24p = jnp.pad(x24, ((0, np_ - n), (0, 0)))

    degp = _sc_degree(dst3, zrow, np_, nch).reshape(NCORE, np_)
    xs, dinv = _tc_scale(degp, x24p, np_)
    Spart = _sc_scatter(xs, src4, dst4, ztile, np_, nblk,
                        NB).reshape(NCORE, np_, F)

    W3 = jnp.stack([Wz, Wr, Wh])
    L3 = jnp.stack([Lz, Lr, Lh])
    b3 = jnp.stack([bz, br, bh])
    lb3 = jnp.stack([lbz, lbr, lbh])
    out = _tc_gru(Spart, xs, dinv, W3, L3, b3, lb3,
                  att.reshape(1, P), Wlin, blin.reshape(1, P), np_)
    return out[:n]

# --- scband reference (transcript-rebuilt; emitter-appended) ---
"""Pipeline reference for scband-temporal-gnn-43482248904963 (READ-ONLY COPY).

The authoritative reference and input builder live on the scoring server;
editing this copy changes nothing except your own understanding.
"""

import jax, jax.numpy as jnp
import numpy as np

N = 50000
E = 800000
F_IN = 2
HID = 32
P = 12


def setup_inputs(seed: int = 0):
    key = jax.random.key(seed)
    ks = jax.random.split(key, 20)
    s = 0.1
    inp = {
        "x": jax.random.normal(ks[0], (N, F_IN, P), dtype=jnp.float32),
        "edge_index": jax.random.randint(ks[1], (2, E), 0, N, dtype=jnp.int32),
        # TGCN gate z: GCNConv weight/bias + Linear(2*HID, HID)
        "Wz": jax.random.normal(ks[2], (F_IN, HID), dtype=jnp.float32) * s,
        "bz": jnp.zeros((HID,), dtype=jnp.float32),
        "Lz": jax.random.normal(ks[3], (2 * HID, HID), dtype=jnp.float32) * s,
        "lbz": jnp.zeros((HID,), dtype=jnp.float32),
        # gate r
        "Wr": jax.random.normal(ks[4], (F_IN, HID), dtype=jnp.float32) * s,
        "br": jnp.zeros((HID,), dtype=jnp.float32),
        "Lr": jax.random.normal(ks[5], (2 * HID, HID), dtype=jnp.float32) * s,
        "lbr": jnp.zeros((HID,), dtype=jnp.float32),
        # candidate h
        "Wh": jax.random.normal(ks[6], (F_IN, HID), dtype=jnp.float32) * s,
        "bh": jnp.zeros((HID,), dtype=jnp.float32),
        "Lh": jax.random.normal(ks[7], (2 * HID, HID), dtype=jnp.float32) * s,
        "lbh": jnp.zeros((HID,), dtype=jnp.float32),
        # A3TGCN temporal attention over periods
        "att": jax.random.uniform(ks[8], (P,), dtype=jnp.float32),
        # final Linear(HID, P)
        "Wlin": jax.random.normal(ks[9], (HID, P), dtype=jnp.float32) * s,
        "blin": jnp.zeros((P,), dtype=jnp.float32),
    }
    return inp


def _gcn(X, W, b, src, dst, norm, n):
    # GCNConv: D^{-1/2}(A+I)D^{-1/2} X W + b  (self loops already in src/dst/norm)
    xw = X @ W
    msg = xw[src] * norm[:, None]
    out = jnp.zeros((n, W.shape[1]), dtype=xw.dtype).at[dst].add(msg)
    return out + b


def reference(x, edge_index, Wz, bz, Lz, lbz, Wr, br, Lr, lbr, Wh, bh, Lh, lbh, att, Wlin, blin):
    n = x.shape[0]
    loop = jnp.arange(n, dtype=edge_index.dtype)
    src = jnp.concatenate([edge_index[0], loop])
    dst = jnp.concatenate([edge_index[1], loop])
    deg = jnp.zeros(n, dtype=x.dtype).at[dst].add(1.0)
    dinv = jnp.where(deg > 0, deg ** -0.5, 0.0)
    norm = dinv[src] * dinv[dst]
    probs = jax.nn.softmax(att)
    Hs = jnp.zeros((n, HID), dtype=x.dtype)
    Hacc = jnp.zeros((n, HID), dtype=x.dtype)
    for p in range(x.shape[2]):
        Xp = x[:, :, p]
        Z = jax.nn.sigmoid(jnp.concatenate([_gcn(Xp, Wz, bz, src, dst, norm, n), Hs], axis=1) @ Lz + lbz)
        R = jax.nn.sigmoid(jnp.concatenate([_gcn(Xp, Wr, br, src, dst, norm, n), Hs], axis=1) @ Lr + lbr)
        Ht = jnp.tanh(jnp.concatenate([_gcn(Xp, Wh, bh, src, dst, norm, n), Hs * R], axis=1) @ Lh + lbh)
        Hs = Z * Hs + (1.0 - Z) * Ht
        Hacc = Hacc + probs[p] * Hs
    return jax.nn.relu(Hacc) @ Wlin + blin

if __name__ == "__main__":
    import jax
    _d = setup_inputs()
    print(jax.jit(kernel)(*tuple(_d.values())))

</pallas_src>

<mosaic_0001>
#map = affine_map<(d0, d1) -> (0, 0, 0)>
#map1 = affine_map<(d0, d1) -> (0)>
module attributes {stable_mosaic.version = 14 : i64} {
  func.func @k(%arg0: i32, %arg1: i32, %arg2: memref<32x196x128xi32, #tpu.memory_space<hbm>>, %arg3: memref<3200xf32, #tpu.memory_space<hbm>>, %arg4: memref<102400xf32, #tpu.memory_space<hbm>>, %arg5: memref<196x128xi32, #tpu.memory_space<vmem>>, %arg6: memref<128xf32, #tpu.memory_space<vmem>>, %arg7: memref<51200xf32, #tpu.memory_space<vmem_shared>>) attributes {dimension_semantics = [#tpu.dimension_semantics<core_parallel>, #tpu.dimension_semantics<subcore_parallel>], iteration_bounds = array<i64: 2, 16>, scalar_prefetch = 0 : i64, scratch_operands = 3 : i64, tpu.core_type = #tpu.core_type<sc_vector_subcore>, window_params = [{transform_indices = #map}, {transform_indices = #map1}, {transform_indices = #map1}]} {
    %mul3A = arith.constant 16 : i32
    %mul3A_0 = arith.muli %arg0, %mul3A : i32
    %add3A = arith.addi %mul3A_0, %arg1 : i32
    %mul3A_1 = arith.constant 3200 : i32
    %mul3A_2 = arith.muli %arg1, %mul3A_1 : i32
    "tpu.region"() ({
      %run_scoped3A = tpu.sem_alloc : memref<!tpu.dma_semaphore, #tpu.memory_space<semaphore_mem>>
      %dma_start3A = tpu.memref_slice %arg7[%mul3A_2] : memref<51200xf32, #tpu.memory_space<vmem_shared>> -> memref<3200xf32, #tpu.memory_space<vmem_shared>>
      tpu.enqueue_dma source(%arg3 : memref<3200xf32, #tpu.memory_space<hbm>>) target(%dma_start3A : memref<3200xf32, #tpu.memory_space<vmem_shared>>) target_semaphore(%run_scoped3A : memref<!tpu.dma_semaphore, #tpu.memory_space<semaphore_mem>>)
      %dma_wait3A = tpu.memref_slice %arg7[%mul3A_2] : memref<51200xf32, #tpu.memory_space<vmem_shared>> -> memref<3200xf32, #tpu.memory_space<vmem_shared>>
      tpu.wait_dma2 semaphore(%run_scoped3A : memref<!tpu.dma_semaphore, #tpu.memory_space<semaphore_mem>>) src(%arg3 : memref<3200xf32, #tpu.memory_space<hbm>>) dst(%dma_wait3A : memref<3200xf32, #tpu.memory_space<vmem_shared>>)
      tpu.yield
    }) : () -> ()
    "tpu.region"() ({
      %run_scoped3A = tpu.sem_alloc : memref<!tpu.dma_semaphore, #tpu.memory_space<semaphore_mem>>
      %dma_start3A = arith.constant 0 : i32
      %dma_start3A_59 = arith.constant 0 : i32
      %dma_start3A_60 = tpu.memref_slice %arg2[%add3A, %dma_start3A, %dma_start3A_59] : memref<32x196x128xi32, #tpu.memory_space<hbm>> -> memref<1x196x128xi32, #tpu.memory_space<hbm>>
      %dma_start3A_61 = tpu.memref_squeeze %dma_start3A_60 : memref<1x196x128xi32, #tpu.memory_space<hbm>> -> memref<196x128xi32, #tpu.memory_space<hbm>>
      %dma_start3A_62 = arith.constant 0 : i32
      %dma_start3A_63 = arith.constant 0 : i32
      %dma_start3A_64 = tpu.memref_slice %arg2[%add3A, %dma_start3A_62, %dma_start3A_63] : memref<32x196x128xi32, #tpu.memory_space<hbm>> -> memref<1x196x128xi32, #tpu.memory_space<hbm>>
      %dma_start3A_65 = tpu.memref_squeeze %dma_start3A_64 : memref<1x196x128xi32, #tpu.memory_space<hbm>> -> memref<196x128xi32, #tpu.memory_space<hbm>>
      tpu.enqueue_dma source(%dma_start3A_65 : memref<196x128xi32, #tpu.memory_space<hbm>>) target(%arg5 : memref<196x128xi32, #tpu.memory_space<vmem>>) target_semaphore(%run_scoped3A : memref<!tpu.dma_semaphore, #tpu.memory_space<semaphore_mem>>)
      %dma_wait3A = arith.constant 0 : i32
      %dma_wait3A_66 = arith.constant 0 : i32
      %dma_wait3A_67 = tpu.memref_slice %arg2[%add3A, %dma_wait3A, %dma_wait3A_66] : memref<32x196x128xi32, #tpu.memory_space<hbm>> -> memref<1x196x128xi32, #tpu.memory_space<hbm>>
      %dma_wait3A_68 = tpu.memref_squeeze %dma_wait3A_67 : memref<1x196x128xi32, #tpu.memory_space<hbm>> -> memref<196x128xi32, #tpu.memory_space<hbm>>
      %dma_wait3A_69 = arith.constant 0 : i32
      %dma_wait3A_70 = arith.constant 0 : i32
      %dma_wait3A_71 = tpu.memref_slice %arg2[%add3A, %dma_wait3A_69, %dma_wait3A_70] : memref<32x196x128xi32, #tpu.memory_space<hbm>> -> memref<1x196x128xi32, #tpu.memory_space<hbm>>
      %dma_wait3A_72 = tpu.memref_squeeze %dma_wait3A_71 : memref<1x196x128xi32, #tpu.memory_space<hbm>> -> memref<196x128xi32, #tpu.memory_space<hbm>>
      tpu.wait_dma2 semaphore(%run_scoped3A : memref<!tpu.dma_semaphore, #tpu.memory_space<semaphore_mem>>) src(%dma_wait3A_72 : memref<196x128xi32, #tpu.memory_space<hbm>>) dst(%arg5 : memref<196x128xi32, #tpu.memory_space<vmem>>)
      tpu.yield
    }) : () -> ()
    %broadcast_in_dim3A = arith.constant 1.000000e+00 : f32
    %broadcast_in_dim3A_3 = vector.broadcast %broadcast_in_dim3A : f32 to vector<16xf32>
    %swap3A = arith.constant 0 : index
    %swap3A_4 = tpu.vector_load %arg6[%swap3A] {strides = array<i32>} : memref<128xf32, #tpu.memory_space<vmem>>, vector<16xf32>,
    %swap3A_5 = vector.shape_cast %swap3A_4 : vector<16xf32> to vector<16xf32>
    %swap3A_6 = vector.shape_cast %broadcast_in_dim3A_3 : vector<16xf32> to vector<16xf32>
    tpu.vector_store %arg6[%swap3A], %swap3A_6 {strides = array<i32>} : memref<128xf32, #tpu.memory_space<vmem>>, vector<16xf32>,
    %broadcast_in_dim3A_7 = arith.constant 1.000000e+00 : f32
    %broadcast_in_dim3A_8 = vector.broadcast %broadcast_in_dim3A_7 : f32 to vector<16xf32>
    %swap3A_9 = arith.constant 16 : index
    %swap3A_10 = tpu.vector_load %arg6[%swap3A_9] {strides = array<i32>} : memref<128xf32, #tpu.memory_space<vmem>>, vector<16xf32>,
    %swap3A_11 = vector.shape_cast %swap3A_10 : vector<16xf32> to vector<16xf32>
    %swap3A_12 = vector.shape_cast %broadcast_in_dim3A_8 : vector<16xf32> to vector<16xf32>
    tpu.vector_store %arg6[%swap3A_9], %swap3A_12 {strides = array<i32>} : memref<128xf32, #tpu.memory_space<vmem>>, vector<16xf32>,
    %broadcast_in_dim3A_13 = arith.constant 1.000000e+00 : f32
    %broadcast_in_dim3A_14 = vector.broadcast %broadcast_in_dim3A_13 : f32 to vector<16xf32>
    %swap3A_15 = arith.constant 32 : index
    %swap3A_16 = tpu.vector_load %arg6[%swap3A_15] {strides = array<i32>} : memref<128xf32, #tpu.memory_space<vmem>>, vector<16xf32>,
    %swap3A_17 = vector.shape_cast %swap3A_16 : vector<16xf32> to vector<16xf32>
    %swap3A_18 = vector.shape_cast %broadcast_in_dim3A_14 : vector<16xf32> to vector<16xf32>
    tpu.vector_store %arg6[%swap3A_15], %swap3A_18 {strides = array<i32>} : memref<128xf32, #tpu.memory_space<vmem>>, vector<16xf32>,
    %broadcast_in_dim3A_19 = arith.constant 1.000000e+00 : f32
    %broadcast_in_dim3A_20 = vector.broadcast %broadcast_in_dim3A_19 : f32 to vector<16xf32>
    %swap3A_21 = arith.constant 48 : index
    %swap3A_22 = tpu.vector_load %arg6[%swap3A_21] {strides = array<i32>} : memref<128xf32, #tpu.memory_space<vmem>>, vector<16xf32>,
    %swap3A_23 = vector.shape_cast %swap3A_22 : vector<16xf32> to vector<16xf32>
    %swap3A_24 = vector.shape_cast %broadcast_in_dim3A_20 : vector<16xf32> to vector<16xf32>
    tpu.vector_store %arg6[%swap3A_21], %swap3A_24 {strides = array<i32>} : memref<128xf32, #tpu.memory_space<vmem>>, vector<16xf32>,
    %broadcast_in_dim3A_25 = arith.constant 1.000000e+00 : f32
    %broadcast_in_dim3A_26 = vector.broadcast %broadcast_in_dim3A_25 : f32 to vector<16xf32>
    %swap3A_27 = arith.constant 64 : index
    %swap3A_28 = tpu.vector_load %arg6[%swap3A_27] {strides = array<i32>} : memref<128xf32, #tpu.memory_space<vmem>>, vector<16xf32>,
    %swap3A_29 = vector.shape_cast %swap3A_28 : vector<16xf32> to vector<16xf32>
    %swap3A_30 = vector.shape_cast %broadcast_in_dim3A_26 : vector<16xf32> to vector<16xf32>
    tpu.vector_store %arg6[%swap3A_27], %swap3A_30 {strides = array<i32>} : memref<128xf32, #tpu.memory_space<vmem>>, vector<16xf32>,
    %broadcast_in_dim3A_31 = arith.constant 1.000000e+00 : f32
    %broadcast_in_dim3A_32 = vector.broadcast %broadcast_in_dim3A_31 : f32 to vector<16xf32>
    %swap3A_33 = arith.constant 80 : index
    %swap3A_34 = tpu.vector_load %arg6[%swap3A_33] {strides = array<i32>} : memref<128xf32, #tpu.memory_space<vmem>>, vector<16xf32>,
    %swap3A_35 = vector.shape_cast %swap3A_34 : vector<16xf32> to vector<16xf32>
    %swap3A_36 = vector.shape_cast %broadcast_in_dim3A_32 : vector<16xf32> to vector<16xf32>
    tpu.vector_store %arg6[%swap3A_33], %swap3A_36 {strides = array<i32>} : memref<128xf32, #tpu.memory_space<vmem>>, vector<16xf32>,
    %broadcast_in_dim3A_37 = arith.constant 1.000000e+00 : f32
    %broadcast_in_dim3A_38 = vector.broadcast %broadcast_in_dim3A_37 : f32 to vector<16xf32>
    %swap3A_39 = arith.constant 96 : index
    %swap3A_40 = tpu.vector_load %arg6[%swap3A_39] {strides = array<i32>} : memref<128xf32, #tpu.memory_space<vmem>>, vector<16xf32>,
    %swap3A_41 = vector.shape_cast %swap3A_40 : vector<16xf32> to vector<16xf32>
    %swap3A_42 = vector.shape_cast %broadcast_in_dim3A_38 : vector<16xf32> to vector<16xf32>
    tpu.vector_store %arg6[%swap3A_39], %swap3A_42 {strides = array<i32>} : memref<128xf32, #tpu.memory_space<vmem>>, vector<16xf32>,
    %broadcast_in_dim3A_43 = arith.constant 1.000000e+00 : f32
    %broadcast_in_dim3A_44 = vector.broadcast %broadcast_in_dim3A_43 : f32 to vector<16xf32>
    %swap3A_45 = arith.constant 112 : index
    %swap3A_46 = tpu.vector_load %arg6[%swap3A_45] {strides = array<i32>} : memref<128xf32, #tpu.memory_space<vmem>>, vector<16xf32>,
    %swap3A_47 = vector.shape_cast %swap3A_46 : vector<16xf32> to vector<16xf32>
    %swap3A_48 = vector.shape_cast %broadcast_in_dim3A_44 : vector<16xf32> to vector<16xf32>
    tpu.vector_store %arg6[%swap3A_45], %swap3A_48 {strides = array<i32>} : memref<128xf32, #tpu.memory_space<vmem>>, vector<16xf32>,
    %barrier3A = arith.constant 0 : index
    tpu.barrier barrier_id(%barrier3A)
    %scan3A = arith.constant 0 : i32
    %scan3A_49 = arith.constant 0 : i32
    %scan3A_50 = arith.constant 196 : i32
    %scan3A_51 = arith.addi %scan3A_49, %scan3A_50 : i32
    %scan3A_52 = arith.constant 1 : i32
    scf.for %scan3A_59 = %scan3A_49 to %scan3A_51 step %scan3A_52  : i32 {
      "tpu.region"() ({
        %run_scoped3A = tpu.sem_alloc : memref<!tpu.dma_semaphore, #tpu.memory_space<semaphore_mem>>
        %dma_start3A = arith.constant 0 : i32
        %dma_start3A_60 = tpu.memref_slice %arg5[%scan3A_59, %dma_start3A] : memref<196x128xi32, #tpu.memory_space<vmem>> -> memref<1x128xi32, #tpu.memory_space<vmem>>
        %dma_start3A_61 = tpu.memref_squeeze %dma_start3A_60 : memref<1x128xi32, #tpu.memory_space<vmem>> -> memref<128xi32, #tpu.memory_space<vmem>>
        %dma_start3A_62 = arith.constant 0 : i32
        %dma_start3A_63 = tpu.memref_slice %arg7[%dma_start3A_62] : memref<51200xf32, #tpu.memory_space<vmem_shared>> -> memref<51200xf32, #tpu.memory_space<vmem_shared>>
        tpu.enqueue_indirect_dma source(%arg6 : memref<128xf32, #tpu.memory_space<vmem>>) target(%dma_start3A_63 : memref<51200xf32, #tpu.memory_space<vmem_shared>>) offsets(%dma_start3A_61 : memref<128xi32, #tpu.memory_space<vmem>>) semaphore(%run_scoped3A : memref<!tpu.dma_semaphore, #tpu.memory_space<semaphore_mem>>) {add = true}
        %dma_wait3A = arith.constant 0 : i32
        %dma_wait3A_64 = tpu.memref_slice %arg5[%scan3A_59, %dma_wait3A] : memref<196x128xi32, #tpu.memory_space<vmem>> -> memref<1x128xi32, #tpu.memory_space<vmem>>
        %dma_wait3A_65 = tpu.memref_squeeze %dma_wait3A_64 : memref<1x128xi32, #tpu.memory_space<vmem>> -> memref<128xi32, #tpu.memory_space<vmem>>
        %dma_wait3A_66 = arith.constant 0 : i32
        %dma_wait3A_67 = tpu.memref_slice %arg7[%dma_wait3A_66] : memref<51200xf32, #tpu.memory_space<vmem_shared>> -> memref<51200xf32, #tpu.memory_space<vmem_shared>>
        tpu.wait_indirect_dma semaphore(%run_scoped3A : memref<!tpu.dma_semaphore, #tpu.memory_space<semaphore_mem>>) src(%arg6 : memref<128xf32, #tpu.memory_space<vmem>>) dst(%dma_wait3A_67 : memref<51200xf32, #tpu.memory_space<vmem_shared>>)
        tpu.yield
      }) : () -> ()
    }
    %scan3A_53 = arith.constant 196 : i32
    %barrier3A_54 = arith.constant 0 : index
    tpu.barrier barrier_id(%barrier3A_54)
    %mul3A_55 = arith.constant 3200 : i32
    %mul3A_56 = arith.muli %add3A, %mul3A_55 : i32
    %multiple_of3A = tpu.assume_multiple %mul3A_56, 3200 : i32
    %mul3A_57 = arith.constant 3200 : i32
    %mul3A_58 = arith.muli %arg1, %mul3A_57 : i32
    "tpu.region"() ({
      %run_scoped3A = tpu.sem_alloc : memref<!tpu.dma_semaphore, #tpu.memory_space<semaphore_mem>>
      %dma_start3A = tpu.memref_slice %arg4[%multiple_of3A] : memref<102400xf32, #tpu.memory_space<hbm>> -> memref<3200xf32, #tpu.memory_space<hbm>>
      %dma_start3A_59 = tpu.memref_slice %arg7[%mul3A_58] : memref<51200xf32, #tpu.memory_space<vmem_shared>> -> memref<3200xf32, #tpu.memory_space<vmem_shared>>
      tpu.enqueue_dma source(%dma_start3A_59 : memref<3200xf32, #tpu.memory_space<vmem_shared>>) target(%dma_start3A : memref<3200xf32, #tpu.memory_space<hbm>>) target_semaphore(%run_scoped3A : memref<!tpu.dma_semaphore, #tpu.memory_space<semaphore_mem>>)
      %dma_wait3A = tpu.memref_slice %arg4[%multiple_of3A] : memref<102400xf32, #tpu.memory_space<hbm>> -> memref<3200xf32, #tpu.memory_space<hbm>>
      %dma_wait3A_60 = tpu.memref_slice %arg7[%mul3A_58] : memref<51200xf32, #tpu.memory_space<vmem_shared>> -> memref<3200xf32, #tpu.memory_space<vmem_shared>>
      tpu.wait_dma2 semaphore(%run_scoped3A : memref<!tpu.dma_semaphore, #tpu.memory_space<semaphore_mem>>) src(%dma_wait3A_60 : memref<3200xf32, #tpu.memory_space<vmem_shared>>) dst(%dma_wait3A : memref<3200xf32, #tpu.memory_space<hbm>>)
      tpu.yield
    }) : () -> ()
    return
  }
}

#map = affine_map<(d0, d1) -> (0, 0)>
#map1 = affine_map<(d0, d1) -> (0, 0, 0, 0)>
module attributes {stable_mosaic.version = 14 : i64} {
  func.func @k(%arg0: i32, %arg1: i32, %arg2: memref<51200x24xf32, #tpu.memory_space<hbm>>, %arg3: memref<32x7x28x128xi32, #tpu.memory_space<hbm>>, %arg4: memref<32x7x28x128xi32, #tpu.memory_space<hbm>>, %arg5: memref<3200x24xf32, #tpu.memory_space<hbm>>, %arg6: memref<102400x24xf32, #tpu.memory_space<hbm>>, %arg7: memref<28x128xi32, #tpu.memory_space<vmem>>, %arg8: memref<28x128xi32, #tpu.memory_space<vmem>>, %arg9: memref<2x128x24xf32, #tpu.memory_space<vmem>>, %arg10: memref<51200x24xf32, #tpu.memory_space<vmem_shared>>, %arg11: memref<!tpu.dma_semaphore, #tpu.memory_space<semaphore_mem>>, %arg12: memref<!tpu.dma_semaphore, #tpu.memory_space<semaphore_mem>>) attributes {dimension_semantics = [#tpu.dimension_semantics<core_parallel>, #tpu.dimension_semantics<subcore_parallel>], iteration_bounds = array<i64: 2, 16>, scalar_prefetch = 0 : i64, scratch_operands = 6 : i64, tpu.core_type = #tpu.core_type<sc_vector_subcore>, window_params = [{transform_indices = #map}, {transform_indices = #map1}, {transform_indices = #map1}, {transform_indices = #map}, {transform_indices = #map}]} {
    %mul3A = arith.constant 16 : i32
    %mul3A_0 = arith.muli %arg0, %mul3A : i32
    %add3A = arith.addi %mul3A_0, %arg1 : i32
    %mul3A_1 = arith.constant 3200 : i32
    %mul3A_2 = arith.muli %arg1, %mul3A_1 : i32
    "tpu.region"() ({
      %run_scoped3A = tpu.sem_alloc : memref<!tpu.dma_semaphore, #tpu.memory_space<semaphore_mem>>
      %dma_start3A = arith.constant 0 : i32
      %dma_start3A_12 = tpu.memref_slice %arg10[%mul3A_2, %dma_start3A] : memref<51200x24xf32, #tpu.memory_space<vmem_shared>> -> memref<3200x24xf32, #tpu.memory_space<vmem_shared>>
      tpu.enqueue_dma source(%arg5 : memref<3200x24xf32, #tpu.memory_space<hbm>>) target(%dma_start3A_12 : memref<3200x24xf32, #tpu.memory_space<vmem_shared>>) target_semaphore(%run_scoped3A : memref<!tpu.dma_semaphore, #tpu.memory_space<semaphore_mem>>)
      %dma_wait3A = arith.constant 0 : i32
      %dma_wait3A_13 = tpu.memref_slice %arg10[%mul3A_2, %dma_wait3A] : memref<51200x24xf32, #tpu.memory_space<vmem_shared>> -> memref<3200x24xf32, #tpu.memory_space<vmem_shared>>
      tpu.wait_dma2 semaphore(%run_scoped3A : memref<!tpu.dma_semaphore, #tpu.memory_space<semaphore_mem>>) src(%arg5 : memref<3200x24xf32, #tpu.memory_space<hbm>>) dst(%dma_wait3A_13 : memref<3200x24xf32, #tpu.memory_space<vmem_shared>>)
      tpu.yield
    }) : () -> ()
    %barrier3A = arith.constant 0 : index
    tpu.barrier barrier_id(%barrier3A)
    %scan3A = arith.constant 0 : i32
    %scan3A_3 = arith.constant 7 : i32
    %scan3A_4 = arith.addi %scan3A, %scan3A_3 : i32
    %scan3A_5 = arith.constant 1 : i32
    scf.for %scan3A_12 = %scan3A to %scan3A_4 step %scan3A_5  : i32 {
      %mul3A_13 = arith.constant 1 : i32
      %mul3A_14 = arith.muli %scan3A_12, %mul3A_13 : i32
      %add3A_15 = arith.constant 0 : i32
      %add3A_16 = arith.addi %add3A_15, %mul3A_14 : i32
      "tpu.region"() ({
        %run_scoped3A_742 = tpu.sem_alloc : memref<!tpu.dma_semaphore, #tpu.memory_space<semaphore_mem>>
        %dma_start3A_743 = arith.constant 0 : i32
        %dma_start3A_744 = arith.constant 0 : i32
        %dma_start3A_745 = tpu.memref_slice %arg3[%add3A, %add3A_16, %dma_start3A_743, %dma_start3A_744] : memref<32x7x28x128xi32, #tpu.memory_space<hbm>> -> memref<1x1x28x128xi32, #tpu.memory_space<hbm>>
        %dma_start3A_746 = tpu.memref_squeeze %dma_start3A_745 : memref<1x1x28x128xi32, #tpu.memory_space<hbm>> -> memref<28x128xi32, #tpu.memory_space<hbm>>
        %dma_start3A_747 = arith.constant 0 : i32
        %dma_start3A_748 = arith.constant 0 : i32
        %dma_start3A_749 = tpu.memref_slice %arg3[%add3A, %add3A_16, %dma_start3A_747, %dma_start3A_748] : memref<32x7x28x128xi32, #tpu.memory_space<hbm>> -> memref<1x1x28x128xi32, #tpu.memory_space<hbm>>
        %dma_start3A_750 = tpu.memref_squeeze %dma_start3A_749 : memref<1x1x28x128xi32, #tpu.memory_space<hbm>> -> memref<28x128xi32, #tpu.memory_space<hbm>>
        tpu.enqueue_dma source(%dma_start3A_750 : memref<28x128xi32, #tpu.memory_space<hbm>>) target(%arg7 : memref<28x128xi32, #tpu.memory_space<vmem>>) target_semaphore(%run_scoped3A_742 : memref<!tpu.dma_semaphore, #tpu.memory_space<semaphore_mem>>)
        %dma_wait3A_751 = arith.constant 0 : i32
        %dma_wait3A_752 = arith.constant 0 : i32
        %dma_wait3A_753 = tpu.memref_slice %arg3[%add3A, %add3A_16, %dma_wait3A_751, %dma_wait3A_752] : memref<32x7x28x128xi32, #tpu.memory_space<hbm>> -> memref<1x1x28x128xi32, #tpu.memory_space<hbm>>
        %dma_wait3A_754 = tpu.memref_squeeze %dma_wait3A_753 : memref<1x1x28x128xi32, #tpu.memory_space<hbm>> -> memref<28x128xi32, #tpu.memory_space<hbm>>
        %dma_wait3A_755 = arith.constant 0 : i32
        %dma_wait3A_756 = arith.constant 0 : i32
        %dma_wait3A_757 = tpu.memref_slice %arg3[%add3A, %add3A_16, %dma_wait3A_755, %dma_wait3A_756] : memref<32x7x28x128xi32, #tpu.memory_space<hbm>> -> memref<1x1x28x128xi32, #tpu.memory_space<hbm>>
        %dma_wait3A_758 = tpu.memref_squeeze %dma_wait3A_757 : memref<1x1x28x128xi32, #tpu.memory_space<hbm>> -> memref<28x128xi32, #tpu.memory_space<hbm>>
        tpu.wait_dma2 semaphore(%run_scoped3A_742 : memref<!tpu.dma_semaphore, #tpu.memory_space<semaphore_mem>>) src(%dma_wait3A_758 : memref<28x128xi32, #tpu.memory_space<hbm>>) dst(%arg7 : memref<28x128xi32, #tpu.memory_space<vmem>>)
        tpu.yield
      }) : () -> ()
      "tpu.region"() ({
        %run_scoped3A_742 = tpu.sem_alloc : memref<!tpu.dma_semaphore, #tpu.memory_space<semaphore_mem>>
        %dma_start3A_743 = arith.constant 0 : i32
        %dma_start3A_744 = arith.constant 0 : i32
        %dma_start3A_745 = tpu.memref_slice %arg4[%add3A, %add3A_16, %dma_start3A_743, %dma_start3A_744] : memref<32x7x28x128xi32, #tpu.memory_space<hbm>> -> memref<1x1x28x128xi32, #tpu.memory_space<hbm>>
        %dma_start3A_746 = tpu.memref_squeeze %dma_start3A_745 : memref<1x1x28x128xi32, #tpu.memory_space<hbm>> -> memref<28x128xi32, #tpu.memory_space<hbm>>
        %dma_start3A_747 = arith.constant 0 : i32
        %dma_start3A_748 = arith.constant 0 : i32
        %dma_start3A_749 = tpu.memref_slice %arg4[%add3A, %add3A_16, %dma_start3A_747, %dma_start3A_748] : memref<32x7x28x128xi32, #tpu.memory_space<hbm>> -> memref<1x1x28x128xi32, #tpu.memory_space<hbm>>
        %dma_start3A_750 = tpu.memref_squeeze %dma_start3A_749 : memref<1x1x28x128xi32, #tpu.memory_space<hbm>> -> memref<28x128xi32, #tpu.memory_space<hbm>>
        tpu.enqueue_dma source(%dma_start3A_750 : memref<28x128xi32, #tpu.memory_space<hbm>>) target(%arg8 : memref<28x128xi32, #tpu.memory_space<vmem>>) target_semaphore(%run_scoped3A_742 : memref<!tpu.dma_semaphore, #tpu.memory_space<semaphore_mem>>)
        %dma_wait3A_751 = arith.constant 0 : i32
        %dma_wait3A_752 = arith.constant 0 : i32
        %dma_wait3A_753 = tpu.memref_slice %arg4[%add3A, %add3A_16, %dma_wait3A_751, %dma_wait3A_752] : memref<32x7x28x128xi32, #tpu.memory_space<hbm>> -> memref<1x1x28x128xi32, #tpu.memory_space<hbm>>
        %dma_wait3A_754 = tpu.memref_squeeze %dma_wait3A_753 : memref<1x1x28x128xi32, #tpu.memory_space<hbm>> -> memref<28x128xi32, #tpu.memory_space<hbm>>
        %dma_wait3A_755 = arith.constant 0 : i32
        %dma_wait3A_756 = arith.constant 0 : i32
        %dma_wait3A_757 = tpu.memref_slice %arg4[%add3A, %add3A_16, %dma_wait3A_755, %dma_wait3A_756] : memref<32x7x28x128xi32, #tpu.memory_space<hbm>> -> memref<1x1x28x128xi32, #tpu.memory_space<hbm>>
        %dma_wait3A_758 = tpu.memref_squeeze %dma_wait3A_757 : memref<1x1x28x128xi32, #tpu.memory_space<hbm>> -> memref<28x128xi32, #tpu.memory_space<hbm>>
        tpu.wait_dma2 semaphore(%run_scoped3A_742 : memref<!tpu.dma_semaphore, #tpu.memory_space<semaphore_mem>>) src(%dma_wait3A_758 : memref<28x128xi32, #tpu.memory_space<hbm>>) dst(%arg8 : memref<28x128xi32, #tpu.memory_space<vmem>>)
        tpu.yield
      }) : () -> ()
      %dma_start3A = arith.constant 0 : i32
      %dma_start3A_17 = arith.constant 0 : i32
      %dma_start3A_18 = arith.constant 0 : i32
      %dma_start3A_19 = arith.constant 0 : i32
      %dma_start3A_20 = tpu.memref_slice %arg9[%dma_start3A_17, %dma_start3A_18, %dma_start3A_19] : memref<2x128x24xf32, #tpu.memory_space<vmem>> -> memref<1x128x24xf32, #tpu.memory_space<vmem>>
      %dma_start3A_21 = tpu.memref_squeeze %dma_start3A_20 : memref<1x128x24xf32, #tpu.memory_space<vmem>> -> memref<128x24xf32, #tpu.memory_space<vmem>>
      %dma_start3A_22 = arith.constant 0 : i32
      %dma_start3A_23 = tpu.memref_slice %arg7[%dma_start3A, %dma_start3A_22] : memref<28x128xi32, #tpu.memory_space<vmem>> -> memref<1x128xi32, #tpu.memory_space<vmem>>
      %dma_start3A_24 = tpu.memref_squeeze %dma_start3A_23 : memref<1x128xi32, #tpu.memory_space<vmem>> -> memref<128xi32, #tpu.memory_space<vmem>>
      %dma_start3A_25 = arith.constant 0 : i32
      %dma_start3A_26 = arith.constant 0 : i32
      %dma_start3A_27 = tpu.memref_slice %arg2[%dma_start3A_25, %dma_start3A_26] : memref<51200x24xf32, #tpu.memory_space<hbm>> -> memref<51200x24xf32, #tpu.memory_space<hbm>>
      tpu.enqueue_indirect_dma source(%dma_start3A_27 : memref<51200x24xf32, #tpu.memory_space<hbm>>) target(%dma_start3A_21 : memref<128x24xf32, #tpu.memory_space<vmem>>) offsets(%dma_start3A_24 : memref<128xi32, #tpu.memory_space<vmem>>) semaphore(%arg11 : memref<!tpu.dma_semaphore, #tpu.memory_space<semaphore_mem>>)
      %dma_start3A_28 = arith.constant 1 : i32
      %dma_start3A_29 = arith.constant 1 : i32
      %dma_start3A_30 = arith.constant 0 : i32
      %dma_start3A_31 = arith.constant 0 : i32
      %dma_start3A_32 = tpu.memref_slice %arg9[%dma_start3A_29, %dma_start3A_30, %dma_start3A_31] : memref<2x128x24xf32, #tpu.memory_space<vmem>> -> memref<1x128x24xf32, #tpu.memory_space<vmem>>
      %dma_start3A_33 = tpu.memref_squeeze %dma_start3A_32 : memref<1x128x24xf32, #tpu.memory_space<vmem>> -> memref<128x24xf32, #tpu.memory_space<vmem>>
      %dma_start3A_34 = arith.constant 0 : i32
      %dma_start3A_35 = tpu.memref_slice %arg7[%dma_start3A_28, %dma_start3A_34] : memref<28x128xi32, #tpu.memory_space<vmem>> -> memref<1x128xi32, #tpu.memory_space<vmem>>
      %dma_start3A_36 = tpu.memref_squeeze %dma_start3A_35 : memref<1x128xi32, #tpu.memory_space<vmem>> -> memref<128xi32, #tpu.memory_space<vmem>>
      %dma_start3A_37 = arith.constant 0 : i32
      %dma_start3A_38 = arith.constant 0 : i32
      %dma_start3A_39 = tpu.memref_slice %arg2[%dma_start3A_37, %dma_start3A_38] : memref<51200x24xf32, #tpu.memory_space<hbm>> -> memref<51200x24xf32, #tpu.memory_space<hbm>>
      tpu.enqueue_indirect_dma source(%dma_start3A_39 : memref<51200x24xf32, #tpu.memory_space<hbm>>) target(%dma_start3A_33 : memref<128x24xf32, #tpu.memory_space<vmem>>) offsets(%dma_start3A_36 : memref<128xi32, #tpu.memory_space<vmem>>) semaphore(%arg12 : memref<!tpu.dma_semaphore, #tpu.memory_space<semaphore_mem>>)
      %dma_wait3A = arith.constant 0 : i32
      %dma_wait3A_40 = arith.constant 0 : i32
      %dma_wait3A_41 = arith.constant 0 : i32
      %dma_wait3A_42 = arith.constant 0 : i32
      %dma_wait3A_43 = tpu.memref_slice %arg9[%dma_wait3A_40, %dma_wait3A_41, %dma_wait3A_42] : memref<2x128x24xf32, #tpu.memory_space<vmem>> -> memref<1x128x24xf32, #tpu.memory_space<vmem>>
      %dma_wait3A_44 = tpu.memref_squeeze %dma_wait3A_43 : memref<1x128x24xf32, #tpu.memory_space<vmem>> -> memref<128x24xf32, #tpu.memory_space<vmem>>
      %dma_wait3A_45 = arith.constant 0 : i32
      %dma_wait3A_46 = tpu.memref_slice %arg7[%dma_wait3A, %dma_wait3A_45] : memref<28x128xi32, #tpu.memory_space<vmem>> -> memref<1x128xi32, #tpu.memory_space<vmem>>
      %dma_wait3A_47 = tpu.memref_squeeze %dma_wait3A_46 : memref<1x128xi32, #tpu.memory_space<vmem>> -> memref<128xi32, #tpu.memory_space<vmem>>
      %dma_wait3A_48 = arith.constant 0 : i32
      %dma_wait3A_49 = arith.constant 0 : i32
      %dma_wait3A_50 = tpu.memref_slice %arg2[%dma_wait3A_48, %dma_wait3A_49] : memref<51200x24xf32, #tpu.memory_space<hbm>> -> memref<51200x24xf32, #tpu.memory_space<hbm>>
      tpu.wait_indirect_dma semaphore(%arg11 : memref<!tpu.dma_semaphore, #tpu.memory_space<semaphore_mem>>) src(%dma_wait3A_50 : memref<51200x24xf32, #tpu.memory_space<hbm>>) dst(%dma_wait3A_44 : memref<128x24xf32, #tpu.memory_space<vmem>>)
      %run_scoped3A = arith.constant 0 : i32
      %run_scoped3A_51 = arith.constant 0 : i32
      "tpu.region"() ({
        %run_scoped3A_742 = tpu.sem_alloc : memref<!tpu.dma_semaphore, #tpu.memory_space<semaphore_mem>>
        %dma_start3A_743 = arith.constant 0 : i32
        %dma_start3A_744 = arith.constant 0 : i32
        %dma_start3A_745 = tpu.memref_slice %arg9[%run_scoped3A, %dma_start3A_743, %dma_start3A_744] : memref<2x128x24xf32, #tpu.memory_space<vmem>> -> memref<1x128x24xf32, #tpu.memory_space<vmem>>
        %dma_start3A_746 = tpu.memref_squeeze %dma_start3A_745 : memref<1x128x24xf32, #tpu.memory_space<vmem>> -> memref<128x24xf32, #tpu.memory_space<vmem>>
        %dma_start3A_747 = arith.constant 0 : i32
        %dma_start3A_748 = tpu.memref_slice %arg8[%run_scoped3A_51, %dma_start3A_747] : memref<28x128xi32, #tpu.memory_space<vmem>> -> memref<1x128xi32, #tpu.memory_space<vmem>>
        %dma_start3A_749 = tpu.memref_squeeze %dma_start3A_748 : memref<1x128xi32, #tpu.memory_space<vmem>> -> memref<128xi32, #tpu.memory_space<vmem>>
        %dma_start3A_750 = arith.constant 0 : i32
        %dma_start3A_751 = arith.constant 0 : i32
        %dma_start3A_752 = tpu.memref_slice %arg10[%dma_start3A_750, %dma_start3A_751] : memref<51200x24xf32, #tpu.memory_space<vmem_shared>> -> memref<51200x24xf32, #tpu.memory_space<vmem_shared>>
        tpu.enqueue_indirect_dma source(%dma_start3A_746 : memref<128x24xf32, #tpu.memory_space<vmem>>) target(%dma_start3A_752 : memref<51200x24xf32, #tpu.memory_space<vmem_shared>>) offsets(%dma_start3A_749 : memref<128xi32, #tpu.memory_space<vmem>>) semaphore(%run_scoped3A_742 : memref<!tpu.dma_semaphore, #tpu.memory_space<semaphore_mem>>) {add = true}
        %dma_wait3A_753 = arith.constant 0 : i32
        %dma_wait3A_754 = arith.constant 0 : i32
        %dma_wait3A_755 = tpu.memref_slice %arg9[%run_scoped3A, %dma_wait3A_753, %dma_wait3A_754] : memref<2x128x24xf32, #tpu.memory_space<vmem>> -> memref<1x128x24xf32, #tpu.memory_space<vmem>>
        %dma_wait3A_756 = tpu.memref_squeeze %dma_wait3A_755 : memref<1x128x24xf32, #tpu.memory_space<vmem>> -> memref<128x24xf32, #tpu.memory_space<vmem>>
        %dma_wait3A_757 = arith.constant 0 : i32
        %dma_wait3A_758 = tpu.memref_slice %arg8[%run_scoped3A_51, %dma_wait3A_757] : memref<28x128xi32, #tpu.memory_space<vmem>> -> memref<1x128xi32, #tpu.memory_space<vmem>>
        %dma_wait3A_759 = tpu.memref_squeeze %dma_wait3A_758 : memref<1x128xi32, #tpu.memory_space<vmem>> -> memref<128xi32, #tpu.memory_space<vmem>>
        %dma_wait3A_760 = arith.constant 0 : i32
        %dma_wait3A_761 = arith.constant 0 : i32
        %dma_wait3A_762 = tpu.memref_slice %arg10[%dma_wait3A_760, %dma_wait3A_761] : memref<51200x24xf32, #tpu.memory_space<vmem_shared>> -> memref<51200x24xf32, #tpu.memory_space<vmem_shared>>
        tpu.wait_indirect_dma semaphore(%run_scoped3A_742 : memref<!tpu.dma_semaphore, #tpu.memory_space<semaphore_mem>>) src(%dma_wait3A_756 : memref<128x24xf32, #tpu.memory_space<vmem>>) dst(%dma_wait3A_762 : memref<51200x24xf32, #tpu.memory_space<vmem_shared>>)
        tpu.yield
      }) : () -> ()
      %dma_start3A_52 = arith.constant 2 : i32
      %dma_start3A_53 = arith.constant 0 : i32
      %dma_start3A_54 = arith.constant 0 : i32
      %dma_start3A_55 = arith.constant 0 : i32
      %dma_start3A_56 = tpu.memref_slice %arg9[%dma_start3A_53, %dma_start3A_54, %dma_start3A_55] : memref<2x128x24xf32, #tpu.memory_space<vmem>> -> memref<1x128x24xf32, #tpu.memory_space<vmem>>
      %dma_start3A_57 = tpu.memref_squeeze %dma_start3A_56 : memref<1x128x24xf32, #tpu.memory_space<vmem>> -> memref<128x24xf32, #tpu.memory_space<vmem>>
      %dma_start3A_58 = arith.constant 0 : i32
      %dma_start3A_59 = tpu.memref_slice %arg7[%dma_start3A_52, %dma_start3A_58] : memref<28x128xi32, #tpu.memory_space<vmem>> -> memref<1x128xi32, #tpu.memory_space<vmem>>
      %dma_start3A_60 = tpu.memref_squeeze %dma_start3A_59 : memref<1x128xi32, #tpu.memory_space<vmem>> -> memref<128xi32, #tpu.memory_space<vmem>>
      %dma_start3A_61 = arith.constant 0 : i32
      %dma_start3A_62 = arith.constant 0 : i32
      %dma_start3A_63 = tpu.memref_slice %arg2[%dma_start3A_61, %dma_start3A_62] : memref<51200x24xf32, #tpu.memory_space<hbm>> -> memref<51200x24xf32, #tpu.memory_space<hbm>>
      tpu.enqueue_indirect_dma source(%dma_start3A_63 : memref<51200x24xf32, #tpu.memory_space<hbm>>) target(%dma_start3A_57 : memref<128x24xf32, #tpu.memory_space<vmem>>) offsets(%dma_start3A_60 : memref<128xi32, #tpu.memory_space<vmem>>) semaphore(%arg11 : memref<!tpu.dma_semaphore, #tpu.memory_space<semaphore_mem>>)
      %dma_wait3A_64 = arith.constant 1 : i32
      %dma_wait3A_65 = arith.constant 1 : i32
      %dma_wait3A_66 = arith.constant 0 : i32
      %dma_wait3A_67 = arith.constant 0 : i32
      %dma_wait3A_68 = tpu.memref_slice %arg9[%dma_wait3A_65, %dma_wait3A_66, %dma_wait3A_67] : memref<2x128x24xf32, #tpu.memory_space<vmem>> -> memref<1x128x24xf32, #tpu.memory_space<vmem>>
      %dma_wait3A_69 = tpu.memref_squeeze %dma_wait3A_68 : memref<1x128x24xf32, #tpu.memory_space<vmem>> -> memref<128x24xf32, #tpu.memory_space<vmem>>
      %dma_wait3A_70 = arith.constant 0 : i32
      %dma_wait3A_71 = tpu.memref_slice %arg7[%dma_wait3A_64, %dma_wait3A_70] : memref<28x128xi32, #tpu.memory_space<vmem>> -> memref<1x128xi32, #tpu.memory_space<vmem>>
      %dma_wait3A_72 = tpu.memref_squeeze %dma_wait3A_71 : memref<1x128xi32, #tpu.memory_space<vmem>> -> memref<128xi32, #tpu.memory_space<vmem>>
      %dma_wait3A_73 = arith.constant 0 : i32
      %dma_wait3A_74 = arith.constant 0 : i32
      %dma_wait3A_75 = tpu.memref_slice %arg2[%dma_wait3A_73, %dma_wait3A_74] : memref<51200x24xf32, #tpu.memory_space<hbm>> -> memref<51200x24xf32, #tpu.memory_space<hbm>>
      tpu.wait_indirect_dma semaphore(%arg12 : memref<!tpu.dma_semaphore, #tpu.memory_space<semaphore_mem>>) src(%dma_wait3A_75 : memref<51200x24xf32, #tpu.memory_space<hbm>>) dst(%dma_wait3A_69 : memref<128x24xf32, #tpu.memory_space<vmem>>)
      %run_scoped3A_76 = arith.constant 1 : i32
      %run_scoped3A_77 = arith.constant 1 : i32
      "tpu.region"() ({
        %run_scoped3A_742 = tpu.sem_alloc : memref<!tpu.dma_semaphore, #tpu.memory_space<semaphore_mem>>
        %dma_start3A_743 = arith.constant 0 : i32
        %dma_start3A_744 = arith.constant 0 : i32
        %dma_start3A_745 = tpu.memref_slice %arg9[%run_scoped3A_76, %dma_start3A_743, %dma_start3A_744] : memref<2x128x24xf32, #tpu.memory_space<vmem>> -> memref<1x128x24xf32, #tpu.memory_space<vmem>>
        %dma_start3A_746 = tpu.memref_squeeze %dma_start3A_745 : memref<1x128x24xf32, #tpu.memory_space<vmem>> -> memref<128x24xf32, #tpu.memory_space<vmem>>
        %dma_start3A_747 = arith.constant 0 : i32
        %dma_start3A_748 = tpu.memref_slice %arg8[%run_scoped3A_77, %dma_start3A_747] : memref<28x128xi32, #tpu.memory_space<vmem>> -> memref<1x128xi32, #tpu.memory_space<vmem>>
        %dma_start3A_749 = tpu.memref_squeeze %dma_start3A_748 : memref<1x128xi32, #tpu.memory_space<vmem>> -> memref<128xi32, #tpu.memory_space<vmem>>
        %dma_start3A_750 = arith.constant 0 : i32
        %dma_start3A_751 = arith.constant 0 : i32
        %dma_start3A_752 = tpu.memref_slice %arg10[%dma_start3A_750, %dma_start3A_751] : memref<51200x24xf32, #tpu.memory_space<vmem_shared>> -> memref<51200x24xf32, #tpu.memory_space<vmem_shared>>
        tpu.enqueue_indirect_dma source(%dma_start3A_746 : memref<128x24xf32, #tpu.memory_space<vmem>>) target(%dma_start3A_752 : memref<51200x24xf32, #tpu.memory_space<vmem_shared>>) offsets(%dma_start3A_749 : memref<128xi32, #tpu.memory_space<vmem>>) semaphore(%run_scoped3A_742 : memref<!tpu.dma_semaphore, #tpu.memory_space<semaphore_mem>>) {add = true}
        %dma_wait3A_753 = arith.constant 0 : i32
        %dma_wait3A_754 = arith.constant 0 : i32
        %dma_wait3A_755 = tpu.memref_slice %arg9[%run_scoped3A_76, %dma_wait3A_753, %dma_wait3A_754] : memref<2x128x24xf32, #tpu.memory_space<vmem>> -> memref<1x128x24xf32, #tpu.memory_space<vmem>>
        %dma_wait3A_756 = tpu.memref_squeeze %dma_wait3A_755 : memref<1x128x24xf32, #tpu.memory_space<vmem>> -> memref<128x24xf32, #tpu.memory_space<vmem>>
        %dma_wait3A_757 = arith.constant 0 : i32
        %dma_wait3A_758 = tpu.memref_slice %arg8[%run_scoped3A_77, %dma_wait3A_757] : memref<28x128xi32, #tpu.memory_space<vmem>> -> memref<1x128xi32, #tpu.memory_space<vmem>>
        %dma_wait3A_759 = tpu.memref_squeeze %dma_wait3A_758 : memref<1x128xi32, #tpu.memory_space<vmem>> -> memref<128xi32, #tpu.memory_space<vmem>>
        %dma_wait3A_760 = arith.constant 0 : i32
        %dma_wait3A_761 = arith.constant 0 : i32
        %dma_wait3A_762 = tpu.memref_slice %arg10[%dma_wait3A_760, %dma_wait3A_761] : memref<51200x24xf32, #tpu.memory_space<vmem_shared>> -> memref<51200x24xf32, #tpu.memory_space<vmem_shared>>
        tpu.wait_indirect_dma semaphore(%run_scoped3A_742 : memref<!tpu.dma_semaphore, #tpu.memory_space<semaphore_mem>>) src(%dma_wait3A_756 : memref<128x24xf32, #tpu.memory_space<vmem>>) dst(%dma_wait3A_762 : memref<51200x24xf32, #tpu.memory_space<vmem_shared>>)
        tpu.yield
      }) : () -> ()
      %dma_start3A_78 = arith.constant 3 : i32
      %dma_start3A_79 = arith.constant 1 : i32
      %dma_start3A_80 = arith.constant 0 : i32
      %dma_start3A_81 = arith.constant 0 : i32
      %dma_start3A_82 = tpu.memref_slice %arg9[%dma_start3A_79, %dma_start3A_80, %dma_start3A_81] : memref<2x128x24xf32, #tpu.memory_space<vmem>> -> memref<1x128x24xf32, #tpu.memory_space<vmem>>
      %dma_start3A_83 = tpu.memref_squeeze %dma_start3A_82 : memref<1x128x24xf32, #tpu.memory_space<vmem>> -> memref<128x24xf32, #tpu.memory_space<vmem>>
      %dma_start3A_84 = arith.constant 0 : i32
      %dma_start3A_85 = tpu.memref_slice %arg7[%dma_start3A_78, %dma_start3A_84] : memref<28x128xi32, #tpu.memory_space<vmem>> -> memref<1x128xi32, #tpu.memory_space<vmem>>
      %dma_start3A_86 = tpu.memref_squeeze %dma_start3A_85 : memref<1x128xi32, #tpu.memory_space<vmem>> -> memref<128xi32, #tpu.memory_space<vmem>>
      %dma_start3A_87 = arith.constant 0 : i32
      %dma_start3A_88 = arith.constant 0 : i32
      %dma_start3A_89 = tpu.memref_slice %arg2[%dma_start3A_87, %dma_start3A_88] : memref<51200x24xf32, #tpu.memory_space<hbm>> -> memref<51200x24xf32, #tpu.memory_space<hbm>>
      tpu.enqueue_indirect_dma source(%dma_start3A_89 : memref<51200x24xf32, #tpu.memory_space<hbm>>) target(%dma_start3A_83 : memref<128x24xf32, #tpu.memory_space<vmem>>) offsets(%dma_start3A_86 : memref<128xi32, #tpu.memory_space<vmem>>) semaphore(%arg12 : memref<!tpu.dma_semaphore, #tpu.memory_space<semaphore_mem>>)
      %dma_wait3A_90 = arith.constant 2 : i32
      %dma_wait3A_91 = arith.constant 0 : i32
      %dma_wait3A_92 = arith.constant 0 : i32
      %dma_wait3A_93 = arith.constant 0 : i32
      %dma_wait3A_94 = tpu.memref_slice %arg9[%dma_wait3A_91, %dma_wait3A_92, %dma_wait3A_93] : memref<2x128x24xf32, #tpu.memory_space<vmem>> -> memref<1x128x24xf32, #tpu.memory_space<vmem>>
      %dma_wait3A_95 = tpu.memref_squeeze %dma_wait3A_94 : memref<1x128x24xf32, #tpu.memory_space<vmem>> -> memref<128x24xf32, #tpu.memory_space<vmem>>
      %dma_wait3A_96 = arith.constant 0 : i32
      %dma_wait3A_97 = tpu.memref_slice %arg7[%dma_wait3A_90, %dma_wait3A_96] : memref<28x128xi32, #tpu.memory_space<vmem>> -> memref<1x128xi32, #tpu.memory_space<vmem>>
      %dma_wait3A_98 = tpu.memref_squeeze %dma_wait3A_97 : memref<1x128xi32, #tpu.memory_space<vmem>> -> memref<128xi32, #tpu.memory_space<vmem>>
      %dma_wait3A_99 = arith.constant 0 : i32
      %dma_wait3A_100 = arith.constant 0 : i32
      %dma_wait3A_101 = tpu.memref_slice %arg2[%dma_wait3A_99, %dma_wait3A_100] : memref<51200x24xf32, #tpu.memory_space<hbm>> -> memref<51200x24xf32, #tpu.memory_space<hbm>>
      tpu.wait_indirect_dma semaphore(%arg11 : memref<!tpu.dma_semaphore, #tpu.memory_space<semaphore_mem>>) src(%dma_wait3A_101 : memref<51200x24xf32, #tpu.memory_space<hbm>>) dst(%dma_wait3A_95 : memref<128x24xf32, #tpu.memory_space<vmem>>)
      %run_scoped3A_102 = arith.constant 0 : i32
      %run_scoped3A_103 = arith.constant 2 : i32
      "tpu.region"() ({
        %run_scoped3A_742 = tpu.sem_alloc : memref<!tpu.dma_semaphore, #tpu.memory_space<semaphore_mem>>
        %dma_start3A_743 = arith.constant 0 : i32
        %dma_start3A_744 = arith.constant 0 : i32
        %dma_start3A_745 = tpu.memref_slice %arg9[%run_scoped3A_102, %dma_start3A_743, %dma_start3A_744] : memref<2x128x24xf32, #tpu.memory_space<vmem>> -> memref<1x128x24xf32, #tpu.memory_space<vmem>>
        %dma_start3A_746 = tpu.memref_squeeze %dma_start3A_745 : memref<1x128x24xf32, #tpu.memory_space<vmem>> -> memref<128x24xf32, #tpu.memory_space<vmem>>
        %dma_start3A_747 = arith.constant 0 : i32
        %dma_start3A_748 = tpu.memref_slice %arg8[%run_scoped3A_103, %dma_start3A_747] : memref<28x128xi32, #tpu.memory_space<vmem>> -> memref<1x128xi32, #tpu.memory_space<vmem>>
        %dma_start3A_749 = tpu.memref_squeeze %dma_start3A_748 : memref<1x128xi32, #tpu.memory_space<vmem>> -> memref<128xi32, #tpu.memory_space<vmem>>
        %dma_start3A_750 = arith.constant 0 : i32
        %dma_start3A_751 = arith.constant 0 : i32
        %dma_start3A_752 = tpu.memref_slice %arg10[%dma_start3A_750, %dma_start3A_751] : memref<51200x24xf32, #tpu.memory_space<vmem_shared>> -> memref<51200x24xf32, #tpu.memory_space<vmem_shared>>
        tpu.enqueue_indirect_dma source(%dma_start3A_746 : memref<128x24xf32, #tpu.memory_space<vmem>>) target(%dma_start3A_752 : memref<51200x24xf32, #tpu.memory_space<vmem_shared>>) offsets(%dma_start3A_749 : memref<128xi32, #tpu.memory_space<vmem>>) semaphore(%run_scoped3A_742 : memref<!tpu.dma_semaphore, #tpu.memory_space<semaphore_mem>>) {add = true}
        %dma_wait3A_753 = arith.constant 0 : i32
        %dma_wait3A_754 = arith.constant 0 : i32
        %dma_wait3A_755 = tpu.memref_slice %arg9[%run_scoped3A_102, %dma_wait3A_753, %dma_wait3A_754] : memref<2x128x24xf32, #tpu.memory_space<vmem>> -> memref<1x128x24xf32, #tpu.memory_space<vmem>>
        %dma_wait3A_756 = tpu.memref_squeeze %dma_wait3A_755 : memref<1x128x24xf32, #tpu.memory_space<vmem>> -> memref<128x24xf32, #tpu.memory_space<vmem>>
        %dma_wait3A_757 = arith.constant 0 : i32
        %dma_wait3A_758 = tpu.memref_slice %arg8[%run_scoped3A_103, %dma_wait3A_757] : memref<28x128xi32, #tpu.memory_space<vmem>> -> memref<1x128xi32, #tpu.memory_space<vmem>>
        %dma_wait3A_759 = tpu.memref_squeeze %dma_wait3A_758 : memref<1x128xi32, #tpu.memory_space<vmem>> -> memref<128xi32, #tpu.memory_space<vmem>>
        %dma_wait3A_760 = arith.constant 0 : i32
        %dma_wait3A_761 = arith.constant 0 : i32
        %dma_wait3A_762 = tpu.memref_slice %arg10[%dma_wait3A_760, %dma_wait3A_761] : memref<51200x24xf32, #tpu.memory_space<vmem_shared>> -> memref<51200x24xf32, #tpu.memory_space<vmem_shared>>
        tpu.wait_indirect_dma semaphore(%run_scoped3A_742 : memref<!tpu.dma_semaphore, #tpu.memory_space<semaphore_mem>>) src(%dma_wait3A_756 : memref<128x24xf32, #tpu.memory_space<vmem>>) dst(%dma_wait3A_762 : memref<51200x24xf32, #tpu.memory_space<vmem_shared>>)
        tpu.yield
      }) : () -> ()
      %dma_start3A_104 = arith.constant 4 : i32
      %dma_start3A_105 = arith.constant 0 : i32
      %dma_start3A_106 = arith.constant 0 : i32
      %dma_start3A_107 = arith.constant 0 : i32
      %dma_start3A_108 = tpu.memref_slice %arg9[%dma_start3A_105, %dma_start3A_106, %dma_start3A_107] : memref<2x128x24xf32, #tpu.memory_space<vmem>> -> memref<1x128x24xf32, #tpu.memory_space<vmem>>
      %dma_start3A_109 = tpu.memref_squeeze %dma_start3A_108 : memref<1x128x24xf32, #tpu.memory_space<vmem>> -> memref<128x24xf32, #tpu.memory_space<vmem>>
      %dma_start3A_110 = arith.constant 0 : i32
      %dma_start3A_111 = tpu.memref_slice %arg7[%dma_start3A_104, %dma_start3A_110] : memref<28x128xi32, #tpu.memory_space<vmem>> -> memref<1x128xi32, #tpu.memory_space<vmem>>
      %dma_start3A_112 = tpu.memref_squeeze %dma_start3A_111 : memref<1x128xi32, #tpu.memory_space<vmem>> -> memref<128xi32, #tpu.memory_space<vmem>>
      %dma_start3A_113 = arith.constant 0 : i32
      %dma_start3A_114 = arith.constant 0 : i32
      %dma_start3A_115 = tpu.memref_slice %arg2[%dma_start3A_113, %dma_start3A_114] : memref<51200x24xf32, #tpu.memory_space<hbm>> -> memref<51200x24xf32, #tpu.memory_space<hbm>>
      tpu.enqueue_indirect_dma source(%dma_start3A_115 : memref<51200x24xf32, #tpu.memory_space<hbm>>) target(%dma_start3A_109 : memref<128x24xf32, #tpu.memory_space<vmem>>) offsets(%dma_start3A_112 : memref<128xi32, #tpu.memory_space<vmem>>) semaphore(%arg11 : memref<!tpu.dma_semaphore, #tpu.memory_space<semaphore_mem>>)
      %dma_wait3A_116 = arith.constant 3 : i32
      %dma_wait3A_117 = arith.constant 1 : i32
      %dma_wait3A_118 = arith.constant 0 : i32
      %dma_wait3A_119 = arith.constant 0 : i32
      %dma_wait3A_120 = tpu.memref_slice %arg9[%dma_wait3A_117, %dma_wait3A_118, %dma_wait3A_119] : memref<2x128x24xf32, #tpu.memory_space<vmem>> -> memref<1x128x24xf32, #tpu.memory_space<vmem>>
      %dma_wait3A_121 = tpu.memref_squeeze %dma_wait3A_120 : memref<1x128x24xf32, #tpu.memory_space<vmem>> -> memref<128x24xf32, #tpu.memory_space<vmem>>
      %dma_wait3A_122 = arith.constant 0 : i32
      %dma_wait3A_123 = tpu.memref_slice %arg7[%dma_wait3A_116, %dma_wait3A_122] : memref<28x128xi32, #tpu.memory_space<vmem>> -> memref<1x128xi32, #tpu.memory_space<vmem>>
      %dma_wait3A_124 = tpu.memref_squeeze %dma_wait3A_123 : memref<1x128xi32, #tpu.memory_space<vmem>> -> memref<128xi32, #tpu.memory_space<vmem>>
      %dma_wait3A_125 = arith.constant 0 : i32
      %dma_wait3A_126 = arith.constant 0 : i32
      %dma_wait3A_127 = tpu.memref_slice %arg2[%dma_wait3A_125, %dma_wait3A_126] : memref<51200x24xf32, #tpu.memory_space<hbm>> -> memref<51200x24xf32, #tpu.memory_space<hbm>>
      tpu.wait_indirect_dma semaphore(%arg12 : memref<!tpu.dma_semaphore, #tpu.memory_space<semaphore_mem>>) src(%dma_wait3A_127 : memref<51200x24xf32, #tpu.memory_space<hbm>>) dst(%dma_wait3A_121 : memref<128x24xf32, #tpu.memory_space<vmem>>)
      %run_scoped3A_128 = arith.constant 1 : i32
      %run_scoped3A_129 = arith.constant 3 : i32
      "tpu.region"() ({
        %run_scoped3A_742 = tpu.sem_alloc : memref<!tpu.dma_semaphore, #tpu.memory_space<semaphore_mem>>
        %dma_start3A_743 = arith.constant 0 : i32
        %dma_start3A_744 = arith.constant 0 : i32
        %dma_start3A_745 = tpu.memref_slice %arg9[%run_scoped3A_128, %dma_start3A_743, %dma_start3A_744] : memref<2x128x24xf32, #tpu.memory_space<vmem>> -> memref<1x128x24xf32, #tpu.memory_space<vmem>>
        %dma_start3A_746 = tpu.memref_squeeze %dma_start3A_745 : memref<1x128x24xf32, #tpu.memory_space<vmem>> -> memref<128x24xf32, #tpu.memory_space<vmem>>
        %dma_start3A_747 = arith.constant 0 : i32
        %dma_start3A_748 = tpu.memref_slice %arg8[%run_scoped3A_129, %dma_start3A_747] : memref<28x128xi32, #tpu.memory_space<vmem>> -> memref<1x128xi32, #tpu.memory_space<vmem>>
        %dma_start3A_749 = tpu.memref_squeeze %dma_start3A_748 : memref<1x128xi32, #tpu.memory_space<vmem>> -> memref<128xi32, #tpu.memory_space<vmem>>
        %dma_start3A_750 = arith.constant 0 : i32
        %dma_start3A_751 = arith.constant 0 : i32
        %dma_start3A_752 = tpu.memref_slice %arg10[%dma_start3A_750, %dma_start3A_751] : memref<51200x24xf32, #tpu.memory_space<vmem_shared>> -> memref<51200x24xf32, #tpu.memory_space<vmem_shared>>
        tpu.enqueue_indirect_dma source(%dma_start3A_746 : memref<128x24xf32, #tpu.memory_space<vmem>>) target(%dma_start3A_752 : memref<51200x24xf32, #tpu.memory_space<vmem_shared>>) offsets(%dma_start3A_749 : memref<128xi32, #tpu.memory_space<vmem>>) semaphore(%run_scoped3A_742 : memref<!tpu.dma_semaphore, #tpu.memory_space<semaphore_mem>>) {add = true}
        %dma_wait3A_753 = arith.constant 0 : i32
        %dma_wait3A_754 = arith.constant 0 : i32
        %dma_wait3A_755 = tpu.memref_slice %arg9[%run_scoped3A_128, %dma_wait3A_753, %dma_wait3A_754] : memref<2x128x24xf32, #tpu.memory_space<vmem>> -> memref<1x128x24xf32, #tpu.memory_space<vmem>>
        %dma_wait3A_756 = tpu.memref_squeeze %dma_wait3A_755 : memref<1x128x24xf32, #tpu.memory_space<vmem>> -> memref<128x24xf32, #tpu.memory_space<vmem>>
        %dma_wait3A_757 = arith.constant 0 : i32
        %dma_wait3A_758 = tpu.memref_slice %arg8[%run_scoped3A_129, %dma_wait3A_757] : memref<28x128xi32, #tpu.memory_space<vmem>> -> memref<1x128xi32, #tpu.memory_space<vmem>>
        %dma_wait3A_759 = tpu.memref_squeeze %dma_wait3A_758 : memref<1x128xi32, #tpu.memory_space<vmem>> -> memref<128xi32, #tpu.memory_space<vmem>>
        %dma_wait3A_760 = arith.constant 0 : i32
        %dma_wait3A_761 = arith.constant 0 : i32
        %dma_wait3A_762 = tpu.memref_slice %arg10[%dma_wait3A_760, %dma_wait3A_761] : memref<51200x24xf32, #tpu.memory_space<vmem_shared>> -> memref<51200x24xf32, #tpu.memory_space<vmem_shared>>
        tpu.wait_indirect_dma semaphore(%run_scoped3A_742 : memref<!tpu.dma_semaphore, #tpu.memory_space<semaphore_mem>>) src(%dma_wait3A_756 : memref<128x24xf32, #tpu.memory_space<vmem>>) dst(%dma_wait3A_762 : memref<51200x24xf32, #tpu.memory_space<vmem_shared>>)
        tpu.yield
      }) : () -> ()
      %dma_start3A_130 = arith.constant 5 : i32
      %dma_start3A_131 = arith.constant 1 : i32
      %dma_start3A_132 = arith.constant 0 : i32
      %dma_start3A_133 = arith.constant 0 : i32
      %dma_start3A_134 = tpu.memref_slice %arg9[%dma_start3A_131, %dma_start3A_132, %dma_start3A_133] : memref<2x128x24xf32, #tpu.memory_space<vmem>> -> memref<1x128x24xf32, #tpu.memory_space<vmem>>
      %dma_start3A_135 = tpu.memref_squeeze %dma_start3A_134 : memref<1x128x24xf32, #tpu.memory_space<vmem>> -> memref<128x24xf32, #tpu.memory_space<vmem>>
      %dma_start3A_136 = arith.constant 0 : i32
      %dma_start3A_137 = tpu.memref_slice %arg7[%dma_start3A_130, %dma_start3A_136] : memref<28x128xi32, #tpu.memory_space<vmem>> -> memref<1x128xi32, #tpu.memory_space<vmem>>
      %dma_start3A_138 = tpu.memref_squeeze %dma_start3A_137 : memref<1x128xi32, #tpu.memory_space<vmem>> -> memref<128xi32, #tpu.memory_space<vmem>>
      %dma_start3A_139 = arith.constant 0 : i32
      %dma_start3A_140 = arith.constant 0 : i32
      %dma_start3A_141 = tpu.memref_slice %arg2[%dma_start3A_139, %dma_start3A_140] : memref<51200x24xf32, #tpu.memory_space<hbm>> -> memref<51200x24xf32, #tpu.memory_space<hbm>>
      tpu.enqueue_indirect_dma source(%dma_start3A_141 : memref<51200x24xf32, #tpu.memory_space<hbm>>) target(%dma_start3A_135 : memref<128x24xf32, #tpu.memory_space<vmem>>) offsets(%dma_start3A_138 : memref<128xi32, #tpu.memory_space<vmem>>) semaphore(%arg12 : memref<!tpu.dma_semaphore, #tpu.memory_space<semaphore_mem>>)
      %dma_wait3A_142 = arith.constant 4 : i32
      %dma_wait3A_143 = arith.constant 0 : i32
      %dma_wait3A_144 = arith.constant 0 : i32
      %dma_wait3A_145 = arith.constant 0 : i32
      %dma_wait3A_146 = tpu.memref_slice %arg9[%dma_wait3A_143, %dma_wait3A_144, %dma_wait3A_145] : memref<2x128x24xf32, #tpu.memory_space<vmem>> -> memref<1x128x24xf32, #tpu.memory_space<vmem>>
      %dma_wait3A_147 = tpu.memref_squeeze %dma_wait3A_146 : memref<1x128x24xf32, #tpu.memory_space<vmem>> -> memref<128x24xf32, #tpu.memory_space<vmem>>
      %dma_wait3A_148 = arith.constant 0 : i32
      %dma_wait3A_149 = tpu.memref_slice %arg7[%dma_wait3A_142, %dma_wait3A_148] : memref<28x128xi32, #tpu.memory_space<vmem>> -> memref<1x128xi32, #tpu.memory_space<vmem>>
      %dma_wait3A_150 = tpu.memref_squeeze %dma_wait3A_149 : memref<1x128xi32, #tpu.memory_space<vmem>> -> memref<128xi32, #tpu.memory_space<vmem>>
      %dma_wait3A_151 = arith.constant 0 : i32
      %dma_wait3A_152 = arith.constant 0 : i32
      %dma_wait3A_153 = tpu.memref_slice %arg2[%dma_wait3A_151, %dma_wait3A_152] : memref<51200x24xf32, #tpu.memory_space<hbm>> -> memref<51200x24xf32, #tpu.memory_space<hbm>>
      tpu.wait_indirect_dma semaphore(%arg11 : memref<!tpu.dma_semaphore, #tpu.memory_space<semaphore_mem>>) src(%dma_wait3A_153 : memref<51200x24xf32, #tpu.memory_space<hbm>>) dst(%dma_wait3A_147 : memref<128x24xf32, #tpu.memory_space<vmem>>)
      %run_scoped3A_154 = arith.constant 0 : i32
      %run_scoped3A_155 = arith.constant 4 : i32
      "tpu.region"() ({
        %run_scoped3A_742 = tpu.sem_alloc : memref<!tpu.dma_semaphore, #tpu.memory_space<semaphore_mem>>
        %dma_start3A_743 = arith.constant 0 : i32
        %dma_start3A_744 = arith.constant 0 : i32
        %dma_start3A_745 = tpu.memref_slice %arg9[%run_scoped3A_154, %dma_start3A_743, %dma_start3A_744] : memref<2x128x24xf32, #tpu.memory_space<vmem>> -> memref<1x128x24xf32, #tpu.memory_space<vmem>>
        %dma_start3A_746 = tpu.memref_squeeze %dma_start3A_745 : memref<1x128x24xf32, #tpu.memory_space<vmem>> -> memref<128x24xf32, #tpu.memory_space<vmem>>
        %dma_start3A_747 = arith.constant 0 : i32
        %dma_start3A_748 = tpu.memref_slice %arg8[%run_scoped3A_155, %dma_start3A_747] : memref<28x128xi32, #tpu.memory_space<vmem>> -> memref<1x128xi32, #tpu.memory_space<vmem>>
        %dma_start3A_749 = tpu.memref_squeeze %dma_start3A_748 : memref<1x128xi32, #tpu.memory_space<vmem>> -> memref<128xi32, #tpu.memory_space<vmem>>
        %dma_start3A_750 = arith.constant 0 : i32
        %dma_start3A_751 = arith.constant 0 : i32
        %dma_start3A_752 = tpu.memref_slice %arg10[%dma_start3A_750, %dma_start3A_751] : memref<51200x24xf32, #tpu.memory_space<vmem_shared>> -> memref<51200x24xf32, #tpu.memory_space<vmem_shared>>
        tpu.enqueue_indirect_dma source(%dma_start3A_746 : memref<128x24xf32, #tpu.memory_space<vmem>>) target(%dma_start3A_752 : memref<51200x24xf32, #tpu.memory_space<vmem_shared>>) offsets(%dma_start3A_749 : memref<128xi32, #tpu.memory_space<vmem>>) semaphore(%run_scoped3A_742 : memref<!tpu.dma_semaphore, #tpu.memory_space<semaphore_mem>>) {add = true}
        %dma_wait3A_753 = arith.constant 0 : i32
        %dma_wait3A_754 = arith.constant 0 : i32
        %dma_wait3A_755 = tpu.memref_slice %arg9[%run_scoped3A_154, %dma_wait3A_753, %dma_wait3A_754] : memref<2x128x24xf32, #tpu.memory_space<vmem>> -> memref<1x128x24xf32, #tpu.memory_space<vmem>>
        %dma_wait3A_756 = tpu.memref_squeeze %dma_wait3A_755 : memref<1x128x24xf32, #tpu.memory_space<vmem>> -> memref<128x24xf32, #tpu.memory_space<vmem>>
        %dma_wait3A_757 = arith.constant 0 : i32
        %dma_wait3A_758 = tpu.memref_slice %arg8[%run_scoped3A_155, %dma_wait3A_757] : memref<28x128xi32, #tpu.memory_space<vmem>> -> memref<1x128xi32, #tpu.memory_space<vmem>>
        %dma_wait3A_759 = tpu.memref_squeeze %dma_wait3A_758 : memref<1x128xi32, #tpu.memory_space<vmem>> -> memref<128xi32, #tpu.memory_space<vmem>>
        %dma_wait3A_760 = arith.constant 0 : i32
        %dma_wait3A_761 = arith.constant 0 : i32
        %dma_wait3A_762 = tpu.memref_slice %arg10[%dma_wait3A_760, %dma_wait3A_761] : memref<51200x24xf32, #tpu.memory_space<vmem_shared>> -> memref<51200x24xf32, #tpu.memory_space<vmem_shared>>
        tpu.wait_indirect_dma semaphore(%run_scoped3A_742 : memref<!tpu.dma_semaphore, #tpu.memory_space<semaphore_mem>>) src(%dma_wait3A_756 : memref<128x24xf32, #tpu.memory_space<vmem>>) dst(%dma_wait3A_762 : memref<51200x24xf32, #tpu.memory_space<vmem_shared>>)
        tpu.yield
      }) : () -> ()
      %dma_start3A_156 = arith.constant 6 : i32
      %dma_start3A_157 = arith.constant 0 : i32
      %dma_start3A_158 = arith.constant 0 : i32
      %dma_start3A_159 = arith.constant 0 : i32
      %dma_start3A_160 = tpu.memref_slice %arg9[%dma_start3A_157, %dma_start3A_158, %dma_start3A_159] : memref<2x128x24xf32, #tpu.memory_space<vmem>> -> memref<1x128x24xf32, #tpu.memory_space<vmem>>
      %dma_start3A_161 = tpu.memref_squeeze %dma_start3A_160 : memref<1x128x24xf32, #tpu.memory_space<vmem>> -> memref<128x24xf32, #tpu.memory_space<vmem>>
      %dma_start3A_162 = arith.constant 0 : i32
      %dma_start3A_163 = tpu.memref_slice %arg7[%dma_start3A_156, %dma_start3A_162] : memref<28x128xi32, #tpu.memory_space<vmem>> -> memref<1x128xi32, #tpu.memory_space<vmem>>
      %dma_start3A_164 = tpu.memref_squeeze %dma_start3A_163 : memref<1x128xi32, #tpu.memory_space<vmem>> -> memref<128xi32, #tpu.memory_space<vmem>>
      %dma_start3A_165 = arith.constant 0 : i32
      %dma_start3A_166 = arith.constant 0 : i32
      %dma_start3A_167 = tpu.memref_slice %arg2[%dma_start3A_165, %dma_start3A_166] : memref<51200x24xf32, #tpu.memory_space<hbm>> -> memref<51200x24xf32, #tpu.memory_space<hbm>>
      tpu.enqueue_indirect_dma source(%dma_start3A_167 : memref<51200x24xf32, #tpu.memory_space<hbm>>) target(%dma_start3A_161 : memref<128x24xf32, #tpu.memory_space<vmem>>) offsets(%dma_start3A_164 : memref<128xi32, #tpu.memory_space<vmem>>) semaphore(%arg11 : memref<!tpu.dma_semaphore, #tpu.memory_space<semaphore_mem>>)
      %dma_wait3A_168 = arith.constant 5 : i32
      %dma_wait3A_169 = arith.constant 1 : i32
      %dma_wait3A_170 = arith.constant 0 : i32
      %dma_wait3A_171 = arith.constant 0 : i32
      %dma_wait3A_172 = tpu.memref_slice %arg9[%dma_wait3A_169, %dma_wait3A_170, %dma_wait3A_171] : memref<2x128x24xf32, #tpu.memory_space<vmem>> -> memref<1x128x24xf32, #tpu.memory_space<vmem>>
      %dma_wait3A_173 = tpu.memref_squeeze %dma_wait3A_172 : memref<1x128x24xf32, #tpu.memory_space<vmem>> -> memref<128x24xf32, #tpu.memory_space<vmem>>
      %dma_wait3A_174 = arith.constant 0 : i32
      %dma_wait3A_175 = tpu.memref_slice %arg7[%dma_wait3A_168, %dma_wait3A_174] : memref<28x128xi32, #tpu.memory_space<vmem>> -> memref<1x128xi32, #tpu.memory_space<vmem>>
      %dma_wait3A_176 = tpu.memref_squeeze %dma_wait3A_175 : memref<1x128xi32, #tpu.memory_space<vmem>> -> memref<128xi32, #tpu.memory_space<vmem>>
      %dma_wait3A_177 = arith.constant 0 : i32
      %dma_wait3A_178 = arith.constant 0 : i32
      %dma_wait3A_179 = tpu.memref_slice %arg2[%dma_wait3A_177, %dma_wait3A_178] : memref<51200x24xf32, #tpu.memory_space<hbm>> -> memref<51200x24xf32, #tpu.memory_space<hbm>>
      tpu.wait_indirect_dma semaphore(%arg12 : memref<!tpu.dma_semaphore, #tpu.memory_space<semaphore_mem>>) src(%dma_wait3A_179 : memref<51200x24xf32, #tpu.memory_space<hbm>>) dst(%dma_wait3A_173 : memref<128x24xf32, #tpu.memory_space<vmem>>)
      %run_scoped3A_180 = arith.constant 1 : i32
      %run_scoped3A_181 = arith.constant 5 : i32
      "tpu.region"() ({
        %run_scoped3A_742 = tpu.sem_alloc : memref<!tpu.dma_semaphore, #tpu.memory_space<semaphore_mem>>
        %dma_start3A_743 = arith.constant 0 : i32
        %dma_start3A_744 = arith.constant 0 : i32
        %dma_start3A_745 = tpu.memref_slice %arg9[%run_scoped3A_180, %dma_start3A_743, %dma_start3A_744] : memref<2x128x24xf32, #tpu.memory_space<vmem>> -> memref<1x128x24xf32, #tpu.memory_space<vmem>>
        %dma_start3A_746 = tpu.memref_squeeze %dma_start3A_745 : memref<1x128x24xf32, #tpu.memory_space<vmem>> -> memref<128x24xf32, #tpu.memory_space<vmem>>
        %dma_start3A_747 = arith.constant 0 : i32
        %dma_start3A_748 = tpu.memref_slice %arg8[%run_scoped3A_181, %dma_start3A_747] : memref<28x128xi32, #tpu.memory_space<vmem>> -> memref<1x128xi32, #tpu.memory_space<vmem>>
        %dma_start3A_749 = tpu.memref_squeeze %dma_start3A_748 : memref<1x128xi32, #tpu.memory_space<vmem>> -> memref<128xi32, #tpu.memory_space<vmem>>
        %dma_start3A_750 = arith.constant 0 : i32
        %dma_start3A_751 = arith.constant 0 : i32
        %dma_start3A_752 = tpu.memref_slice %arg10[%dma_start3A_750, %dma_start3A_751] : memref<51200x24xf32, #tpu.memory_space<vmem_shared>> -> memref<51200x24xf32, #tpu.memory_space<vmem_shared>>
        tpu.enqueue_indirect_dma source(%dma_start3A_746 : memref<128x24xf32, #tpu.memory_space<vmem>>) target(%dma_start3A_752 : memref<51200x24xf32, #tpu.memory_space<vmem_shared>>) offsets(%dma_start3A_749 : memref<128xi32, #tpu.memory_space<vmem>>) semaphore(%run_scoped3A_742 : memref<!tpu.dma_semaphore, #tpu.memory_space<semaphore_mem>>) {add = true}
        %dma_wait3A_753 = arith.constant 0 : i32
        %dma_wait3A_754 = arith.constant 0 : i32
        %dma_wait3A_755 = tpu.memref_slice %arg9[%run_scoped3A_180, %dma_wait3A_753, %dma_wait3A_754] : memref<2x128x24xf32, #tpu.memory_space<vmem>> -> memref<1x128x24xf32, #tpu.memory_space<vmem>>
        %dma_wait3A_756 = tpu.memref_squeeze %dma_wait3A_755 : memref<1x128x24xf32, #tpu.memory_space<vmem>> -> memref<128x24xf32, #tpu.memory_space<vmem>>
        %dma_wait3A_757 = arith.constant 0 : i32
        %dma_wait3A_758 = tpu.memref_slice %arg8[%run_scoped3A_181, %dma_wait3A_757] : memref<28x128xi32, #tpu.memory_space<vmem>> -> memref<1x128xi32, #tpu.memory_space<vmem>>
        %dma_wait3A_759 = tpu.memref_squeeze %dma_wait3A_758 : memref<1x128xi32, #tpu.memory_space<vmem>> -> memref<128xi32, #tpu.memory_space<vmem>>
        %dma_wait3A_760 = arith.constant 0 : i32
        %dma_wait3A_761 = arith.constant 0 : i32
        %dma_wait3A_762 = tpu.memref_slice %arg10[%dma_wait3A_760, %dma_wait3A_761] : memref<51200x24xf32, #tpu.memory_space<vmem_shared>> -> memref<51200x24xf32, #tpu.memory_space<vmem_shared>>
        tpu.wait_indirect_dma semaphore(%run_scoped3A_742 : memref<!tpu.dma_semaphore, #tpu.memory_space<semaphore_mem>>) src(%dma_wait3A_756 : memref<128x24xf32, #tpu.memory_space<vmem>>) dst(%dma_wait3A_762 : memref<51200x24xf32, #tpu.memory_space<vmem_shared>>)
        tpu.yield
      }) : () -> ()
      %dma_start3A_182 = arith.constant 7 : i32
      %dma_start3A_183 = arith.constant 1 : i32
      %dma_start3A_184 = arith.constant 0 : i32
      %dma_start3A_185 = arith.constant 0 : i32
      %dma_start3A_186 = tpu.memref_slice %arg9[%dma_start3A_183, %dma_start3A_184, %dma_start3A_185] : memref<2x128x24xf32, #tpu.memory_space<vmem>> -> memref<1x128x24xf32, #tpu.memory_space<vmem>>
      %dma_start3A_187 = tpu.memref_squeeze %dma_start3A_186 : memref<1x128x24xf32, #tpu.memory_space<vmem>> -> memref<128x24xf32, #tpu.memory_space<vmem>>
      %dma_start3A_188 = arith.constant 0 : i32
      %dma_start3A_189 = tpu.memref_slice %arg7[%dma_start3A_182, %dma_start3A_188] : memref<28x128xi32, #tpu.memory_space<vmem>> -> memref<1x128xi32, #tpu.memory_space<vmem>>
      %dma_start3A_190 = tpu.memref_squeeze %dma_start3A_189 : memref<1x128xi32, #tpu.memory_space<vmem>> -> memref<128xi32, #tpu.memory_space<vmem>>
      %dma_start3A_191 = arith.constant 0 : i32
      %dma_start3A_192 = arith.constant 0 : i32
      %dma_start3A_193 = tpu.memref_slice %arg2[%dma_start3A_191, %dma_start3A_192] : memref<51200x24xf32, #tpu.memory_space<hbm>> -> memref<51200x24xf32, #tpu.memory_space<hbm>>
      tpu.enqueue_indirect_dma source(%dma_start3A_193 : memref<51200x24xf32, #tpu.memory_space<hbm>>) target(%dma_start3A_187 : memref<128x24xf32, #tpu.memory_space<vmem>>) offsets(%dma_start3A_190 : memref<128xi32, #tpu.memory_space<vmem>>) semaphore(%arg12 : memref<!tpu.dma_semaphore, #tpu.memory_space<semaphore_mem>>)
      %dma_wait3A_194 = arith.constant 6 : i32
      %dma_wait3A_195 = arith.constant 0 : i32
      %dma_wait3A_196 = arith.constant 0 : i32
      %dma_wait3A_197 = arith.constant 0 : i32
      %dma_wait3A_198 = tpu.memref_slice %arg9[%dma_wait3A_195, %dma_wait3A_196, %dma_wait3A_197] : memref<2x128x24xf32, #tpu.memory_space<vmem>> -> memref<1x128x24xf32, #tpu.memory_space<vmem>>
      %dma_wait3A_199 = tpu.memref_squeeze %dma_wait3A_198 : memref<1x128x24xf32, #tpu.memory_space<vmem>> -> memref<128x24xf32, #tpu.memory_space<vmem>>
      %dma_wait3A_200 = arith.constant 0 : i32
      %dma_wait3A_201 = tpu.memref_slice %arg7[%dma_wait3A_194, %dma_wait3A_200] : memref<28x128xi32, #tpu.memory_space<vmem>> -> memref<1x128xi32, #tpu.memory_space<vmem>>
      %dma_wait3A_202 = tpu.memref_squeeze %dma_wait3A_201 : memref<1x128xi32, #tpu.memory_space<vmem>> -> memref<128xi32, #tpu.memory_space<vmem>>
      %dma_wait3A_203 = arith.constant 0 : i32
      %dma_wait3A_204 = arith.constant 0 : i32
      %dma_wait3A_205 = tpu.memref_slice %arg2[%dma_wait3A_203, %dma_wait3A_204] : memref<51200x24xf32, #tpu.memory_space<hbm>> -> memref<51200x24xf32, #tpu.memory_space<hbm>>
      tpu.wait_indirect_dma semaphore(%arg11 : memref<!tpu.dma_semaphore, #tpu.memory_space<semaphore_mem>>) src(%dma_wait3A_205 : memref<51200x24xf32, #tpu.memory_space<hbm>>) dst(%dma_wait3A_199 : memref<128x24xf32, #tpu.memory_space<vmem>>)
      %run_scoped3A_206 = arith.constant 0 : i32
      %run_scoped3A_207 = arith.constant 6 : i32
      "tpu.region"() ({
        %run_scoped3A_742 = tpu.sem_alloc : memref<!tpu.dma_semaphore, #tpu.memory_space<semaphore_mem>>
        %dma_start3A_743 = arith.constant 0 : i32
        %dma_start3A_744 = arith.constant 0 : i32
        %dma_start3A_745 = tpu.memref_slice %arg9[%run_scoped3A_206, %dma_start3A_743, %dma_start3A_744] : memref<2x128x24xf32, #tpu.memory_space<vmem>> -> memref<1x128x24xf32, #tpu.memory_space<vmem>>
        %dma_start3A_746 = tpu.memref_squeeze %dma_start3A_745 : memref<1x128x24xf32, #tpu.memory_space<vmem>> -> memref<128x24xf32, #tpu.memory_space<vmem>>
        %dma_start3A_747 = arith.constant 0 : i32
        %dma_start3A_748 = tpu.memref_slice %arg8[%run_scoped3A_207, %dma_start3A_747] : memref<28x128xi32, #tpu.memory_space<vmem>> -> memref<1x128xi32, #tpu.memory_space<vmem>>
        %dma_start3A_749 = tpu.memref_squeeze %dma_start3A_748 : memref<1x128xi32, #tpu.memory_space<vmem>> -> memref<128xi32, #tpu.memory_space<vmem>>
        %dma_start3A_750 = arith.constant 0 : i32
        %dma_start3A_751 = arith.constant 0 : i32
        %dma_start3A_752 = tpu.memref_slice %arg10[%dma_start3A_750, %dma_start3A_751] : memref<51200x24xf32, #tpu.memory_space<vmem_shared>> -> memref<51200x24xf32, #tpu.memory_space<vmem_shared>>
        tpu.enqueue_indirect_dma source(%dma_start3A_746 : memref<128x24xf32, #tpu.memory_space<vmem>>) target(%dma_start3A_752 : memref<51200x24xf32, #tpu.memory_space<vmem_shared>>) offsets(%dma_start3A_749 : memref<128xi32, #tpu.memory_space<vmem>>) semaphore(%run_scoped3A_742 : memref<!tpu.dma_semaphore, #tpu.memory_space<semaphore_mem>>) {add = true}
        %dma_wait3A_753 = arith.constant 0 : i32
        %dma_wait3A_754 = arith.constant 0 : i32
        %dma_wait3A_755 = tpu.memref_slice %arg9[%run_scoped3A_206, %dma_wait3A_753, %dma_wait3A_754] : memref<2x128x24xf32, #tpu.memory_space<vmem>> -> memref<1x128x24xf32, #tpu.memory_space<vmem>>
        %dma_wait3A_756 = tpu.memref_squeeze %dma_wait3A_755 : memref<1x128x24xf32, #tpu.memory_space<vmem>> -> memref<128x24xf32, #tpu.memory_space<vmem>>
        %dma_wait3A_757 = arith.constant 0 : i32
        %dma_wait3A_758 = tpu.memref_slice %arg8[%run_scoped3A_207, %dma_wait3A_757] : memref<28x128xi32, #tpu.memory_space<vmem>> -> memref<1x128xi32, #tpu.memory_space<vmem>>
        %dma_wait3A_759 = tpu.memref_squeeze %dma_wait3A_758 : memref<1x128xi32, #tpu.memory_space<vmem>> -> memref<128xi32, #tpu.memory_space<vmem>>
        %dma_wait3A_760 = arith.constant 0 : i32
        %dma_wait3A_761 = arith.constant 0 : i32
        %dma_wait3A_762 = tpu.memref_slice %arg10[%dma_wait3A_760, %dma_wait3A_761] : memref<51200x24xf32, #tpu.memory_space<vmem_shared>> -> memref<51200x24xf32, #tpu.memory_space<vmem_shared>>
        tpu.wait_indirect_dma semaphore(%run_scoped3A_742 : memref<!tpu.dma_semaphore, #tpu.memory_space<semaphore_mem>>) src(%dma_wait3A_756 : memref<128x24xf32, #tpu.memory_space<vmem>>) dst(%dma_wait3A_762 : memref<51200x24xf32, #tpu.memory_space<vmem_shared>>)
        tpu.yield
      }) : () -> ()
      %dma_start3A_208 = arith.constant 8 : i32
      %dma_start3A_209 = arith.constant 0 : i32
      %dma_start3A_210 = arith.constant 0 : i32
      %dma_start3A_211 = arith.constant 0 : i32
      %dma_start3A_212 = tpu.memref_slice %arg9[%dma_start3A_209, %dma_start3A_210, %dma_start3A_211] : memref<2x128x24xf32, #tpu.memory_space<vmem>> -> memref<1x128x24xf32, #tpu.memory_space<vmem>>
      %dma_start3A_213 = tpu.memref_squeeze %dma_start3A_212 : memref<1x128x24xf32, #tpu.memory_space<vmem>> -> memref<128x24xf32, #tpu.memory_space<vmem>>
      %dma_start3A_214 = arith.constant 0 : i32
      %dma_start3A_215 = tpu.memref_slice %arg7[%dma_start3A_208, %dma_start3A_214] : memref<28x128xi32, #tpu.memory_space<vmem>> -> memref<1x128xi32, #tpu.memory_space<vmem>>
      %dma_start3A_216 = tpu.memref_squeeze %dma_start3A_215 : memref<1x128xi32, #tpu.memory_space<vmem>> -> memref<128xi32, #tpu.memory_space<vmem>>
      %dma_start3A_217 = arith.constant 0 : i32
      %dma_start3A_218 = arith.constant 0 : i32
      %dma_start3A_219 = tpu.memref_slice %arg2[%dma_start3A_217, %dma_start3A_218] : memref<51200x24xf32, #tpu.memory_space<hbm>> -> memref<51200x24xf32, #tpu.memory_space<hbm>>
      tpu.enqueue_indirect_dma source(%dma_start3A_219 : memref<51200x24xf32, #tpu.memory_space<hbm>>) target(%dma_start3A_213 : memref<128x24xf32, #tpu.memory_space<vmem>>) offsets(%dma_start3A_216 : memref<128xi32, #tpu.memory_space<vmem>>) semaphore(%arg11 : memref<!tpu.dma_semaphore, #tpu.memory_space<semaphore_mem>>)
      %dma_wait3A_220 = arith.constant 7 : i32
      %dma_wait3A_221 = arith.constant 1 : i32
      %dma_wait3A_222 = arith.constant 0 : i32
      %dma_wait3A_223 = arith.constant 0 : i32
      %dma_wait3A_224 = tpu.memref_slice %arg9[%dma_wait3A_221, %dma_wait3A_222, %dma_wait3A_223] : memref<2x128x24xf32, #tpu.memory_space<vmem>> -> memref<1x128x24xf32, #tpu.memory_space<vmem>>
      %dma_wait3A_225 = tpu.memref_squeeze %dma_wait3A_224 : memref<1x128x24xf32, #tpu.memory_space<vmem>> -> memref<128x24xf32, #tpu.memory_space<vmem>>
      %dma_wait3A_226 = arith.constant 0 : i32
      %dma_wait3A_227 = tpu.memref_slice %arg7[%dma_wait3A_220, %dma_wait3A_226] : memref<28x128xi32, #tpu.memory_space<vmem>> -> memref<1x128xi32, #tpu.memory_space<vmem>>
      %dma_wait3A_228 = tpu.memref_squeeze %dma_wait3A_227 : memref<1x128xi32, #tpu.memory_space<vmem>> -> memref<128xi32, #tpu.memory_space<vmem>>
      %dma_wait3A_229 = arith.constant 0 : i32
      %dma_wait3A_230 = arith.constant 0 : i32
      %dma_wait3A_231 = tpu.memref_slice %arg2[%dma_wait3A_229, %dma_wait3A_230] : memref<51200x24xf32, #tpu.memory_space<hbm>> -> memref<51200x24xf32, #tpu.memory_space<hbm>>
      tpu.wait_indirect_dma semaphore(%arg12 : memref<!tpu.dma_semaphore, #tpu.memory_space<semaphore_mem>>) src(%dma_wait3A_231 : memref<51200x24xf32, #tpu.memory_space<hbm>>) dst(%dma_wait3A_225 : memref<128x24xf32, #tpu.memory_space<vmem>>)
      %run_scoped3A_232 = arith.constant 1 : i32
      %run_scoped3A_233 = arith.constant 7 : i32
      "tpu.region"() ({
        %run_scoped3A_742 = tpu.sem_alloc : memref<!tpu.dma_semaphore, #tpu.memory_space<semaphore_mem>>
        %dma_start3A_743 = arith.constant 0 : i32
        %dma_start3A_744 = arith.constant 0 : i32
        %dma_start3A_745 = tpu.memref_slice %arg9[%run_scoped3A_232, %dma_start3A_743, %dma_start3A_744] : memref<2x128x24xf32, #tpu.memory_space<vmem>> -> memref<1x128x24xf32, #tpu.memory_space<vmem>>
        %dma_start3A_746 = tpu.memref_squeeze %dma_start3A_745 : memref<1x128x24xf32, #tpu.memory_space<vmem>> -> memref<128x24xf32, #tpu.memory_space<vmem>>
        %dma_start3A_747 = arith.constant 0 : i32
        %dma_start3A_748 = tpu.memref_slice %arg8[%run_scoped3A_233, %dma_start3A_747] : memref<28x128xi32, #tpu.memory_space<vmem>> -> memref<1x128xi32, #tpu.memory_space<vmem>>
        %dma_start3A_749 = tpu.memref_squeeze %dma_start3A_748 : memref<1x128xi32, #tpu.memory_space<vmem>> -> memref<128xi32, #tpu.memory_space<vmem>>
        %dma_start3A_750 = arith.constant 0 : i32
        %dma_start3A_751 = arith.constant 0 : i32
        %dma_start3A_752 = tpu.memref_slice %arg10[%dma_start3A_750, %dma_start3A_751] : memref<51200x24xf32, #tpu.memory_space<vmem_shared>> -> memref<51200x24xf32, #tpu.memory_space<vmem_shared>>
        tpu.enqueue_indirect_dma source(%dma_start3A_746 : memref<128x24xf32, #tpu.memory_space<vmem>>) target(%dma_start3A_752 : memref<51200x24xf32, #tpu.memory_space<vmem_shared>>) offsets(%dma_start3A_749 : memref<128xi32, #tpu.memory_space<vmem>>) semaphore(%run_scoped3A_742 : memref<!tpu.dma_semaphore, #tpu.memory_space<semaphore_mem>>) {add = true}
        %dma_wait3A_753 = arith.constant 0 : i32
        %dma_wait3A_754 = arith.constant 0 : i32
        %dma_wait3A_755 = tpu.memref_slice %arg9[%run_scoped3A_232, %dma_wait3A_753, %dma_wait3A_754] : memref<2x128x24xf32, #tpu.memory_space<vmem>> -> memref<1x128x24xf32, #tpu.memory_space<vmem>>
        %dma_wait3A_756 = tpu.memref_squeeze %dma_wait3A_755 : memref<1x128x24xf32, #tpu.memory_space<vmem>> -> memref<128x24xf32, #tpu.memory_space<vmem>>
        %dma_wait3A_757 = arith.constant 0 : i32
        %dma_wait3A_758 = tpu.memref_slice %arg8[%run_scoped3A_233, %dma_wait3A_757] : memref<28x128xi32, #tpu.memory_space<vmem>> -> memref<1x128xi32, #tpu.memory_space<vmem>>
        %dma_wait3A_759 = tpu.memref_squeeze %dma_wait3A_758 : memref<1x128xi32, #tpu.memory_space<vmem>> -> memref<128xi32, #tpu.memory_space<vmem>>
        %dma_wait3A_760 = arith.constant 0 : i32
        %dma_wait3A_761 = arith.constant 0 : i32
        %dma_wait3A_762 = tpu.memref_slice %arg10[%dma_wait3A_760, %dma_wait3A_761] : memref<51200x24xf32, #tpu.memory_space<vmem_shared>> -> memref<51200x24xf32, #tpu.memory_space<vmem_shared>>
        tpu.wait_indirect_dma semaphore(%run_scoped3A_742 : memref<!tpu.dma_semaphore, #tpu.memory_space<semaphore_mem>>) src(%dma_wait3A_756 : memref<128x24xf32, #tpu.memory_space<vmem>>) dst(%dma_wait3A_762 : memref<51200x24xf32, #tpu.memory_space<vmem_shared>>)
        tpu.yield
      }) : () -> ()
      %dma_start3A_234 = arith.constant 9 : i32
      %dma_start3A_235 = arith.constant 1 : i32
      %dma_start3A_236 = arith.constant 0 : i32
      %dma_start3A_237 = arith.constant 0 : i32
      %dma_start3A_238 = tpu.memref_slice %arg9[%dma_start3A_235, %dma_start3A_236, %dma_start3A_237] : memref<2x128x24xf32, #tpu.memory_space<vmem>> -> memref<1x128x24xf32, #tpu.memory_space<vmem>>
      %dma_start3A_239 = tpu.memref_squeeze %dma_start3A_238 : memref<1x128x24xf32, #tpu.memory_space<vmem>> -> memref<128x24xf32, #tpu.memory_space<vmem>>
      %dma_start3A_240 = arith.constant 0 : i32
      %dma_start3A_241 = tpu.memref_slice %arg7[%dma_start3A_234, %dma_start3A_240] : memref<28x128xi32, #tpu.memory_space<vmem>> -> memref<1x128xi32, #tpu.memory_space<vmem>>
      %dma_start3A_242 = tpu.memref_squeeze %dma_start3A_241 : memref<1x128xi32, #tpu.memory_space<vmem>> -> memref<128xi32, #tpu.memory_space<vmem>>
      %dma_start3A_243 = arith.constant 0 : i32
      %dma_start3A_244 = arith.constant 0 : i32
      %dma_start3A_245 = tpu.memref_slice %arg2[%dma_start3A_243, %dma_start3A_244] : memref<51200x24xf32, #tpu.memory_space<hbm>> -> memref<51200x24xf32, #tpu.memory_space<hbm>>
      tpu.enqueue_indirect_dma source(%dma_start3A_245 : memref<51200x24xf32, #tpu.memory_space<hbm>>) target(%dma_start3A_239 : memref<128x24xf32, #tpu.memory_space<vmem>>) offsets(%dma_start3A_242 : memref<128xi32, #tpu.memory_space<vmem>>) semaphore(%arg12 : memref<!tpu.dma_semaphore, #tpu.memory_space<semaphore_mem>>)
      %dma_wait3A_246 = arith.constant 8 : i32
      %dma_wait3A_247 = arith.constant 0 : i32
      %dma_wait3A_248 = arith.constant 0 : i32
      %dma_wait3A_249 = arith.constant 0 : i32
      %dma_wait3A_250 = tpu.memref_slice %arg9[%dma_wait3A_247, %dma_wait3A_248, %dma_wait3A_249] : memref<2x128x24xf32, #tpu.memory_space<vmem>> -> memref<1x128x24xf32, #tpu.memory_space<vmem>>
      %dma_wait3A_251 = tpu.memref_squeeze %dma_wait3A_250 : memref<1x128x24xf32, #tpu.memory_space<vmem>> -> memref<128x24xf32, #tpu.memory_space<vmem>>
      %dma_wait3A_252 = arith.constant 0 : i32
      %dma_wait3A_253 = tpu.memref_slice %arg7[%dma_wait3A_246, %dma_wait3A_252] : memref<28x128xi32, #tpu.memory_space<vmem>> -> memref<1x128xi32, #tpu.memory_space<vmem>>
      %dma_wait3A_254 = tpu.memref_squeeze %dma_wait3A_253 : memref<1x128xi32, #tpu.memory_space<vmem>> -> memref<128xi32, #tpu.memory_space<vmem>>
      %dma_wait3A_255 = arith.constant 0 : i32
      %dma_wait3A_256 = arith.constant 0 : i32
      %dma_wait3A_257 = tpu.memref_slice %arg2[%dma_wait3A_255, %dma_wait3A_256] : memref<51200x24xf32, #tpu.memory_space<hbm>> -> memref<51200x24xf32, #tpu.memory_space<hbm>>
      tpu.wait_indirect_dma semaphore(%arg11 : memref<!tpu.dma_semaphore, #tpu.memory_space<semaphore_mem>>) src(%dma_wait3A_257 : memref<51200x24xf32, #tpu.memory_space<hbm>>) dst(%dma_wait3A_251 : memref<128x24xf32, #tpu.memory_space<vmem>>)
      %run_scoped3A_258 = arith.constant 0 : i32
      %run_scoped3A_259 = arith.constant 8 : i32
      "tpu.region"() ({
        %run_scoped3A_742 = tpu.sem_alloc : memref<!tpu.dma_semaphore, #tpu.memory_space<semaphore_mem>>
        %dma_start3A_743 = arith.constant 0 : i32
        %dma_start3A_744 = arith.constant 0 : i32
        %dma_start3A_745 = tpu.memref_slice %arg9[%run_scoped3A_258, %dma_start3A_743, %dma_start3A_744] : memref<2x128x24xf32, #tpu.memory_space<vmem>> -> memref<1x128x24xf32, #tpu.memory_space<vmem>>
        %dma_start3A_746 = tpu.memref_squeeze %dma_start3A_745 : memref<1x128x24xf32, #tpu.memory_space<vmem>> -> memref<128x24xf32, #tpu.memory_space<vmem>>
        %dma_start3A_747 = arith.constant 0 : i32
        %dma_start3A_748 = tpu.memref_slice %arg8[%run_scoped3A_259, %dma_start3A_747] : memref<28x128xi32, #tpu.memory_space<vmem>> -> memref<1x128xi32, #tpu.memory_space<vmem>>
        %dma_start3A_749 = tpu.memref_squeeze %dma_start3A_748 : memref<1x128xi32, #tpu.memory_space<vmem>> -> memref<128xi32, #tpu.memory_space<vmem>>
        %dma_start3A_750 = arith.constant 0 : i32
        %dma_start3A_751 = arith.constant 0 : i32
        %dma_start3A_752 = tpu.memref_slice %arg10[%dma_start3A_750, %dma_start3A_751] : memref<51200x24xf32, #tpu.memory_space<vmem_shared>> -> memref<51200x24xf32, #tpu.memory_space<vmem_shared>>
        tpu.enqueue_indirect_dma source(%dma_start3A_746 : memref<128x24xf32, #tpu.memory_space<vmem>>) target(%dma_start3A_752 : memref<51200x24xf32, #tpu.memory_space<vmem_shared>>) offsets(%dma_start3A_749 : memref<128xi32, #tpu.memory_space<vmem>>) semaphore(%run_scoped3A_742 : memref<!tpu.dma_semaphore, #tpu.memory_space<semaphore_mem>>) {add = true}
        %dma_wait3A_753 = arith.constant 0 : i32
        %dma_wait3A_754 = arith.constant 0 : i32
        %dma_wait3A_755 = tpu.memref_slice %arg9[%run_scoped3A_258, %dma_wait3A_753, %dma_wait3A_754] : memref<2x128x24xf32, #tpu.memory_space<vmem>> -> memref<1x128x24xf32, #tpu.memory_space<vmem>>
        %dma_wait3A_756 = tpu.memref_squeeze %dma_wait3A_755 : memref<1x128x24xf32, #tpu.memory_space<vmem>> -> memref<128x24xf32, #tpu.memory_space<vmem>>
        %dma_wait3A_757 = arith.constant 0 : i32
        %dma_wait3A_758 = tpu.memref_slice %arg8[%run_scoped3A_259, %dma_wait3A_757] : memref<28x128xi32, #tpu.memory_space<vmem>> -> memref<1x128xi32, #tpu.memory_space<vmem>>
        %dma_wait3A_759 = tpu.memref_squeeze %dma_wait3A_758 : memref<1x128xi32, #tpu.memory_space<vmem>> -> memref<128xi32, #tpu.memory_space<vmem>>
        %dma_wait3A_760 = arith.constant 0 : i32
        %dma_wait3A_761 = arith.constant 0 : i32
        %dma_wait3A_762 = tpu.memref_slice %arg10[%dma_wait3A_760, %dma_wait3A_761] : memref<51200x24xf32, #tpu.memory_space<vmem_shared>> -> memref<51200x24xf32, #tpu.memory_space<vmem_shared>>
        tpu.wait_indirect_dma semaphore(%run_scoped3A_742 : memref<!tpu.dma_semaphore, #tpu.memory_space<semaphore_mem>>) src(%dma_wait3A_756 : memref<128x24xf32, #tpu.memory_space<vmem>>) dst(%dma_wait3A_762 : memref<51200x24xf32, #tpu.memory_space<vmem_shared>>)
        tpu.yield
      }) : () -> ()
      %dma_start3A_260 = arith.constant 10 : i32
      %dma_start3A_261 = arith.constant 0 : i32
      %dma_start3A_262 = arith.constant 0 : i32
      %dma_start3A_263 = arith.constant 0 : i32
      %dma_start3A_264 = tpu.memref_slice %arg9[%dma_start3A_261, %dma_start3A_262, %dma_start3A_263] : memref<2x128x24xf32, #tpu.memory_space<vmem>> -> memref<1x128x24xf32, #tpu.memory_space<vmem>>
      %dma_start3A_265 = tpu.memref_squeeze %dma_start3A_264 : memref<1x128x24xf32, #tpu.memory_space<vmem>> -> memref<128x24xf32, #tpu.memory_space<vmem>>
      %dma_start3A_266 = arith.constant 0 : i32
      %dma_start3A_267 = tpu.memref_slice %arg7[%dma_start3A_260, %dma_start3A_266] : memref<28x128xi32, #tpu.memory_space<vmem>> -> memref<1x128xi32, #tpu.memory_space<vmem>>
      %dma_start3A_268 = tpu.memref_squeeze %dma_start3A_267 : memref<1x128xi32, #tpu.memory_space<vmem>> -> memref<128xi32, #tpu.memory_space<vmem>>
      %dma_start3A_269 = arith.constant 0 : i32
      %dma_start3A_270 = arith.constant 0 : i32
      %dma_start3A_271 = tpu.memref_slice %arg2[%dma_start3A_269, %dma_start3A_270] : memref<51200x24xf32, #tpu.memory_space<hbm>> -> memref<51200x24xf32, #tpu.memory_space<hbm>>
      tpu.enqueue_indirect_dma source(%dma_start3A_271 : memref<51200x24xf32, #tpu.memory_space<hbm>>) target(%dma_start3A_265 : memref<128x24xf32, #tpu.memory_space<vmem>>) offsets(%dma_start3A_268 : memref<128xi32, #tpu.memory_space<vmem>>) semaphore(%arg11 : memref<!tpu.dma_semaphore, #tpu.memory_space<semaphore_mem>>)
      %dma_wait3A_272 = arith.constant 9 : i32
      %dma_wait3A_273 = arith.constant 1 : i32
      %dma_wait3A_274 = arith.constant 0 : i32
      %dma_wait3A_275 = arith.constant 0 : i32
      %dma_wait3A_276 = tpu.memref_slice %arg9[%dma_wait3A_273, %dma_wait3A_274, %dma_wait3A_275] : memref<2x128x24xf32, #tpu.memory_space<vmem>> -> memref<1x128x24xf32, #tpu.memory_space<vmem>>
      %dma_wait3A_277 = tpu.memref_squeeze %dma_wait3A_276 : memref<1x128x24xf32, #tpu.memory_space<vmem>> -> memref<128x24xf32, #tpu.memory_space<vmem>>
      %dma_wait3A_278 = arith.constant 0 : i32
      %dma_wait3A_279 = tpu.memref_slice %arg7[%dma_wait3A_272, %dma_wait3A_278] : memref<28x128xi32, #tpu.memory_space<vmem>> -> memref<1x128xi32, #tpu.memory_space<vmem>>
      %dma_wait3A_280 = tpu.memref_squeeze %dma_wait3A_279 : memref<1x128xi32, #tpu.memory_space<vmem>> -> memref<128xi32, #tpu.memory_space<vmem>>
      %dma_wait3A_281 = arith.constant 0 : i32
      %dma_wait3A_282 = arith.constant 0 : i32
      %dma_wait3A_283 = tpu.memref_slice %arg2[%dma_wait3A_281, %dma_wait3A_282] : memref<51200x24xf32, #tpu.memory_space<hbm>> -> memref<51200x24xf32, #tpu.memory_space<hbm>>
      tpu.wait_indirect_dma semaphore(%arg12 : memref<!tpu.dma_semaphore, #tpu.memory_space<semaphore_mem>>) src(%dma_wait3A_283 : memref<51200x24xf32, #tpu.memory_space<hbm>>) dst(%dma_wait3A_277 : memref<128x24xf32, #tpu.memory_space<vmem>>)
      %run_scoped3A_284 = arith.constant 1 : i32
      %run_scoped3A_285 = arith.constant 9 : i32
      "tpu.region"() ({
        %run_scoped3A_742 = tpu.sem_alloc : memref<!tpu.dma_semaphore, #tpu.memory_space<semaphore_mem>>
        %dma_start3A_743 = arith.constant 0 : i32
        %dma_start3A_744 = arith.constant 0 : i32
        %dma_start3A_745 = tpu.memref_slice %arg9[%run_scoped3A_284, %dma_start3A_743, %dma_start3A_744] : memref<2x128x24xf32, #tpu.memory_space<vmem>> -> memref<1x128x24xf32, #tpu.memory_space<vmem>>
        %dma_start3A_746 = tpu.memref_squeeze %dma_start3A_745 : memref<1x128x24xf32, #tpu.memory_space<vmem>> -> memref<128x24xf32, #tpu.memory_space<vmem>>
        %dma_start3A_747 = arith.constant 0 : i32
        %dma_start3A_748 = tpu.memref_slice %arg8[%run_scoped3A_285, %dma_start3A_747] : memref<28x128xi32, #tpu.memory_space<vmem>> -> memref<1x128xi32, #tpu.memory_space<vmem>>
        %dma_start3A_749 = tpu.memref_squeeze %dma_start3A_748 : memref<1x128xi32, #tpu.memory_space<vmem>> -> memref<128xi32, #tpu.memory_space<vmem>>
        %dma_start3A_750 = arith.constant 0 : i32
        %dma_start3A_751 = arith.constant 0 : i32
        %dma_start3A_752 = tpu.memref_slice %arg10[%dma_start3A_750, %dma_start3A_751] : memref<51200x24xf32, #tpu.memory_space<vmem_shared>> -> memref<51200x24xf32, #tpu.memory_space<vmem_shared>>
        tpu.enqueue_indirect_dma source(%dma_start3A_746 : memref<128x24xf32, #tpu.memory_space<vmem>>) target(%dma_start3A_752 : memref<51200x24xf32, #tpu.memory_space<vmem_shared>>) offsets(%dma_start3A_749 : memref<128xi32, #tpu.memory_space<vmem>>) semaphore(%run_scoped3A_742 : memref<!tpu.dma_semaphore, #tpu.memory_space<semaphore_mem>>) {add = true}
        %dma_wait3A_753 = arith.constant 0 : i32
        %dma_wait3A_754 = arith.constant 0 : i32
        %dma_wait3A_755 = tpu.memref_slice %arg9[%run_scoped3A_284, %dma_wait3A_753, %dma_wait3A_754] : memref<2x128x24xf32, #tpu.memory_space<vmem>> -> memref<1x128x24xf32, #tpu.memory_space<vmem>>
        %dma_wait3A_756 = tpu.memref_squeeze %dma_wait3A_755 : memref<1x128x24xf32, #tpu.memory_space<vmem>> -> memref<128x24xf32, #tpu.memory_space<vmem>>
        %dma_wait3A_757 = arith.constant 0 : i32
        %dma_wait3A_758 = tpu.memref_slice %arg8[%run_scoped3A_285, %dma_wait3A_757] : memref<28x128xi32, #tpu.memory_space<vmem>> -> memref<1x128xi32, #tpu.memory_space<vmem>>
        %dma_wait3A_759 = tpu.memref_squeeze %dma_wait3A_758 : memref<1x128xi32, #tpu.memory_space<vmem>> -> memref<128xi32, #tpu.memory_space<vmem>>
        %dma_wait3A_760 = arith.constant 0 : i32
        %dma_wait3A_761 = arith.constant 0 : i32
        %dma_wait3A_762 = tpu.memref_slice %arg10[%dma_wait3A_760, %dma_wait3A_761] : memref<51200x24xf32, #tpu.memory_space<vmem_shared>> -> memref<51200x24xf32, #tpu.memory_space<vmem_shared>>
        tpu.wait_indirect_dma semaphore(%run_scoped3A_742 : memref<!tpu.dma_semaphore, #tpu.memory_space<semaphore_mem>>) src(%dma_wait3A_756 : memref<128x24xf32, #tpu.memory_space<vmem>>) dst(%dma_wait3A_762 : memref<51200x24xf32, #tpu.memory_space<vmem_shared>>)
        tpu.yield
      }) : () -> ()
      %dma_start3A_286 = arith.constant 11 : i32
      %dma_start3A_287 = arith.constant 1 : i32
      %dma_start3A_288 = arith.constant 0 : i32
      %dma_start3A_289 = arith.constant 0 : i32
      %dma_start3A_290 = tpu.memref_slice %arg9[%dma_start3A_287, %dma_start3A_288, %dma_start3A_289] : memref<2x128x24xf32, #tpu.memory_space<vmem>> -> memref<1x128x24xf32, #tpu.memory_space<vmem>>
      %dma_start3A_291 = tpu.memref_squeeze %dma_start3A_290 : memref<1x128x24xf32, #tpu.memory_space<vmem>> -> memref<128x24xf32, #tpu.memory_space<vmem>>
      %dma_start3A_292 = arith.constant 0 : i32
      %dma_start3A_293 = tpu.memref_slice %arg7[%dma_start3A_286, %dma_start3A_292] : memref<28x128xi32, #tpu.memory_space<vmem>> -> memref<1x128xi32, #tpu.memory_space<vmem>>
      %dma_start3A_294 = tpu.memref_squeeze %dma_start3A_293 : memref<1x128xi32, #tpu.memory_space<vmem>> -> memref<128xi32, #tpu.memory_space<vmem>>
      %dma_start3A_295 = arith.constant 0 : i32
      %dma_start3A_296 = arith.constant 0 : i32
      %dma_start3A_297 = tpu.memref_slice %arg2[%dma_start3A_295, %dma_start3A_296] : memref<51200x24xf32, #tpu.memory_space<hbm>> -> memref<51200x24xf32, #tpu.memory_space<hbm>>
      tpu.enqueue_indirect_dma source(%dma_start3A_297 : memref<51200x24xf32, #tpu.memory_space<hbm>>) target(%dma_start3A_291 : memref<128x24xf32, #tpu.memory_space<vmem>>) offsets(%dma_start3A_294 : memref<128xi32, #tpu.memory_space<vmem>>) semaphore(%arg12 : memref<!tpu.dma_semaphore, #tpu.memory_space<semaphore_mem>>)
      %dma_wait3A_298 = arith.constant 10 : i32
      %dma_wait3A_299 = arith.constant 0 : i32
      %dma_wait3A_300 = arith.constant 0 : i32
      %dma_wait3A_301 = arith.constant 0 : i32
      %dma_wait3A_302 = tpu.memref_slice %arg9[%dma_wait3A_299, %dma_wait3A_300, %dma_wait3A_301] : memref<2x128x24xf32, #tpu.memory_space<vmem>> -> memref<1x128x24xf32, #tpu.memory_space<vmem>>
      %dma_wait3A_303 = tpu.memref_squeeze %dma_wait3A_302 : memref<1x128x24xf32, #tpu.memory_space<vmem>> -> memref<128x24xf32, #tpu.memory_space<vmem>>
      %dma_wait3A_304 = arith.constant 0 : i32
      %dma_wait3A_305 = tpu.memref_slice %arg7[%dma_wait3A_298, %dma_wait3A_304] : memref<28x128xi32, #tpu.memory_space<vmem>> -> memref<1x128xi32, #tpu.memory_space<vmem>>
      %dma_wait3A_306 = tpu.memref_squeeze %dma_wait3A_305 : memref<1x128xi32, #tpu.memory_space<vmem>> -> memref<128xi32, #tpu.memory_space<vmem>>
      %dma_wait3A_307 = arith.constant 0 : i32
      %dma_wait3A_308 = arith.constant 0 : i32
      %dma_wait3A_309 = tpu.memref_slice %arg2[%dma_wait3A_307, %dma_wait3A_308] : memref<51200x24xf32, #tpu.memory_space<hbm>> -> memref<51200x24xf32, #tpu.memory_space<hbm>>
      tpu.wait_indirect_dma semaphore(%arg11 : memref<!tpu.dma_semaphore, #tpu.memory_space<semaphore_mem>>) src(%dma_wait3A_309 : memref<51200x24xf32, #tpu.memory_space<hbm>>) dst(%dma_wait3A_303 : memref<128x24xf32, #tpu.memory_space<vmem>>)
      %run_scoped3A_310 = arith.constant 0 : i32
      %run_scoped3A_311 = arith.constant 10 : i32
      "tpu.region"() ({
        %run_scoped3A_742 = tpu.sem_alloc : memref<!tpu.dma_semaphore, #tpu.memory_space<semaphore_mem>>
        %dma_start3A_743 = arith.constant 0 : i32
        %dma_start3A_744 = arith.constant 0 : i32
        %dma_start3A_745 = tpu.memref_slice %arg9[%run_scoped3A_310, %dma_start3A_743, %dma_start3A_744] : memref<2x128x24xf32, #tpu.memory_space<vmem>> -> memref<1x128x24xf32, #tpu.memory_space<vmem>>
        %dma_start3A_746 = tpu.memref_squeeze %dma_start3A_745 : memref<1x128x24xf32, #tpu.memory_space<vmem>> -> memref<128x24xf32, #tpu.memory_space<vmem>>
        %dma_start3A_747 = arith.constant 0 : i32
        %dma_start3A_748 = tpu.memref_slice %arg8[%run_scoped3A_311, %dma_start3A_747] : memref<28x128xi32, #tpu.memory_space<vmem>> -> memref<1x128xi32, #tpu.memory_space<vmem>>
        %dma_start3A_749 = tpu.memref_squeeze %dma_start3A_748 : memref<1x128xi32, #tpu.memory_space<vmem>> -> memref<128xi32, #tpu.memory_space<vmem>>
        %dma_start3A_750 = arith.constant 0 : i32
        %dma_start3A_751 = arith.constant 0 : i32
        %dma_start3A_752 = tpu.memref_slice %arg10[%dma_start3A_750, %dma_start3A_751] : memref<51200x24xf32, #tpu.memory_space<vmem_shared>> -> memref<51200x24xf32, #tpu.memory_space<vmem_shared>>
        tpu.enqueue_indirect_dma source(%dma_start3A_746 : memref<128x24xf32, #tpu.memory_space<vmem>>) target(%dma_start3A_752 : memref<51200x24xf32, #tpu.memory_space<vmem_shared>>) offsets(%dma_start3A_749 : memref<128xi32, #tpu.memory_space<vmem>>) semaphore(%run_scoped3A_742 : memref<!tpu.dma_semaphore, #tpu.memory_space<semaphore_mem>>) {add = true}
        %dma_wait3A_753 = arith.constant 0 : i32
        %dma_wait3A_754 = arith.constant 0 : i32
        %dma_wait3A_755 = tpu.memref_slice %arg9[%run_scoped3A_310, %dma_wait3A_753, %dma_wait3A_754] : memref<2x128x24xf32, #tpu.memory_space<vmem>> -> memref<1x128x24xf32, #tpu.memory_space<vmem>>
        %dma_wait3A_756 = tpu.memref_squeeze %dma_wait3A_755 : memref<1x128x24xf32, #tpu.memory_space<vmem>> -> memref<128x24xf32, #tpu.memory_space<vmem>>
        %dma_wait3A_757 = arith.constant 0 : i32
        %dma_wait3A_758 = tpu.memref_slice %arg8[%run_scoped3A_311, %dma_wait3A_757] : memref<28x128xi32, #tpu.memory_space<vmem>> -> memref<1x128xi32, #tpu.memory_space<vmem>>
        %dma_wait3A_759 = tpu.memref_squeeze %dma_wait3A_758 : memref<1x128xi32, #tpu.memory_space<vmem>> -> memref<128xi32, #tpu.memory_space<vmem>>
        %dma_wait3A_760 = arith.constant 0 : i32
        %dma_wait3A_761 = arith.constant 0 : i32
        %dma_wait3A_762 = tpu.memref_slice %arg10[%dma_wait3A_760, %dma_wait3A_761] : memref<51200x24xf32, #tpu.memory_space<vmem_shared>> -> memref<51200x24xf32, #tpu.memory_space<vmem_shared>>
        tpu.wait_indirect_dma semaphore(%run_scoped3A_742 : memref<!tpu.dma_semaphore, #tpu.memory_space<semaphore_mem>>) src(%dma_wait3A_756 : memref<128x24xf32, #tpu.memory_space<vmem>>) dst(%dma_wait3A_762 : memref<51200x24xf32, #tpu.memory_space<vmem_shared>>)
        tpu.yield
      }) : () -> ()
      %dma_start3A_312 = arith.constant 12 : i32
      %dma_start3A_313 = arith.constant 0 : i32
      %dma_start3A_314 = arith.constant 0 : i32
      %dma_start3A_315 = arith.constant 0 : i32
      %dma_start3A_316 = tpu.memref_slice %arg9[%dma_start3A_313, %dma_start3A_314, %dma_start3A_315] : memref<2x128x24xf32, #tpu.memory_space<vmem>> -> memref<1x128x24xf32, #tpu.memory_space<vmem>>
      %dma_start3A_317 = tpu.memref_squeeze %dma_start3A_316 : memref<1x128x24xf32, #tpu.memory_space<vmem>> -> memref<128x24xf32, #tpu.memory_space<vmem>>
      %dma_start3A_318 = arith.constant 0 : i32
      %dma_start3A_319 = tpu.memref_slice %arg7[%dma_start3A_312, %dma_start3A_318] : memref<28x128xi32, #tpu.memory_space<vmem>> -> memref<1x128xi32, #tpu.memory_space<vmem>>
      %dma_start3A_320 = tpu.memref_squeeze %dma_start3A_319 : memref<1x128xi32, #tpu.memory_space<vmem>> -> memref<128xi32, #tpu.memory_space<vmem>>
      %dma_start3A_321 = arith.constant 0 : i32
      %dma_start3A_322 = arith.constant 0 : i32
      %dma_start3A_323 = tpu.memref_slice %arg2[%dma_start3A_321, %dma_start3A_322] : memref<51200x24xf32, #tpu.memory_space<hbm>> -> memref<51200x24xf32, #tpu.memory_space<hbm>>
      tpu.enqueue_indirect_dma source(%dma_start3A_323 : memref<51200x24xf32, #tpu.memory_space<hbm>>) target(%dma_start3A_317 : memref<128x24xf32, #tpu.memory_space<vmem>>) offsets(%dma_start3A_320 : memref<128xi32, #tpu.memory_space<vmem>>) semaphore(%arg11 : memref<!tpu.dma_semaphore, #tpu.memory_space<semaphore_mem>>)
      %dma_wait3A_324 = arith.constant 11 : i32
      %dma_wait3A_325 = arith.constant 1 : i32
      %dma_wait3A_326 = arith.constant 0 : i32
      %dma_wait3A_327 = arith.constant 0 : i32
      %dma_wait3A_328 = tpu.memref_slice %arg9[%dma_wait3A_325, %dma_wait3A_326, %dma_wait3A_327] : memref<2x128x24xf32, #tpu.memory_space<vmem>> -> memref<1x128x24xf32, #tpu.memory_space<vmem>>
      %dma_wait3A_329 = tpu.memref_squeeze %dma_wait3A_328 : memref<1x128x24xf32, #tpu.memory_space<vmem>> -> memref<128x24xf32, #tpu.memory_space<vmem>>
      %dma_wait3A_330 = arith.constant 0 : i32
      %dma_wait3A_331 = tpu.memref_slice %arg7[%dma_wait3A_324, %dma_wait3A_330] : memref<28x128xi32, #tpu.memory_space<vmem>> -> memref<1x128xi32, #tpu.memory_space<vmem>>
      %dma_wait3A_332 = tpu.memref_squeeze %dma_wait3A_331 : memref<1x128xi32, #tpu.memory_space<vmem>> -> memref<128xi32, #tpu.memory_space<vmem>>
      %dma_wait3A_333 = arith.constant 0 : i32
      %dma_wait3A_334 = arith.constant 0 : i32
      %dma_wait3A_335 = tpu.memref_slice %arg2[%dma_wait3A_333, %dma_wait3A_334] : memref<51200x24xf32, #tpu.memory_space<hbm>> -> memref<51200x24xf32, #tpu.memory_space<hbm>>
      tpu.wait_indirect_dma semaphore(%arg12 : memref<!tpu.dma_semaphore, #tpu.memory_space<semaphore_mem>>) src(%dma_wait3A_335 : memref<51200x24xf32, #tpu.memory_space<hbm>>) dst(%dma_wait3A_329 : memref<128x24xf32, #tpu.memory_space<vmem>>)
      %run_scoped3A_336 = arith.constant 1 : i32
      %run_scoped3A_337 = arith.constant 11 : i32
      "tpu.region"() ({
        %run_scoped3A_742 = tpu.sem_alloc : memref<!tpu.dma_semaphore, #tpu.memory_space<semaphore_mem>>
        %dma_start3A_743 = arith.constant 0 : i32
        %dma_start3A_744 = arith.constant 0 : i32
        %dma_start3A_745 = tpu.memref_slice %arg9[%run_scoped3A_336, %dma_start3A_743, %dma_start3A_744] : memref<2x128x24xf32, #tpu.memory_space<vmem>> -> memref<1x128x24xf32, #tpu.memory_space<vmem>>
        %dma_start3A_746 = tpu.memref_squeeze %dma_start3A_745 : memref<1x128x24xf32, #tpu.memory_space<vmem>> -> memref<128x24xf32, #tpu.memory_space<vmem>>
        %dma_start3A_747 = arith.constant 0 : i32
        %dma_start3A_748 = tpu.memref_slice %arg8[%run_scoped3A_337, %dma_start3A_747] : memref<28x128xi32, #tpu.memory_space<vmem>> -> memref<1x128xi32, #tpu.memory_space<vmem>>
        %dma_start3A_749 = tpu.memref_squeeze %dma_start3A_748 : memref<1x128xi32, #tpu.memory_space<vmem>> -> memref<128xi32, #tpu.memory_space<vmem>>
        %dma_start3A_750 = arith.constant 0 : i32
        %dma_start3A_751 = arith.constant 0 : i32
        %dma_start3A_752 = tpu.memref_slice %arg10[%dma_start3A_750, %dma_start3A_751] : memref<51200x24xf32, #tpu.memory_space<vmem_shared>> -> memref<51200x24xf32, #tpu.memory_space<vmem_shared>>
        tpu.enqueue_indirect_dma source(%dma_start3A_746 : memref<128x24xf32, #tpu.memory_space<vmem>>) target(%dma_start3A_752 : memref<51200x24xf32, #tpu.memory_space<vmem_shared>>) offsets(%dma_start3A_749 : memref<128xi32, #tpu.memory_space<vmem>>) semaphore(%run_scoped3A_742 : memref<!tpu.dma_semaphore, #tpu.memory_space<semaphore_mem>>) {add = true}
        %dma_wait3A_753 = arith.constant 0 : i32
        %dma_wait3A_754 = arith.constant 0 : i32
        %dma_wait3A_755 = tpu.memref_slice %arg9[%run_scoped3A_336, %dma_wait3A_753, %dma_wait3A_754] : memref<2x128x24xf32, #tpu.memory_space<vmem>> -> memref<1x128x24xf32, #tpu.memory_space<vmem>>
        %dma_wait3A_756 = tpu.memref_squeeze %dma_wait3A_755 : memref<1x128x24xf32, #tpu.memory_space<vmem>> -> memref<128x24xf32, #tpu.memory_space<vmem>>
        %dma_wait3A_757 = arith.constant 0 : i32
        %dma_wait3A_758 = tpu.memref_slice %arg8[%run_scoped3A_337, %dma_wait3A_757] : memref<28x128xi32, #tpu.memory_space<vmem>> -> memref<1x128xi32, #tpu.memory_space<vmem>>
        %dma_wait3A_759 = tpu.memref_squeeze %dma_wait3A_758 : memref<1x128xi32, #tpu.memory_space<vmem>> -> memref<128xi32, #tpu.memory_space<vmem>>
        %dma_wait3A_760 = arith.constant 0 : i32
        %dma_wait3A_761 = arith.constant 0 : i32
        %dma_wait3A_762 = tpu.memref_slice %arg10[%dma_wait3A_760, %dma_wait3A_761] : memref<51200x24xf32, #tpu.memory_space<vmem_shared>> -> memref<51200x24xf32, #tpu.memory_space<vmem_shared>>
        tpu.wait_indirect_dma semaphore(%run_scoped3A_742 : memref<!tpu.dma_semaphore, #tpu.memory_space<semaphore_mem>>) src(%dma_wait3A_756 : memref<128x24xf32, #tpu.memory_space<vmem>>) dst(%dma_wait3A_762 : memref<51200x24xf32, #tpu.memory_space<vmem_shared>>)
        tpu.yield
      }) : () -> ()
      %dma_start3A_338 = arith.constant 13 : i32
      %dma_start3A_339 = arith.constant 1 : i32
      %dma_start3A_340 = arith.constant 0 : i32
      %dma_start3A_341 = arith.constant 0 : i32
      %dma_start3A_342 = tpu.memref_slice %arg9[%dma_start3A_339, %dma_start3A_340, %dma_start3A_341] : memref<2x128x24xf32, #tpu.memory_space<vmem>> -> memref<1x128x24xf32, #tpu.memory_space<vmem>>
      %dma_start3A_343 = tpu.memref_squeeze %dma_start3A_342 : memref<1x128x24xf32, #tpu.memory_space<vmem>> -> memref<128x24xf32, #tpu.memory_space<vmem>>
      %dma_start3A_344 = arith.constant 0 : i32
      %dma_start3A_345 = tpu.memref_slice %arg7[%dma_start3A_338, %dma_start3A_344] : memref<28x128xi32, #tpu.memory_space<vmem>> -> memref<1x128xi32, #tpu.memory_space<vmem>>
      %dma_start3A_346 = tpu.memref_squeeze %dma_start3A_345 : memref<1x128xi32, #tpu.memory_space<vmem>> -> memref<128xi32, #tpu.memory_space<vmem>>
      %dma_start3A_347 = arith.constant 0 : i32
      %dma_start3A_348 = arith.constant 0 : i32
      %dma_start3A_349 = tpu.memref_slice %arg2[%dma_start3A_347, %dma_start3A_348] : memref<51200x24xf32, #tpu.memory_space<hbm>> -> memref<51200x24xf32, #tpu.memory_space<hbm>>
      tpu.enqueue_indirect_dma source(%dma_start3A_349 : memref<51200x24xf32, #tpu.memory_space<hbm>>) target(%dma_start3A_343 : memref<128x24xf32, #tpu.memory_space<vmem>>) offsets(%dma_start3A_346 : memref<128xi32, #tpu.memory_space<vmem>>) semaphore(%arg12 : memref<!tpu.dma_semaphore, #tpu.memory_space<semaphore_mem>>)
      %dma_wait3A_350 = arith.constant 12 : i32
      %dma_wait3A_351 = arith.constant 0 : i32
      %dma_wait3A_352 = arith.constant 0 : i32
      %dma_wait3A_353 = arith.constant 0 : i32
      %dma_wait3A_354 = tpu.memref_slice %arg9[%dma_wait3A_351, %dma_wait3A_352, %dma_wait3A_353] : memref<2x128x24xf32, #tpu.memory_space<vmem>> -> memref<1x128x24xf32, #tpu.memory_space<vmem>>
      %dma_wait3A_355 = tpu.memref_squeeze %dma_wait3A_354 : memref<1x128x24xf32, #tpu.memory_space<vmem>> -> memref<128x24xf32, #tpu.memory_space<vmem>>
      %dma_wait3A_356 = arith.constant 0 : i32
      %dma_wait3A_357 = tpu.memref_slice %arg7[%dma_wait3A_350, %dma_wait3A_356] : memref<28x128xi32, #tpu.memory_space<vmem>> -> memref<1x128xi32, #tpu.memory_space<vmem>>
      %dma_wait3A_358 = tpu.memref_squeeze %dma_wait3A_357 : memref<1x128xi32, #tpu.memory_space<vmem>> -> memref<128xi32, #tpu.memory_space<vmem>>
      %dma_wait3A_359 = arith.constant 0 : i32
      %dma_wait3A_360 = arith.constant 0 : i32
      %dma_wait3A_361 = tpu.memref_slice %arg2[%dma_wait3A_359, %dma_wait3A_360] : memref<51200x24xf32, #tpu.memory_space<hbm>> -> memref<51200x24xf32, #tpu.memory_space<hbm>>
      tpu.wait_indirect_dma semaphore(%arg11 : memref<!tpu.dma_semaphore, #tpu.memory_space<semaphore_mem>>) src(%dma_wait3A_361 : memref<51200x24xf32, #tpu.memory_space<hbm>>) dst(%dma_wait3A_355 : memref<128x24xf32, #tpu.memory_space<vmem>>)
      %run_scoped3A_362 = arith.constant 0 : i32
      %run_scoped3A_363 = arith.constant 12 : i32
      "tpu.region"() ({
        %run_scoped3A_742 = tpu.sem_alloc : memref<!tpu.dma_semaphore, #tpu.memory_space<semaphore_mem>>
        %dma_start3A_743 = arith.constant 0 : i32
        %dma_start3A_744 = arith.constant 0 : i32
        %dma_start3A_745 = tpu.memref_slice %arg9[%run_scoped3A_362, %dma_start3A_743, %dma_start3A_744] : memref<2x128x24xf32, #tpu.memory_space<vmem>> -> memref<1x128x24xf32, #tpu.memory_space<vmem>>
        %dma_start3A_746 = tpu.memref_squeeze %dma_start3A_745 : memref<1x128x24xf32, #tpu.memory_space<vmem>> -> memref<128x24xf32, #tpu.memory_space<vmem>>
        %dma_start3A_747 = arith.constant 0 : i32
        %dma_start3A_748 = tpu.memref_slice %arg8[%run_scoped3A_363, %dma_start3A_747] : memref<28x128xi32, #tpu.memory_space<vmem>> -> memref<1x128xi32, #tpu.memory_space<vmem>>
        %dma_start3A_749 = tpu.memref_squeeze %dma_start3A_748 : memref<1x128xi32, #tpu.memory_space<vmem>> -> memref<128xi32, #tpu.memory_space<vmem>>
        %dma_start3A_750 = arith.constant 0 : i32
        %dma_start3A_751 = arith.constant 0 : i32
        %dma_start3A_752 = tpu.memref_slice %arg10[%dma_start3A_750, %dma_start3A_751] : memref<51200x24xf32, #tpu.memory_space<vmem_shared>> -> memref<51200x24xf32, #tpu.memory_space<vmem_shared>>
        tpu.enqueue_indirect_dma source(%dma_start3A_746 : memref<128x24xf32, #tpu.memory_space<vmem>>) target(%dma_start3A_752 : memref<51200x24xf32, #tpu.memory_space<vmem_shared>>) offsets(%dma_start3A_749 : memref<128xi32, #tpu.memory_space<vmem>>) semaphore(%run_scoped3A_742 : memref<!tpu.dma_semaphore, #tpu.memory_space<semaphore_mem>>) {add = true}
        %dma_wait3A_753 = arith.constant 0 : i32
        %dma_wait3A_754 = arith.constant 0 : i32
        %dma_wait3A_755 = tpu.memref_slice %arg9[%run_scoped3A_362, %dma_wait3A_753, %dma_wait3A_754] : memref<2x128x24xf32, #tpu.memory_space<vmem>> -> memref<1x128x24xf32, #tpu.memory_space<vmem>>
        %dma_wait3A_756 = tpu.memref_squeeze %dma_wait3A_755 : memref<1x128x24xf32, #tpu.memory_space<vmem>> -> memref<128x24xf32, #tpu.memory_space<vmem>>
        %dma_wait3A_757 = arith.constant 0 : i32
        %dma_wait3A_758 = tpu.memref_slice %arg8[%run_scoped3A_363, %dma_wait3A_757] : memref<28x128xi32, #tpu.memory_space<vmem>> -> memref<1x128xi32, #tpu.memory_space<vmem>>
        %dma_wait3A_759 = tpu.memref_squeeze %dma_wait3A_758 : memref<1x128xi32, #tpu.memory_space<vmem>> -> memref<128xi32, #tpu.memory_space<vmem>>
        %dma_wait3A_760 = arith.constant 0 : i32
        %dma_wait3A_761 = arith.constant 0 : i32
        %dma_wait3A_762 = tpu.memref_slice %arg10[%dma_wait3A_760, %dma_wait3A_761] : memref<51200x24xf32, #tpu.memory_space<vmem_shared>> -> memref<51200x24xf32, #tpu.memory_space<vmem_shared>>
        tpu.wait_indirect_dma semaphore(%run_scoped3A_742 : memref<!tpu.dma_semaphore, #tpu.memory_space<semaphore_mem>>) src(%dma_wait3A_756 : memref<128x24xf32, #tpu.memory_space<vmem>>) dst(%dma_wait3A_762 : memref<51200x24xf32, #tpu.memory_space<vmem_shared>>)
        tpu.yield
      }) : () -> ()
      %dma_start3A_364 = arith.constant 14 : i32
      %dma_start3A_365 = arith.constant 0 : i32
      %dma_start3A_366 = arith.constant 0 : i32
      %dma_start3A_367 = arith.constant 0 : i32
      %dma_start3A_368 = tpu.memref_slice %arg9[%dma_start3A_365, %dma_start3A_366, %dma_start3A_367] : memref<2x128x24xf32, #tpu.memory_space<vmem>> -> memref<1x128x24xf32, #tpu.memory_space<vmem>>
      %dma_start3A_369 = tpu.memref_squeeze %dma_start3A_368 : memref<1x128x24xf32, #tpu.memory_space<vmem>> -> memref<128x24xf32, #tpu.memory_space<vmem>>
      %dma_start3A_370 = arith.constant 0 : i32
      %dma_start3A_371 = tpu.memref_slice %arg7[%dma_start3A_364, %dma_start3A_370] : memref<28x128xi32, #tpu.memory_space<vmem>> -> memref<1x128xi32, #tpu.memory_space<vmem>>
      %dma_start3A_372 = tpu.memref_squeeze %dma_start3A_371 : memref<1x128xi32, #tpu.memory_space<vmem>> -> memref<128xi32, #tpu.memory_space<vmem>>
      %dma_start3A_373 = arith.constant 0 : i32
      %dma_start3A_374 = arith.constant 0 : i32
      %dma_start3A_375 = tpu.memref_slice %arg2[%dma_start3A_373, %dma_start3A_374] : memref<51200x24xf32, #tpu.memory_space<hbm>> -> memref<51200x24xf32, #tpu.memory_space<hbm>>
      tpu.enqueue_indirect_dma source(%dma_start3A_375 : memref<51200x24xf32, #tpu.memory_space<hbm>>) target(%dma_start3A_369 : memref<128x24xf32, #tpu.memory_space<vmem>>) offsets(%dma_start3A_372 : memref<128xi32, #tpu.memory_space<vmem>>) semaphore(%arg11 : memref<!tpu.dma_semaphore, #tpu.memory_space<semaphore_mem>>)
      %dma_wait3A_376 = arith.constant 13 : i32
      %dma_wait3A_377 = arith.constant 1 : i32
      %dma_wait3A_378 = arith.constant 0 : i32
      %dma_wait3A_379 = arith.constant 0 : i32
      %dma_wait3A_380 = tpu.memref_slice %arg9[%dma_wait3A_377, %dma_wait3A_378, %dma_wait3A_379] : memref<2x128x24xf32, #tpu.memory_space<vmem>> -> memref<1x128x24xf32, #tpu.memory_space<vmem>>
      %dma_wait3A_381 = tpu.memref_squeeze %dma_wait3A_380 : memref<1x128x24xf32, #tpu.memory_space<vmem>> -> memref<128x24xf32, #tpu.memory_space<vmem>>
      %dma_wait3A_382 = arith.constant 0 : i32
      %dma_wait3A_383 = tpu.memref_slice %arg7[%dma_wait3A_376, %dma_wait3A_382] : memref<28x128xi32, #tpu.memory_space<vmem>> -> memref<1x128xi32, #tpu.memory_space<vmem>>
      %dma_wait3A_384 = tpu.memref_squeeze %dma_wait3A_383 : memref<1x128xi32, #tpu.memory_space<vmem>> -> memref<128xi32, #tpu.memory_space<vmem>>
      %dma_wait3A_385 = arith.constant 0 : i32
      %dma_wait3A_386 = arith.constant 0 : i32
      %dma_wait3A_387 = tpu.memref_slice %arg2[%dma_wait3A_385, %dma_wait3A_386] : memref<51200x24xf32, #tpu.memory_space<hbm>> -> memref<51200x24xf32, #tpu.memory_space<hbm>>
      tpu.wait_indirect_dma semaphore(%arg12 : memref<!tpu.dma_semaphore, #tpu.memory_space<semaphore_mem>>) src(%dma_wait3A_387 : memref<51200x24xf32, #tpu.memory_space<hbm>>) dst(%dma_wait3A_381 : memref<128x24xf32, #tpu.memory_space<vmem>>)
      %run_scoped3A_388 = arith.constant 1 : i32
      %run_scoped3A_389 = arith.constant 13 : i32
      "tpu.region"() ({
        %run_scoped3A_742 = tpu.sem_alloc : memref<!tpu.dma_semaphore, #tpu.memory_space<semaphore_mem>>
        %dma_start3A_743 = arith.constant 0 : i32
        %dma_start3A_744 = arith.constant 0 : i32
        %dma_start3A_745 = tpu.memref_slice %arg9[%run_scoped3A_388, %dma_start3A_743, %dma_start3A_744] : memref<2x128x24xf32, #tpu.memory_space<vmem>> -> memref<1x128x24xf32, #tpu.memory_space<vmem>>
        %dma_start3A_746 = tpu.memref_squeeze %dma_start3A_745 : memref<1x128x24xf32, #tpu.memory_space<vmem>> -> memref<128x24xf32, #tpu.memory_space<vmem>>
        %dma_start3A_747 = arith.constant 0 : i32
        %dma_start3A_748 = tpu.memref_slice %arg8[%run_scoped3A_389, %dma_start3A_747] : memref<28x128xi32, #tpu.memory_space<vmem>> -> memref<1x128xi32, #tpu.memory_space<vmem>>
        %dma_start3A_749 = tpu.memref_squeeze %dma_start3A_748 : memref<1x128xi32, #tpu.memory_space<vmem>> -> memref<128xi32, #tpu.memory_space<vmem>>
        %dma_start3A_750 = arith.constant 0 : i32
        %dma_start3A_751 = arith.constant 0 : i32
        %dma_start3A_752 = tpu.memref_slice %arg10[%dma_start3A_750, %dma_start3A_751] : memref<51200x24xf32, #tpu.memory_space<vmem_shared>> -> memref<51200x24xf32, #tpu.memory_space<vmem_shared>>
        tpu.enqueue_indirect_dma source(%dma_start3A_746 : memref<128x24xf32, #tpu.memory_space<vmem>>) target(%dma_start3A_752 : memref<51200x24xf32, #tpu.memory_space<vmem_shared>>) offsets(%dma_start3A_749 : memref<128xi32, #tpu.memory_space<vmem>>) semaphore(%run_scoped3A_742 : memref<!tpu.dma_semaphore, #tpu.memory_space<semaphore_mem>>) {add = true}
        %dma_wait3A_753 = arith.constant 0 : i32
        %dma_wait3A_754 = arith.constant 0 : i32
        %dma_wait3A_755 = tpu.memref_slice %arg9[%run_scoped3A_388, %dma_wait3A_753, %dma_wait3A_754] : memref<2x128x24xf32, #tpu.memory_space<vmem>> -> memref<1x128x24xf32, #tpu.memory_space<vmem>>
        %dma_wait3A_756 = tpu.memref_squeeze %dma_wait3A_755 : memref<1x128x24xf32, #tpu.memory_space<vmem>> -> memref<128x24xf32, #tpu.memory_space<vmem>>
        %dma_wait3A_757 = arith.constant 0 : i32
        %dma_wait3A_758 = tpu.memref_slice %arg8[%run_scoped3A_389, %dma_wait3A_757] : memref<28x128xi32, #tpu.memory_space<vmem>> -> memref<1x128xi32, #tpu.memory_space<vmem>>
        %dma_wait3A_759 = tpu.memref_squeeze %dma_wait3A_758 : memref<1x128xi32, #tpu.memory_space<vmem>> -> memref<128xi32, #tpu.memory_space<vmem>>
        %dma_wait3A_760 = arith.constant 0 : i32
        %dma_wait3A_761 = arith.constant 0 : i32
        %dma_wait3A_762 = tpu.memref_slice %arg10[%dma_wait3A_760, %dma_wait3A_761] : memref<51200x24xf32, #tpu.memory_space<vmem_shared>> -> memref<51200x24xf32, #tpu.memory_space<vmem_shared>>
        tpu.wait_indirect_dma semaphore(%run_scoped3A_742 : memref<!tpu.dma_semaphore, #tpu.memory_space<semaphore_mem>>) src(%dma_wait3A_756 : memref<128x24xf32, #tpu.memory_space<vmem>>) dst(%dma_wait3A_762 : memref<51200x24xf32, #tpu.memory_space<vmem_shared>>)
        tpu.yield
      }) : () -> ()
      %dma_start3A_390 = arith.constant 15 : i32
      %dma_start3A_391 = arith.constant 1 : i32
      %dma_start3A_392 = arith.constant 0 : i32
      %dma_start3A_393 = arith.constant 0 : i32
      %dma_start3A_394 = tpu.memref_slice %arg9[%dma_start3A_391, %dma_start3A_392, %dma_start3A_393] : memref<2x128x24xf32, #tpu.memory_space<vmem>> -> memref<1x128x24xf32, #tpu.memory_space<vmem>>
      %dma_start3A_395 = tpu.memref_squeeze %dma_start3A_394 : memref<1x128x24xf32, #tpu.memory_space<vmem>> -> memref<128x24xf32, #tpu.memory_space<vmem>>
      %dma_start3A_396 = arith.constant 0 : i32
      %dma_start3A_397 = tpu.memref_slice %arg7[%dma_start3A_390, %dma_start3A_396] : memref<28x128xi32, #tpu.memory_space<vmem>> -> memref<1x128xi32, #tpu.memory_space<vmem>>
      %dma_start3A_398 = tpu.memref_squeeze %dma_start3A_397 : memref<1x128xi32, #tpu.memory_space<vmem>> -> memref<128xi32, #tpu.memory_space<vmem>>
      %dma_start3A_399 = arith.constant 0 : i32
      %dma_start3A_400 = arith.constant 0 : i32
      %dma_start3A_401 = tpu.memref_slice %arg2[%dma_start3A_399, %dma_start3A_400] : memref<51200x24xf32, #tpu.memory_space<hbm>> -> memref<51200x24xf32, #tpu.memory_space<hbm>>
      tpu.enqueue_indirect_dma source(%dma_start3A_401 : memref<51200x24xf32, #tpu.memory_space<hbm>>) target(%dma_start3A_395 : memref<128x24xf32, #tpu.memory_space<vmem>>) offsets(%dma_start3A_398 : memref<128xi32, #tpu.memory_space<vmem>>) semaphore(%arg12 : memref<!tpu.dma_semaphore, #tpu.memory_space<semaphore_mem>>)
      %dma_wait3A_402 = arith.constant 14 : i32
      %dma_wait3A_403 = arith.constant 0 : i32
      %dma_wait3A_404 = arith.constant 0 : i32
      %dma_wait3A_405 = arith.constant 0 : i32
      %dma_wait3A_406 = tpu.memref_slice %arg9[%dma_wait3A_403, %dma_wait3A_404, %dma_wait3A_405] : memref<2x128x24xf32, #tpu.memory_space<vmem>> -> memref<1x128x24xf32, #tpu.memory_space<vmem>>
      %dma_wait3A_407 = tpu.memref_squeeze %dma_wait3A_406 : memref<1x128x24xf32, #tpu.memory_space<vmem>> -> memref<128x24xf32, #tpu.memory_space<vmem>>
      %dma_wait3A_408 = arith.constant 0 : i32
      %dma_wait3A_409 = tpu.memref_slice %arg7[%dma_wait3A_402, %dma_wait3A_408] : memref<28x128xi32, #tpu.memory_space<vmem>> -> memref<1x128xi32, #tpu.memory_space<vmem>>
      %dma_wait3A_410 = tpu.memref_squeeze %dma_wait3A_409 : memref<1x128xi32, #tpu.memory_space<vmem>> -> memref<128xi32, #tpu.memory_space<vmem>>
      %dma_wait3A_411 = arith.constant 0 : i32
      %dma_wait3A_412 = arith.constant 0 : i32
      %dma_wait3A_413 = tpu.memref_slice %arg2[%dma_wait3A_411, %dma_wait3A_412] : memref<51200x24xf32, #tpu.memory_space<hbm>> -> memref<51200x24xf32, #tpu.memory_space<hbm>>
      tpu.wait_indirect_dma semaphore(%arg11 : memref<!tpu.dma_semaphore, #tpu.memory_space<semaphore_mem>>) src(%dma_wait3A_413 : memref<51200x24xf32, #tpu.memory_space<hbm>>) dst(%dma_wait3A_407 : memref<128x24xf32, #tpu.memory_space<vmem>>)
      %run_scoped3A_414 = arith.constant 0 : i32
      %run_scoped3A_415 = arith.constant 14 : i32
      "tpu.region"() ({
        %run_scoped3A_742 = tpu.sem_alloc : memref<!tpu.dma_semaphore, #tpu.memory_space<semaphore_mem>>
        %dma_start3A_743 = arith.constant 0 : i32
        %dma_start3A_744 = arith.constant 0 : i32
        %dma_start3A_745 = tpu.memref_slice %arg9[%run_scoped3A_414, %dma_start3A_743, %dma_start3A_744] : memref<2x128x24xf32, #tpu.memory_space<vmem>> -> memref<1x128x24xf32, #tpu.memory_space<vmem>>
        %dma_start3A_746 = tpu.memref_squeeze %dma_start3A_745 : memref<1x128x24xf32, #tpu.memory_space<vmem>> -> memref<128x24xf32, #tpu.memory_space<vmem>>
        %dma_start3A_747 = arith.constant 0 : i32
        %dma_start3A_748 = tpu.memref_slice %arg8[%run_scoped3A_415, %dma_start3A_747] : memref<28x128xi32, #tpu.memory_space<vmem>> -> memref<1x128xi32, #tpu.memory_space<vmem>>
        %dma_start3A_749 = tpu.memref_squeeze %dma_start3A_748 : memref<1x128xi32, #tpu.memory_space<vmem>> -> memref<128xi32, #tpu.memory_space<vmem>>
        %dma_start3A_750 = arith.constant 0 : i32
        %dma_start3A_751 = arith.constant 0 : i32
        %dma_start3A_752 = tpu.memref_slice %arg10[%dma_start3A_750, %dma_start3A_751] : memref<51200x24xf32, #tpu.memory_space<vmem_shared>> -> memref<51200x24xf32, #tpu.memory_space<vmem_shared>>
        tpu.enqueue_indirect_dma source(%dma_start3A_746 : memref<128x24xf32, #tpu.memory_space<vmem>>) target(%dma_start3A_752 : memref<51200x24xf32, #tpu.memory_space<vmem_shared>>) offsets(%dma_start3A_749 : memref<128xi32, #tpu.memory_space<vmem>>) semaphore(%run_scoped3A_742 : memref<!tpu.dma_semaphore, #tpu.memory_space<semaphore_mem>>) {add = true}
        %dma_wait3A_753 = arith.constant 0 : i32
        %dma_wait3A_754 = arith.constant 0 : i32
        %dma_wait3A_755 = tpu.memref_slice %arg9[%run_scoped3A_414, %dma_wait3A_753, %dma_wait3A_754] : memref<2x128x24xf32, #tpu.memory_space<vmem>> -> memref<1x128x24xf32, #tpu.memory_space<vmem>>
        %dma_wait3A_756 = tpu.memref_squeeze %dma_wait3A_755 : memref<1x128x24xf32, #tpu.memory_space<vmem>> -> memref<128x24xf32, #tpu.memory_space<vmem>>
        %dma_wait3A_757 = arith.constant 0 : i32
        %dma_wait3A_758 = tpu.memref_slice %arg8[%run_scoped3A_415, %dma_wait3A_757] : memref<28x128xi32, #tpu.memory_space<vmem>> -> memref<1x128xi32, #tpu.memory_space<vmem>>
        %dma_wait3A_759 = tpu.memref_squeeze %dma_wait3A_758 : memref<1x128xi32, #tpu.memory_space<vmem>> -> memref<128xi32, #tpu.memory_space<vmem>>
        %dma_wait3A_760 = arith.constant 0 : i32
        %dma_wait3A_761 = arith.constant 0 : i32
        %dma_wait3A_762 = tpu.memref_slice %arg10[%dma_wait3A_760, %dma_wait3A_761] : memref<51200x24xf32, #tpu.memory_space<vmem_shared>> -> memref<51200x24xf32, #tpu.memory_space<vmem_shared>>
        tpu.wait_indirect_dma semaphore(%run_scoped3A_742 : memref<!tpu.dma_semaphore, #tpu.memory_space<semaphore_mem>>) src(%dma_wait3A_756 : memref<128x24xf32, #tpu.memory_space<vmem>>) dst(%dma_wait3A_762 : memref<51200x24xf32, #tpu.memory_space<vmem_shared>>)
        tpu.yield
      }) : () -> ()
      %dma_start3A_416 = arith.constant 16 : i32
      %dma_start3A_417 = arith.constant 0 : i32
      %dma_start3A_418 = arith.constant 0 : i32
      %dma_start3A_419 = arith.constant 0 : i32
      %dma_start3A_420 = tpu.memref_slice %arg9[%dma_start3A_417, %dma_start3A_418, %dma_start3A_419] : memref<2x128x24xf32, #tpu.memory_space<vmem>> -> memref<1x128x24xf32, #tpu.memory_space<vmem>>
      %dma_start3A_421 = tpu.memref_squeeze %dma_start3A_420 : memref<1x128x24xf32, #tpu.memory_space<vmem>> -> memref<128x24xf32, #tpu.memory_space<vmem>>
      %dma_start3A_422 = arith.constant 0 : i32
      %dma_start3A_423 = tpu.memref_slice %arg7[%dma_start3A_416, %dma_start3A_422] : memref<28x128xi32, #tpu.memory_space<vmem>> -> memref<1x128xi32, #tpu.memory_space<vmem>>
      %dma_start3A_424 = tpu.memref_squeeze %dma_start3A_423 : memref<1x128xi32, #tpu.memory_space<vmem>> -> memref<128xi32, #tpu.memory_space<vmem>>
      %dma_start3A_425 = arith.constant 0 : i32
      %dma_start3A_426 = arith.constant 0 : i32
      %dma_start3A_427 = tpu.memref_slice %arg2[%dma_start3A_425, %dma_start3A_426] : memref<51200x24xf32, #tpu.memory_space<hbm>> -> memref<51200x24xf32, #tpu.memory_space<hbm>>
      tpu.enqueue_indirect_dma source(%dma_start3A_427 : memref<51200x24xf32, #tpu.memory_space<hbm>>) target(%dma_start3A_421 : memref<128x24xf32, #tpu.memory_space<vmem>>) offsets(%dma_start3A_424 : memref<128xi32, #tpu.memory_space<vmem>>) semaphore(%arg11 : memref<!tpu.dma_semaphore, #tpu.memory_space<semaphore_mem>>)
      %dma_wait3A_428 = arith.constant 15 : i32
      %dma_wait3A_429 = arith.constant 1 : i32
      %dma_wait3A_430 = arith.constant 0 : i32
      %dma_wait3A_431 = arith.constant 0 : i32
      %dma_wait3A_432 = tpu.memref_slice %arg9[%dma_wait3A_429, %dma_wait3A_430, %dma_wait3A_431] : memref<2x128x24xf32, #tpu.memory_space<vmem>> -> memref<1x128x24xf32, #tpu.memory_space<vmem>>
      %dma_wait3A_433 = tpu.memref_squeeze %dma_wait3A_432 : memref<1x128x24xf32, #tpu.memory_space<vmem>> -> memref<128x24xf32, #tpu.memory_space<vmem>>
      %dma_wait3A_434 = arith.constant 0 : i32
      %dma_wait3A_435 = tpu.memref_slice %arg7[%dma_wait3A_428, %dma_wait3A_434] : memref<28x128xi32, #tpu.memory_space<vmem>> -> memref<1x128xi32, #tpu.memory_space<vmem>>
      %dma_wait3A_436 = tpu.memref_squeeze %dma_wait3A_435 : memref<1x128xi32, #tpu.memory_space<vmem>> -> memref<128xi32, #tpu.memory_space<vmem>>
      %dma_wait3A_437 = arith.constant 0 : i32
      %dma_wait3A_438 = arith.constant 0 : i32
      %dma_wait3A_439 = tpu.memref_slice %arg2[%dma_wait3A_437, %dma_wait3A_438] : memref<51200x24xf32, #tpu.memory_space<hbm>> -> memref<51200x24xf32, #tpu.memory_space<hbm>>
      tpu.wait_indirect_dma semaphore(%arg12 : memref<!tpu.dma_semaphore, #tpu.memory_space<semaphore_mem>>) src(%dma_wait3A_439 : memref<51200x24xf32, #tpu.memory_space<hbm>>) dst(%dma_wait3A_433 : memref<128x24xf32, #tpu.memory_space<vmem>>)
      %run_scoped3A_440 = arith.constant 1 : i32
      %run_scoped3A_441 = arith.constant 15 : i32
      "tpu.region"() ({
        %run_scoped3A_742 = tpu.sem_alloc : memref<!tpu.dma_semaphore, #tpu.memory_space<semaphore_mem>>
        %dma_start3A_743 = arith.constant 0 : i32
        %dma_start3A_744 = arith.constant 0 : i32
        %dma_start3A_745 = tpu.memref_slice %arg9[%run_scoped3A_440, %dma_start3A_743, %dma_start3A_744] : memref<2x128x24xf32, #tpu.memory_space<vmem>> -> memref<1x128x24xf32, #tpu.memory_space<vmem>>
        %dma_start3A_746 = tpu.memref_squeeze %dma_start3A_745 : memref<1x128x24xf32, #tpu.memory_space<vmem>> -> memref<128x24xf32, #tpu.memory_space<vmem>>
        %dma_start3A_747 = arith.constant 0 : i32
        %dma_start3A_748 = tpu.memref_slice %arg8[%run_scoped3A_441, %dma_start3A_747] : memref<28x128xi32, #tpu.memory_space<vmem>> -> memref<1x128xi32, #tpu.memory_space<vmem>>
        %dma_start3A_749 = tpu.memref_squeeze %dma_start3A_748 : memref<1x128xi32, #tpu.memory_space<vmem>> -> memref<128xi32, #tpu.memory_space<vmem>>
        %dma_start3A_750 = arith.constant 0 : i32
        %dma_start3A_751 = arith.constant 0 : i32
        %dma_start3A_752 = tpu.memref_slice %arg10[%dma_start3A_750, %dma_start3A_751] : memref<51200x24xf32, #tpu.memory_space<vmem_shared>> -> memref<51200x24xf32, #tpu.memory_space<vmem_shared>>
        tpu.enqueue_indirect_dma source(%dma_start3A_746 : memref<128x24xf32, #tpu.memory_space<vmem>>) target(%dma_start3A_752 : memref<51200x24xf32, #tpu.memory_space<vmem_shared>>) offsets(%dma_start3A_749 : memref<128xi32, #tpu.memory_space<vmem>>) semaphore(%run_scoped3A_742 : memref<!tpu.dma_semaphore, #tpu.memory_space<semaphore_mem>>) {add = true}
        %dma_wait3A_753 = arith.constant 0 : i32
        %dma_wait3A_754 = arith.constant 0 : i32
        %dma_wait3A_755 = tpu.memref_slice %arg9[%run_scoped3A_440, %dma_wait3A_753, %dma_wait3A_754] : memref<2x128x24xf32, #tpu.memory_space<vmem>> -> memref<1x128x24xf32, #tpu.memory_space<vmem>>
        %dma_wait3A_756 = tpu.memref_squeeze %dma_wait3A_755 : memref<1x128x24xf32, #tpu.memory_space<vmem>> -> memref<128x24xf32, #tpu.memory_space<vmem>>
        %dma_wait3A_757 = arith.constant 0 : i32
        %dma_wait3A_758 = tpu.memref_slice %arg8[%run_scoped3A_441, %dma_wait3A_757] : memref<28x128xi32, #tpu.memory_space<vmem>> -> memref<1x128xi32, #tpu.memory_space<vmem>>
        %dma_wait3A_759 = tpu.memref_squeeze %dma_wait3A_758 : memref<1x128xi32, #tpu.memory_space<vmem>> -> memref<128xi32, #tpu.memory_space<vmem>>
        %dma_wait3A_760 = arith.constant 0 : i32
        %dma_wait3A_761 = arith.constant 0 : i32
        %dma_wait3A_762 = tpu.memref_slice %arg10[%dma_wait3A_760, %dma_wait3A_761] : memref<51200x24xf32, #tpu.memory_space<vmem_shared>> -> memref<51200x24xf32, #tpu.memory_space<vmem_shared>>
        tpu.wait_indirect_dma semaphore(%run_scoped3A_742 : memref<!tpu.dma_semaphore, #tpu.memory_space<semaphore_mem>>) src(%dma_wait3A_756 : memref<128x24xf32, #tpu.memory_space<vmem>>) dst(%dma_wait3A_762 : memref<51200x24xf32, #tpu.memory_space<vmem_shared>>)
        tpu.yield
      }) : () -> ()
      %dma_start3A_442 = arith.constant 17 : i32
      %dma_start3A_443 = arith.constant 1 : i32
      %dma_start3A_444 = arith.constant 0 : i32
      %dma_start3A_445 = arith.constant 0 : i32
      %dma_start3A_446 = tpu.memref_slice %arg9[%dma_start3A_443, %dma_start3A_444, %dma_start3A_445] : memref<2x128x24xf32, #tpu.memory_space<vmem>> -> memref<1x128x24xf32, #tpu.memory_space<vmem>>
      %dma_start3A_447 = tpu.memref_squeeze %dma_start3A_446 : memref<1x128x24xf32, #tpu.memory_space<vmem>> -> memref<128x24xf32, #tpu.memory_space<vmem>>
      %dma_start3A_448 = arith.constant 0 : i32
      %dma_start3A_449 = tpu.memref_slice %arg7[%dma_start3A_442, %dma_start3A_448] : memref<28x128xi32, #tpu.memory_space<vmem>> -> memref<1x128xi32, #tpu.memory_space<vmem>>
      %dma_start3A_450 = tpu.memref_squeeze %dma_start3A_449 : memref<1x128xi32, #tpu.memory_space<vmem>> -> memref<128xi32, #tpu.memory_space<vmem>>
      %dma_start3A_451 = arith.constant 0 : i32
      %dma_start3A_452 = arith.constant 0 : i32
      %dma_start3A_453 = tpu.memref_slice %arg2[%dma_start3A_451, %dma_start3A_452] : memref<51200x24xf32, #tpu.memory_space<hbm>> -> memref<51200x24xf32, #tpu.memory_space<hbm>>
      tpu.enqueue_indirect_dma source(%dma_start3A_453 : memref<51200x24xf32, #tpu.memory_space<hbm>>) target(%dma_start3A_447 : memref<128x24xf32, #tpu.memory_space<vmem>>) offsets(%dma_start3A_450 : memref<128xi32, #tpu.memory_space<vmem>>) semaphore(%arg12 : memref<!tpu.dma_semaphore, #tpu.memory_space<semaphore_mem>>)
      %dma_wait3A_454 = arith.constant 16 : i32
      %dma_wait3A_455 = arith.constant 0 : i32
      %dma_wait3A_456 = arith.constant 0 : i32
      %dma_wait3A_457 = arith.constant 0 : i32
      %dma_wait3A_458 = tpu.memref_slice %arg9[%dma_wait3A_455, %dma_wait3A_456, %dma_wait3A_457] : memref<2x128x24xf32, #tpu.memory_space<vmem>> -> memref<1x128x24xf32, #tpu.memory_space<vmem>>
      %dma_wait3A_459 = tpu.memref_squeeze %dma_wait3A_458 : memref<1x128x24xf32, #tpu.memory_space<vmem>> -> memref<128x24xf32, #tpu.memory_space<vmem>>
      %dma_wait3A_460 = arith.constant 0 : i32
      %dma_wait3A_461 = tpu.memref_slice %arg7[%dma_wait3A_454, %dma_wait3A_460] : memref<28x128xi32, #tpu.memory_space<vmem>> -> memref<1x128xi32, #tpu.memory_space<vmem>>
      %dma_wait3A_462 = tpu.memref_squeeze %dma_wait3A_461 : memref<1x128xi32, #tpu.memory_space<vmem>> -> memref<128xi32, #tpu.memory_space<vmem>>
      %dma_wait3A_463 = arith.constant 0 : i32
      %dma_wait3A_464 = arith.constant 0 : i32
      %dma_wait3A_465 = tpu.memref_slice %arg2[%dma_wait3A_463, %dma_wait3A_464] : memref<51200x24xf32, #tpu.memory_space<hbm>> -> memref<51200x24xf32, #tpu.memory_space<hbm>>
      tpu.wait_indirect_dma semaphore(%arg11 : memref<!tpu.dma_semaphore, #tpu.memory_space<semaphore_mem>>) src(%dma_wait3A_465 : memref<51200x24xf32, #tpu.memory_space<hbm>>) dst(%dma_wait3A_459 : memref<128x24xf32, #tpu.memory_space<vmem>>)
      %run_scoped3A_466 = arith.constant 0 : i32
      %run_scoped3A_467 = arith.constant 16 : i32
      "tpu.region"() ({
        %run_scoped3A_742 = tpu.sem_alloc : memref<!tpu.dma_semaphore, #tpu.memory_space<semaphore_mem>>
        %dma_start3A_743 = arith.constant 0 : i32
        %dma_start3A_744 = arith.constant 0 : i32
        %dma_start3A_745 = tpu.memref_slice %arg9[%run_scoped3A_466, %dma_start3A_743, %dma_start3A_744] : memref<2x128x24xf32, #tpu.memory_space<vmem>> -> memref<1x128x24xf32, #tpu.memory_space<vmem>>
        %dma_start3A_746 = tpu.memref_squeeze %dma_start3A_745 : memref<1x128x24xf32, #tpu.memory_space<vmem>> -> memref<128x24xf32, #tpu.memory_space<vmem>>
        %dma_start3A_747 = arith.constant 0 : i32
        %dma_start3A_748 = tpu.memref_slice %arg8[%run_scoped3A_467, %dma_start3A_747] : memref<28x128xi32, #tpu.memory_space<vmem>> -> memref<1x128xi32, #tpu.memory_space<vmem>>
        %dma_start3A_749 = tpu.memref_squeeze %dma_start3A_748 : memref<1x128xi32, #tpu.memory_space<vmem>> -> memref<128xi32, #tpu.memory_space<vmem>>
        %dma_start3A_750 = arith.constant 0 : i32
        %dma_start3A_751 = arith.constant 0 : i32
        %dma_start3A_752 = tpu.memref_slice %arg10[%dma_start3A_750, %dma_start3A_751] : memref<51200x24xf32, #tpu.memory_space<vmem_shared>> -> memref<51200x24xf32, #tpu.memory_space<vmem_shared>>
        tpu.enqueue_indirect_dma source(%dma_start3A_746 : memref<128x24xf32, #tpu.memory_space<vmem>>) target(%dma_start3A_752 : memref<51200x24xf32, #tpu.memory_space<vmem_shared>>) offsets(%dma_start3A_749 : memref<128xi32, #tpu.memory_space<vmem>>) semaphore(%run_scoped3A_742 : memref<!tpu.dma_semaphore, #tpu.memory_space<semaphore_mem>>) {add = true}
        %dma_wait3A_753 = arith.constant 0 : i32
        %dma_wait3A_754 = arith.constant 0 : i32
        %dma_wait3A_755 = tpu.memref_slice %arg9[%run_scoped3A_466, %dma_wait3A_753, %dma_wait3A_754] : memref<2x128x24xf32, #tpu.memory_space<vmem>> -> memref<1x128x24xf32, #tpu.memory_space<vmem>>
        %dma_wait3A_756 = tpu.memref_squeeze %dma_wait3A_755 : memref<1x128x24xf32, #tpu.memory_space<vmem>> -> memref<128x24xf32, #tpu.memory_space<vmem>>
        %dma_wait3A_757 = arith.constant 0 : i32
        %dma_wait3A_758 = tpu.memref_slice %arg8[%run_scoped3A_467, %dma_wait3A_757] : memref<28x128xi32, #tpu.memory_space<vmem>> -> memref<1x128xi32, #tpu.memory_space<vmem>>
        %dma_wait3A_759 = tpu.memref_squeeze %dma_wait3A_758 : memref<1x128xi32, #tpu.memory_space<vmem>> -> memref<128xi32, #tpu.memory_space<vmem>>
        %dma_wait3A_760 = arith.constant 0 : i32
        %dma_wait3A_761 = arith.constant 0 : i32
        %dma_wait3A_762 = tpu.memref_slice %arg10[%dma_wait3A_760, %dma_wait3A_761] : memref<51200x24xf32, #tpu.memory_space<vmem_shared>> -> memref<51200x24xf32, #tpu.memory_space<vmem_shared>>
        tpu.wait_indirect_dma semaphore(%run_scoped3A_742 : memref<!tpu.dma_semaphore, #tpu.memory_space<semaphore_mem>>) src(%dma_wait3A_756 : memref<128x24xf32, #tpu.memory_space<vmem>>) dst(%dma_wait3A_762 : memref<51200x24xf32, #tpu.memory_space<vmem_shared>>)
        tpu.yield
      }) : () -> ()
      %dma_start3A_468 = arith.constant 18 : i32
      %dma_start3A_469 = arith.constant 0 : i32
      %dma_start3A_470 = arith.constant 0 : i32
      %dma_start3A_471 = arith.constant 0 : i32
      %dma_start3A_472 = tpu.memref_slice %arg9[%dma_start3A_469, %dma_start3A_470, %dma_start3A_471] : memref<2x128x24xf32, #tpu.memory_space<vmem>> -> memref<1x128x24xf32, #tpu.memory_space<vmem>>
      %dma_start3A_473 = tpu.memref_squeeze %dma_start3A_472 : memref<1x128x24xf32, #tpu.memory_space<vmem>> -> memref<128x24xf32, #tpu.memory_space<vmem>>
      %dma_start3A_474 = arith.constant 0 : i32
      %dma_start3A_475 = tpu.memref_slice %arg7[%dma_start3A_468, %dma_start3A_474] : memref<28x128xi32, #tpu.memory_space<vmem>> -> memref<1x128xi32, #tpu.memory_space<vmem>>
      %dma_start3A_476 = tpu.memref_squeeze %dma_start3A_475 : memref<1x128xi32, #tpu.memory_space<vmem>> -> memref<128xi32, #tpu.memory_space<vmem>>
      %dma_start3A_477 = arith.constant 0 : i32
      %dma_start3A_478 = arith.constant 0 : i32
      %dma_start3A_479 = tpu.memref_slice %arg2[%dma_start3A_477, %dma_start3A_478] : memref<51200x24xf32, #tpu.memory_space<hbm>> -> memref<51200x24xf32, #tpu.memory_space<hbm>>
      tpu.enqueue_indirect_dma source(%dma_start3A_479 : memref<51200x24xf32, #tpu.memory_space<hbm>>) target(%dma_start3A_473 : memref<128x24xf32, #tpu.memory_space<vmem>>) offsets(%dma_start3A_476 : memref<128xi32, #tpu.memory_space<vmem>>) semaphore(%arg11 : memref<!tpu.dma_semaphore, #tpu.memory_space<semaphore_mem>>)
      %dma_wait3A_480 = arith.constant 17 : i32
      %dma_wait3A_481 = arith.constant 1 : i32
      %dma_wait3A_482 = arith.constant 0 : i32
      %dma_wait3A_483 = arith.constant 0 : i32
      %dma_wait3A_484 = tpu.memref_slice %arg9[%dma_wait3A_481, %dma_wait3A_482, %dma_wait3A_483] : memref<2x128x24xf32, #tpu.memory_space<vmem>> -> memref<1x128x24xf32, #tpu.memory_space<vmem>>
      %dma_wait3A_485 = tpu.memref_squeeze %dma_wait3A_484 : memref<1x128x24xf32, #tpu.memory_space<vmem>> -> memref<128x24xf32, #tpu.memory_space<vmem>>
      %dma_wait3A_486 = arith.constant 0 : i32
      %dma_wait3A_487 = tpu.memref_slice %arg7[%dma_wait3A_480, %dma_wait3A_486] : memref<28x128xi32, #tpu.memory_space<vmem>> -> memref<1x128xi32, #tpu.memory_space<vmem>>
      %dma_wait3A_488 = tpu.memref_squeeze %dma_wait3A_487 : memref<1x128xi32, #tpu.memory_space<vmem>> -> memref<128xi32, #tpu.memory_space<vmem>>
      %dma_wait3A_489 = arith.constant 0 : i32
      %dma_wait3A_490 = arith.constant 0 : i32
      %dma_wait3A_491 = tpu.memref_slice %arg2[%dma_wait3A_489, %dma_wait3A_490] : memref<51200x24xf32, #tpu.memory_space<hbm>> -> memref<51200x24xf32, #tpu.memory_space<hbm>>
      tpu.wait_indirect_dma semaphore(%arg12 : memref<!tpu.dma_semaphore, #tpu.memory_space<semaphore_mem>>) src(%dma_wait3A_491 : memref<51200x24xf32, #tpu.memory_space<hbm>>) dst(%dma_wait3A_485 : memref<128x24xf32, #tpu.memory_space<vmem>>)
      %run_scoped3A_492 = arith.constant 1 : i32
      %run_scoped3A_493 = arith.constant 17 : i32
      "tpu.region"() ({
        %run_scoped3A_742 = tpu.sem_alloc : memref<!tpu.dma_semaphore, #tpu.memory_space<semaphore_mem>>
        %dma_start3A_743 = arith.constant 0 : i32
        %dma_start3A_744 = arith.constant 0 : i32
        %dma_start3A_745 = tpu.memref_slice %arg9[%run_scoped3A_492, %dma_start3A_743, %dma_start3A_744] : memref<2x128x24xf32, #tpu.memory_space<vmem>> -> memref<1x128x24xf32, #tpu.memory_space<vmem>>
        %dma_start3A_746 = tpu.memref_squeeze %dma_start3A_745 : memref<1x128x24xf32, #tpu.memory_space<vmem>> -> memref<128x24xf32, #tpu.memory_space<vmem>>
        %dma_start3A_747 = arith.constant 0 : i32
        %dma_start3A_748 = tpu.memref_slice %arg8[%run_scoped3A_493, %dma_start3A_747] : memref<28x128xi32, #tpu.memory_space<vmem>> -> memref<1x128xi32, #tpu.memory_space<vmem>>
        %dma_start3A_749 = tpu.memref_squeeze %dma_start3A_748 : memref<1x128xi32, #tpu.memory_space<vmem>> -> memref<128xi32, #tpu.memory_space<vmem>>
        %dma_start3A_750 = arith.constant 0 : i32
        %dma_start3A_751 = arith.constant 0 : i32
        %dma_start3A_752 = tpu.memref_slice %arg10[%dma_start3A_750, %dma_start3A_751] : memref<51200x24xf32, #tpu.memory_space<vmem_shared>> -> memref<51200x24xf32, #tpu.memory_space<vmem_shared>>
        tpu.enqueue_indirect_dma source(%dma_start3A_746 : memref<128x24xf32, #tpu.memory_space<vmem>>) target(%dma_start3A_752 : memref<51200x24xf32, #tpu.memory_space<vmem_shared>>) offsets(%dma_start3A_749 : memref<128xi32, #tpu.memory_space<vmem>>) semaphore(%run_scoped3A_742 : memref<!tpu.dma_semaphore, #tpu.memory_space<semaphore_mem>>) {add = true}
        %dma_wait3A_753 = arith.constant 0 : i32
        %dma_wait3A_754 = arith.constant 0 : i32
        %dma_wait3A_755 = tpu.memref_slice %arg9[%run_scoped3A_492, %dma_wait3A_753, %dma_wait3A_754] : memref<2x128x24xf32, #tpu.memory_space<vmem>> -> memref<1x128x24xf32, #tpu.memory_space<vmem>>
        %dma_wait3A_756 = tpu.memref_squeeze %dma_wait3A_755 : memref<1x128x24xf32, #tpu.memory_space<vmem>> -> memref<128x24xf32, #tpu.memory_space<vmem>>
        %dma_wait3A_757 = arith.constant 0 : i32
        %dma_wait3A_758 = tpu.memref_slice %arg8[%run_scoped3A_493, %dma_wait3A_757] : memref<28x128xi32, #tpu.memory_space<vmem>> -> memref<1x128xi32, #tpu.memory_space<vmem>>
        %dma_wait3A_759 = tpu.memref_squeeze %dma_wait3A_758 : memref<1x128xi32, #tpu.memory_space<vmem>> -> memref<128xi32, #tpu.memory_space<vmem>>
        %dma_wait3A_760 = arith.constant 0 : i32
        %dma_wait3A_761 = arith.constant 0 : i32
        %dma_wait3A_762 = tpu.memref_slice %arg10[%dma_wait3A_760, %dma_wait3A_761] : memref<51200x24xf32, #tpu.memory_space<vmem_shared>> -> memref<51200x24xf32, #tpu.memory_space<vmem_shared>>
        tpu.wait_indirect_dma semaphore(%run_scoped3A_742 : memref<!tpu.dma_semaphore, #tpu.memory_space<semaphore_mem>>) src(%dma_wait3A_756 : memref<128x24xf32, #tpu.memory_space<vmem>>) dst(%dma_wait3A_762 : memref<51200x24xf32, #tpu.memory_space<vmem_shared>>)
        tpu.yield
      }) : () -> ()
      %dma_start3A_494 = arith.constant 19 : i32
      %dma_start3A_495 = arith.constant 1 : i32
      %dma_start3A_496 = arith.constant 0 : i32
      %dma_start3A_497 = arith.constant 0 : i32
      %dma_start3A_498 = tpu.memref_slice %arg9[%dma_start3A_495, %dma_start3A_496, %dma_start3A_497] : memref<2x128x24xf32, #tpu.memory_space<vmem>> -> memref<1x128x24xf32, #tpu.memory_space<vmem>>
      %dma_start3A_499 = tpu.memref_squeeze %dma_start3A_498 : memref<1x128x24xf32, #tpu.memory_space<vmem>> -> memref<128x24xf32, #tpu.memory_space<vmem>>
      %dma_start3A_500 = arith.constant 0 : i32
      %dma_start3A_501 = tpu.memref_slice %arg7[%dma_start3A_494, %dma_start3A_500] : memref<28x128xi32, #tpu.memory_space<vmem>> -> memref<1x128xi32, #tpu.memory_space<vmem>>
      %dma_start3A_502 = tpu.memref_squeeze %dma_start3A_501 : memref<1x128xi32, #tpu.memory_space<vmem>> -> memref<128xi32, #tpu.memory_space<vmem>>
      %dma_start3A_503 = arith.constant 0 : i32
      %dma_start3A_504 = arith.constant 0 : i32
      %dma_start3A_505 = tpu.memref_slice %arg2[%dma_start3A_503, %dma_start3A_504] : memref<51200x24xf32, #tpu.memory_space<hbm>> -> memref<51200x24xf32, #tpu.memory_space<hbm>>
      tpu.enqueue_indirect_dma source(%dma_start3A_505 : memref<51200x24xf32, #tpu.memory_space<hbm>>) target(%dma_start3A_499 : memref<128x24xf32, #tpu.memory_space<vmem>>) offsets(%dma_start3A_502 : memref<128xi32, #tpu.memory_space<vmem>>) semaphore(%arg12 : memref<!tpu.dma_semaphore, #tpu.memory_space<semaphore_mem>>)
      %dma_wait3A_506 = arith.constant 18 : i32
      %dma_wait3A_507 = arith.constant 0 : i32
      %dma_wait3A_508 = arith.constant 0 : i32
      %dma_wait3A_509 = arith.constant 0 : i32
      %dma_wait3A_510 = tpu.memref_slice %arg9[%dma_wait3A_507, %dma_wait3A_508, %dma_wait3A_509] : memref<2x128x24xf32, #tpu.memory_space<vmem>> -> memref<1x128x24xf32, #tpu.memory_space<vmem>>
      %dma_wait3A_511 = tpu.memref_squeeze %dma_wait3A_510 : memref<1x128x24xf32, #tpu.memory_space<vmem>> -> memref<128x24xf32, #tpu.memory_space<vmem>>
      %dma_wait3A_512 = arith.constant 0 : i32
      %dma_wait3A_513 = tpu.memref_slice %arg7[%dma_wait3A_506, %dma_wait3A_512] : memref<28x128xi32, #tpu.memory_space<vmem>> -> memref<1x128xi32, #tpu.memory_space<vmem>>
      %dma_wait3A_514 = tpu.memref_squeeze %dma_wait3A_513 : memref<1x128xi32, #tpu.memory_space<vmem>> -> memref<128xi32, #tpu.memory_space<vmem>>
      %dma_wait3A_515 = arith.constant 0 : i32
      %dma_wait3A_516 = arith.constant 0 : i32
      %dma_wait3A_517 = tpu.memref_slice %arg2[%dma_wait3A_515, %dma_wait3A_516] : memref<51200x24xf32, #tpu.memory_space<hbm>> -> memref<51200x24xf32, #tpu.memory_space<hbm>>
      tpu.wait_indirect_dma semaphore(%arg11 : memref<!tpu.dma_semaphore, #tpu.memory_space<semaphore_mem>>) src(%dma_wait3A_517 : memref<51200x24xf32, #tpu.memory_space<hbm>>) dst(%dma_wait3A_511 : memref<128x24xf32, #tpu.memory_space<vmem>>)
      %run_scoped3A_518 = arith.constant 0 : i32
      %run_scoped3A_519 = arith.constant 18 : i32
      "tpu.region"() ({
        %run_scoped3A_742 = tpu.sem_alloc : memref<!tpu.dma_semaphore, #tpu.memory_space<semaphore_mem>>
        %dma_start3A_743 = arith.constant 0 : i32
        %dma_start3A_744 = arith.constant 0 : i32
        %dma_start3A_745 = tpu.memref_slice %arg9[%run_scoped3A_518, %dma_start3A_743, %dma_start3A_744] : memref<2x128x24xf32, #tpu.memory_space<vmem>> -> memref<1x128x24xf32, #tpu.memory_space<vmem>>
        %dma_start3A_746 = tpu.memref_squeeze %dma_start3A_745 : memref<1x128x24xf32, #tpu.memory_space<vmem>> -> memref<128x24xf32, #tpu.memory_space<vmem>>
        %dma_start3A_747 = arith.constant 0 : i32
        %dma_start3A_748 = tpu.memref_slice %arg8[%run_scoped3A_519, %dma_start3A_747] : memref<28x128xi32, #tpu.memory_space<vmem>> -> memref<1x128xi32, #tpu.memory_space<vmem>>
        %dma_start3A_749 = tpu.memref_squeeze %dma_start3A_748 : memref<1x128xi32, #tpu.memory_space<vmem>> -> memref<128xi32, #tpu.memory_space<vmem>>
        %dma_start3A_750 = arith.constant 0 : i32
        %dma_start3A_751 = arith.constant 0 : i32
        %dma_start3A_752 = tpu.memref_slice %arg10[%dma_start3A_750, %dma_start3A_751] : memref<51200x24xf32, #tpu.memory_space<vmem_shared>> -> memref<51200x24xf32, #tpu.memory_space<vmem_shared>>
        tpu.enqueue_indirect_dma source(%dma_start3A_746 : memref<128x24xf32, #tpu.memory_space<vmem>>) target(%dma_start3A_752 : memref<51200x24xf32, #tpu.memory_space<vmem_shared>>) offsets(%dma_start3A_749 : memref<128xi32, #tpu.memory_space<vmem>>) semaphore(%run_scoped3A_742 : memref<!tpu.dma_semaphore, #tpu.memory_space<semaphore_mem>>) {add = true}
        %dma_wait3A_753 = arith.constant 0 : i32
        %dma_wait3A_754 = arith.constant 0 : i32
        %dma_wait3A_755 = tpu.memref_slice %arg9[%run_scoped3A_518, %dma_wait3A_753, %dma_wait3A_754] : memref<2x128x24xf32, #tpu.memory_space<vmem>> -> memref<1x128x24xf32, #tpu.memory_space<vmem>>
        %dma_wait3A_756 = tpu.memref_squeeze %dma_wait3A_755 : memref<1x128x24xf32, #tpu.memory_space<vmem>> -> memref<128x24xf32, #tpu.memory_space<vmem>>
        %dma_wait3A_757 = arith.constant 0 : i32
        %dma_wait3A_758 = tpu.memref_slice %arg8[%run_scoped3A_519, %dma_wait3A_757] : memref<28x128xi32, #tpu.memory_space<vmem>> -> memref<1x128xi32, #tpu.memory_space<vmem>>
        %dma_wait3A_759 = tpu.memref_squeeze %dma_wait3A_758 : memref<1x128xi32, #tpu.memory_space<vmem>> -> memref<128xi32, #tpu.memory_space<vmem>>
        %dma_wait3A_760 = arith.constant 0 : i32
        %dma_wait3A_761 = arith.constant 0 : i32
        %dma_wait3A_762 = tpu.memref_slice %arg10[%dma_wait3A_760, %dma_wait3A_761] : memref<51200x24xf32, #tpu.memory_space<vmem_shared>> -> memref<51200x24xf32, #tpu.memory_space<vmem_shared>>
        tpu.wait_indirect_dma semaphore(%run_scoped3A_742 : memref<!tpu.dma_semaphore, #tpu.memory_space<semaphore_mem>>) src(%dma_wait3A_756 : memref<128x24xf32, #tpu.memory_space<vmem>>) dst(%dma_wait3A_762 : memref<51200x24xf32, #tpu.memory_space<vmem_shared>>)
        tpu.yield
      }) : () -> ()
      %dma_start3A_520 = arith.constant 20 : i32
      %dma_start3A_521 = arith.constant 0 : i32
      %dma_start3A_522 = arith.constant 0 : i32
      %dma_start3A_523 = arith.constant 0 : i32
      %dma_start3A_524 = tpu.memref_slice %arg9[%dma_start3A_521, %dma_start3A_522, %dma_start3A_523] : memref<2x128x24xf32, #tpu.memory_space<vmem>> -> memref<1x128x24xf32, #tpu.memory_space<vmem>>
      %dma_start3A_525 = tpu.memref_squeeze %dma_start3A_524 : memref<1x128x24xf32, #tpu.memory_space<vmem>> -> memref<128x24xf32, #tpu.memory_space<vmem>>
      %dma_start3A_526 = arith.constant 0 : i32
      %dma_start3A_527 = tpu.memref_slice %arg7[%dma_start3A_520, %dma_start3A_526] : memref<28x128xi32, #tpu.memory_space<vmem>> -> memref<1x128xi32, #tpu.memory_space<vmem>>
      %dma_start3A_528 = tpu.memref_squeeze %dma_start3A_527 : memref<1x128xi32, #tpu.memory_space<vmem>> -> memref<128xi32, #tpu.memory_space<vmem>>
      %dma_start3A_529 = arith.constant 0 : i32
      %dma_start3A_530 = arith.constant 0 : i32
      %dma_start3A_531 = tpu.memref_slice %arg2[%dma_start3A_529, %dma_start3A_530] : memref<51200x24xf32, #tpu.memory_space<hbm>> -> memref<51200x24xf32, #tpu.memory_space<hbm>>
      tpu.enqueue_indirect_dma source(%dma_start3A_531 : memref<51200x24xf32, #tpu.memory_space<hbm>>) target(%dma_start3A_525 : memref<128x24xf32, #tpu.memory_space<vmem>>) offsets(%dma_start3A_528 : memref<128xi32, #tpu.memory_space<vmem>>) semaphore(%arg11 : memref<!tpu.dma_semaphore, #tpu.memory_space<semaphore_mem>>)
      %dma_wait3A_532 = arith.constant 19 : i32
      %dma_wait3A_533 = arith.constant 1 : i32
      %dma_wait3A_534 = arith.constant 0 : i32
      %dma_wait3A_535 = arith.constant 0 : i32
      %dma_wait3A_536 = tpu.memref_slice %arg9[%dma_wait3A_533, %dma_wait3A_534, %dma_wait3A_535] : memref<2x128x24xf32, #tpu.memory_space<vmem>> -> memref<1x128x24xf32, #tpu.memory_space<vmem>>
      %dma_wait3A_537 = tpu.memref_squeeze %dma_wait3A_536 : memref<1x128x24xf32, #tpu.memory_space<vmem>> -> memref<128x24xf32, #tpu.memory_space<vmem>>
      %dma_wait3A_538 = arith.constant 0 : i32
      %dma_wait3A_539 = tpu.memref_slice %arg7[%dma_wait3A_532, %dma_wait3A_538] : memref<28x128xi32, #tpu.memory_space<vmem>> -> memref<1x128xi32, #tpu.memory_space<vmem>>
      %dma_wait3A_540 = tpu.memref_squeeze %dma_wait3A_539 : memref<1x128xi32, #tpu.memory_space<vmem>> -> memref<128xi32, #tpu.memory_space<vmem>>
      %dma_wait3A_541 = arith.constant 0 : i32
      %dma_wait3A_542 = arith.constant 0 : i32
      %dma_wait3A_543 = tpu.memref_slice %arg2[%dma_wait3A_541, %dma_wait3A_542] : memref<51200x24xf32, #tpu.memory_space<hbm>> -> memref<51200x24xf32, #tpu.memory_space<hbm>>
      tpu.wait_indirect_dma semaphore(%arg12 : memref<!tpu.dma_semaphore, #tpu.memory_space<semaphore_mem>>) src(%dma_wait3A_543 : memref<51200x24xf32, #tpu.memory_space<hbm>>) dst(%dma_wait3A_537 : memref<128x24xf32, #tpu.memory_space<vmem>>)
      %run_scoped3A_544 = arith.constant 1 : i32
      %run_scoped3A_545 = arith.constant 19 : i32
      "tpu.region"() ({
        %run_scoped3A_742 = tpu.sem_alloc : memref<!tpu.dma_semaphore, #tpu.memory_space<semaphore_mem>>
        %dma_start3A_743 = arith.constant 0 : i32
        %dma_start3A_744 = arith.constant 0 : i32
        %dma_start3A_745 = tpu.memref_slice %arg9[%run_scoped3A_544, %dma_start3A_743, %dma_start3A_744] : memref<2x128x24xf32, #tpu.memory_space<vmem>> -> memref<1x128x24xf32, #tpu.memory_space<vmem>>
        %dma_start3A_746 = tpu.memref_squeeze %dma_start3A_745 : memref<1x128x24xf32, #tpu.memory_space<vmem>> -> memref<128x24xf32, #tpu.memory_space<vmem>>
        %dma_start3A_747 = arith.constant 0 : i32
        %dma_start3A_748 = tpu.memref_slice %arg8[%run_scoped3A_545, %dma_start3A_747] : memref<28x128xi32, #tpu.memory_space<vmem>> -> memref<1x128xi32, #tpu.memory_space<vmem>>
        %dma_start3A_749 = tpu.memref_squeeze %dma_start3A_748 : memref<1x128xi32, #tpu.memory_space<vmem>> -> memref<128xi32, #tpu.memory_space<vmem>>
        %dma_start3A_750 = arith.constant 0 : i32
        %dma_start3A_751 = arith.constant 0 : i32
        %dma_start3A_752 = tpu.memref_slice %arg10[%dma_start3A_750, %dma_start3A_751] : memref<51200x24xf32, #tpu.memory_space<vmem_shared>> -> memref<51200x24xf32, #tpu.memory_space<vmem_shared>>
        tpu.enqueue_indirect_dma source(%dma_start3A_746 : memref<128x24xf32, #tpu.memory_space<vmem>>) target(%dma_start3A_752 : memref<51200x24xf32, #tpu.memory_space<vmem_shared>>) offsets(%dma_start3A_749 : memref<128xi32, #tpu.memory_space<vmem>>) semaphore(%run_scoped3A_742 : memref<!tpu.dma_semaphore, #tpu.memory_space<semaphore_mem>>) {add = true}
        %dma_wait3A_753 = arith.constant 0 : i32
        %dma_wait3A_754 = arith.constant 0 : i32
        %dma_wait3A_755 = tpu.memref_slice %arg9[%run_scoped3A_544, %dma_wait3A_753, %dma_wait3A_754] : memref<2x128x24xf32, #tpu.memory_space<vmem>> -> memref<1x128x24xf32, #tpu.memory_space<vmem>>
        %dma_wait3A_756 = tpu.memref_squeeze %dma_wait3A_755 : memref<1x128x24xf32, #tpu.memory_space<vmem>> -> memref<128x24xf32, #tpu.memory_space<vmem>>
        %dma_wait3A_757 = arith.constant 0 : i32
        %dma_wait3A_758 = tpu.memref_slice %arg8[%run_scoped3A_545, %dma_wait3A_757] : memref<28x128xi32, #tpu.memory_space<vmem>> -> memref<1x128xi32, #tpu.memory_space<vmem>>
        %dma_wait3A_759 = tpu.memref_squeeze %dma_wait3A_758 : memref<1x128xi32, #tpu.memory_space<vmem>> -> memref<128xi32, #tpu.memory_space<vmem>>
        %dma_wait3A_760 = arith.constant 0 : i32
        %dma_wait3A_761 = arith.constant 0 : i32
        %dma_wait3A_762 = tpu.memref_slice %arg10[%dma_wait3A_760, %dma_wait3A_761] : memref<51200x24xf32, #tpu.memory_space<vmem_shared>> -> memref<51200x24xf32, #tpu.memory_space<vmem_shared>>
        tpu.wait_indirect_dma semaphore(%run_scoped3A_742 : memref<!tpu.dma_semaphore, #tpu.memory_space<semaphore_mem>>) src(%dma_wait3A_756 : memref<128x24xf32, #tpu.memory_space<vmem>>) dst(%dma_wait3A_762 : memref<51200x24xf32, #tpu.memory_space<vmem_shared>>)
        tpu.yield
      }) : () -> ()
      %dma_start3A_546 = arith.constant 21 : i32
      %dma_start3A_547 = arith.constant 1 : i32
      %dma_start3A_548 = arith.constant 0 : i32
      %dma_start3A_549 = arith.constant 0 : i32
      %dma_start3A_550 = tpu.memref_slice %arg9[%dma_start3A_547, %dma_start3A_548, %dma_start3A_549] : memref<2x128x24xf32, #tpu.memory_space<vmem>> -> memref<1x128x24xf32, #tpu.memory_space<vmem>>
      %dma_start3A_551 = tpu.memref_squeeze %dma_start3A_550 : memref<1x128x24xf32, #tpu.memory_space<vmem>> -> memref<128x24xf32, #tpu.memory_space<vmem>>
      %dma_start3A_552 = arith.constant 0 : i32
      %dma_start3A_553 = tpu.memref_slice %arg7[%dma_start3A_546, %dma_start3A_552] : memref<28x128xi32, #tpu.memory_space<vmem>> -> memref<1x128xi32, #tpu.memory_space<vmem>>
      %dma_start3A_554 = tpu.memref_squeeze %dma_start3A_553 : memref<1x128xi32, #tpu.memory_space<vmem>> -> memref<128xi32, #tpu.memory_space<vmem>>
      %dma_start3A_555 = arith.constant 0 : i32
      %dma_start3A_556 = arith.constant 0 : i32
      %dma_start3A_557 = tpu.memref_slice %arg2[%dma_start3A_555, %dma_start3A_556] : memref<51200x24xf32, #tpu.memory_space<hbm>> -> memref<51200x24xf32, #tpu.memory_space<hbm>>
      tpu.enqueue_indirect_dma source(%dma_start3A_557 : memref<51200x24xf32, #tpu.memory_space<hbm>>) target(%dma_start3A_551 : memref<128x24xf32, #tpu.memory_space<vmem>>) offsets(%dma_start3A_554 : memref<128xi32, #tpu.memory_space<vmem>>) semaphore(%arg12 : memref<!tpu.dma_semaphore, #tpu.memory_space<semaphore_mem>>)
      %dma_wait3A_558 = arith.constant 20 : i32
      %dma_wait3A_559 = arith.constant 0 : i32
      %dma_wait3A_560 = arith.constant 0 : i32
      %dma_wait3A_561 = arith.constant 0 : i32
      %dma_wait3A_562 = tpu.memref_slice %arg9[%dma_wait3A_559, %dma_wait3A_560, %dma_wait3A_561] : memref<2x128x24xf32, #tpu.memory_space<vmem>> -> memref<1x128x24xf32, #tpu.memory_space<vmem>>
      %dma_wait3A_563 = tpu.memref_squeeze %dma_wait3A_562 : memref<1x128x24xf32, #tpu.memory_space<vmem>> -> memref<128x24xf32, #tpu.memory_space<vmem>>
      %dma_wait3A_564 = arith.constant 0 : i32
      %dma_wait3A_565 = tpu.memref_slice %arg7[%dma_wait3A_558, %dma_wait3A_564] : memref<28x128xi32, #tpu.memory_space<vmem>> -> memref<1x128xi32, #tpu.memory_space<vmem>>
      %dma_wait3A_566 = tpu.memref_squeeze %dma_wait3A_565 : memref<1x128xi32, #tpu.memory_space<vmem>> -> memref<128xi32, #tpu.memory_space<vmem>>
      %dma_wait3A_567 = arith.constant 0 : i32
      %dma_wait3A_568 = arith.constant 0 : i32
      %dma_wait3A_569 = tpu.memref_slice %arg2[%dma_wait3A_567, %dma_wait3A_568] : memref<51200x24xf32, #tpu.memory_space<hbm>> -> memref<51200x24xf32, #tpu.memory_space<hbm>>
      tpu.wait_indirect_dma semaphore(%arg11 : memref<!tpu.dma_semaphore, #tpu.memory_space<semaphore_mem>>) src(%dma_wait3A_569 : memref<51200x24xf32, #tpu.memory_space<hbm>>) dst(%dma_wait3A_563 : memref<128x24xf32, #tpu.memory_space<vmem>>)
      %run_scoped3A_570 = arith.constant 0 : i32
      %run_scoped3A_571 = arith.constant 20 : i32
      "tpu.region"() ({
        %run_scoped3A_742 = tpu.sem_alloc : memref<!tpu.dma_semaphore, #tpu.memory_space<semaphore_mem>>
        %dma_start3A_743 = arith.constant 0 : i32
        %dma_start3A_744 = arith.constant 0 : i32
        %dma_start3A_745 = tpu.memref_slice %arg9[%run_scoped3A_570, %dma_start3A_743, %dma_start3A_744] : memref<2x128x24xf32, #tpu.memory_space<vmem>> -> memref<1x128x24xf32, #tpu.memory_space<vmem>>
        %dma_start3A_746 = tpu.memref_squeeze %dma_start3A_745 : memref<1x128x24xf32, #tpu.memory_space<vmem>> -> memref<128x24xf32, #tpu.memory_space<vmem>>
        %dma_start3A_747 = arith.constant 0 : i32
        %dma_start3A_748 = tpu.memref_slice %arg8[%run_scoped3A_571, %dma_start3A_747] : memref<28x128xi32, #tpu.memory_space<vmem>> -> memref<1x128xi32, #tpu.memory_space<vmem>>
        %dma_start3A_749 = tpu.memref_squeeze %dma_start3A_748 : memref<1x128xi32, #tpu.memory_space<vmem>> -> memref<128xi32, #tpu.memory_space<vmem>>
        %dma_start3A_750 = arith.constant 0 : i32
        %dma_start3A_751 = arith.constant 0 : i32
        %dma_start3A_752 = tpu.memref_slice %arg10[%dma_start3A_750, %dma_start3A_751] : memref<51200x24xf32, #tpu.memory_space<vmem_shared>> -> memref<51200x24xf32, #tpu.memory_space<vmem_shared>>
        tpu.enqueue_indirect_dma source(%dma_start3A_746 : memref<128x24xf32, #tpu.memory_space<vmem>>) target(%dma_start3A_752 : memref<51200x24xf32, #tpu.memory_space<vmem_shared>>) offsets(%dma_start3A_749 : memref<128xi32, #tpu.memory_space<vmem>>) semaphore(%run_scoped3A_742 : memref<!tpu.dma_semaphore, #tpu.memory_space<semaphore_mem>>) {add = true}
        %dma_wait3A_753 = arith.constant 0 : i32
        %dma_wait3A_754 = arith.constant 0 : i32
        %dma_wait3A_755 = tpu.memref_slice %arg9[%run_scoped3A_570, %dma_wait3A_753, %dma_wait3A_754] : memref<2x128x24xf32, #tpu.memory_space<vmem>> -> memref<1x128x24xf32, #tpu.memory_space<vmem>>
        %dma_wait3A_756 = tpu.memref_squeeze %dma_wait3A_755 : memref<1x128x24xf32, #tpu.memory_space<vmem>> -> memref<128x24xf32, #tpu.memory_space<vmem>>
        %dma_wait3A_757 = arith.constant 0 : i32
        %dma_wait3A_758 = tpu.memref_slice %arg8[%run_scoped3A_571, %dma_wait3A_757] : memref<28x128xi32, #tpu.memory_space<vmem>> -> memref<1x128xi32, #tpu.memory_space<vmem>>
        %dma_wait3A_759 = tpu.memref_squeeze %dma_wait3A_758 : memref<1x128xi32, #tpu.memory_space<vmem>> -> memref<128xi32, #tpu.memory_space<vmem>>
        %dma_wait3A_760 = arith.constant 0 : i32
        %dma_wait3A_761 = arith.constant 0 : i32
        %dma_wait3A_762 = tpu.memref_slice %arg10[%dma_wait3A_760, %dma_wait3A_761] : memref<51200x24xf32, #tpu.memory_space<vmem_shared>> -> memref<51200x24xf32, #tpu.memory_space<vmem_shared>>
        tpu.wait_indirect_dma semaphore(%run_scoped3A_742 : memref<!tpu.dma_semaphore, #tpu.memory_space<semaphore_mem>>) src(%dma_wait3A_756 : memref<128x24xf32, #tpu.memory_space<vmem>>) dst(%dma_wait3A_762 : memref<51200x24xf32, #tpu.memory_space<vmem_shared>>)
        tpu.yield
      }) : () -> ()
      %dma_start3A_572 = arith.constant 22 : i32
      %dma_start3A_573 = arith.constant 0 : i32
      %dma_start3A_574 = arith.constant 0 : i32
      %dma_start3A_575 = arith.constant 0 : i32
      %dma_start3A_576 = tpu.memref_slice %arg9[%dma_start3A_573, %dma_start3A_574, %dma_start3A_575] : memref<2x128x24xf32, #tpu.memory_space<vmem>> -> memref<1x128x24xf32, #tpu.memory_space<vmem>>
      %dma_start3A_577 = tpu.memref_squeeze %dma_start3A_576 : memref<1x128x24xf32, #tpu.memory_space<vmem>> -> memref<128x24xf32, #tpu.memory_space<vmem>>
      %dma_start3A_578 = arith.constant 0 : i32
      %dma_start3A_579 = tpu.memref_slice %arg7[%dma_start3A_572, %dma_start3A_578] : memref<28x128xi32, #tpu.memory_space<vmem>> -> memref<1x128xi32, #tpu.memory_space<vmem>>
      %dma_start3A_580 = tpu.memref_squeeze %dma_start3A_579 : memref<1x128xi32, #tpu.memory_space<vmem>> -> memref<128xi32, #tpu.memory_space<vmem>>
      %dma_start3A_581 = arith.constant 0 : i32
      %dma_start3A_582 = arith.constant 0 : i32
      %dma_start3A_583 = tpu.memref_slice %arg2[%dma_start3A_581, %dma_start3A_582] : memref<51200x24xf32, #tpu.memory_space<hbm>> -> memref<51200x24xf32, #tpu.memory_space<hbm>>
      tpu.enqueue_indirect_dma source(%dma_start3A_583 : memref<51200x24xf32, #tpu.memory_space<hbm>>) target(%dma_start3A_577 : memref<128x24xf32, #tpu.memory_space<vmem>>) offsets(%dma_start3A_580 : memref<128xi32, #tpu.memory_space<vmem>>) semaphore(%arg11 : memref<!tpu.dma_semaphore, #tpu.memory_space<semaphore_mem>>)
      %dma_wait3A_584 = arith.constant 21 : i32
      %dma_wait3A_585 = arith.constant 1 : i32
      %dma_wait3A_586 = arith.constant 0 : i32
      %dma_wait3A_587 = arith.constant 0 : i32
      %dma_wait3A_588 = tpu.memref_slice %arg9[%dma_wait3A_585, %dma_wait3A_586, %dma_wait3A_587] : memref<2x128x24xf32, #tpu.memory_space<vmem>> -> memref<1x128x24xf32, #tpu.memory_space<vmem>>
      %dma_wait3A_589 = tpu.memref_squeeze %dma_wait3A_588 : memref<1x128x24xf32, #tpu.memory_space<vmem>> -> memref<128x24xf32, #tpu.memory_space<vmem>>
      %dma_wait3A_590 = arith.constant 0 : i32
      %dma_wait3A_591 = tpu.memref_slice %arg7[%dma_wait3A_584, %dma_wait3A_590] : memref<28x128xi32, #tpu.memory_space<vmem>> -> memref<1x128xi32, #tpu.memory_space<vmem>>
      %dma_wait3A_592 = tpu.memref_squeeze %dma_wait3A_591 : memref<1x128xi32, #tpu.memory_space<vmem>> -> memref<128xi32, #tpu.memory_space<vmem>>
      %dma_wait3A_593 = arith.constant 0 : i32
      %dma_wait3A_594 = arith.constant 0 : i32
      %dma_wait3A_595 = tpu.memref_slice %arg2[%dma_wait3A_593, %dma_wait3A_594] : memref<51200x24xf32, #tpu.memory_space<hbm>> -> memref<51200x24xf32, #tpu.memory_space<hbm>>
      tpu.wait_indirect_dma semaphore(%arg12 : memref<!tpu.dma_semaphore, #tpu.memory_space<semaphore_mem>>) src(%dma_wait3A_595 : memref<51200x24xf32, #tpu.memory_space<hbm>>) dst(%dma_wait3A_589 : memref<128x24xf32, #tpu.memory_space<vmem>>)
      %run_scoped3A_596 = arith.constant 1 : i32
      %run_scoped3A_597 = arith.constant 21 : i32
      "tpu.region"() ({
        %run_scoped3A_742 = tpu.sem_alloc : memref<!tpu.dma_semaphore, #tpu.memory_space<semaphore_mem>>
        %dma_start3A_743 = arith.constant 0 : i32
        %dma_start3A_744 = arith.constant 0 : i32
        %dma_start3A_745 = tpu.memref_slice %arg9[%run_scoped3A_596, %dma_start3A_743, %dma_start3A_744] : memref<2x128x24xf32, #tpu.memory_space<vmem>> -> memref<1x128x24xf32, #tpu.memory_space<vmem>>
        %dma_start3A_746 = tpu.memref_squeeze %dma_start3A_745 : memref<1x128x24xf32, #tpu.memory_space<vmem>> -> memref<128x24xf32, #tpu.memory_space<vmem>>
        %dma_start3A_747 = arith.constant 0 : i32
        %dma_start3A_748 = tpu.memref_slice %arg8[%run_scoped3A_597, %dma_start3A_747] : memref<28x128xi32, #tpu.memory_space<vmem>> -> memref<1x128xi32, #tpu.memory_space<vmem>>
        %dma_start3A_749 = tpu.memref_squeeze %dma_start3A_748 : memref<1x128xi32, #tpu.memory_space<vmem>> -> memref<128xi32, #tpu.memory_space<vmem>>
        %dma_start3A_750 = arith.constant 0 : i32
        %dma_start3A_751 = arith.constant 0 : i32
        %dma_start3A_752 = tpu.memref_slice %arg10[%dma_start3A_750, %dma_start3A_751] : memref<51200x24xf32, #tpu.memory_space<vmem_shared>> -> memref<51200x24xf32, #tpu.memory_space<vmem_shared>>
        tpu.enqueue_indirect_dma source(%dma_start3A_746 : memref<128x24xf32, #tpu.memory_space<vmem>>) target(%dma_start3A_752 : memref<51200x24xf32, #tpu.memory_space<vmem_shared>>) offsets(%dma_start3A_749 : memref<128xi32, #tpu.memory_space<vmem>>) semaphore(%run_scoped3A_742 : memref<!tpu.dma_semaphore, #tpu.memory_space<semaphore_mem>>) {add = true}
        %dma_wait3A_753 = arith.constant 0 : i32
        %dma_wait3A_754 = arith.constant 0 : i32
        %dma_wait3A_755 = tpu.memref_slice %arg9[%run_scoped3A_596, %dma_wait3A_753, %dma_wait3A_754] : memref<2x128x24xf32, #tpu.memory_space<vmem>> -> memref<1x128x24xf32, #tpu.memory_space<vmem>>
        %dma_wait3A_756 = tpu.memref_squeeze %dma_wait3A_755 : memref<1x128x24xf32, #tpu.memory_space<vmem>> -> memref<128x24xf32, #tpu.memory_space<vmem>>
        %dma_wait3A_757 = arith.constant 0 : i32
        %dma_wait3A_758 = tpu.memref_slice %arg8[%run_scoped3A_597, %dma_wait3A_757] : memref<28x128xi32, #tpu.memory_space<vmem>> -> memref<1x128xi32, #tpu.memory_space<vmem>>
        %dma_wait3A_759 = tpu.memref_squeeze %dma_wait3A_758 : memref<1x128xi32, #tpu.memory_space<vmem>> -> memref<128xi32, #tpu.memory_space<vmem>>
        %dma_wait3A_760 = arith.constant 0 : i32
        %dma_wait3A_761 = arith.constant 0 : i32
        %dma_wait3A_762 = tpu.memref_slice %arg10[%dma_wait3A_760, %dma_wait3A_761] : memref<51200x24xf32, #tpu.memory_space<vmem_shared>> -> memref<51200x24xf32, #tpu.memory_space<vmem_shared>>
        tpu.wait_indirect_dma semaphore(%run_scoped3A_742 : memref<!tpu.dma_semaphore, #tpu.memory_space<semaphore_mem>>) src(%dma_wait3A_756 : memref<128x24xf32, #tpu.memory_space<vmem>>) dst(%dma_wait3A_762 : memref<51200x24xf32, #tpu.memory_space<vmem_shared>>)
        tpu.yield
      }) : () -> ()
      %dma_start3A_598 = arith.constant 23 : i32
      %dma_start3A_599 = arith.constant 1 : i32
      %dma_start3A_600 = arith.constant 0 : i32
      %dma_start3A_601 = arith.constant 0 : i32
      %dma_start3A_602 = tpu.memref_slice %arg9[%dma_start3A_599, %dma_start3A_600, %dma_start3A_601] : memref<2x128x24xf32, #tpu.memory_space<vmem>> -> memref<1x128x24xf32, #tpu.memory_space<vmem>>
      %dma_start3A_603 = tpu.memref_squeeze %dma_start3A_602 : memref<1x128x24xf32, #tpu.memory_space<vmem>> -> memref<128x24xf32, #tpu.memory_space<vmem>>
      %dma_start3A_604 = arith.constant 0 : i32
      %dma_start3A_605 = tpu.memref_slice %arg7[%dma_start3A_598, %dma_start3A_604] : memref<28x128xi32, #tpu.memory_space<vmem>> -> memref<1x128xi32, #tpu.memory_space<vmem>>
      %dma_start3A_606 = tpu.memref_squeeze %dma_start3A_605 : memref<1x128xi32, #tpu.memory_space<vmem>> -> memref<128xi32, #tpu.memory_space<vmem>>
      %dma_start3A_607 = arith.constant 0 : i32
      %dma_start3A_608 = arith.constant 0 : i32
      %dma_start3A_609 = tpu.memref_slice %arg2[%dma_start3A_607, %dma_start3A_608] : memref<51200x24xf32, #tpu.memory_space<hbm>> -> memref<51200x24xf32, #tpu.memory_space<hbm>>
      tpu.enqueue_indirect_dma source(%dma_start3A_609 : memref<51200x24xf32, #tpu.memory_space<hbm>>) target(%dma_start3A_603 : memref<128x24xf32, #tpu.memory_space<vmem>>) offsets(%dma_start3A_606 : memref<128xi32, #tpu.memory_space<vmem>>) semaphore(%arg12 : memref<!tpu.dma_semaphore, #tpu.memory_space<semaphore_mem>>)
      %dma_wait3A_610 = arith.constant 22 : i32
      %dma_wait3A_611 = arith.constant 0 : i32
      %dma_wait3A_612 = arith.constant 0 : i32
      %dma_wait3A_613 = arith.constant 0 : i32
      %dma_wait3A_614 = tpu.memref_slice %arg9[%dma_wait3A_611, %dma_wait3A_612, %dma_wait3A_613] : memref<2x128x24xf32, #tpu.memory_space<vmem>> -> memref<1x128x24xf32, #tpu.memory_space<vmem>>
      %dma_wait3A_615 = tpu.memref_squeeze %dma_wait3A_614 : memref<1x128x24xf32, #tpu.memory_space<vmem>> -> memref<128x24xf32, #tpu.memory_space<vmem>>
      %dma_wait3A_616 = arith.constant 0 : i32
      %dma_wait3A_617 = tpu.memref_slice %arg7[%dma_wait3A_610, %dma_wait3A_616] : memref<28x128xi32, #tpu.memory_space<vmem>> -> memref<1x128xi32, #tpu.memory_space<vmem>>
      %dma_wait3A_618 = tpu.memref_squeeze %dma_wait3A_617 : memref<1x128xi32, #tpu.memory_space<vmem>> -> memref<128xi32, #tpu.memory_space<vmem>>
      %dma_wait3A_619 = arith.constant 0 : i32
      %dma_wait3A_620 = arith.constant 0 : i32
      %dma_wait3A_621 = tpu.memref_slice %arg2[%dma_wait3A_619, %dma_wait3A_620] : memref<51200x24xf32, #tpu.memory_space<hbm>> -> memref<51200x24xf32, #tpu.memory_space<hbm>>
      tpu.wait_indirect_dma semaphore(%arg11 : memref<!tpu.dma_semaphore, #tpu.memory_space<semaphore_mem>>) src(%dma_wait3A_621 : memref<51200x24xf32, #tpu.memory_space<hbm>>) dst(%dma_wait3A_615 : memref<128x24xf32, #tpu.memory_space<vmem>>)
      %run_scoped3A_622 = arith.constant 0 : i32
      %run_scoped3A_623 = arith.constant 22 : i32
      "tpu.region"() ({
        %run_scoped3A_742 = tpu.sem_alloc : memref<!tpu.dma_semaphore, #tpu.memory_space<semaphore_mem>>
        %dma_start3A_743 = arith.constant 0 : i32
        %dma_start3A_744 = arith.constant 0 : i32
        %dma_start3A_745 = tpu.memref_slice %arg9[%run_scoped3A_622, %dma_start3A_743, %dma_start3A_744] : memref<2x128x24xf32, #tpu.memory_space<vmem>> -> memref<1x128x24xf32, #tpu.memory_space<vmem>>
        %dma_start3A_746 = tpu.memref_squeeze %dma_start3A_745 : memref<1x128x24xf32, #tpu.memory_space<vmem>> -> memref<128x24xf32, #tpu.memory_space<vmem>>
        %dma_start3A_747 = arith.constant 0 : i32
        %dma_start3A_748 = tpu.memref_slice %arg8[%run_scoped3A_623, %dma_start3A_747] : memref<28x128xi32, #tpu.memory_space<vmem>> -> memref<1x128xi32, #tpu.memory_space<vmem>>
        %dma_start3A_749 = tpu.memref_squeeze %dma_start3A_748 : memref<1x128xi32, #tpu.memory_space<vmem>> -> memref<128xi32, #tpu.memory_space<vmem>>
        %dma_start3A_750 = arith.constant 0 : i32
        %dma_start3A_751 = arith.constant 0 : i32
        %dma_start3A_752 = tpu.memref_slice %arg10[%dma_start3A_750, %dma_start3A_751] : memref<51200x24xf32, #tpu.memory_space<vmem_shared>> -> memref<51200x24xf32, #tpu.memory_space<vmem_shared>>
        tpu.enqueue_indirect_dma source(%dma_start3A_746 : memref<128x24xf32, #tpu.memory_space<vmem>>) target(%dma_start3A_752 : memref<51200x24xf32, #tpu.memory_space<vmem_shared>>) offsets(%dma_start3A_749 : memref<128xi32, #tpu.memory_space<vmem>>) semaphore(%run_scoped3A_742 : memref<!tpu.dma_semaphore, #tpu.memory_space<semaphore_mem>>) {add = true}
        %dma_wait3A_753 = arith.constant 0 : i32
        %dma_wait3A_754 = arith.constant 0 : i32
        %dma_wait3A_755 = tpu.memref_slice %arg9[%run_scoped3A_622, %dma_wait3A_753, %dma_wait3A_754] : memref<2x128x24xf32, #tpu.memory_space<vmem>> -> memref<1x128x24xf32, #tpu.memory_space<vmem>>
        %dma_wait3A_756 = tpu.memref_squeeze %dma_wait3A_755 : memref<1x128x24xf32, #tpu.memory_space<vmem>> -> memref<128x24xf32, #tpu.memory_space<vmem>>
        %dma_wait3A_757 = arith.constant 0 : i32
        %dma_wait3A_758 = tpu.memref_slice %arg8[%run_scoped3A_623, %dma_wait3A_757] : memref<28x128xi32, #tpu.memory_space<vmem>> -> memref<1x128xi32, #tpu.memory_space<vmem>>
        %dma_wait3A_759 = tpu.memref_squeeze %dma_wait3A_758 : memref<1x128xi32, #tpu.memory_space<vmem>> -> memref<128xi32, #tpu.memory_space<vmem>>
        %dma_wait3A_760 = arith.constant 0 : i32
        %dma_wait3A_761 = arith.constant 0 : i32
        %dma_wait3A_762 = tpu.memref_slice %arg10[%dma_wait3A_760, %dma_wait3A_761] : memref<51200x24xf32, #tpu.memory_space<vmem_shared>> -> memref<51200x24xf32, #tpu.memory_space<vmem_shared>>
        tpu.wait_indirect_dma semaphore(%run_scoped3A_742 : memref<!tpu.dma_semaphore, #tpu.memory_space<semaphore_mem>>) src(%dma_wait3A_756 : memref<128x24xf32, #tpu.memory_space<vmem>>) dst(%dma_wait3A_762 : memref<51200x24xf32, #tpu.memory_space<vmem_shared>>)
        tpu.yield
      }) : () -> ()
      %dma_start3A_624 = arith.constant 24 : i32
      %dma_start3A_625 = arith.constant 0 : i32
      %dma_start3A_626 = arith.constant 0 : i32
      %dma_start3A_627 = arith.constant 0 : i32
      %dma_start3A_628 = tpu.memref_slice %arg9[%dma_start3A_625, %dma_start3A_626, %dma_start3A_627] : memref<2x128x24xf32, #tpu.memory_space<vmem>> -> memref<1x128x24xf32, #tpu.memory_space<vmem>>
      %dma_start3A_629 = tpu.memref_squeeze %dma_start3A_628 : memref<1x128x24xf32, #tpu.memory_space<vmem>> -> memref<128x24xf32, #tpu.memory_space<vmem>>
      %dma_start3A_630 = arith.constant 0 : i32
      %dma_start3A_631 = tpu.memref_slice %arg7[%dma_start3A_624, %dma_start3A_630] : memref<28x128xi32, #tpu.memory_space<vmem>> -> memref<1x128xi32, #tpu.memory_space<vmem>>
      %dma_start3A_632 = tpu.memref_squeeze %dma_start3A_631 : memref<1x128xi32, #tpu.memory_space<vmem>> -> memref<128xi32, #tpu.memory_space<vmem>>
      %dma_start3A_633 = arith.constant 0 : i32
      %dma_start3A_634 = arith.constant 0 : i32
      %dma_start3A_635 = tpu.memref_slice %arg2[%dma_start3A_633, %dma_start3A_634] : memref<51200x24xf32, #tpu.memory_space<hbm>> -> memref<51200x24xf32, #tpu.memory_space<hbm>>
      tpu.enqueue_indirect_dma source(%dma_start3A_635 : memref<51200x24xf32, #tpu.memory_space<hbm>>) target(%dma_start3A_629 : memref<128x24xf32, #tpu.memory_space<vmem>>) offsets(%dma_start3A_632 : memref<128xi32, #tpu.memory_space<vmem>>) semaphore(%arg11 : memref<!tpu.dma_semaphore, #tpu.memory_space<semaphore_mem>>)
      %dma_wait3A_636 = arith.constant 23 : i32
      %dma_wait3A_637 = arith.constant 1 : i32
      %dma_wait3A_638 = arith.constant 0 : i32
      %dma_wait3A_639 = arith.constant 0 : i32
      %dma_wait3A_640 = tpu.memref_slice %arg9[%dma_wait3A_637, %dma_wait3A_638, %dma_wait3A_639] : memref<2x128x24xf32, #tpu.memory_space<vmem>> -> memref<1x128x24xf32, #tpu.memory_space<vmem>>
      %dma_wait3A_641 = tpu.memref_squeeze %dma_wait3A_640 : memref<1x128x24xf32, #tpu.memory_space<vmem>> -> memref<128x24xf32, #tpu.memory_space<vmem>>
      %dma_wait3A_642 = arith.constant 0 : i32
      %dma_wait3A_643 = tpu.memref_slice %arg7[%dma_wait3A_636, %dma_wait3A_642] : memref<28x128xi32, #tpu.memory_space<vmem>> -> memref<1x128xi32, #tpu.memory_space<vmem>>
      %dma_wait3A_644 = tpu.memref_squeeze %dma_wait3A_643 : memref<1x128xi32, #tpu.memory_space<vmem>> -> memref<128xi32, #tpu.memory_space<vmem>>
      %dma_wait3A_645 = arith.constant 0 : i32
      %dma_wait3A_646 = arith.constant 0 : i32
      %dma_wait3A_647 = tpu.memref_slice %arg2[%dma_wait3A_645, %dma_wait3A_646] : memref<51200x24xf32, #tpu.memory_space<hbm>> -> memref<51200x24xf32, #tpu.memory_space<hbm>>
      tpu.wait_indirect_dma semaphore(%arg12 : memref<!tpu.dma_semaphore, #tpu.memory_space<semaphore_mem>>) src(%dma_wait3A_647 : memref<51200x24xf32, #tpu.memory_space<hbm>>) dst(%dma_wait3A_641 : memref<128x24xf32, #tpu.memory_space<vmem>>)
      %run_scoped3A_648 = arith.constant 1 : i32
      %run_scoped3A_649 = arith.constant 23 : i32
      "tpu.region"() ({
        %run_scoped3A_742 = tpu.sem_alloc : memref<!tpu.dma_semaphore, #tpu.memory_space<semaphore_mem>>
        %dma_start3A_743 = arith.constant 0 : i32
        %dma_start3A_744 = arith.constant 0 : i32
        %dma_start3A_745 = tpu.memref_slice %arg9[%run_scoped3A_648, %dma_start3A_743, %dma_start3A_744] : memref<2x128x24xf32, #tpu.memory_space<vmem>> -> memref<1x128x24xf32, #tpu.memory_space<vmem>>
        %dma_start3A_746 = tpu.memref_squeeze %dma_start3A_745 : memref<1x128x24xf32, #tpu.memory_space<vmem>> -> memref<128x24xf32, #tpu.memory_space<vmem>>
        %dma_start3A_747 = arith.constant 0 : i32
        %dma_start3A_748 = tpu.memref_slice %arg8[%run_scoped3A_649, %dma_start3A_747] : memref<28x128xi32, #tpu.memory_space<vmem>> -> memref<1x128xi32, #tpu.memory_space<vmem>>
        %dma_start3A_749 = tpu.memref_squeeze %dma_start3A_748 : memref<1x128xi32, #tpu.memory_space<vmem>> -> memref<128xi32, #tpu.memory_space<vmem>>
        %dma_start3A_750 = arith.constant 0 : i32
        %dma_start3A_751 = arith.constant 0 : i32
        %dma_start3A_752 = tpu.memref_slice %arg10[%dma_start3A_750, %dma_start3A_751] : memref<51200x24xf32, #tpu.memory_space<vmem_shared>> -> memref<51200x24xf32, #tpu.memory_space<vmem_shared>>
        tpu.enqueue_indirect_dma source(%dma_start3A_746 : memref<128x24xf32, #tpu.memory_space<vmem>>) target(%dma_start3A_752 : memref<51200x24xf32, #tpu.memory_space<vmem_shared>>) offsets(%dma_start3A_749 : memref<128xi32, #tpu.memory_space<vmem>>) semaphore(%run_scoped3A_742 : memref<!tpu.dma_semaphore, #tpu.memory_space<semaphore_mem>>) {add = true}
        %dma_wait3A_753 = arith.constant 0 : i32
        %dma_wait3A_754 = arith.constant 0 : i32
        %dma_wait3A_755 = tpu.memref_slice %arg9[%run_scoped3A_648, %dma_wait3A_753, %dma_wait3A_754] : memref<2x128x24xf32, #tpu.memory_space<vmem>> -> memref<1x128x24xf32, #tpu.memory_space<vmem>>
        %dma_wait3A_756 = tpu.memref_squeeze %dma_wait3A_755 : memref<1x128x24xf32, #tpu.memory_space<vmem>> -> memref<128x24xf32, #tpu.memory_space<vmem>>
        %dma_wait3A_757 = arith.constant 0 : i32
        %dma_wait3A_758 = tpu.memref_slice %arg8[%run_scoped3A_649, %dma_wait3A_757] : memref<28x128xi32, #tpu.memory_space<vmem>> -> memref<1x128xi32, #tpu.memory_space<vmem>>
        %dma_wait3A_759 = tpu.memref_squeeze %dma_wait3A_758 : memref<1x128xi32, #tpu.memory_space<vmem>> -> memref<128xi32, #tpu.memory_space<vmem>>
        %dma_wait3A_760 = arith.constant 0 : i32
        %dma_wait3A_761 = arith.constant 0 : i32
        %dma_wait3A_762 = tpu.memref_slice %arg10[%dma_wait3A_760, %dma_wait3A_761] : memref<51200x24xf32, #tpu.memory_space<vmem_shared>> -> memref<51200x24xf32, #tpu.memory_space<vmem_shared>>
        tpu.wait_indirect_dma semaphore(%run_scoped3A_742 : memref<!tpu.dma_semaphore, #tpu.memory_space<semaphore_mem>>) src(%dma_wait3A_756 : memref<128x24xf32, #tpu.memory_space<vmem>>) dst(%dma_wait3A_762 : memref<51200x24xf32, #tpu.memory_space<vmem_shared>>)
        tpu.yield
      }) : () -> ()
      %dma_start3A_650 = arith.constant 25 : i32
      %dma_start3A_651 = arith.constant 1 : i32
      %dma_start3A_652 = arith.constant 0 : i32
      %dma_start3A_653 = arith.constant 0 : i32
      %dma_start3A_654 = tpu.memref_slice %arg9[%dma_start3A_651, %dma_start3A_652, %dma_start3A_653] : memref<2x128x24xf32, #tpu.memory_space<vmem>> -> memref<1x128x24xf32, #tpu.memory_space<vmem>>
      %dma_start3A_655 = tpu.memref_squeeze %dma_start3A_654 : memref<1x128x24xf32, #tpu.memory_space<vmem>> -> memref<128x24xf32, #tpu.memory_space<vmem>>
      %dma_start3A_656 = arith.constant 0 : i32
      %dma_start3A_657 = tpu.memref_slice %arg7[%dma_start3A_650, %dma_start3A_656] : memref<28x128xi32, #tpu.memory_space<vmem>> -> memref<1x128xi32, #tpu.memory_space<vmem>>
      %dma_start3A_658 = tpu.memref_squeeze %dma_start3A_657 : memref<1x128xi32, #tpu.memory_space<vmem>> -> memref<128xi32, #tpu.memory_space<vmem>>
      %dma_start3A_659 = arith.constant 0 : i32
      %dma_start3A_660 = arith.constant 0 : i32
      %dma_start3A_661 = tpu.memref_slice %arg2[%dma_start3A_659, %dma_start3A_660] : memref<51200x24xf32, #tpu.memory_space<hbm>> -> memref<51200x24xf32, #tpu.memory_space<hbm>>
      tpu.enqueue_indirect_dma source(%dma_start3A_661 : memref<51200x24xf32, #tpu.memory_space<hbm>>) target(%dma_start3A_655 : memref<128x24xf32, #tpu.memory_space<vmem>>) offsets(%dma_start3A_658 : memref<128xi32, #tpu.memory_space<vmem>>) semaphore(%arg12 : memref<!tpu.dma_semaphore, #tpu.memory_space<semaphore_mem>>)
      %dma_wait3A_662 = arith.constant 24 : i32
      %dma_wait3A_663 = arith.constant 0 : i32
      %dma_wait3A_664 = arith.constant 0 : i32
      %dma_wait3A_665 = arith.constant 0 : i32
      %dma_wait3A_666 = tpu.memref_slice %arg9[%dma_wait3A_663, %dma_wait3A_664, %dma_wait3A_665] : memref<2x128x24xf32, #tpu.memory_space<vmem>> -> memref<1x128x24xf32, #tpu.memory_space<vmem>>
      %dma_wait3A_667 = tpu.memref_squeeze %dma_wait3A_666 : memref<1x128x24xf32, #tpu.memory_space<vmem>> -> memref<128x24xf32, #tpu.memory_space<vmem>>
      %dma_wait3A_668 = arith.constant 0 : i32
      %dma_wait3A_669 = tpu.memref_slice %arg7[%dma_wait3A_662, %dma_wait3A_668] : memref<28x128xi32, #tpu.memory_space<vmem>> -> memref<1x128xi32, #tpu.memory_space<vmem>>
      %dma_wait3A_670 = tpu.memref_squeeze %dma_wait3A_669 : memref<1x128xi32, #tpu.memory_space<vmem>> -> memref<128xi32, #tpu.memory_space<vmem>>
      %dma_wait3A_671 = arith.constant 0 : i32
      %dma_wait3A_672 = arith.constant 0 : i32
      %dma_wait3A_673 = tpu.memref_slice %arg2[%dma_wait3A_671, %dma_wait3A_672] : memref<51200x24xf32, #tpu.memory_space<hbm>> -> memref<51200x24xf32, #tpu.memory_space<hbm>>
      tpu.wait_indirect_dma semaphore(%arg11 : memref<!tpu.dma_semaphore, #tpu.memory_space<semaphore_mem>>) src(%dma_wait3A_673 : memref<51200x24xf32, #tpu.memory_space<hbm>>) dst(%dma_wait3A_667 : memref<128x24xf32, #tpu.memory_space<vmem>>)
      %run_scoped3A_674 = arith.constant 0 : i32
      %run_scoped3A_675 = arith.constant 24 : i32
      "tpu.region"() ({
        %run_scoped3A_742 = tpu.sem_alloc : memref<!tpu.dma_semaphore, #tpu.memory_space<semaphore_mem>>
        %dma_start3A_743 = arith.constant 0 : i32
        %dma_start3A_744 = arith.constant 0 : i32
        %dma_start3A_745 = tpu.memref_slice %arg9[%run_scoped3A_674, %dma_start3A_743, %dma_start3A_744] : memref<2x128x24xf32, #tpu.memory_space<vmem>> -> memref<1x128x24xf32, #tpu.memory_space<vmem>>
        %dma_start3A_746 = tpu.memref_squeeze %dma_start3A_745 : memref<1x128x24xf32, #tpu.memory_space<vmem>> -> memref<128x24xf32, #tpu.memory_space<vmem>>
        %dma_start3A_747 = arith.constant 0 : i32
        %dma_start3A_748 = tpu.memref_slice %arg8[%run_scoped3A_675, %dma_start3A_747] : memref<28x128xi32, #tpu.memory_space<vmem>> -> memref<1x128xi32, #tpu.memory_space<vmem>>
        %dma_start3A_749 = tpu.memref_squeeze %dma_start3A_748 : memref<1x128xi32, #tpu.memory_space<vmem>> -> memref<128xi32, #tpu.memory_space<vmem>>
        %dma_start3A_750 = arith.constant 0 : i32
        %dma_start3A_751 = arith.constant 0 : i32
        %dma_start3A_752 = tpu.memref_slice %arg10[%dma_start3A_750, %dma_start3A_751] : memref<51200x24xf32, #tpu.memory_space<vmem_shared>> -> memref<51200x24xf32, #tpu.memory_space<vmem_shared>>
        tpu.enqueue_indirect_dma source(%dma_start3A_746 : memref<128x24xf32, #tpu.memory_space<vmem>>) target(%dma_start3A_752 : memref<51200x24xf32, #tpu.memory_space<vmem_shared>>) offsets(%dma_start3A_749 : memref<128xi32, #tpu.memory_space<vmem>>) semaphore(%run_scoped3A_742 : memref<!tpu.dma_semaphore, #tpu.memory_space<semaphore_mem>>) {add = true}
        %dma_wait3A_753 = arith.constant 0 : i32
        %dma_wait3A_754 = arith.constant 0 : i32
        %dma_wait3A_755 = tpu.memref_slice %arg9[%run_scoped3A_674, %dma_wait3A_753, %dma_wait3A_754] : memref<2x128x24xf32, #tpu.memory_space<vmem>> -> memref<1x128x24xf32, #tpu.memory_space<vmem>>
        %dma_wait3A_756 = tpu.memref_squeeze %dma_wait3A_755 : memref<1x128x24xf32, #tpu.memory_space<vmem>> -> memref<128x24xf32, #tpu.memory_space<vmem>>
        %dma_wait3A_757 = arith.constant 0 : i32
        %dma_wait3A_758 = tpu.memref_slice %arg8[%run_scoped3A_675, %dma_wait3A_757] : memref<28x128xi32, #tpu.memory_space<vmem>> -> memref<1x128xi32, #tpu.memory_space<vmem>>
        %dma_wait3A_759 = tpu.memref_squeeze %dma_wait3A_758 : memref<1x128xi32, #tpu.memory_space<vmem>> -> memref<128xi32, #tpu.memory_space<vmem>>
        %dma_wait3A_760 = arith.constant 0 : i32
        %dma_wait3A_761 = arith.constant 0 : i32
        %dma_wait3A_762 = tpu.memref_slice %arg10[%dma_wait3A_760, %dma_wait3A_761] : memref<51200x24xf32, #tpu.memory_space<vmem_shared>> -> memref<51200x24xf32, #tpu.memory_space<vmem_shared>>
        tpu.wait_indirect_dma semaphore(%run_scoped3A_742 : memref<!tpu.dma_semaphore, #tpu.memory_space<semaphore_mem>>) src(%dma_wait3A_756 : memref<128x24xf32, #tpu.memory_space<vmem>>) dst(%dma_wait3A_762 : memref<51200x24xf32, #tpu.memory_space<vmem_shared>>)
        tpu.yield
      }) : () -> ()
      %dma_start3A_676 = arith.constant 26 : i32
      %dma_start3A_677 = arith.constant 0 : i32
      %dma_start3A_678 = arith.constant 0 : i32
      %dma_start3A_679 = arith.constant 0 : i32
      %dma_start3A_680 = tpu.memref_slice %arg9[%dma_start3A_677, %dma_start3A_678, %dma_start3A_679] : memref<2x128x24xf32, #tpu.memory_space<vmem>> -> memref<1x128x24xf32, #tpu.memory_space<vmem>>
      %dma_start3A_681 = tpu.memref_squeeze %dma_start3A_680 : memref<1x128x24xf32, #tpu.memory_space<vmem>> -> memref<128x24xf32, #tpu.memory_space<vmem>>
      %dma_start3A_682 = arith.constant 0 : i32
      %dma_start3A_683 = tpu.memref_slice %arg7[%dma_start3A_676, %dma_start3A_682] : memref<28x128xi32, #tpu.memory_space<vmem>> -> memref<1x128xi32, #tpu.memory_space<vmem>>
      %dma_start3A_684 = tpu.memref_squeeze %dma_start3A_683 : memref<1x128xi32, #tpu.memory_space<vmem>> -> memref<128xi32, #tpu.memory_space<vmem>>
      %dma_start3A_685 = arith.constant 0 : i32
      %dma_start3A_686 = arith.constant 0 : i32
      %dma_start3A_687 = tpu.memref_slice %arg2[%dma_start3A_685, %dma_start3A_686] : memref<51200x24xf32, #tpu.memory_space<hbm>> -> memref<51200x24xf32, #tpu.memory_space<hbm>>
      tpu.enqueue_indirect_dma source(%dma_start3A_687 : memref<51200x24xf32, #tpu.memory_space<hbm>>) target(%dma_start3A_681 : memref<128x24xf32, #tpu.memory_space<vmem>>) offsets(%dma_start3A_684 : memref<128xi32, #tpu.memory_space<vmem>>) semaphore(%arg11 : memref<!tpu.dma_semaphore, #tpu.memory_space<semaphore_mem>>)
      %dma_wait3A_688 = arith.constant 25 : i32
      %dma_wait3A_689 = arith.constant 1 : i32
      %dma_wait3A_690 = arith.constant 0 : i32
      %dma_wait3A_691 = arith.constant 0 : i32
      %dma_wait3A_692 = tpu.memref_slice %arg9[%dma_wait3A_689, %dma_wait3A_690, %dma_wait3A_691] : memref<2x128x24xf32, #tpu.memory_space<vmem>> -> memref<1x128x24xf32, #tpu.memory_space<vmem>>
      %dma_wait3A_693 = tpu.memref_squeeze %dma_wait3A_692 : memref<1x128x24xf32, #tpu.memory_space<vmem>> -> memref<128x24xf32, #tpu.memory_space<vmem>>
      %dma_wait3A_694 = arith.constant 0 : i32
      %dma_wait3A_695 = tpu.memref_slice %arg7[%dma_wait3A_688, %dma_wait3A_694] : memref<28x128xi32, #tpu.memory_space<vmem>> -> memref<1x128xi32, #tpu.memory_space<vmem>>
      %dma_wait3A_696 = tpu.memref_squeeze %dma_wait3A_695 : memref<1x128xi32, #tpu.memory_space<vmem>> -> memref<128xi32, #tpu.memory_space<vmem>>
      %dma_wait3A_697 = arith.constant 0 : i32
      %dma_wait3A_698 = arith.constant 0 : i32
      %dma_wait3A_699 = tpu.memref_slice %arg2[%dma_wait3A_697, %dma_wait3A_698] : memref<51200x24xf32, #tpu.memory_space<hbm>> -> memref<51200x24xf32, #tpu.memory_space<hbm>>
      tpu.wait_indirect_dma semaphore(%arg12 : memref<!tpu.dma_semaphore, #tpu.memory_space<semaphore_mem>>) src(%dma_wait3A_699 : memref<51200x24xf32, #tpu.memory_space<hbm>>) dst(%dma_wait3A_693 : memref<128x24xf32, #tpu.memory_space<vmem>>)
      %run_scoped3A_700 = arith.constant 1 : i32
      %run_scoped3A_701 = arith.constant 25 : i32
      "tpu.region"() ({
        %run_scoped3A_742 = tpu.sem_alloc : memref<!tpu.dma_semaphore, #tpu.memory_space<semaphore_mem>>
        %dma_start3A_743 = arith.constant 0 : i32
        %dma_start3A_744 = arith.constant 0 : i32
        %dma_start3A_745 = tpu.memref_slice %arg9[%run_scoped3A_700, %dma_start3A_743, %dma_start3A_744] : memref<2x128x24xf32, #tpu.memory_space<vmem>> -> memref<1x128x24xf32, #tpu.memory_space<vmem>>
        %dma_start3A_746 = tpu.memref_squeeze %dma_start3A_745 : memref<1x128x24xf32, #tpu.memory_space<vmem>> -> memref<128x24xf32, #tpu.memory_space<vmem>>
        %dma_start3A_747 = arith.constant 0 : i32
        %dma_start3A_748 = tpu.memref_slice %arg8[%run_scoped3A_701, %dma_start3A_747] : memref<28x128xi32, #tpu.memory_space<vmem>> -> memref<1x128xi32, #tpu.memory_space<vmem>>
        %dma_start3A_749 = tpu.memref_squeeze %dma_start3A_748 : memref<1x128xi32, #tpu.memory_space<vmem>> -> memref<128xi32, #tpu.memory_space<vmem>>
        %dma_start3A_750 = arith.constant 0 : i32
        %dma_start3A_751 = arith.constant 0 : i32
        %dma_start3A_752 = tpu.memref_slice %arg10[%dma_start3A_750, %dma_start3A_751] : memref<51200x24xf32, #tpu.memory_space<vmem_shared>> -> memref<51200x24xf32, #tpu.memory_space<vmem_shared>>
        tpu.enqueue_indirect_dma source(%dma_start3A_746 : memref<128x24xf32, #tpu.memory_space<vmem>>) target(%dma_start3A_752 : memref<51200x24xf32, #tpu.memory_space<vmem_shared>>) offsets(%dma_start3A_749 : memref<128xi32, #tpu.memory_space<vmem>>) semaphore(%run_scoped3A_742 : memref<!tpu.dma_semaphore, #tpu.memory_space<semaphore_mem>>) {add = true}
        %dma_wait3A_753 = arith.constant 0 : i32
        %dma_wait3A_754 = arith.constant 0 : i32
        %dma_wait3A_755 = tpu.memref_slice %arg9[%run_scoped3A_700, %dma_wait3A_753, %dma_wait3A_754] : memref<2x128x24xf32, #tpu.memory_space<vmem>> -> memref<1x128x24xf32, #tpu.memory_space<vmem>>
        %dma_wait3A_756 = tpu.memref_squeeze %dma_wait3A_755 : memref<1x128x24xf32, #tpu.memory_space<vmem>> -> memref<128x24xf32, #tpu.memory_space<vmem>>
        %dma_wait3A_757 = arith.constant 0 : i32
        %dma_wait3A_758 = tpu.memref_slice %arg8[%run_scoped3A_701, %dma_wait3A_757] : memref<28x128xi32, #tpu.memory_space<vmem>> -> memref<1x128xi32, #tpu.memory_space<vmem>>
        %dma_wait3A_759 = tpu.memref_squeeze %dma_wait3A_758 : memref<1x128xi32, #tpu.memory_space<vmem>> -> memref<128xi32, #tpu.memory_space<vmem>>
        %dma_wait3A_760 = arith.constant 0 : i32
        %dma_wait3A_761 = arith.constant 0 : i32
        %dma_wait3A_762 = tpu.memref_slice %arg10[%dma_wait3A_760, %dma_wait3A_761] : memref<51200x24xf32, #tpu.memory_space<vmem_shared>> -> memref<51200x24xf32, #tpu.memory_space<vmem_shared>>
        tpu.wait_indirect_dma semaphore(%run_scoped3A_742 : memref<!tpu.dma_semaphore, #tpu.memory_space<semaphore_mem>>) src(%dma_wait3A_756 : memref<128x24xf32, #tpu.memory_space<vmem>>) dst(%dma_wait3A_762 : memref<51200x24xf32, #tpu.memory_space<vmem_shared>>)
        tpu.yield
      }) : () -> ()
      %dma_start3A_702 = arith.constant 27 : i32
      %dma_start3A_703 = arith.constant 1 : i32
      %dma_start3A_704 = arith.constant 0 : i32
      %dma_start3A_705 = arith.constant 0 : i32
      %dma_start3A_706 = tpu.memref_slice %arg9[%dma_start3A_703, %dma_start3A_704, %dma_start3A_705] : memref<2x128x24xf32, #tpu.memory_space<vmem>> -> memref<1x128x24xf32, #tpu.memory_space<vmem>>
      %dma_start3A_707 = tpu.memref_squeeze %dma_start3A_706 : memref<1x128x24xf32, #tpu.memory_space<vmem>> -> memref<128x24xf32, #tpu.memory_space<vmem>>
      %dma_start3A_708 = arith.constant 0 : i32
      %dma_start3A_709 = tpu.memref_slice %arg7[%dma_start3A_702, %dma_start3A_708] : memref<28x128xi32, #tpu.memory_space<vmem>> -> memref<1x128xi32, #tpu.memory_space<vmem>>
      %dma_start3A_710 = tpu.memref_squeeze %dma_start3A_709 : memref<1x128xi32, #tpu.memory_space<vmem>> -> memref<128xi32, #tpu.memory_space<vmem>>
      %dma_start3A_711 = arith.constant 0 : i32
      %dma_start3A_712 = arith.constant 0 : i32
      %dma_start3A_713 = tpu.memref_slice %arg2[%dma_start3A_711, %dma_start3A_712] : memref<51200x24xf32, #tpu.memory_space<hbm>> -> memref<51200x24xf32, #tpu.memory_space<hbm>>
      tpu.enqueue_indirect_dma source(%dma_start3A_713 : memref<51200x24xf32, #tpu.memory_space<hbm>>) target(%dma_start3A_707 : memref<128x24xf32, #tpu.memory_space<vmem>>) offsets(%dma_start3A_710 : memref<128xi32, #tpu.memory_space<vmem>>) semaphore(%arg12 : memref<!tpu.dma_semaphore, #tpu.memory_space<semaphore_mem>>)
      %dma_wait3A_714 = arith.constant 26 : i32
      %dma_wait3A_715 = arith.constant 0 : i32
      %dma_wait3A_716 = arith.constant 0 : i32
      %dma_wait3A_717 = arith.constant 0 : i32
      %dma_wait3A_718 = tpu.memref_slice %arg9[%dma_wait3A_715, %dma_wait3A_716, %dma_wait3A_717] : memref<2x128x24xf32, #tpu.memory_space<vmem>> -> memref<1x128x24xf32, #tpu.memory_space<vmem>>
      %dma_wait3A_719 = tpu.memref_squeeze %dma_wait3A_718 : memref<1x128x24xf32, #tpu.memory_space<vmem>> -> memref<128x24xf32, #tpu.memory_space<vmem>>
      %dma_wait3A_720 = arith.constant 0 : i32
      %dma_wait3A_721 = tpu.memref_slice %arg7[%dma_wait3A_714, %dma_wait3A_720] : memref<28x128xi32, #tpu.memory_space<vmem>> -> memref<1x128xi32, #tpu.memory_space<vmem>>
      %dma_wait3A_722 = tpu.memref_squeeze %dma_wait3A_721 : memref<1x128xi32, #tpu.memory_space<vmem>> -> memref<128xi32, #tpu.memory_space<vmem>>
      %dma_wait3A_723 = arith.constant 0 : i32
      %dma_wait3A_724 = arith.constant 0 : i32
      %dma_wait3A_725 = tpu.memref_slice %arg2[%dma_wait3A_723, %dma_wait3A_724] : memref<51200x24xf32, #tpu.memory_space<hbm>> -> memref<51200x24xf32, #tpu.memory_space<hbm>>
      tpu.wait_indirect_dma semaphore(%arg11 : memref<!tpu.dma_semaphore, #tpu.memory_space<semaphore_mem>>) src(%dma_wait3A_725 : memref<51200x24xf32, #tpu.memory_space<hbm>>) dst(%dma_wait3A_719 : memref<128x24xf32, #tpu.memory_space<vmem>>)
      %run_scoped3A_726 = arith.constant 0 : i32
      %run_scoped3A_727 = arith.constant 26 : i32
      "tpu.region"() ({
        %run_scoped3A_742 = tpu.sem_alloc : memref<!tpu.dma_semaphore, #tpu.memory_space<semaphore_mem>>
        %dma_start3A_743 = arith.constant 0 : i32
        %dma_start3A_744 = arith.constant 0 : i32
        %dma_start3A_745 = tpu.memref_slice %arg9[%run_scoped3A_726, %dma_start3A_743, %dma_start3A_744] : memref<2x128x24xf32, #tpu.memory_space<vmem>> -> memref<1x128x24xf32, #tpu.memory_space<vmem>>
        %dma_start3A_746 = tpu.memref_squeeze %dma_start3A_745 : memref<1x128x24xf32, #tpu.memory_space<vmem>> -> memref<128x24xf32, #tpu.memory_space<vmem>>
        %dma_start3A_747 = arith.constant 0 : i32
        %dma_start3A_748 = tpu.memref_slice %arg8[%run_scoped3A_727, %dma_start3A_747] : memref<28x128xi32, #tpu.memory_space<vmem>> -> memref<1x128xi32, #tpu.memory_space<vmem>>
        %dma_start3A_749 = tpu.memref_squeeze %dma_start3A_748 : memref<1x128xi32, #tpu.memory_space<vmem>> -> memref<128xi32, #tpu.memory_space<vmem>>
        %dma_start3A_750 = arith.constant 0 : i32
        %dma_start3A_751 = arith.constant 0 : i32
        %dma_start3A_752 = tpu.memref_slice %arg10[%dma_start3A_750, %dma_start3A_751] : memref<51200x24xf32, #tpu.memory_space<vmem_shared>> -> memref<51200x24xf32, #tpu.memory_space<vmem_shared>>
        tpu.enqueue_indirect_dma source(%dma_start3A_746 : memref<128x24xf32, #tpu.memory_space<vmem>>) target(%dma_start3A_752 : memref<51200x24xf32, #tpu.memory_space<vmem_shared>>) offsets(%dma_start3A_749 : memref<128xi32, #tpu.memory_space<vmem>>) semaphore(%run_scoped3A_742 : memref<!tpu.dma_semaphore, #tpu.memory_space<semaphore_mem>>) {add = true}
        %dma_wait3A_753 = arith.constant 0 : i32
        %dma_wait3A_754 = arith.constant 0 : i32
        %dma_wait3A_755 = tpu.memref_slice %arg9[%run_scoped3A_726, %dma_wait3A_753, %dma_wait3A_754] : memref<2x128x24xf32, #tpu.memory_space<vmem>> -> memref<1x128x24xf32, #tpu.memory_space<vmem>>
        %dma_wait3A_756 = tpu.memref_squeeze %dma_wait3A_755 : memref<1x128x24xf32, #tpu.memory_space<vmem>> -> memref<128x24xf32, #tpu.memory_space<vmem>>
        %dma_wait3A_757 = arith.constant 0 : i32
        %dma_wait3A_758 = tpu.memref_slice %arg8[%run_scoped3A_727, %dma_wait3A_757] : memref<28x128xi32, #tpu.memory_space<vmem>> -> memref<1x128xi32, #tpu.memory_space<vmem>>
        %dma_wait3A_759 = tpu.memref_squeeze %dma_wait3A_758 : memref<1x128xi32, #tpu.memory_space<vmem>> -> memref<128xi32, #tpu.memory_space<vmem>>
        %dma_wait3A_760 = arith.constant 0 : i32
        %dma_wait3A_761 = arith.constant 0 : i32
        %dma_wait3A_762 = tpu.memref_slice %arg10[%dma_wait3A_760, %dma_wait3A_761] : memref<51200x24xf32, #tpu.memory_space<vmem_shared>> -> memref<51200x24xf32, #tpu.memory_space<vmem_shared>>
        tpu.wait_indirect_dma semaphore(%run_scoped3A_742 : memref<!tpu.dma_semaphore, #tpu.memory_space<semaphore_mem>>) src(%dma_wait3A_756 : memref<128x24xf32, #tpu.memory_space<vmem>>) dst(%dma_wait3A_762 : memref<51200x24xf32, #tpu.memory_space<vmem_shared>>)
        tpu.yield
      }) : () -> ()
      %dma_wait3A_728 = arith.constant 27 : i32
      %dma_wait3A_729 = arith.constant 1 : i32
      %dma_wait3A_730 = arith.constant 0 : i32
      %dma_wait3A_731 = arith.constant 0 : i32
      %dma_wait3A_732 = tpu.memref_slice %arg9[%dma_wait3A_729, %dma_wait3A_730, %dma_wait3A_731] : memref<2x128x24xf32, #tpu.memory_space<vmem>> -> memref<1x128x24xf32, #tpu.memory_space<vmem>>
      %dma_wait3A_733 = tpu.memref_squeeze %dma_wait3A_732 : memref<1x128x24xf32, #tpu.memory_space<vmem>> -> memref<128x24xf32, #tpu.memory_space<vmem>>
      %dma_wait3A_734 = arith.constant 0 : i32
      %dma_wait3A_735 = tpu.memref_slice %arg7[%dma_wait3A_728, %dma_wait3A_734] : memref<28x128xi32, #tpu.memory_space<vmem>> -> memref<1x128xi32, #tpu.memory_space<vmem>>
      %dma_wait3A_736 = tpu.memref_squeeze %dma_wait3A_735 : memref<1x128xi32, #tpu.memory_space<vmem>> -> memref<128xi32, #tpu.memory_space<vmem>>
      %dma_wait3A_737 = arith.constant 0 : i32
      %dma_wait3A_738 = arith.constant 0 : i32
      %dma_wait3A_739 = tpu.memref_slice %arg2[%dma_wait3A_737, %dma_wait3A_738] : memref<51200x24xf32, #tpu.memory_space<hbm>> -> memref<51200x24xf32, #tpu.memory_space<hbm>>
      tpu.wait_indirect_dma semaphore(%arg12 : memref<!tpu.dma_semaphore, #tpu.memory_space<semaphore_mem>>) src(%dma_wait3A_739 : memref<51200x24xf32, #tpu.memory_space<hbm>>) dst(%dma_wait3A_733 : memref<128x24xf32, #tpu.memory_space<vmem>>)
      %run_scoped3A_740 = arith.constant 1 : i32
      %run_scoped3A_741 = arith.constant 27 : i32
      "tpu.region"() ({
        %run_scoped3A_742 = tpu.sem_alloc : memref<!tpu.dma_semaphore, #tpu.memory_space<semaphore_mem>>
        %dma_start3A_743 = arith.constant 0 : i32
        %dma_start3A_744 = arith.constant 0 : i32
        %dma_start3A_745 = tpu.memref_slice %arg9[%run_scoped3A_740, %dma_start3A_743, %dma_start3A_744] : memref<2x128x24xf32, #tpu.memory_space<vmem>> -> memref<1x128x24xf32, #tpu.memory_space<vmem>>
        %dma_start3A_746 = tpu.memref_squeeze %dma_start3A_745 : memref<1x128x24xf32, #tpu.memory_space<vmem>> -> memref<128x24xf32, #tpu.memory_space<vmem>>
        %dma_start3A_747 = arith.constant 0 : i32
        %dma_start3A_748 = tpu.memref_slice %arg8[%run_scoped3A_741, %dma_start3A_747] : memref<28x128xi32, #tpu.memory_space<vmem>> -> memref<1x128xi32, #tpu.memory_space<vmem>>
        %dma_start3A_749 = tpu.memref_squeeze %dma_start3A_748 : memref<1x128xi32, #tpu.memory_space<vmem>> -> memref<128xi32, #tpu.memory_space<vmem>>
        %dma_start3A_750 = arith.constant 0 : i32
        %dma_start3A_751 = arith.constant 0 : i32
        %dma_start3A_752 = tpu.memref_slice %arg10[%dma_start3A_750, %dma_start3A_751] : memref<51200x24xf32, #tpu.memory_space<vmem_shared>> -> memref<51200x24xf32, #tpu.memory_space<vmem_shared>>
        tpu.enqueue_indirect_dma source(%dma_start3A_746 : memref<128x24xf32, #tpu.memory_space<vmem>>) target(%dma_start3A_752 : memref<51200x24xf32, #tpu.memory_space<vmem_shared>>) offsets(%dma_start3A_749 : memref<128xi32, #tpu.memory_space<vmem>>) semaphore(%run_scoped3A_742 : memref<!tpu.dma_semaphore, #tpu.memory_space<semaphore_mem>>) {add = true}
        %dma_wait3A_753 = arith.constant 0 : i32
        %dma_wait3A_754 = arith.constant 0 : i32
        %dma_wait3A_755 = tpu.memref_slice %arg9[%run_scoped3A_740, %dma_wait3A_753, %dma_wait3A_754] : memref<2x128x24xf32, #tpu.memory_space<vmem>> -> memref<1x128x24xf32, #tpu.memory_space<vmem>>
        %dma_wait3A_756 = tpu.memref_squeeze %dma_wait3A_755 : memref<1x128x24xf32, #tpu.memory_space<vmem>> -> memref<128x24xf32, #tpu.memory_space<vmem>>
        %dma_wait3A_757 = arith.constant 0 : i32
        %dma_wait3A_758 = tpu.memref_slice %arg8[%run_scoped3A_741, %dma_wait3A_757] : memref<28x128xi32, #tpu.memory_space<vmem>> -> memref<1x128xi32, #tpu.memory_space<vmem>>
        %dma_wait3A_759 = tpu.memref_squeeze %dma_wait3A_758 : memref<1x128xi32, #tpu.memory_space<vmem>> -> memref<128xi32, #tpu.memory_space<vmem>>
        %dma_wait3A_760 = arith.constant 0 : i32
        %dma_wait3A_761 = arith.constant 0 : i32
        %dma_wait3A_762 = tpu.memref_slice %arg10[%dma_wait3A_760, %dma_wait3A_761] : memref<51200x24xf32, #tpu.memory_space<vmem_shared>> -> memref<51200x24xf32, #tpu.memory_space<vmem_shared>>
        tpu.wait_indirect_dma semaphore(%run_scoped3A_742 : memref<!tpu.dma_semaphore, #tpu.memory_space<semaphore_mem>>) src(%dma_wait3A_756 : memref<128x24xf32, #tpu.memory_space<vmem>>) dst(%dma_wait3A_762 : memref<51200x24xf32, #tpu.memory_space<vmem_shared>>)
        tpu.yield
      }) : () -> ()
    }
    %scan3A_6 = arith.constant 7 : i32
    %barrier3A_7 = arith.constant 0 : index
    tpu.barrier barrier_id(%barrier3A_7)
    %mul3A_8 = arith.constant 3200 : i32
    %mul3A_9 = arith.muli %add3A, %mul3A_8 : i32
    %multiple_of3A = tpu.assume_multiple %mul3A_9, 3200 : i32
    %mul3A_10 = arith.constant 3200 : i32
    %mul3A_11 = arith.muli %arg1, %mul3A_10 : i32
    "tpu.region"() ({
      %run_scoped3A = tpu.sem_alloc : memref<!tpu.dma_semaphore, #tpu.memory_space<semaphore_mem>>
      %dma_start3A = arith.constant 0 : i32
      %dma_start3A_12 = tpu.memref_slice %arg6[%multiple_of3A, %dma_start3A] : memref<102400x24xf32, #tpu.memory_space<hbm>> -> memref<3200x24xf32, #tpu.memory_space<hbm>>
      %dma_start3A_13 = arith.constant 0 : i32
      %dma_start3A_14 = tpu.memref_slice %arg10[%mul3A_11, %dma_start3A_13] : memref<51200x24xf32, #tpu.memory_space<vmem_shared>> -> memref<3200x24xf32, #tpu.memory_space<vmem_shared>>
      tpu.enqueue_dma source(%dma_start3A_14 : memref<3200x24xf32, #tpu.memory_space<vmem_shared>>) target(%dma_start3A_12 : memref<3200x24xf32, #tpu.memory_space<hbm>>) target_semaphore(%run_scoped3A : memref<!tpu.dma_semaphore, #tpu.memory_space<semaphore_mem>>)
      %dma_wait3A = arith.constant 0 : i32
      %dma_wait3A_15 = tpu.memref_slice %arg6[%multiple_of3A, %dma_wait3A] : memref<102400x24xf32, #tpu.memory_space<hbm>> -> memref<3200x24xf32, #tpu.memory_space<hbm>>
      %dma_wait3A_16 = arith.constant 0 : i32
      %dma_wait3A_17 = tpu.memref_slice %arg10[%mul3A_11, %dma_wait3A_16] : memref<51200x24xf32, #tpu.memory_space<vmem_shared>> -> memref<3200x24xf32, #tpu.memory_space<vmem_shared>>
      tpu.wait_dma2 semaphore(%run_scoped3A : memref<!tpu.dma_semaphore, #tpu.memory_space<semaphore_mem>>) src(%dma_wait3A_17 : memref<3200x24xf32, #tpu.memory_space<vmem_shared>>) dst(%dma_wait3A_15 : memref<3200x24xf32, #tpu.memory_space<hbm>>)
      tpu.yield
    }) : () -> ()
    return
  }
}

module attributes {stable_mosaic.version = 14 : i64} {
  func.func @body(%arg0: i32, %arg1: memref<2x512xf32, #tpu.memory_space<vmem>>, %arg2: memref<512x24xf32, #tpu.memory_space<vmem>>, %arg3: memref<512x24xf32, #tpu.memory_space<vmem>>, %arg4: memref<512x1xf32, #tpu.memory_space<vmem>>) attributes {dimension_semantics = [#tpu.dimension_semantics<arbitrary>], iteration_bounds = array<i64: 100>, scalar_prefetch = 0 : i64, scratch_operands = 0 : i64, tpu.core_type = #tpu.core_type<tc>, window_params = [{transform_indices = @transform_0, window_bounds = array<i64: 2, 512>}, {transform_indices = @transform_1, window_bounds = array<i64: 512, 24>}, {transform_indices = @transform_2, window_bounds = array<i64: 512, 24>}, {transform_indices = @transform_3, window_bounds = array<i64: 512, 1>}]} {
    %get3A = arith.constant 0 : index
    %get3A_0 = arith.constant 0 : index
    %get3A_1 = vector.load %arg1[%get3A, %get3A_0] : memref<2x512xf32, #tpu.memory_space<vmem>>, vector<1x512xf32>
    %get3A_2 = vector.shape_cast %get3A_1 : vector<1x512xf32> to vector<512xf32>
    %get3A_3 = arith.constant 1 : index
    %get3A_4 = arith.constant 0 : index
    %get3A_5 = vector.load %arg1[%get3A_3, %get3A_4] : memref<2x512xf32, #tpu.memory_space<vmem>>, vector<1x512xf32>
    %get3A_6 = vector.shape_cast %get3A_5 : vector<1x512xf32> to vector<512xf32>
    %add3A = arith.addf %get3A_2, %get3A_6 : vector<512xf32>
    %add3A_7 = arith.constant 1.000000e+00 : f32
    %add3A_8 = vector.broadcast %add3A_7 : f32 to vector<512xf32>
    %add3A_9 = arith.addf %add3A, %add3A_8 : vector<512xf32>
    %rsqrt3A = math.rsqrt %add3A_9 : vector<512xf32>
    %get3A_10 = arith.constant 0 : index
    %get3A_11 = arith.constant 0 : index
    %get3A_12 = vector.load %arg2[%get3A_10, %get3A_11] : memref<512x24xf32, #tpu.memory_space<vmem>>, vector<512x24xf32>
    %broadcast_in_dim3A = vector.shape_cast %rsqrt3A : vector<512xf32> to vector<512x1xf32>
    %mul3A = vector.broadcast %broadcast_in_dim3A : vector<512x1xf32> to vector<512x24xf32>
    %mul3A_13 = arith.mulf %get3A_12, %mul3A : vector<512x24xf32>
    %swap3A = arith.constant 0 : index
    %swap3A_14 = arith.constant 0 : index
    %swap3A_15 = vector.load %arg3[%swap3A, %swap3A_14] : memref<512x24xf32, #tpu.memory_space<vmem>>, vector<512x24xf32>
    tpu.vector_store %arg3[%swap3A, %swap3A_14], %mul3A_13 {strides = array<i32>} : memref<512x24xf32, #tpu.memory_space<vmem>>, vector<512x24xf32>,
    %broadcast_in_dim3A_16 = vector.shape_cast %rsqrt3A : vector<512xf32> to vector<512x1xf32>
    %swap3A_17 = arith.constant 0 : index
    %swap3A_18 = arith.constant 0 : index
    %swap3A_19 = vector.load %arg4[%swap3A_17, %swap3A_18] : memref<512x1xf32, #tpu.memory_space<vmem>>, vector<512x1xf32>
    tpu.vector_store %arg4[%swap3A_17, %swap3A_18], %broadcast_in_dim3A_16 {strides = array<i32>} : memref<512x1xf32, #tpu.memory_space<vmem>>, vector<512x1xf32>,
    return
  }
  func.func @transform_0(%arg0: i32) -> (i32, i32) {
    %c0_i32 = arith.constant 0 : i32
    %c0_i32_0 = arith.constant 0 : i32
    return %c0_i32, %arg0 : i32, i32
  }
  func.func @transform_1(%arg0: i32) -> (i32, i32) {
    %c0_i32 = arith.constant 0 : i32
    %c0_i32_0 = arith.constant 0 : i32
    return %arg0, %c0_i32 : i32, i32
  }
  func.func @transform_2(%arg0: i32) -> (i32, i32) {
    %c0_i32 = arith.constant 0 : i32
    %c0_i32_0 = arith.constant 0 : i32
    return %arg0, %c0_i32 : i32, i32
  }
  func.func @transform_3(%arg0: i32) -> (i32, i32) {
    %c0_i32 = arith.constant 0 : i32
    %c0_i32_0 = arith.constant 0 : i32
    return %arg0, %c0_i32 : i32, i32
  }
}

module attributes {stable_mosaic.version = 14 : i64} {
  func.func @body(%arg0: i32, %arg1: memref<2x512x24xf32, #tpu.memory_space<vmem>>, %arg2: memref<512x24xf32, #tpu.memory_space<vmem>>, %arg3: memref<512x1xf32, #tpu.memory_space<vmem>>, %arg4: memref<3x2x32xf32, #tpu.memory_space<vmem>>, %arg5: memref<3x64x32xf32, #tpu.memory_space<vmem>>, %arg6: memref<3x32xf32, #tpu.memory_space<vmem>>, %arg7: memref<3x32xf32, #tpu.memory_space<vmem>>, %arg8: memref<1x12xf32, #tpu.memory_space<vmem>>, %arg9: memref<32x12xf32, #tpu.memory_space<vmem>>, %arg10: memref<1x12xf32, #tpu.memory_space<vmem>>, %arg11: memref<512x12xf32, #tpu.memory_space<vmem>>) attributes {dimension_semantics = [#tpu.dimension_semantics<arbitrary>], iteration_bounds = array<i64: 100>, scalar_prefetch = 0 : i64, scratch_operands = 0 : i64, tpu.core_type = #tpu.core_type<tc>, window_params = [{transform_indices = @transform_0, window_bounds = array<i64: 2, 512, 24>}, {transform_indices = @transform_1, window_bounds = array<i64: 512, 24>}, {transform_indices = @transform_2, window_bounds = array<i64: 512, 1>}, {pipeline_mode = #tpu.pipeline_mode<synchronous>, transform_indices = @transform_3, window_bounds = array<i64: 3, 2, 32>}, {pipeline_mode = #tpu.pipeline_mode<synchronous>, transform_indices = @transform_4, window_bounds = array<i64: 3, 64, 32>}, {pipeline_mode = #tpu.pipeline_mode<synchronous>, transform_indices = @transform_5, window_bounds = array<i64: 3, 32>}, {pipeline_mode = #tpu.pipeline_mode<synchronous>, transform_indices = @transform_6, window_bounds = array<i64: 3, 32>}, {pipeline_mode = #tpu.pipeline_mode<synchronous>, transform_indices = @transform_7, window_bounds = array<i64: 1, 12>}, {pipeline_mode = #tpu.pipeline_mode<synchronous>, transform_indices = @transform_8, window_bounds = array<i64: 32, 12>}, {pipeline_mode = #tpu.pipeline_mode<synchronous>, transform_indices = @transform_9, window_bounds = array<i64: 1, 12>}, {transform_indices = @transform_10, window_bounds = array<i64: 512, 12>}]} {
    %get3A = arith.constant 0 : index
    %get3A_0 = arith.constant 0 : index
    %get3A_1 = arith.constant 0 : index
    %get3A_2 = vector.load %arg1[%get3A, %get3A_0, %get3A_1] : memref<2x512x24xf32, #tpu.memory_space<vmem>>, vector<1x512x24xf32>
    %get3A_3 = vector.shape_cast %get3A_2 : vector<1x512x24xf32> to vector<512x24xf32>
    %get3A_4 = arith.constant 1 : index
    %get3A_5 = arith.constant 0 : index
    %get3A_6 = arith.constant 0 : index
    %get3A_7 = vector.load %arg1[%get3A_4, %get3A_5, %get3A_6] : memref<2x512x24xf32, #tpu.memory_space<vmem>>, vector<1x512x24xf32>
    %get3A_8 = vector.shape_cast %get3A_7 : vector<1x512x24xf32> to vector<512x24xf32>
    %add3A = arith.addf %get3A_3, %get3A_8 : vector<512x24xf32>
    %get3A_9 = arith.constant 0 : index
    %get3A_10 = arith.constant 0 : index
    %get3A_11 = vector.load %arg2[%get3A_9, %get3A_10] : memref<512x24xf32, #tpu.memory_space<vmem>>, vector<512x24xf32>
    %add3A_12 = arith.addf %add3A, %get3A_11 : vector<512x24xf32>
    %get3A_13 = arith.constant 0 : index
    %get3A_14 = arith.constant 0 : index
    %get3A_15 = vector.load %arg3[%get3A_13, %get3A_14] : memref<512x1xf32, #tpu.memory_space<vmem>>, vector<512x1xf32>
    %mul3A = vector.broadcast %get3A_15 : vector<512x1xf32> to vector<512x24xf32>
    %mul3A_16 = arith.mulf %add3A_12, %mul3A : vector<512x24xf32>
    %get3A_17 = arith.constant 0 : index
    %get3A_18 = arith.constant 0 : index
    %get3A_19 = vector.load %arg8[%get3A_17, %get3A_18] : memref<1x12xf32, #tpu.memory_space<vmem>>, vector<1x12xf32>
    %reduce_max3A = vector.shape_cast %get3A_19 : vector<1x12xf32> to vector<1x1x12xf32>
    %reduce_max3A_20 = arith.constant dense<0xFF800000> : vector<1xf32>
    %reduce_max3A_21 = vector.multi_reduction <maximumf>, %reduce_max3A, %reduce_max3A_20 [1, 2] : vector<1x1x12xf32> to vector<1xf32>
    %reduce_max3A_22 = vector.shape_cast %reduce_max3A_21 : vector<1xf32> to vector<1x1x1xf32>
    %reduce_max3A_23 = vector.extract %reduce_max3A_22[0, 0, 0] : f32 from vector<1x1x1xf32>
    %sub3A = vector.broadcast %reduce_max3A_23 : f32 to vector<1x12xf32>
    %sub3A_24 = arith.subf %get3A_19, %sub3A : vector<1x12xf32>
    %exp3A = math.exp %sub3A_24 : vector<1x12xf32>
    %reduce_sum3A = vector.shape_cast %exp3A : vector<1x12xf32> to vector<1x1x12xf32>
    %reduce_sum3A_25 = arith.constant dense<0.000000e+00> : vector<1xf32>
    %reduce_sum3A_26 = vector.multi_reduction <add>, %reduce_sum3A, %reduce_sum3A_25 [1, 2] : vector<1x1x12xf32> to vector<1xf32>
    %reduce_sum3A_27 = vector.shape_cast %reduce_sum3A_26 : vector<1xf32> to vector<1x1x1xf32>
    %reduce_sum3A_28 = vector.extract %reduce_sum3A_27[0, 0, 0] : f32 from vector<1x1x1xf32>
    %div3A = vector.broadcast %reduce_sum3A_28 : f32 to vector<1x12xf32>
    %div3A_29 = arith.divf %exp3A, %div3A : vector<1x12xf32>
    %get3A_30 = arith.constant 0 : index
    %get3A_31 = arith.constant 0 : index
    %get3A_32 = arith.constant 0 : index
    %get3A_33 = vector.load %arg4[%get3A_30, %get3A_31, %get3A_32] : memref<3x2x32xf32, #tpu.memory_space<vmem>>, vector<1x2x32xf32>
    %get3A_34 = vector.shape_cast %get3A_33 : vector<1x2x32xf32> to vector<2x32xf32>
    %get3A_35 = arith.constant 0 : index
    %get3A_36 = arith.constant 0 : index
    %get3A_37 = arith.constant 0 : index
    %get3A_38 = vector.load %arg5[%get3A_35, %get3A_36, %get3A_37] : memref<3x64x32xf32, #tpu.memory_space<vmem>>, vector<1x32x32xf32>
    %get3A_39 = vector.shape_cast %get3A_38 : vector<1x32x32xf32> to vector<32x32xf32>
    %dot_general3A = arith.constant dense<0.000000e+00> : vector<2x32xf32>
    %dot_general3A_40 = tpu.matmul %get3A_34, %get3A_39, %dot_general3A {dimension_numbers = #tpu.dot_dimension_numbers<[1], [0], [0], [1], [0, 0, 1, 1], [], []>, transpose_lhs_hint = false} : vector<2x32xf32>, vector<32x32xf32>, vector<2x32xf32> -> vector<2x32xf32>
    %get3A_41 = arith.constant 1 : index
    %get3A_42 = arith.constant 0 : index
    %get3A_43 = arith.constant 0 : index
    %get3A_44 = vector.load %arg4[%get3A_41, %get3A_42, %get3A_43] : memref<3x2x32xf32, #tpu.memory_space<vmem>>, vector<1x2x32xf32>
    %get3A_45 = vector.shape_cast %get3A_44 : vector<1x2x32xf32> to vector<2x32xf32>
    %get3A_46 = arith.constant 1 : index
    %get3A_47 = arith.constant 0 : index
    %get3A_48 = arith.constant 0 : index
    %get3A_49 = vector.load %arg5[%get3A_46, %get3A_47, %get3A_48] : memref<3x64x32xf32, #tpu.memory_space<vmem>>, vector<1x32x32xf32>
    %get3A_50 = vector.shape_cast %get3A_49 : vector<1x32x32xf32> to vector<32x32xf32>
    %dot_general3A_51 = arith.constant dense<0.000000e+00> : vector<2x32xf32>
    %dot_general3A_52 = tpu.matmul %get3A_45, %get3A_50, %dot_general3A_51 {dimension_numbers = #tpu.dot_dimension_numbers<[1], [0], [0], [1], [0, 0, 1, 1], [], []>, transpose_lhs_hint = false} : vector<2x32xf32>, vector<32x32xf32>, vector<2x32xf32> -> vector<2x32xf32>
    %get3A_53 = arith.constant 2 : index
    %get3A_54 = arith.constant 0 : index
    %get3A_55 = arith.constant 0 : index
    %get3A_56 = vector.load %arg4[%get3A_53, %get3A_54, %get3A_55] : memref<3x2x32xf32, #tpu.memory_space<vmem>>, vector<1x2x32xf32>
    %get3A_57 = vector.shape_cast %get3A_56 : vector<1x2x32xf32> to vector<2x32xf32>
    %get3A_58 = arith.constant 2 : index
    %get3A_59 = arith.constant 0 : index
    %get3A_60 = arith.constant 0 : index
    %get3A_61 = vector.load %arg5[%get3A_58, %get3A_59, %get3A_60] : memref<3x64x32xf32, #tpu.memory_space<vmem>>, vector<1x32x32xf32>
    %get3A_62 = vector.shape_cast %get3A_61 : vector<1x32x32xf32> to vector<32x32xf32>
    %dot_general3A_63 = arith.constant dense<0.000000e+00> : vector<2x32xf32>
    %dot_general3A_64 = tpu.matmul %get3A_57, %get3A_62, %dot_general3A_63 {dimension_numbers = #tpu.dot_dimension_numbers<[1], [0], [0], [1], [0, 0, 1, 1], [], []>, transpose_lhs_hint = false} : vector<2x32xf32>, vector<32x32xf32>, vector<2x32xf32> -> vector<2x32xf32>
    %get3A_65 = arith.constant 0 : index
    %get3A_66 = arith.constant 0 : index
    %get3A_67 = vector.load %arg6[%get3A_65, %get3A_66] : memref<3x32xf32, #tpu.memory_space<vmem>>, vector<1x32xf32>
    %get3A_68 = arith.constant 0 : index
    %get3A_69 = arith.constant 0 : index
    %get3A_70 = arith.constant 0 : index
    %get3A_71 = vector.load %arg5[%get3A_68, %get3A_69, %get3A_70] : memref<3x64x32xf32, #tpu.memory_space<vmem>>, vector<1x32x32xf32>
    %get3A_72 = vector.shape_cast %get3A_71 : vector<1x32x32xf32> to vector<32x32xf32>
    %dot_general3A_73 = arith.constant dense<0.000000e+00> : vector<1x32xf32>
    %dot_general3A_74 = tpu.matmul %get3A_67, %get3A_72, %dot_general3A_73 {dimension_numbers = #tpu.dot_dimension_numbers<[1], [0], [0], [1], [0, 0, 1, 1], [], []>, transpose_lhs_hint = false} : vector<1x32xf32>, vector<32x32xf32>, vector<1x32xf32> -> vector<1x32xf32>
    %get3A_75 = arith.constant 0 : index
    %get3A_76 = arith.constant 0 : index
    %get3A_77 = vector.load %arg7[%get3A_75, %get3A_76] : memref<3x32xf32, #tpu.memory_space<vmem>>, vector<1x32xf32>
    %add3A_78 = arith.addf %dot_general3A_74, %get3A_77 : vector<1x32xf32>
    %get3A_79 = arith.constant 1 : index
    %get3A_80 = arith.constant 0 : index
    %get3A_81 = vector.load %arg6[%get3A_79, %get3A_80] : memref<3x32xf32, #tpu.memory_space<vmem>>, vector<1x32xf32>
    %get3A_82 = arith.constant 1 : index
    %get3A_83 = arith.constant 0 : index
    %get3A_84 = arith.constant 0 : index
    %get3A_85 = vector.load %arg5[%get3A_82, %get3A_83, %get3A_84] : memref<3x64x32xf32, #tpu.memory_space<vmem>>, vector<1x32x32xf32>
    %get3A_86 = vector.shape_cast %get3A_85 : vector<1x32x32xf32> to vector<32x32xf32>
    %dot_general3A_87 = arith.constant dense<0.000000e+00> : vector<1x32xf32>
    %dot_general3A_88 = tpu.matmul %get3A_81, %get3A_86, %dot_general3A_87 {dimension_numbers = #tpu.dot_dimension_numbers<[1], [0], [0], [1], [0, 0, 1, 1], [], []>, transpose_lhs_hint = false} : vector<1x32xf32>, vector<32x32xf32>, vector<1x32xf32> -> vector<1x32xf32>
    %get3A_89 = arith.constant 1 : index
    %get3A_90 = arith.constant 0 : index
    %get3A_91 = vector.load %arg7[%get3A_89, %get3A_90] : memref<3x32xf32, #tpu.memory_space<vmem>>, vector<1x32xf32>
    %add3A_92 = arith.addf %dot_general3A_88, %get3A_91 : vector<1x32xf32>
    %get3A_93 = arith.constant 2 : index
    %get3A_94 = arith.constant 0 : index
    %get3A_95 = vector.load %arg6[%get3A_93, %get3A_94] : memref<3x32xf32, #tpu.memory_space<vmem>>, vector<1x32xf32>
    %get3A_96 = arith.constant 2 : index
    %get3A_97 = arith.constant 0 : index
    %get3A_98 = arith.constant 0 : index
    %get3A_99 = vector.load %arg5[%get3A_96, %get3A_97, %get3A_98] : memref<3x64x32xf32, #tpu.memory_space<vmem>>, vector<1x32x32xf32>
    %get3A_100 = vector.shape_cast %get3A_99 : vector<1x32x32xf32> to vector<32x32xf32>
    %dot_general3A_101 = arith.constant dense<0.000000e+00> : vector<1x32xf32>
    %dot_general3A_102 = tpu.matmul %get3A_95, %get3A_100, %dot_general3A_101 {dimension_numbers = #tpu.dot_dimension_numbers<[1], [0], [0], [1], [0, 0, 1, 1], [], []>, transpose_lhs_hint = false} : vector<1x32xf32>, vector<32x32xf32>, vector<1x32xf32> -> vector<1x32xf32>
    %get3A_103 = arith.constant 2 : index
    %get3A_104 = arith.constant 0 : index
    %get3A_105 = vector.load %arg7[%get3A_103, %get3A_104] : memref<3x32xf32, #tpu.memory_space<vmem>>, vector<1x32xf32>
    %add3A_106 = arith.addf %dot_general3A_102, %get3A_105 : vector<1x32xf32>
    %get3A_107 = arith.constant 0 : index
    %get3A_108 = arith.constant 32 : index
    %get3A_109 = arith.constant 0 : index
    %get3A_110 = vector.load %arg5[%get3A_107, %get3A_108, %get3A_109] : memref<3x64x32xf32, #tpu.memory_space<vmem>>, vector<1x32x32xf32>
    %get3A_111 = vector.shape_cast %get3A_110 : vector<1x32x32xf32> to vector<32x32xf32>
    %get3A_112 = arith.constant 1 : index
    %get3A_113 = arith.constant 32 : index
    %get3A_114 = arith.constant 0 : index
    %get3A_115 = vector.load %arg5[%get3A_112, %get3A_113, %get3A_114] : memref<3x64x32xf32, #tpu.memory_space<vmem>>, vector<1x32x32xf32>
    %get3A_116 = vector.shape_cast %get3A_115 : vector<1x32x32xf32> to vector<32x32xf32>
    %concatenate3A = tpu.concatenate %get3A_111, %get3A_116 in 1 : vector<32x32xf32>, vector<32x32xf32> -> vector<32x64xf32>
    %get3A_117 = arith.constant 2 : index
    %get3A_118 = arith.constant 32 : index
    %get3A_119 = arith.constant 0 : index
    %get3A_120 = vector.load %arg5[%get3A_117, %get3A_118, %get3A_119] : memref<3x64x32xf32, #tpu.memory_space<vmem>>, vector<1x32x32xf32>
    %get3A_121 = vector.shape_cast %get3A_120 : vector<1x32x32xf32> to vector<32x32xf32>
    %broadcast_in_dim3A = arith.constant 0.000000e+00 : f32
    %broadcast_in_dim3A_122 = vector.broadcast %broadcast_in_dim3A : f32 to vector<512x32xf32>
    %broadcast_in_dim3A_123 = arith.constant 0.000000e+00 : f32
    %broadcast_in_dim3A_124 = vector.broadcast %broadcast_in_dim3A_123 : f32 to vector<512x32xf32>
    %slice3A = vector.extract_strided_slice %mul3A_16 {offsets = [0, 0], sizes = [512, 1], strides = [1, 1]} : vector<512x24xf32> to vector<512x1xf32>
    %slice3A_125 = vector.extract_strided_slice %mul3A_16 {offsets = [0, 12], sizes = [512, 1], strides = [1, 1]} : vector<512x24xf32> to vector<512x1xf32>
    %slice3A_126 = vector.extract_strided_slice %dot_general3A_40 {offsets = [0, 0], sizes = [1, 32], strides = [1, 1]} : vector<2x32xf32> to vector<1x32xf32>
    %mul3A_127 = vector.broadcast %slice3A : vector<512x1xf32> to vector<512x32xf32>
    %mul3A_128 = vector.broadcast %slice3A_126 : vector<1x32xf32> to vector<512x32xf32>
    %mul3A_129 = arith.mulf %mul3A_127, %mul3A_128 : vector<512x32xf32>
    %slice3A_130 = vector.extract_strided_slice %dot_general3A_40 {offsets = [1, 0], sizes = [1, 32], strides = [1, 1]} : vector<2x32xf32> to vector<1x32xf32>
    %mul3A_131 = vector.broadcast %slice3A_125 : vector<512x1xf32> to vector<512x32xf32>
    %mul3A_132 = vector.broadcast %slice3A_130 : vector<1x32xf32> to vector<512x32xf32>
    %mul3A_133 = arith.mulf %mul3A_131, %mul3A_132 : vector<512x32xf32>
    %add3A_134 = arith.addf %mul3A_129, %mul3A_133 : vector<512x32xf32>
    %add3A_135 = vector.broadcast %add3A_78 : vector<1x32xf32> to vector<512x32xf32>
    %add3A_136 = arith.addf %add3A_134, %add3A_135 : vector<512x32xf32>
    %slice3A_137 = vector.extract_strided_slice %dot_general3A_52 {offsets = [0, 0], sizes = [1, 32], strides = [1, 1]} : vector<2x32xf32> to vector<1x32xf32>
    %mul3A_138 = vector.broadcast %slice3A : vector<512x1xf32> to vector<512x32xf32>
    %mul3A_139 = vector.broadcast %slice3A_137 : vector<1x32xf32> to vector<512x32xf32>
    %mul3A_140 = arith.mulf %mul3A_138, %mul3A_139 : vector<512x32xf32>
    %slice3A_141 = vector.extract_strided_slice %dot_general3A_52 {offsets = [1, 0], sizes = [1, 32], strides = [1, 1]} : vector<2x32xf32> to vector<1x32xf32>
    %mul3A_142 = vector.broadcast %slice3A_125 : vector<512x1xf32> to vector<512x32xf32>
    %mul3A_143 = vector.broadcast %slice3A_141 : vector<1x32xf32> to vector<512x32xf32>
    %mul3A_144 = arith.mulf %mul3A_142, %mul3A_143 : vector<512x32xf32>
    %add3A_145 = arith.addf %mul3A_140, %mul3A_144 : vector<512x32xf32>
    %add3A_146 = vector.broadcast %add3A_92 : vector<1x32xf32> to vector<512x32xf32>
    %add3A_147 = arith.addf %add3A_145, %add3A_146 : vector<512x32xf32>
    %slice3A_148 = vector.extract_strided_slice %dot_general3A_64 {offsets = [0, 0], sizes = [1, 32], strides = [1, 1]} : vector<2x32xf32> to vector<1x32xf32>
    %mul3A_149 = vector.broadcast %slice3A : vector<512x1xf32> to vector<512x32xf32>
    %mul3A_150 = vector.broadcast %slice3A_148 : vector<1x32xf32> to vector<512x32xf32>
    %mul3A_151 = arith.mulf %mul3A_149, %mul3A_150 : vector<512x32xf32>
    %slice3A_152 = vector.extract_strided_slice %dot_general3A_64 {offsets = [1, 0], sizes = [1, 32], strides = [1, 1]} : vector<2x32xf32> to vector<1x32xf32>
    %mul3A_153 = vector.broadcast %slice3A_125 : vector<512x1xf32> to vector<512x32xf32>
    %mul3A_154 = vector.broadcast %slice3A_152 : vector<1x32xf32> to vector<512x32xf32>
    %mul3A_155 = arith.mulf %mul3A_153, %mul3A_154 : vector<512x32xf32>
    %add3A_156 = arith.addf %mul3A_151, %mul3A_155 : vector<512x32xf32>
    %add3A_157 = vector.broadcast %add3A_106 : vector<1x32xf32> to vector<512x32xf32>
    %add3A_158 = arith.addf %add3A_156, %add3A_157 : vector<512x32xf32>
    %dot_general3A_159 = arith.constant dense<0.000000e+00> : vector<512x64xf32>
    %dot_general3A_160 = tpu.matmul %broadcast_in_dim3A_122, %concatenate3A, %dot_general3A_159 {dimension_numbers = #tpu.dot_dimension_numbers<[1], [0], [0], [1], [0, 0, 1, 1], [], []>, transpose_lhs_hint = false} : vector<512x32xf32>, vector<32x64xf32>, vector<512x64xf32> -> vector<512x64xf32>
    %slice3A_161 = vector.extract_strided_slice %dot_general3A_160 {offsets = [0, 0], sizes = [512, 32], strides = [1, 1]} : vector<512x64xf32> to vector<512x32xf32>
    %add3A_162 = arith.addf %slice3A_161, %add3A_136 : vector<512x32xf32>
    %logistic3A = arith.negf %add3A_162 : vector<512x32xf32>
    %logistic3A_163 = math.exp %logistic3A : vector<512x32xf32>
    %logistic3A_164 = arith.constant 1.000000e+00 : f32
    %logistic3A_165 = vector.broadcast %logistic3A_164 : f32 to vector<512x32xf32>
    %logistic3A_166 = arith.addf %logistic3A_165, %logistic3A_163 : vector<512x32xf32>
    %logistic3A_167 = arith.divf %logistic3A_165, %logistic3A_166 : vector<512x32xf32>
    %slice3A_168 = vector.extract_strided_slice %dot_general3A_160 {offsets = [0, 32], sizes = [512, 32], strides = [1, 1]} : vector<512x64xf32> to vector<512x32xf32>
    %add3A_169 = arith.addf %slice3A_168, %add3A_147 : vector<512x32xf32>
    %logistic3A_170 = arith.negf %add3A_169 : vector<512x32xf32>
    %logistic3A_171 = math.exp %logistic3A_170 : vector<512x32xf32>
    %logistic3A_172 = arith.constant 1.000000e+00 : f32
    %logistic3A_173 = vector.broadcast %logistic3A_172 : f32 to vector<512x32xf32>
    %logistic3A_174 = arith.addf %logistic3A_173, %logistic3A_171 : vector<512x32xf32>
    %logistic3A_175 = arith.divf %logistic3A_173, %logistic3A_174 : vector<512x32xf32>
    %mul3A_176 = arith.mulf %broadcast_in_dim3A_122, %logistic3A_175 : vector<512x32xf32>
    %dot_general3A_177 = arith.constant dense<0.000000e+00> : vector<512x32xf32>
    %dot_general3A_178 = tpu.matmul %mul3A_176, %get3A_121, %dot_general3A_177 {dimension_numbers = #tpu.dot_dimension_numbers<[1], [0], [0], [1], [0, 0, 1, 1], [], []>, transpose_lhs_hint = false} : vector<512x32xf32>, vector<32x32xf32>, vector<512x32xf32> -> vector<512x32xf32>
    %add3A_179 = arith.addf %dot_general3A_178, %add3A_158 : vector<512x32xf32>
    %tanh3A = math.tanh %add3A_179 : vector<512x32xf32>
    %mul3A_180 = arith.mulf %logistic3A_167, %broadcast_in_dim3A_122 : vector<512x32xf32>
    %sub3A_181 = arith.constant 1.000000e+00 : f32
    %sub3A_182 = vector.broadcast %sub3A_181 : f32 to vector<512x32xf32>
    %sub3A_183 = arith.subf %sub3A_182, %logistic3A_167 : vector<512x32xf32>
    %mul3A_184 = arith.mulf %sub3A_183, %tanh3A : vector<512x32xf32>
    %add3A_185 = arith.addf %mul3A_180, %mul3A_184 : vector<512x32xf32>
    %slice3A_186 = vector.extract_strided_slice %div3A_29 {offsets = [0, 0], sizes = [1, 1], strides = [1, 1]} : vector<1x12xf32> to vector<1x1xf32>
    %mul3A_187 = vector.broadcast %slice3A_186 : vector<1x1xf32> to vector<512x32xf32>
    %mul3A_188 = arith.mulf %mul3A_187, %add3A_185 : vector<512x32xf32>
    %add3A_189 = arith.addf %broadcast_in_dim3A_124, %mul3A_188 : vector<512x32xf32>
    %slice3A_190 = vector.extract_strided_slice %mul3A_16 {offsets = [0, 1], sizes = [512, 1], strides = [1, 1]} : vector<512x24xf32> to vector<512x1xf32>
    %slice3A_191 = vector.extract_strided_slice %mul3A_16 {offsets = [0, 13], sizes = [512, 1], strides = [1, 1]} : vector<512x24xf32> to vector<512x1xf32>
    %slice3A_192 = vector.extract_strided_slice %dot_general3A_40 {offsets = [0, 0], sizes = [1, 32], strides = [1, 1]} : vector<2x32xf32> to vector<1x32xf32>
    %mul3A_193 = vector.broadcast %slice3A_190 : vector<512x1xf32> to vector<512x32xf32>
    %mul3A_194 = vector.broadcast %slice3A_192 : vector<1x32xf32> to vector<512x32xf32>
    %mul3A_195 = arith.mulf %mul3A_193, %mul3A_194 : vector<512x32xf32>
    %slice3A_196 = vector.extract_strided_slice %dot_general3A_40 {offsets = [1, 0], sizes = [1, 32], strides = [1, 1]} : vector<2x32xf32> to vector<1x32xf32>
    %mul3A_197 = vector.broadcast %slice3A_191 : vector<512x1xf32> to vector<512x32xf32>
    %mul3A_198 = vector.broadcast %slice3A_196 : vector<1x32xf32> to vector<512x32xf32>
    %mul3A_199 = arith.mulf %mul3A_197, %mul3A_198 : vector<512x32xf32>
    %add3A_200 = arith.addf %mul3A_195, %mul3A_199 : vector<512x32xf32>
    %add3A_201 = vector.broadcast %add3A_78 : vector<1x32xf32> to vector<512x32xf32>
    %add3A_202 = arith.addf %add3A_200, %add3A_201 : vector<512x32xf32>
    %slice3A_203 = vector.extract_strided_slice %dot_general3A_52 {offsets = [0, 0], sizes = [1, 32], strides = [1, 1]} : vector<2x32xf32> to vector<1x32xf32>
    %mul3A_204 = vector.broadcast %slice3A_190 : vector<512x1xf32> to vector<512x32xf32>
    %mul3A_205 = vector.broadcast %slice3A_203 : vector<1x32xf32> to vector<512x32xf32>
    %mul3A_206 = arith.mulf %mul3A_204, %mul3A_205 : vector<512x32xf32>
    %slice3A_207 = vector.extract_strided_slice %dot_general3A_52 {offsets = [1, 0], sizes = [1, 32], strides = [1, 1]} : vector<2x32xf32> to vector<1x32xf32>
    %mul3A_208 = vector.broadcast %slice3A_191 : vector<512x1xf32> to vector<512x32xf32>
    %mul3A_209 = vector.broadcast %slice3A_207 : vector<1x32xf32> to vector<512x32xf32>
    %mul3A_210 = arith.mulf %mul3A_208, %mul3A_209 : vector<512x32xf32>
    %add3A_211 = arith.addf %mul3A_206, %mul3A_210 : vector<512x32xf32>
    %add3A_212 = vector.broadcast %add3A_92 : vector<1x32xf32> to vector<512x32xf32>
    %add3A_213 = arith.addf %add3A_211, %add3A_212 : vector<512x32xf32>
    %slice3A_214 = vector.extract_strided_slice %dot_general3A_64 {offsets = [0, 0], sizes = [1, 32], strides = [1, 1]} : vector<2x32xf32> to vector<1x32xf32>
    %mul3A_215 = vector.broadcast %slice3A_190 : vector<512x1xf32> to vector<512x32xf32>
    %mul3A_216 = vector.broadcast %slice3A_214 : vector<1x32xf32> to vector<512x32xf32>
    %mul3A_217 = arith.mulf %mul3A_215, %mul3A_216 : vector<512x32xf32>
    %slice3A_218 = vector.extract_strided_slice %dot_general3A_64 {offsets = [1, 0], sizes = [1, 32], strides = [1, 1]} : vector<2x32xf32> to vector<1x32xf32>
    %mul3A_219 = vector.broadcast %slice3A_191 : vector<512x1xf32> to vector<512x32xf32>
    %mul3A_220 = vector.broadcast %slice3A_218 : vector<1x32xf32> to vector<512x32xf32>
    %mul3A_221 = arith.mulf %mul3A_219, %mul3A_220 : vector<512x32xf32>
    %add3A_222 = arith.addf %mul3A_217, %mul3A_221 : vector<512x32xf32>
    %add3A_223 = vector.broadcast %add3A_106 : vector<1x32xf32> to vector<512x32xf32>
    %add3A_224 = arith.addf %add3A_222, %add3A_223 : vector<512x32xf32>
    %dot_general3A_225 = arith.constant dense<0.000000e+00> : vector<512x64xf32>
    %dot_general3A_226 = tpu.matmul %add3A_185, %concatenate3A, %dot_general3A_225 {dimension_numbers = #tpu.dot_dimension_numbers<[1], [0], [0], [1], [0, 0, 1, 1], [], []>, transpose_lhs_hint = false} : vector<512x32xf32>, vector<32x64xf32>, vector<512x64xf32> -> vector<512x64xf32>
    %slice3A_227 = vector.extract_strided_slice %dot_general3A_226 {offsets = [0, 0], sizes = [512, 32], strides = [1, 1]} : vector<512x64xf32> to vector<512x32xf32>
    %add3A_228 = arith.addf %slice3A_227, %add3A_202 : vector<512x32xf32>
    %logistic3A_229 = arith.negf %add3A_228 : vector<512x32xf32>
    %logistic3A_230 = math.exp %logistic3A_229 : vector<512x32xf32>
    %logistic3A_231 = arith.constant 1.000000e+00 : f32
    %logistic3A_232 = vector.broadcast %logistic3A_231 : f32 to vector<512x32xf32>
    %logistic3A_233 = arith.addf %logistic3A_232, %logistic3A_230 : vector<512x32xf32>
    %logistic3A_234 = arith.divf %logistic3A_232, %logistic3A_233 : vector<512x32xf32>
    %slice3A_235 = vector.extract_strided_slice %dot_general3A_226 {offsets = [0, 32], sizes = [512, 32], strides = [1, 1]} : vector<512x64xf32> to vector<512x32xf32>
    %add3A_236 = arith.addf %slice3A_235, %add3A_213 : vector<512x32xf32>
    %logistic3A_237 = arith.negf %add3A_236 : vector<512x32xf32>
    %logistic3A_238 = math.exp %logistic3A_237 : vector<512x32xf32>
    %logistic3A_239 = arith.constant 1.000000e+00 : f32
    %logistic3A_240 = vector.broadcast %logistic3A_239 : f32 to vector<512x32xf32>
    %logistic3A_241 = arith.addf %logistic3A_240, %logistic3A_238 : vector<512x32xf32>
    %logistic3A_242 = arith.divf %logistic3A_240, %logistic3A_241 : vector<512x32xf32>
    %mul3A_243 = arith.mulf %add3A_185, %logistic3A_242 : vector<512x32xf32>
    %dot_general3A_244 = arith.constant dense<0.000000e+00> : vector<512x32xf32>
    %dot_general3A_245 = tpu.matmul %mul3A_243, %get3A_121, %dot_general3A_244 {dimension_numbers = #tpu.dot_dimension_numbers<[1], [0], [0], [1], [0, 0, 1, 1], [], []>, transpose_lhs_hint = false} : vector<512x32xf32>, vector<32x32xf32>, vector<512x32xf32> -> vector<512x32xf32>
    %add3A_246 = arith.addf %dot_general3A_245, %add3A_224 : vector<512x32xf32>
    %tanh3A_247 = math.tanh %add3A_246 : vector<512x32xf32>
    %mul3A_248 = arith.mulf %logistic3A_234, %add3A_185 : vector<512x32xf32>
    %sub3A_249 = arith.constant 1.000000e+00 : f32
    %sub3A_250 = vector.broadcast %sub3A_249 : f32 to vector<512x32xf32>
    %sub3A_251 = arith.subf %sub3A_250, %logistic3A_234 : vector<512x32xf32>
    %mul3A_252 = arith.mulf %sub3A_251, %tanh3A_247 : vector<512x32xf32>
    %add3A_253 = arith.addf %mul3A_248, %mul3A_252 : vector<512x32xf32>
    %slice3A_254 = vector.extract_strided_slice %div3A_29 {offsets = [0, 1], sizes = [1, 1], strides = [1, 1]} : vector<1x12xf32> to vector<1x1xf32>
    %mul3A_255 = vector.broadcast %slice3A_254 : vector<1x1xf32> to vector<512x32xf32>
    %mul3A_256 = arith.mulf %mul3A_255, %add3A_253 : vector<512x32xf32>
    %add3A_257 = arith.addf %add3A_189, %mul3A_256 : vector<512x32xf32>
    %slice3A_258 = vector.extract_strided_slice %mul3A_16 {offsets = [0, 2], sizes = [512, 1], strides = [1, 1]} : vector<512x24xf32> to vector<512x1xf32>
    %slice3A_259 = vector.extract_strided_slice %mul3A_16 {offsets = [0, 14], sizes = [512, 1], strides = [1, 1]} : vector<512x24xf32> to vector<512x1xf32>
    %slice3A_260 = vector.extract_strided_slice %dot_general3A_40 {offsets = [0, 0], sizes = [1, 32], strides = [1, 1]} : vector<2x32xf32> to vector<1x32xf32>
    %mul3A_261 = vector.broadcast %slice3A_258 : vector<512x1xf32> to vector<512x32xf32>
    %mul3A_262 = vector.broadcast %slice3A_260 : vector<1x32xf32> to vector<512x32xf32>
    %mul3A_263 = arith.mulf %mul3A_261, %mul3A_262 : vector<512x32xf32>
    %slice3A_264 = vector.extract_strided_slice %dot_general3A_40 {offsets = [1, 0], sizes = [1, 32], strides = [1, 1]} : vector<2x32xf32> to vector<1x32xf32>
    %mul3A_265 = vector.broadcast %slice3A_259 : vector<512x1xf32> to vector<512x32xf32>
    %mul3A_266 = vector.broadcast %slice3A_264 : vector<1x32xf32> to vector<512x32xf32>
    %mul3A_267 = arith.mulf %mul3A_265, %mul3A_266 : vector<512x32xf32>
    %add3A_268 = arith.addf %mul3A_263, %mul3A_267 : vector<512x32xf32>
    %add3A_269 = vector.broadcast %add3A_78 : vector<1x32xf32> to vector<512x32xf32>
    %add3A_270 = arith.addf %add3A_268, %add3A_269 : vector<512x32xf32>
    %slice3A_271 = vector.extract_strided_slice %dot_general3A_52 {offsets = [0, 0], sizes = [1, 32], strides = [1, 1]} : vector<2x32xf32> to vector<1x32xf32>
    %mul3A_272 = vector.broadcast %slice3A_258 : vector<512x1xf32> to vector<512x32xf32>
    %mul3A_273 = vector.broadcast %slice3A_271 : vector<1x32xf32> to vector<512x32xf32>
    %mul3A_274 = arith.mulf %mul3A_272, %mul3A_273 : vector<512x32xf32>
    %slice3A_275 = vector.extract_strided_slice %dot_general3A_52 {offsets = [1, 0], sizes = [1, 32], strides = [1, 1]} : vector<2x32xf32> to vector<1x32xf32>
    %mul3A_276 = vector.broadcast %slice3A_259 : vector<512x1xf32> to vector<512x32xf32>
    %mul3A_277 = vector.broadcast %slice3A_275 : vector<1x32xf32> to vector<512x32xf32>
    %mul3A_278 = arith.mulf %mul3A_276, %mul3A_277 : vector<512x32xf32>
    %add3A_279 = arith.addf %mul3A_274, %mul3A_278 : vector<512x32xf32>
    %add3A_280 = vector.broadcast %add3A_92 : vector<1x32xf32> to vector<512x32xf32>
    %add3A_281 = arith.addf %add3A_279, %add3A_280 : vector<512x32xf32>
    %slice3A_282 = vector.extract_strided_slice %dot_general3A_64 {offsets = [0, 0], sizes = [1, 32], strides = [1, 1]} : vector<2x32xf32> to vector<1x32xf32>
    %mul3A_283 = vector.broadcast %slice3A_258 : vector<512x1xf32> to vector<512x32xf32>
    %mul3A_284 = vector.broadcast %slice3A_282 : vector<1x32xf32> to vector<512x32xf32>
    %mul3A_285 = arith.mulf %mul3A_283, %mul3A_284 : vector<512x32xf32>
    %slice3A_286 = vector.extract_strided_slice %dot_general3A_64 {offsets = [1, 0], sizes = [1, 32], strides = [1, 1]} : vector<2x32xf32> to vector<1x32xf32>
    %mul3A_287 = vector.broadcast %slice3A_259 : vector<512x1xf32> to vector<512x32xf32>
    %mul3A_288 = vector.broadcast %slice3A_286 : vector<1x32xf32> to vector<512x32xf32>
    %mul3A_289 = arith.mulf %mul3A_287, %mul3A_288 : vector<512x32xf32>
    %add3A_290 = arith.addf %mul3A_285, %mul3A_289 : vector<512x32xf32>
    %add3A_291 = vector.broadcast %add3A_106 : vector<1x32xf32> to vector<512x32xf32>
    %add3A_292 = arith.addf %add3A_290, %add3A_291 : vector<512x32xf32>
    %dot_general3A_293 = arith.constant dense<0.000000e+00> : vector<512x64xf32>
    %dot_general3A_294 = tpu.matmul %add3A_253, %concatenate3A, %dot_general3A_293 {dimension_numbers = #tpu.dot_dimension_numbers<[1], [0], [0], [1], [0, 0, 1, 1], [], []>, transpose_lhs_hint = false} : vector<512x32xf32>, vector<32x64xf32>, vector<512x64xf32> -> vector<512x64xf32>
    %slice3A_295 = vector.extract_strided_slice %dot_general3A_294 {offsets = [0, 0], sizes = [512, 32], strides = [1, 1]} : vector<512x64xf32> to vector<512x32xf32>
    %add3A_296 = arith.addf %slice3A_295, %add3A_270 : vector<512x32xf32>
    %logistic3A_297 = arith.negf %add3A_296 : vector<512x32xf32>
    %logistic3A_298 = math.exp %logistic3A_297 : vector<512x32xf32>
    %logistic3A_299 = arith.constant 1.000000e+00 : f32
    %logistic3A_300 = vector.broadcast %logistic3A_299 : f32 to vector<512x32xf32>
    %logistic3A_301 = arith.addf %logistic3A_300, %logistic3A_298 : vector<512x32xf32>
    %logistic3A_302 = arith.divf %logistic3A_300, %logistic3A_301 : vector<512x32xf32>
    %slice3A_303 = vector.extract_strided_slice %dot_general3A_294 {offsets = [0, 32], sizes = [512, 32], strides = [1, 1]} : vector<512x64xf32> to vector<512x32xf32>
    %add3A_304 = arith.addf %slice3A_303, %add3A_281 : vector<512x32xf32>
    %logistic3A_305 = arith.negf %add3A_304 : vector<512x32xf32>
    %logistic3A_306 = math.exp %logistic3A_305 : vector<512x32xf32>
    %logistic3A_307 = arith.constant 1.000000e+00 : f32
    %logistic3A_308 = vector.broadcast %logistic3A_307 : f32 to vector<512x32xf32>
    %logistic3A_309 = arith.addf %logistic3A_308, %logistic3A_306 : vector<512x32xf32>
    %logistic3A_310 = arith.divf %logistic3A_308, %logistic3A_309 : vector<512x32xf32>
    %mul3A_311 = arith.mulf %add3A_253, %logistic3A_310 : vector<512x32xf32>
    %dot_general3A_312 = arith.constant dense<0.000000e+00> : vector<512x32xf32>
    %dot_general3A_313 = tpu.matmul %mul3A_311, %get3A_121, %dot_general3A_312 {dimension_numbers = #tpu.dot_dimension_numbers<[1], [0], [0], [1], [0, 0, 1, 1], [], []>, transpose_lhs_hint = false} : vector<512x32xf32>, vector<32x32xf32>, vector<512x32xf32> -> vector<512x32xf32>
    %add3A_314 = arith.addf %dot_general3A_313, %add3A_292 : vector<512x32xf32>
    %tanh3A_315 = math.tanh %add3A_314 : vector<512x32xf32>
    %mul3A_316 = arith.mulf %logistic3A_302, %add3A_253 : vector<512x32xf32>
    %sub3A_317 = arith.constant 1.000000e+00 : f32
    %sub3A_318 = vector.broadcast %sub3A_317 : f32 to vector<512x32xf32>
    %sub3A_319 = arith.subf %sub3A_318, %logistic3A_302 : vector<512x32xf32>
    %mul3A_320 = arith.mulf %sub3A_319, %tanh3A_315 : vector<512x32xf32>
    %add3A_321 = arith.addf %mul3A_316, %mul3A_320 : vector<512x32xf32>
    %slice3A_322 = vector.extract_strided_slice %div3A_29 {offsets = [0, 2], sizes = [1, 1], strides = [1, 1]} : vector<1x12xf32> to vector<1x1xf32>
    %mul3A_323 = vector.broadcast %slice3A_322 : vector<1x1xf32> to vector<512x32xf32>
    %mul3A_324 = arith.mulf %mul3A_323, %add3A_321 : vector<512x32xf32>
    %add3A_325 = arith.addf %add3A_257, %mul3A_324 : vector<512x32xf32>
    %slice3A_326 = vector.extract_strided_slice %mul3A_16 {offsets = [0, 3], sizes = [512, 1], strides = [1, 1]} : vector<512x24xf32> to vector<512x1xf32>
    %slice3A_327 = vector.extract_strided_slice %mul3A_16 {offsets = [0, 15], sizes = [512, 1], strides = [1, 1]} : vector<512x24xf32> to vector<512x1xf32>
    %slice3A_328 = vector.extract_strided_slice %dot_general3A_40 {offsets = [0, 0], sizes = [1, 32], strides = [1, 1]} : vector<2x32xf32> to vector<1x32xf32>
    %mul3A_329 = vector.broadcast %slice3A_326 : vector<512x1xf32> to vector<512x32xf32>
    %mul3A_330 = vector.broadcast %slice3A_328 : vector<1x32xf32> to vector<512x32xf32>
    %mul3A_331 = arith.mulf %mul3A_329, %mul3A_330 : vector<512x32xf32>
    %slice3A_332 = vector.extract_strided_slice %dot_general3A_40 {offsets = [1, 0], sizes = [1, 32], strides = [1, 1]} : vector<2x32xf32> to vector<1x32xf32>
    %mul3A_333 = vector.broadcast %slice3A_327 : vector<512x1xf32> to vector<512x32xf32>
    %mul3A_334 = vector.broadcast %slice3A_332 : vector<1x32xf32> to vector<512x32xf32>
    %mul3A_335 = arith.mulf %mul3A_333, %mul3A_334 : vector<512x32xf32>
    %add3A_336 = arith.addf %mul3A_331, %mul3A_335 : vector<512x32xf32>
    %add3A_337 = vector.broadcast %add3A_78 : vector<1x32xf32> to vector<512x32xf32>
    %add3A_338 = arith.addf %add3A_336, %add3A_337 : vector<512x32xf32>
    %slice3A_339 = vector.extract_strided_slice %dot_general3A_52 {offsets = [0, 0], sizes = [1, 32], strides = [1, 1]} : vector<2x32xf32> to vector<1x32xf32>
    %mul3A_340 = vector.broadcast %slice3A_326 : vector<512x1xf32> to vector<512x32xf32>
    %mul3A_341 = vector.broadcast %slice3A_339 : vector<1x32xf32> to vector<512x32xf32>
    %mul3A_342 = arith.mulf %mul3A_340, %mul3A_341 : vector<512x32xf32>
    %slice3A_343 = vector.extract_strided_slice %dot_general3A_52 {offsets = [1, 0], sizes = [1, 32], strides = [1, 1]} : vector<2x32xf32> to vector<1x32xf32>
    %mul3A_344 = vector.broadcast %slice3A_327 : vector<512x1xf32> to vector<512x32xf32>
    %mul3A_345 = vector.broadcast %slice3A_343 : vector<1x32xf32> to vector<512x32xf32>
    %mul3A_346 = arith.mulf %mul3A_344, %mul3A_345 : vector<512x32xf32>
    %add3A_347 = arith.addf %mul3A_342, %mul3A_346 : vector<512x32xf32>
    %add3A_348 = vector.broadcast %add3A_92 : vector<1x32xf32> to vector<512x32xf32>
    %add3A_349 = arith.addf %add3A_347, %add3A_348 : vector<512x32xf32>
    %slice3A_350 = vector.extract_strided_slice %dot_general3A_64 {offsets = [0, 0], sizes = [1, 32], strides = [1, 1]} : vector<2x32xf32> to vector<1x32xf32>
    %mul3A_351 = vector.broadcast %slice3A_326 : vector<512x1xf32> to vector<512x32xf32>
    %mul3A_352 = vector.broadcast %slice3A_350 : vector<1x32xf32> to vector<512x32xf32>
    %mul3A_353 = arith.mulf %mul3A_351, %mul3A_352 : vector<512x32xf32>
    %slice3A_354 = vector.extract_strided_slice %dot_general3A_64 {offsets = [1, 0], sizes = [1, 32], strides = [1, 1]} : vector<2x32xf32> to vector<1x32xf32>
    %mul3A_355 = vector.broadcast %slice3A_327 : vector<512x1xf32> to vector<512x32xf32>
    %mul3A_356 = vector.broadcast %slice3A_354 : vector<1x32xf32> to vector<512x32xf32>
    %mul3A_357 = arith.mulf %mul3A_355, %mul3A_356 : vector<512x32xf32>
    %add3A_358 = arith.addf %mul3A_353, %mul3A_357 : vector<512x32xf32>
    %add3A_359 = vector.broadcast %add3A_106 : vector<1x32xf32> to vector<512x32xf32>
    %add3A_360 = arith.addf %add3A_358, %add3A_359 : vector<512x32xf32>
    %dot_general3A_361 = arith.constant dense<0.000000e+00> : vector<512x64xf32>
    %dot_general3A_362 = tpu.matmul %add3A_321, %concatenate3A, %dot_general3A_361 {dimension_numbers = #tpu.dot_dimension_numbers<[1], [0], [0], [1], [0, 0, 1, 1], [], []>, transpose_lhs_hint = false} : vector<512x32xf32>, vector<32x64xf32>, vector<512x64xf32> -> vector<512x64xf32>
    %slice3A_363 = vector.extract_strided_slice %dot_general3A_362 {offsets = [0, 0], sizes = [512, 32], strides = [1, 1]} : vector<512x64xf32> to vector<512x32xf32>
    %add3A_364 = arith.addf %slice3A_363, %add3A_338 : vector<512x32xf32>
    %logistic3A_365 = arith.negf %add3A_364 : vector<512x32xf32>
    %logistic3A_366 = math.exp %logistic3A_365 : vector<512x32xf32>
    %logistic3A_367 = arith.constant 1.000000e+00 : f32
    %logistic3A_368 = vector.broadcast %logistic3A_367 : f32 to vector<512x32xf32>
    %logistic3A_369 = arith.addf %logistic3A_368, %logistic3A_366 : vector<512x32xf32>
    %logistic3A_370 = arith.divf %logistic3A_368, %logistic3A_369 : vector<512x32xf32>
    %slice3A_371 = vector.extract_strided_slice %dot_general3A_362 {offsets = [0, 32], sizes = [512, 32], strides = [1, 1]} : vector<512x64xf32> to vector<512x32xf32>
    %add3A_372 = arith.addf %slice3A_371, %add3A_349 : vector<512x32xf32>
    %logistic3A_373 = arith.negf %add3A_372 : vector<512x32xf32>
    %logistic3A_374 = math.exp %logistic3A_373 : vector<512x32xf32>
    %logistic3A_375 = arith.constant 1.000000e+00 : f32
    %logistic3A_376 = vector.broadcast %logistic3A_375 : f32 to vector<512x32xf32>
    %logistic3A_377 = arith.addf %logistic3A_376, %logistic3A_374 : vector<512x32xf32>
    %logistic3A_378 = arith.divf %logistic3A_376, %logistic3A_377 : vector<512x32xf32>
    %mul3A_379 = arith.mulf %add3A_321, %logistic3A_378 : vector<512x32xf32>
    %dot_general3A_380 = arith.constant dense<0.000000e+00> : vector<512x32xf32>
    %dot_general3A_381 = tpu.matmul %mul3A_379, %get3A_121, %dot_general3A_380 {dimension_numbers = #tpu.dot_dimension_numbers<[1], [0], [0], [1], [0, 0, 1, 1], [], []>, transpose_lhs_hint = false} : vector<512x32xf32>, vector<32x32xf32>, vector<512x32xf32> -> vector<512x32xf32>
    %add3A_382 = arith.addf %dot_general3A_381, %add3A_360 : vector<512x32xf32>
    %tanh3A_383 = math.tanh %add3A_382 : vector<512x32xf32>
    %mul3A_384 = arith.mulf %logistic3A_370, %add3A_321 : vector<512x32xf32>
    %sub3A_385 = arith.constant 1.000000e+00 : f32
    %sub3A_386 = vector.broadcast %sub3A_385 : f32 to vector<512x32xf32>
    %sub3A_387 = arith.subf %sub3A_386, %logistic3A_370 : vector<512x32xf32>
    %mul3A_388 = arith.mulf %sub3A_387, %tanh3A_383 : vector<512x32xf32>
    %add3A_389 = arith.addf %mul3A_384, %mul3A_388 : vector<512x32xf32>
    %slice3A_390 = vector.extract_strided_slice %div3A_29 {offsets = [0, 3], sizes = [1, 1], strides = [1, 1]} : vector<1x12xf32> to vector<1x1xf32>
    %mul3A_391 = vector.broadcast %slice3A_390 : vector<1x1xf32> to vector<512x32xf32>
    %mul3A_392 = arith.mulf %mul3A_391, %add3A_389 : vector<512x32xf32>
    %add3A_393 = arith.addf %add3A_325, %mul3A_392 : vector<512x32xf32>
    %slice3A_394 = vector.extract_strided_slice %mul3A_16 {offsets = [0, 4], sizes = [512, 1], strides = [1, 1]} : vector<512x24xf32> to vector<512x1xf32>
    %slice3A_395 = vector.extract_strided_slice %mul3A_16 {offsets = [0, 16], sizes = [512, 1], strides = [1, 1]} : vector<512x24xf32> to vector<512x1xf32>
    %slice3A_396 = vector.extract_strided_slice %dot_general3A_40 {offsets = [0, 0], sizes = [1, 32], strides = [1, 1]} : vector<2x32xf32> to vector<1x32xf32>
    %mul3A_397 = vector.broadcast %slice3A_394 : vector<512x1xf32> to vector<512x32xf32>
    %mul3A_398 = vector.broadcast %slice3A_396 : vector<1x32xf32> to vector<512x32xf32>
    %mul3A_399 = arith.mulf %mul3A_397, %mul3A_398 : vector<512x32xf32>
    %slice3A_400 = vector.extract_strided_slice %dot_general3A_40 {offsets = [1, 0], sizes = [1, 32], strides = [1, 1]} : vector<2x32xf32> to vector<1x32xf32>
    %mul3A_401 = vector.broadcast %slice3A_395 : vector<512x1xf32> to vector<512x32xf32>
    %mul3A_402 = vector.broadcast %slice3A_400 : vector<1x32xf32> to vector<512x32xf32>
    %mul3A_403 = arith.mulf %mul3A_401, %mul3A_402 : vector<512x32xf32>
    %add3A_404 = arith.addf %mul3A_399, %mul3A_403 : vector<512x32xf32>
    %add3A_405 = vector.broadcast %add3A_78 : vector<1x32xf32> to vector<512x32xf32>
    %add3A_406 = arith.addf %add3A_404, %add3A_405 : vector<512x32xf32>
    %slice3A_407 = vector.extract_strided_slice %dot_general3A_52 {offsets = [0, 0], sizes = [1, 32], strides = [1, 1]} : vector<2x32xf32> to vector<1x32xf32>
    %mul3A_408 = vector.broadcast %slice3A_394 : vector<512x1xf32> to vector<512x32xf32>
    %mul3A_409 = vector.broadcast %slice3A_407 : vector<1x32xf32> to vector<512x32xf32>
    %mul3A_410 = arith.mulf %mul3A_408, %mul3A_409 : vector<512x32xf32>
    %slice3A_411 = vector.extract_strided_slice %dot_general3A_52 {offsets = [1, 0], sizes = [1, 32], strides = [1, 1]} : vector<2x32xf32> to vector<1x32xf32>
    %mul3A_412 = vector.broadcast %slice3A_395 : vector<512x1xf32> to vector<512x32xf32>
    %mul3A_413 = vector.broadcast %slice3A_411 : vector<1x32xf32> to vector<512x32xf32>
    %mul3A_414 = arith.mulf %mul3A_412, %mul3A_413 : vector<512x32xf32>
    %add3A_415 = arith.addf %mul3A_410, %mul3A_414 : vector<512x32xf32>
    %add3A_416 = vector.broadcast %add3A_92 : vector<1x32xf32> to vector<512x32xf32>
    %add3A_417 = arith.addf %add3A_415, %add3A_416 : vector<512x32xf32>
    %slice3A_418 = vector.extract_strided_slice %dot_general3A_64 {offsets = [0, 0], sizes = [1, 32], strides = [1, 1]} : vector<2x32xf32> to vector<1x32xf32>
    %mul3A_419 = vector.broadcast %slice3A_394 : vector<512x1xf32> to vector<512x32xf32>
    %mul3A_420 = vector.broadcast %slice3A_418 : vector<1x32xf32> to vector<512x32xf32>
    %mul3A_421 = arith.mulf %mul3A_419, %mul3A_420 : vector<512x32xf32>
    %slice3A_422 = vector.extract_strided_slice %dot_general3A_64 {offsets = [1, 0], sizes = [1, 32], strides = [1, 1]} : vector<2x32xf32> to vector<1x32xf32>
    %mul3A_423 = vector.broadcast %slice3A_395 : vector<512x1xf32> to vector<512x32xf32>
    %mul3A_424 = vector.broadcast %slice3A_422 : vector<1x32xf32> to vector<512x32xf32>
    %mul3A_425 = arith.mulf %mul3A_423, %mul3A_424 : vector<512x32xf32>
    %add3A_426 = arith.addf %mul3A_421, %mul3A_425 : vector<512x32xf32>
    %add3A_427 = vector.broadcast %add3A_106 : vector<1x32xf32> to vector<512x32xf32>
    %add3A_428 = arith.addf %add3A_426, %add3A_427 : vector<512x32xf32>
    %dot_general3A_429 = arith.constant dense<0.000000e+00> : vector<512x64xf32>
    %dot_general3A_430 = tpu.matmul %add3A_389, %concatenate3A, %dot_general3A_429 {dimension_numbers = #tpu.dot_dimension_numbers<[1], [0], [0], [1], [0, 0, 1, 1], [], []>, transpose_lhs_hint = false} : vector<512x32xf32>, vector<32x64xf32>, vector<512x64xf32> -> vector<512x64xf32>
    %slice3A_431 = vector.extract_strided_slice %dot_general3A_430 {offsets = [0, 0], sizes = [512, 32], strides = [1, 1]} : vector<512x64xf32> to vector<512x32xf32>
    %add3A_432 = arith.addf %slice3A_431, %add3A_406 : vector<512x32xf32>
    %logistic3A_433 = arith.negf %add3A_432 : vector<512x32xf32>
    %logistic3A_434 = math.exp %logistic3A_433 : vector<512x32xf32>
    %logistic3A_435 = arith.constant 1.000000e+00 : f32
    %logistic3A_436 = vector.broadcast %logistic3A_435 : f32 to vector<512x32xf32>
    %logistic3A_437 = arith.addf %logistic3A_436, %logistic3A_434 : vector<512x32xf32>
    %logistic3A_438 = arith.divf %logistic3A_436, %logistic3A_437 : vector<512x32xf32>
    %slice3A_439 = vector.extract_strided_slice %dot_general3A_430 {offsets = [0, 32], sizes = [512, 32], strides = [1, 1]} : vector<512x64xf32> to vector<512x32xf32>
    %add3A_440 = arith.addf %slice3A_439, %add3A_417 : vector<512x32xf32>
    %logistic3A_441 = arith.negf %add3A_440 : vector<512x32xf32>
    %logistic3A_442 = math.exp %logistic3A_441 : vector<512x32xf32>
    %logistic3A_443 = arith.constant 1.000000e+00 : f32
    %logistic3A_444 = vector.broadcast %logistic3A_443 : f32 to vector<512x32xf32>
    %logistic3A_445 = arith.addf %logistic3A_444, %logistic3A_442 : vector<512x32xf32>
    %logistic3A_446 = arith.divf %logistic3A_444, %logistic3A_445 : vector<512x32xf32>
    %mul3A_447 = arith.mulf %add3A_389, %logistic3A_446 : vector<512x32xf32>
    %dot_general3A_448 = arith.constant dense<0.000000e+00> : vector<512x32xf32>
    %dot_general3A_449 = tpu.matmul %mul3A_447, %get3A_121, %dot_general3A_448 {dimension_numbers = #tpu.dot_dimension_numbers<[1], [0], [0], [1], [0, 0, 1, 1], [], []>, transpose_lhs_hint = false} : vector<512x32xf32>, vector<32x32xf32>, vector<512x32xf32> -> vector<512x32xf32>
    %add3A_450 = arith.addf %dot_general3A_449, %add3A_428 : vector<512x32xf32>
    %tanh3A_451 = math.tanh %add3A_450 : vector<512x32xf32>
    %mul3A_452 = arith.mulf %logistic3A_438, %add3A_389 : vector<512x32xf32>
    %sub3A_453 = arith.constant 1.000000e+00 : f32
    %sub3A_454 = vector.broadcast %sub3A_453 : f32 to vector<512x32xf32>
    %sub3A_455 = arith.subf %sub3A_454, %logistic3A_438 : vector<512x32xf32>
    %mul3A_456 = arith.mulf %sub3A_455, %tanh3A_451 : vector<512x32xf32>
    %add3A_457 = arith.addf %mul3A_452, %mul3A_456 : vector<512x32xf32>
    %slice3A_458 = vector.extract_strided_slice %div3A_29 {offsets = [0, 4], sizes = [1, 1], strides = [1, 1]} : vector<1x12xf32> to vector<1x1xf32>
    %mul3A_459 = vector.broadcast %slice3A_458 : vector<1x1xf32> to vector<512x32xf32>
    %mul3A_460 = arith.mulf %mul3A_459, %add3A_457 : vector<512x32xf32>
    %add3A_461 = arith.addf %add3A_393, %mul3A_460 : vector<512x32xf32>
    %slice3A_462 = vector.extract_strided_slice %mul3A_16 {offsets = [0, 5], sizes = [512, 1], strides = [1, 1]} : vector<512x24xf32> to vector<512x1xf32>
    %slice3A_463 = vector.extract_strided_slice %mul3A_16 {offsets = [0, 17], sizes = [512, 1], strides = [1, 1]} : vector<512x24xf32> to vector<512x1xf32>
    %slice3A_464 = vector.extract_strided_slice %dot_general3A_40 {offsets = [0, 0], sizes = [1, 32], strides = [1, 1]} : vector<2x32xf32> to vector<1x32xf32>
    %mul3A_465 = vector.broadcast %slice3A_462 : vector<512x1xf32> to vector<512x32xf32>
    %mul3A_466 = vector.broadcast %slice3A_464 : vector<1x32xf32> to vector<512x32xf32>
    %mul3A_467 = arith.mulf %mul3A_465, %mul3A_466 : vector<512x32xf32>
    %slice3A_468 = vector.extract_strided_slice %dot_general3A_40 {offsets = [1, 0], sizes = [1, 32], strides = [1, 1]} : vector<2x32xf32> to vector<1x32xf32>
    %mul3A_469 = vector.broadcast %slice3A_463 : vector<512x1xf32> to vector<512x32xf32>
    %mul3A_470 = vector.broadcast %slice3A_468 : vector<1x32xf32> to vector<512x32xf32>
    %mul3A_471 = arith.mulf %mul3A_469, %mul3A_470 : vector<512x32xf32>
    %add3A_472 = arith.addf %mul3A_467, %mul3A_471 : vector<512x32xf32>
    %add3A_473 = vector.broadcast %add3A_78 : vector<1x32xf32> to vector<512x32xf32>
    %add3A_474 = arith.addf %add3A_472, %add3A_473 : vector<512x32xf32>
    %slice3A_475 = vector.extract_strided_slice %dot_general3A_52 {offsets = [0, 0], sizes = [1, 32], strides = [1, 1]} : vector<2x32xf32> to vector<1x32xf32>
    %mul3A_476 = vector.broadcast %slice3A_462 : vector<512x1xf32> to vector<512x32xf32>
    %mul3A_477 = vector.broadcast %slice3A_475 : vector<1x32xf32> to vector<512x32xf32>
    %mul3A_478 = arith.mulf %mul3A_476, %mul3A_477 : vector<512x32xf32>
    %slice3A_479 = vector.extract_strided_slice %dot_general3A_52 {offsets = [1, 0], sizes = [1, 32], strides = [1, 1]} : vector<2x32xf32> to vector<1x32xf32>
    %mul3A_480 = vector.broadcast %slice3A_463 : vector<512x1xf32> to vector<512x32xf32>
    %mul3A_481 = vector.broadcast %slice3A_479 : vector<1x32xf32> to vector<512x32xf32>
    %mul3A_482 = arith.mulf %mul3A_480, %mul3A_481 : vector<512x32xf32>
    %add3A_483 = arith.addf %mul3A_478, %mul3A_482 : vector<512x32xf32>
    %add3A_484 = vector.broadcast %add3A_92 : vector<1x32xf32> to vector<512x32xf32>
    %add3A_485 = arith.addf %add3A_483, %add3A_484 : vector<512x32xf32>
    %slice3A_486 = vector.extract_strided_slice %dot_general3A_64 {offsets = [0, 0], sizes = [1, 32], strides = [1, 1]} : vector<2x32xf32> to vector<1x32xf32>
    %mul3A_487 = vector.broadcast %slice3A_462 : vector<512x1xf32> to vector<512x32xf32>
    %mul3A_488 = vector.broadcast %slice3A_486 : vector<1x32xf32> to vector<512x32xf32>
    %mul3A_489 = arith.mulf %mul3A_487, %mul3A_488 : vector<512x32xf32>
    %slice3A_490 = vector.extract_strided_slice %dot_general3A_64 {offsets = [1, 0], sizes = [1, 32], strides = [1, 1]} : vector<2x32xf32> to vector<1x32xf32>
    %mul3A_491 = vector.broadcast %slice3A_463 : vector<512x1xf32> to vector<512x32xf32>
    %mul3A_492 = vector.broadcast %slice3A_490 : vector<1x32xf32> to vector<512x32xf32>
    %mul3A_493 = arith.mulf %mul3A_491, %mul3A_492 : vector<512x32xf32>
    %add3A_494 = arith.addf %mul3A_489, %mul3A_493 : vector<512x32xf32>
    %add3A_495 = vector.broadcast %add3A_106 : vector<1x32xf32> to vector<512x32xf32>
    %add3A_496 = arith.addf %add3A_494, %add3A_495 : vector<512x32xf32>
    %dot_general3A_497 = arith.constant dense<0.000000e+00> : vector<512x64xf32>
    %dot_general3A_498 = tpu.matmul %add3A_457, %concatenate3A, %dot_general3A_497 {dimension_numbers = #tpu.dot_dimension_numbers<[1], [0], [0], [1], [0, 0, 1, 1], [], []>, transpose_lhs_hint = false} : vector<512x32xf32>, vector<32x64xf32>, vector<512x64xf32> -> vector<512x64xf32>
    %slice3A_499 = vector.extract_strided_slice %dot_general3A_498 {offsets = [0, 0], sizes = [512, 32], strides = [1, 1]} : vector<512x64xf32> to vector<512x32xf32>
    %add3A_500 = arith.addf %slice3A_499, %add3A_474 : vector<512x32xf32>
    %logistic3A_501 = arith.negf %add3A_500 : vector<512x32xf32>
    %logistic3A_502 = math.exp %logistic3A_501 : vector<512x32xf32>
    %logistic3A_503 = arith.constant 1.000000e+00 : f32
    %logistic3A_504 = vector.broadcast %logistic3A_503 : f32 to vector<512x32xf32>
    %logistic3A_505 = arith.addf %logistic3A_504, %logistic3A_502 : vector<512x32xf32>
    %logistic3A_506 = arith.divf %logistic3A_504, %logistic3A_505 : vector<512x32xf32>
    %slice3A_507 = vector.extract_strided_slice %dot_general3A_498 {offsets = [0, 32], sizes = [512, 32], strides = [1, 1]} : vector<512x64xf32> to vector<512x32xf32>
    %add3A_508 = arith.addf %slice3A_507, %add3A_485 : vector<512x32xf32>
    %logistic3A_509 = arith.negf %add3A_508 : vector<512x32xf32>
    %logistic3A_510 = math.exp %logistic3A_509 : vector<512x32xf32>
    %logistic3A_511 = arith.constant 1.000000e+00 : f32
    %logistic3A_512 = vector.broadcast %logistic3A_511 : f32 to vector<512x32xf32>
    %logistic3A_513 = arith.addf %logistic3A_512, %logistic3A_510 : vector<512x32xf32>
    %logistic3A_514 = arith.divf %logistic3A_512, %logistic3A_513 : vector<512x32xf32>
    %mul3A_515 = arith.mulf %add3A_457, %logistic3A_514 : vector<512x32xf32>
    %dot_general3A_516 = arith.constant dense<0.000000e+00> : vector<512x32xf32>
    %dot_general3A_517 = tpu.matmul %mul3A_515, %get3A_121, %dot_general3A_516 {dimension_numbers = #tpu.dot_dimension_numbers<[1], [0], [0], [1], [0, 0, 1, 1], [], []>, transpose_lhs_hint = false} : vector<512x32xf32>, vector<32x32xf32>, vector<512x32xf32> -> vector<512x32xf32>
    %add3A_518 = arith.addf %dot_general3A_517, %add3A_496 : vector<512x32xf32>
    %tanh3A_519 = math.tanh %add3A_518 : vector<512x32xf32>
    %mul3A_520 = arith.mulf %logistic3A_506, %add3A_457 : vector<512x32xf32>
    %sub3A_521 = arith.constant 1.000000e+00 : f32
    %sub3A_522 = vector.broadcast %sub3A_521 : f32 to vector<512x32xf32>
    %sub3A_523 = arith.subf %sub3A_522, %logistic3A_506 : vector<512x32xf32>
    %mul3A_524 = arith.mulf %sub3A_523, %tanh3A_519 : vector<512x32xf32>
    %add3A_525 = arith.addf %mul3A_520, %mul3A_524 : vector<512x32xf32>
    %slice3A_526 = vector.extract_strided_slice %div3A_29 {offsets = [0, 5], sizes = [1, 1], strides = [1, 1]} : vector<1x12xf32> to vector<1x1xf32>
    %mul3A_527 = vector.broadcast %slice3A_526 : vector<1x1xf32> to vector<512x32xf32>
    %mul3A_528 = arith.mulf %mul3A_527, %add3A_525 : vector<512x32xf32>
    %add3A_529 = arith.addf %add3A_461, %mul3A_528 : vector<512x32xf32>
    %slice3A_530 = vector.extract_strided_slice %mul3A_16 {offsets = [0, 6], sizes = [512, 1], strides = [1, 1]} : vector<512x24xf32> to vector<512x1xf32>
    %slice3A_531 = vector.extract_strided_slice %mul3A_16 {offsets = [0, 18], sizes = [512, 1], strides = [1, 1]} : vector<512x24xf32> to vector<512x1xf32>
    %slice3A_532 = vector.extract_strided_slice %dot_general3A_40 {offsets = [0, 0], sizes = [1, 32], strides = [1, 1]} : vector<2x32xf32> to vector<1x32xf32>
    %mul3A_533 = vector.broadcast %slice3A_530 : vector<512x1xf32> to vector<512x32xf32>
    %mul3A_534 = vector.broadcast %slice3A_532 : vector<1x32xf32> to vector<512x32xf32>
    %mul3A_535 = arith.mulf %mul3A_533, %mul3A_534 : vector<512x32xf32>
    %slice3A_536 = vector.extract_strided_slice %dot_general3A_40 {offsets = [1, 0], sizes = [1, 32], strides = [1, 1]} : vector<2x32xf32> to vector<1x32xf32>
    %mul3A_537 = vector.broadcast %slice3A_531 : vector<512x1xf32> to vector<512x32xf32>
    %mul3A_538 = vector.broadcast %slice3A_536 : vector<1x32xf32> to vector<512x32xf32>
    %mul3A_539 = arith.mulf %mul3A_537, %mul3A_538 : vector<512x32xf32>
    %add3A_540 = arith.addf %mul3A_535, %mul3A_539 : vector<512x32xf32>
    %add3A_541 = vector.broadcast %add3A_78 : vector<1x32xf32> to vector<512x32xf32>
    %add3A_542 = arith.addf %add3A_540, %add3A_541 : vector<512x32xf32>
    %slice3A_543 = vector.extract_strided_slice %dot_general3A_52 {offsets = [0, 0], sizes = [1, 32], strides = [1, 1]} : vector<2x32xf32> to vector<1x32xf32>
    %mul3A_544 = vector.broadcast %slice3A_530 : vector<512x1xf32> to vector<512x32xf32>
    %mul3A_545 = vector.broadcast %slice3A_543 : vector<1x32xf32> to vector<512x32xf32>
    %mul3A_546 = arith.mulf %mul3A_544, %mul3A_545 : vector<512x32xf32>
    %slice3A_547 = vector.extract_strided_slice %dot_general3A_52 {offsets = [1, 0], sizes = [1, 32], strides = [1, 1]} : vector<2x32xf32> to vector<1x32xf32>
    %mul3A_548 = vector.broadcast %slice3A_531 : vector<512x1xf32> to vector<512x32xf32>
    %mul3A_549 = vector.broadcast %slice3A_547 : vector<1x32xf32> to vector<512x32xf32>
    %mul3A_550 = arith.mulf %mul3A_548, %mul3A_549 : vector<512x32xf32>
    %add3A_551 = arith.addf %mul3A_546, %mul3A_550 : vector<512x32xf32>
    %add3A_552 = vector.broadcast %add3A_92 : vector<1x32xf32> to vector<512x32xf32>
    %add3A_553 = arith.addf %add3A_551, %add3A_552 : vector<512x32xf32>
    %slice3A_554 = vector.extract_strided_slice %dot_general3A_64 {offsets = [0, 0], sizes = [1, 32], strides = [1, 1]} : vector<2x32xf32> to vector<1x32xf32>
    %mul3A_555 = vector.broadcast %slice3A_530 : vector<512x1xf32> to vector<512x32xf32>
    %mul3A_556 = vector.broadcast %slice3A_554 : vector<1x32xf32> to vector<512x32xf32>
    %mul3A_557 = arith.mulf %mul3A_555, %mul3A_556 : vector<512x32xf32>
    %slice3A_558 = vector.extract_strided_slice %dot_general3A_64 {offsets = [1, 0], sizes = [1, 32], strides = [1, 1]} : vector<2x32xf32> to vector<1x32xf32>
    %mul3A_559 = vector.broadcast %slice3A_531 : vector<512x1xf32> to vector<512x32xf32>
    %mul3A_560 = vector.broadcast %slice3A_558 : vector<1x32xf32> to vector<512x32xf32>
    %mul3A_561 = arith.mulf %mul3A_559, %mul3A_560 : vector<512x32xf32>
    %add3A_562 = arith.addf %mul3A_557, %mul3A_561 : vector<512x32xf32>
    %add3A_563 = vector.broadcast %add3A_106 : vector<1x32xf32> to vector<512x32xf32>
    %add3A_564 = arith.addf %add3A_562, %add3A_563 : vector<512x32xf32>
    %dot_general3A_565 = arith.constant dense<0.000000e+00> : vector<512x64xf32>
    %dot_general3A_566 = tpu.matmul %add3A_525, %concatenate3A, %dot_general3A_565 {dimension_numbers = #tpu.dot_dimension_numbers<[1], [0], [0], [1], [0, 0, 1, 1], [], []>, transpose_lhs_hint = false} : vector<512x32xf32>, vector<32x64xf32>, vector<512x64xf32> -> vector<512x64xf32>
    %slice3A_567 = vector.extract_strided_slice %dot_general3A_566 {offsets = [0, 0], sizes = [512, 32], strides = [1, 1]} : vector<512x64xf32> to vector<512x32xf32>
    %add3A_568 = arith.addf %slice3A_567, %add3A_542 : vector<512x32xf32>
    %logistic3A_569 = arith.negf %add3A_568 : vector<512x32xf32>
    %logistic3A_570 = math.exp %logistic3A_569 : vector<512x32xf32>
    %logistic3A_571 = arith.constant 1.000000e+00 : f32
    %logistic3A_572 = vector.broadcast %logistic3A_571 : f32 to vector<512x32xf32>
    %logistic3A_573 = arith.addf %logistic3A_572, %logistic3A_570 : vector<512x32xf32>
    %logistic3A_574 = arith.divf %logistic3A_572, %logistic3A_573 : vector<512x32xf32>
    %slice3A_575 = vector.extract_strided_slice %dot_general3A_566 {offsets = [0, 32], sizes = [512, 32], strides = [1, 1]} : vector<512x64xf32> to vector<512x32xf32>
    %add3A_576 = arith.addf %slice3A_575, %add3A_553 : vector<512x32xf32>
    %logistic3A_577 = arith.negf %add3A_576 : vector<512x32xf32>
    %logistic3A_578 = math.exp %logistic3A_577 : vector<512x32xf32>
    %logistic3A_579 = arith.constant 1.000000e+00 : f32
    %logistic3A_580 = vector.broadcast %logistic3A_579 : f32 to vector<512x32xf32>
    %logistic3A_581 = arith.addf %logistic3A_580, %logistic3A_578 : vector<512x32xf32>
    %logistic3A_582 = arith.divf %logistic3A_580, %logistic3A_581 : vector<512x32xf32>
    %mul3A_583 = arith.mulf %add3A_525, %logistic3A_582 : vector<512x32xf32>
    %dot_general3A_584 = arith.constant dense<0.000000e+00> : vector<512x32xf32>
    %dot_general3A_585 = tpu.matmul %mul3A_583, %get3A_121, %dot_general3A_584 {dimension_numbers = #tpu.dot_dimension_numbers<[1], [0], [0], [1], [0, 0, 1, 1], [], []>, transpose_lhs_hint = false} : vector<512x32xf32>, vector<32x32xf32>, vector<512x32xf32> -> vector<512x32xf32>
    %add3A_586 = arith.addf %dot_general3A_585, %add3A_564 : vector<512x32xf32>
    %tanh3A_587 = math.tanh %add3A_586 : vector<512x32xf32>
    %mul3A_588 = arith.mulf %logistic3A_574, %add3A_525 : vector<512x32xf32>
    %sub3A_589 = arith.constant 1.000000e+00 : f32
    %sub3A_590 = vector.broadcast %sub3A_589 : f32 to vector<512x32xf32>
    %sub3A_591 = arith.subf %sub3A_590, %logistic3A_574 : vector<512x32xf32>
    %mul3A_592 = arith.mulf %sub3A_591, %tanh3A_587 : vector<512x32xf32>
    %add3A_593 = arith.addf %mul3A_588, %mul3A_592 : vector<512x32xf32>
    %slice3A_594 = vector.extract_strided_slice %div3A_29 {offsets = [0, 6], sizes = [1, 1], strides = [1, 1]} : vector<1x12xf32> to vector<1x1xf32>
    %mul3A_595 = vector.broadcast %slice3A_594 : vector<1x1xf32> to vector<512x32xf32>
    %mul3A_596 = arith.mulf %mul3A_595, %add3A_593 : vector<512x32xf32>
    %add3A_597 = arith.addf %add3A_529, %mul3A_596 : vector<512x32xf32>
    %slice3A_598 = vector.extract_strided_slice %mul3A_16 {offsets = [0, 7], sizes = [512, 1], strides = [1, 1]} : vector<512x24xf32> to vector<512x1xf32>
    %slice3A_599 = vector.extract_strided_slice %mul3A_16 {offsets = [0, 19], sizes = [512, 1], strides = [1, 1]} : vector<512x24xf32> to vector<512x1xf32>
    %slice3A_600 = vector.extract_strided_slice %dot_general3A_40 {offsets = [0, 0], sizes = [1, 32], strides = [1, 1]} : vector<2x32xf32> to vector<1x32xf32>
    %mul3A_601 = vector.broadcast %slice3A_598 : vector<512x1xf32> to vector<512x32xf32>
    %mul3A_602 = vector.broadcast %slice3A_600 : vector<1x32xf32> to vector<512x32xf32>
    %mul3A_603 = arith.mulf %mul3A_601, %mul3A_602 : vector<512x32xf32>
    %slice3A_604 = vector.extract_strided_slice %dot_general3A_40 {offsets = [1, 0], sizes = [1, 32], strides = [1, 1]} : vector<2x32xf32> to vector<1x32xf32>
    %mul3A_605 = vector.broadcast %slice3A_599 : vector<512x1xf32> to vector<512x32xf32>
    %mul3A_606 = vector.broadcast %slice3A_604 : vector<1x32xf32> to vector<512x32xf32>
    %mul3A_607 = arith.mulf %mul3A_605, %mul3A_606 : vector<512x32xf32>
    %add3A_608 = arith.addf %mul3A_603, %mul3A_607 : vector<512x32xf32>
    %add3A_609 = vector.broadcast %add3A_78 : vector<1x32xf32> to vector<512x32xf32>
    %add3A_610 = arith.addf %add3A_608, %add3A_609 : vector<512x32xf32>
    %slice3A_611 = vector.extract_strided_slice %dot_general3A_52 {offsets = [0, 0], sizes = [1, 32], strides = [1, 1]} : vector<2x32xf32> to vector<1x32xf32>
    %mul3A_612 = vector.broadcast %slice3A_598 : vector<512x1xf32> to vector<512x32xf32>
    %mul3A_613 = vector.broadcast %slice3A_611 : vector<1x32xf32> to vector<512x32xf32>
    %mul3A_614 = arith.mulf %mul3A_612, %mul3A_613 : vector<512x32xf32>
    %slice3A_615 = vector.extract_strided_slice %dot_general3A_52 {offsets = [1, 0], sizes = [1, 32], strides = [1, 1]} : vector<2x32xf32> to vector<1x32xf32>
    %mul3A_616 = vector.broadcast %slice3A_599 : vector<512x1xf32> to vector<512x32xf32>
    %mul3A_617 = vector.broadcast %slice3A_615 : vector<1x32xf32> to vector<512x32xf32>
    %mul3A_618 = arith.mulf %mul3A_616, %mul3A_617 : vector<512x32xf32>
    %add3A_619 = arith.addf %mul3A_614, %mul3A_618 : vector<512x32xf32>
    %add3A_620 = vector.broadcast %add3A_92 : vector<1x32xf32> to vector<512x32xf32>
    %add3A_621 = arith.addf %add3A_619, %add3A_620 : vector<512x32xf32>
    %slice3A_622 = vector.extract_strided_slice %dot_general3A_64 {offsets = [0, 0], sizes = [1, 32], strides = [1, 1]} : vector<2x32xf32> to vector<1x32xf32>
    %mul3A_623 = vector.broadcast %slice3A_598 : vector<512x1xf32> to vector<512x32xf32>
    %mul3A_624 = vector.broadcast %slice3A_622 : vector<1x32xf32> to vector<512x32xf32>
    %mul3A_625 = arith.mulf %mul3A_623, %mul3A_624 : vector<512x32xf32>
    %slice3A_626 = vector.extract_strided_slice %dot_general3A_64 {offsets = [1, 0], sizes = [1, 32], strides = [1, 1]} : vector<2x32xf32> to vector<1x32xf32>
    %mul3A_627 = vector.broadcast %slice3A_599 : vector<512x1xf32> to vector<512x32xf32>
    %mul3A_628 = vector.broadcast %slice3A_626 : vector<1x32xf32> to vector<512x32xf32>
    %mul3A_629 = arith.mulf %mul3A_627, %mul3A_628 : vector<512x32xf32>
    %add3A_630 = arith.addf %mul3A_625, %mul3A_629 : vector<512x32xf32>
    %add3A_631 = vector.broadcast %add3A_106 : vector<1x32xf32> to vector<512x32xf32>
    %add3A_632 = arith.addf %add3A_630, %add3A_631 : vector<512x32xf32>
    %dot_general3A_633 = arith.constant dense<0.000000e+00> : vector<512x64xf32>
    %dot_general3A_634 = tpu.matmul %add3A_593, %concatenate3A, %dot_general3A_633 {dimension_numbers = #tpu.dot_dimension_numbers<[1], [0], [0], [1], [0, 0, 1, 1], [], []>, transpose_lhs_hint = false} : vector<512x32xf32>, vector<32x64xf32>, vector<512x64xf32> -> vector<512x64xf32>
    %slice3A_635 = vector.extract_strided_slice %dot_general3A_634 {offsets = [0, 0], sizes = [512, 32], strides = [1, 1]} : vector<512x64xf32> to vector<512x32xf32>
    %add3A_636 = arith.addf %slice3A_635, %add3A_610 : vector<512x32xf32>
    %logistic3A_637 = arith.negf %add3A_636 : vector<512x32xf32>
    %logistic3A_638 = math.exp %logistic3A_637 : vector<512x32xf32>
    %logistic3A_639 = arith.constant 1.000000e+00 : f32
    %logistic3A_640 = vector.broadcast %logistic3A_639 : f32 to vector<512x32xf32>
    %logistic3A_641 = arith.addf %logistic3A_640, %logistic3A_638 : vector<512x32xf32>
    %logistic3A_642 = arith.divf %logistic3A_640, %logistic3A_641 : vector<512x32xf32>
    %slice3A_643 = vector.extract_strided_slice %dot_general3A_634 {offsets = [0, 32], sizes = [512, 32], strides = [1, 1]} : vector<512x64xf32> to vector<512x32xf32>
    %add3A_644 = arith.addf %slice3A_643, %add3A_621 : vector<512x32xf32>
    %logistic3A_645 = arith.negf %add3A_644 : vector<512x32xf32>
    %logistic3A_646 = math.exp %logistic3A_645 : vector<512x32xf32>
    %logistic3A_647 = arith.constant 1.000000e+00 : f32
    %logistic3A_648 = vector.broadcast %logistic3A_647 : f32 to vector<512x32xf32>
    %logistic3A_649 = arith.addf %logistic3A_648, %logistic3A_646 : vector<512x32xf32>
    %logistic3A_650 = arith.divf %logistic3A_648, %logistic3A_649 : vector<512x32xf32>
    %mul3A_651 = arith.mulf %add3A_593, %logistic3A_650 : vector<512x32xf32>
    %dot_general3A_652 = arith.constant dense<0.000000e+00> : vector<512x32xf32>
    %dot_general3A_653 = tpu.matmul %mul3A_651, %get3A_121, %dot_general3A_652 {dimension_numbers = #tpu.dot_dimension_numbers<[1], [0], [0], [1], [0, 0, 1, 1], [], []>, transpose_lhs_hint = false} : vector<512x32xf32>, vector<32x32xf32>, vector<512x32xf32> -> vector<512x32xf32>
    %add3A_654 = arith.addf %dot_general3A_653, %add3A_632 : vector<512x32xf32>
    %tanh3A_655 = math.tanh %add3A_654 : vector<512x32xf32>
    %mul3A_656 = arith.mulf %logistic3A_642, %add3A_593 : vector<512x32xf32>
    %sub3A_657 = arith.constant 1.000000e+00 : f32
    %sub3A_658 = vector.broadcast %sub3A_657 : f32 to vector<512x32xf32>
    %sub3A_659 = arith.subf %sub3A_658, %logistic3A_642 : vector<512x32xf32>
    %mul3A_660 = arith.mulf %sub3A_659, %tanh3A_655 : vector<512x32xf32>
    %add3A_661 = arith.addf %mul3A_656, %mul3A_660 : vector<512x32xf32>
    %slice3A_662 = vector.extract_strided_slice %div3A_29 {offsets = [0, 7], sizes = [1, 1], strides = [1, 1]} : vector<1x12xf32> to vector<1x1xf32>
    %mul3A_663 = vector.broadcast %slice3A_662 : vector<1x1xf32> to vector<512x32xf32>
    %mul3A_664 = arith.mulf %mul3A_663, %add3A_661 : vector<512x32xf32>
    %add3A_665 = arith.addf %add3A_597, %mul3A_664 : vector<512x32xf32>
    %slice3A_666 = vector.extract_strided_slice %mul3A_16 {offsets = [0, 8], sizes = [512, 1], strides = [1, 1]} : vector<512x24xf32> to vector<512x1xf32>
    %slice3A_667 = vector.extract_strided_slice %mul3A_16 {offsets = [0, 20], sizes = [512, 1], strides = [1, 1]} : vector<512x24xf32> to vector<512x1xf32>
    %slice3A_668 = vector.extract_strided_slice %dot_general3A_40 {offsets = [0, 0], sizes = [1, 32], strides = [1, 1]} : vector<2x32xf32> to vector<1x32xf32>
    %mul3A_669 = vector.broadcast %slice3A_666 : vector<512x1xf32> to vector<512x32xf32>
    %mul3A_670 = vector.broadcast %slice3A_668 : vector<1x32xf32> to vector<512x32xf32>
    %mul3A_671 = arith.mulf %mul3A_669, %mul3A_670 : vector<512x32xf32>
    %slice3A_672 = vector.extract_strided_slice %dot_general3A_40 {offsets = [1, 0], sizes = [1, 32], strides = [1, 1]} : vector<2x32xf32> to vector<1x32xf32>
    %mul3A_673 = vector.broadcast %slice3A_667 : vector<512x1xf32> to vector<512x32xf32>
    %mul3A_674 = vector.broadcast %slice3A_672 : vector<1x32xf32> to vector<512x32xf32>
    %mul3A_675 = arith.mulf %mul3A_673, %mul3A_674 : vector<512x32xf32>
    %add3A_676 = arith.addf %mul3A_671, %mul3A_675 : vector<512x32xf32>
    %add3A_677 = vector.broadcast %add3A_78 : vector<1x32xf32> to vector<512x32xf32>
    %add3A_678 = arith.addf %add3A_676, %add3A_677 : vector<512x32xf32>
    %slice3A_679 = vector.extract_strided_slice %dot_general3A_52 {offsets = [0, 0], sizes = [1, 32], strides = [1, 1]} : vector<2x32xf32> to vector<1x32xf32>
    %mul3A_680 = vector.broadcast %slice3A_666 : vector<512x1xf32> to vector<512x32xf32>
    %mul3A_681 = vector.broadcast %slice3A_679 : vector<1x32xf32> to vector<512x32xf32>
    %mul3A_682 = arith.mulf %mul3A_680, %mul3A_681 : vector<512x32xf32>
    %slice3A_683 = vector.extract_strided_slice %dot_general3A_52 {offsets = [1, 0], sizes = [1, 32], strides = [1, 1]} : vector<2x32xf32> to vector<1x32xf32>
    %mul3A_684 = vector.broadcast %slice3A_667 : vector<512x1xf32> to vector<512x32xf32>
    %mul3A_685 = vector.broadcast %slice3A_683 : vector<1x32xf32> to vector<512x32xf32>
    %mul3A_686 = arith.mulf %mul3A_684, %mul3A_685 : vector<512x32xf32>
    %add3A_687 = arith.addf %mul3A_682, %mul3A_686 : vector<512x32xf32>
    %add3A_688 = vector.broadcast %add3A_92 : vector<1x32xf32> to vector<512x32xf32>
    %add3A_689 = arith.addf %add3A_687, %add3A_688 : vector<512x32xf32>
    %slice3A_690 = vector.extract_strided_slice %dot_general3A_64 {offsets = [0, 0], sizes = [1, 32], strides = [1, 1]} : vector<2x32xf32> to vector<1x32xf32>
    %mul3A_691 = vector.broadcast %slice3A_666 : vector<512x1xf32> to vector<512x32xf32>
    %mul3A_692 = vector.broadcast %slice3A_690 : vector<1x32xf32> to vector<512x32xf32>
    %mul3A_693 = arith.mulf %mul3A_691, %mul3A_692 : vector<512x32xf32>
    %slice3A_694 = vector.extract_strided_slice %dot_general3A_64 {offsets = [1, 0], sizes = [1, 32], strides = [1, 1]} : vector<2x32xf32> to vector<1x32xf32>
    %mul3A_695 = vector.broadcast %slice3A_667 : vector<512x1xf32> to vector<512x32xf32>
    %mul3A_696 = vector.broadcast %slice3A_694 : vector<1x32xf32> to vector<512x32xf32>
    %mul3A_697 = arith.mulf %mul3A_695, %mul3A_696 : vector<512x32xf32>
    %add3A_698 = arith.addf %mul3A_693, %mul3A_697 : vector<512x32xf32>
    %add3A_699 = vector.broadcast %add3A_106 : vector<1x32xf32> to vector<512x32xf32>
    %add3A_700 = arith.addf %add3A_698, %add3A_699 : vector<512x32xf32>
    %dot_general3A_701 = arith.constant dense<0.000000e+00> : vector<512x64xf32>
    %dot_general3A_702 = tpu.matmul %add3A_661, %concatenate3A, %dot_general3A_701 {dimension_numbers = #tpu.dot_dimension_numbers<[1], [0], [0], [1], [0, 0, 1, 1], [], []>, transpose_lhs_hint = false} : vector<512x32xf32>, vector<32x64xf32>, vector<512x64xf32> -> vector<512x64xf32>
    %slice3A_703 = vector.extract_strided_slice %dot_general3A_702 {offsets = [0, 0], sizes = [512, 32], strides = [1, 1]} : vector<512x64xf32> to vector<512x32xf32>
    %add3A_704 = arith.addf %slice3A_703, %add3A_678 : vector<512x32xf32>
    %logistic3A_705 = arith.negf %add3A_704 : vector<512x32xf32>
    %logistic3A_706 = math.exp %logistic3A_705 : vector<512x32xf32>
    %logistic3A_707 = arith.constant 1.000000e+00 : f32
    %logistic3A_708 = vector.broadcast %logistic3A_707 : f32 to vector<512x32xf32>
    %logistic3A_709 = arith.addf %logistic3A_708, %logistic3A_706 : vector<512x32xf32>
    %logistic3A_710 = arith.divf %logistic3A_708, %logistic3A_709 : vector<512x32xf32>
    %slice3A_711 = vector.extract_strided_slice %dot_general3A_702 {offsets = [0, 32], sizes = [512, 32], strides = [1, 1]} : vector<512x64xf32> to vector<512x32xf32>
    %add3A_712 = arith.addf %slice3A_711, %add3A_689 : vector<512x32xf32>
    %logistic3A_713 = arith.negf %add3A_712 : vector<512x32xf32>
    %logistic3A_714 = math.exp %logistic3A_713 : vector<512x32xf32>
    %logistic3A_715 = arith.constant 1.000000e+00 : f32
    %logistic3A_716 = vector.broadcast %logistic3A_715 : f32 to vector<512x32xf32>
    %logistic3A_717 = arith.addf %logistic3A_716, %logistic3A_714 : vector<512x32xf32>
    %logistic3A_718 = arith.divf %logistic3A_716, %logistic3A_717 : vector<512x32xf32>
    %mul3A_719 = arith.mulf %add3A_661, %logistic3A_718 : vector<512x32xf32>
    %dot_general3A_720 = arith.constant dense<0.000000e+00> : vector<512x32xf32>
    %dot_general3A_721 = tpu.matmul %mul3A_719, %get3A_121, %dot_general3A_720 {dimension_numbers = #tpu.dot_dimension_numbers<[1], [0], [0], [1], [0, 0, 1, 1], [], []>, transpose_lhs_hint = false} : vector<512x32xf32>, vector<32x32xf32>, vector<512x32xf32> -> vector<512x32xf32>
    %add3A_722 = arith.addf %dot_general3A_721, %add3A_700 : vector<512x32xf32>
    %tanh3A_723 = math.tanh %add3A_722 : vector<512x32xf32>
    %mul3A_724 = arith.mulf %logistic3A_710, %add3A_661 : vector<512x32xf32>
    %sub3A_725 = arith.constant 1.000000e+00 : f32
    %sub3A_726 = vector.broadcast %sub3A_725 : f32 to vector<512x32xf32>
    %sub3A_727 = arith.subf %sub3A_726, %logistic3A_710 : vector<512x32xf32>
    %mul3A_728 = arith.mulf %sub3A_727, %tanh3A_723 : vector<512x32xf32>
    %add3A_729 = arith.addf %mul3A_724, %mul3A_728 : vector<512x32xf32>
    %slice3A_730 = vector.extract_strided_slice %div3A_29 {offsets = [0, 8], sizes = [1, 1], strides = [1, 1]} : vector<1x12xf32> to vector<1x1xf32>
    %mul3A_731 = vector.broadcast %slice3A_730 : vector<1x1xf32> to vector<512x32xf32>
    %mul3A_732 = arith.mulf %mul3A_731, %add3A_729 : vector<512x32xf32>
    %add3A_733 = arith.addf %add3A_665, %mul3A_732 : vector<512x32xf32>
    %slice3A_734 = vector.extract_strided_slice %mul3A_16 {offsets = [0, 9], sizes = [512, 1], strides = [1, 1]} : vector<512x24xf32> to vector<512x1xf32>
    %slice3A_735 = vector.extract_strided_slice %mul3A_16 {offsets = [0, 21], sizes = [512, 1], strides = [1, 1]} : vector<512x24xf32> to vector<512x1xf32>
    %slice3A_736 = vector.extract_strided_slice %dot_general3A_40 {offsets = [0, 0], sizes = [1, 32], strides = [1, 1]} : vector<2x32xf32> to vector<1x32xf32>
    %mul3A_737 = vector.broadcast %slice3A_734 : vector<512x1xf32> to vector<512x32xf32>
    %mul3A_738 = vector.broadcast %slice3A_736 : vector<1x32xf32> to vector<512x32xf32>
    %mul3A_739 = arith.mulf %mul3A_737, %mul3A_738 : vector<512x32xf32>
    %slice3A_740 = vector.extract_strided_slice %dot_general3A_40 {offsets = [1, 0], sizes = [1, 32], strides = [1, 1]} : vector<2x32xf32> to vector<1x32xf32>
    %mul3A_741 = vector.broadcast %slice3A_735 : vector<512x1xf32> to vector<512x32xf32>
    %mul3A_742 = vector.broadcast %slice3A_740 : vector<1x32xf32> to vector<512x32xf32>
    %mul3A_743 = arith.mulf %mul3A_741, %mul3A_742 : vector<512x32xf32>
    %add3A_744 = arith.addf %mul3A_739, %mul3A_743 : vector<512x32xf32>
    %add3A_745 = vector.broadcast %add3A_78 : vector<1x32xf32> to vector<512x32xf32>
    %add3A_746 = arith.addf %add3A_744, %add3A_745 : vector<512x32xf32>
    %slice3A_747 = vector.extract_strided_slice %dot_general3A_52 {offsets = [0, 0], sizes = [1, 32], strides = [1, 1]} : vector<2x32xf32> to vector<1x32xf32>
    %mul3A_748 = vector.broadcast %slice3A_734 : vector<512x1xf32> to vector<512x32xf32>
    %mul3A_749 = vector.broadcast %slice3A_747 : vector<1x32xf32> to vector<512x32xf32>
    %mul3A_750 = arith.mulf %mul3A_748, %mul3A_749 : vector<512x32xf32>
    %slice3A_751 = vector.extract_strided_slice %dot_general3A_52 {offsets = [1, 0], sizes = [1, 32], strides = [1, 1]} : vector<2x32xf32> to vector<1x32xf32>
    %mul3A_752 = vector.broadcast %slice3A_735 : vector<512x1xf32> to vector<512x32xf32>
    %mul3A_753 = vector.broadcast %slice3A_751 : vector<1x32xf32> to vector<512x32xf32>
    %mul3A_754 = arith.mulf %mul3A_752, %mul3A_753 : vector<512x32xf32>
    %add3A_755 = arith.addf %mul3A_750, %mul3A_754 : vector<512x32xf32>
    %add3A_756 = vector.broadcast %add3A_92 : vector<1x32xf32> to vector<512x32xf32>
    %add3A_757 = arith.addf %add3A_755, %add3A_756 : vector<512x32xf32>
    %slice3A_758 = vector.extract_strided_slice %dot_general3A_64 {offsets = [0, 0], sizes = [1, 32], strides = [1, 1]} : vector<2x32xf32> to vector<1x32xf32>
    %mul3A_759 = vector.broadcast %slice3A_734 : vector<512x1xf32> to vector<512x32xf32>
    %mul3A_760 = vector.broadcast %slice3A_758 : vector<1x32xf32> to vector<512x32xf32>
    %mul3A_761 = arith.mulf %mul3A_759, %mul3A_760 : vector<512x32xf32>
    %slice3A_762 = vector.extract_strided_slice %dot_general3A_64 {offsets = [1, 0], sizes = [1, 32], strides = [1, 1]} : vector<2x32xf32> to vector<1x32xf32>
    %mul3A_763 = vector.broadcast %slice3A_735 : vector<512x1xf32> to vector<512x32xf32>
    %mul3A_764 = vector.broadcast %slice3A_762 : vector<1x32xf32> to vector<512x32xf32>
    %mul3A_765 = arith.mulf %mul3A_763, %mul3A_764 : vector<512x32xf32>
    %add3A_766 = arith.addf %mul3A_761, %mul3A_765 : vector<512x32xf32>
    %add3A_767 = vector.broadcast %add3A_106 : vector<1x32xf32> to vector<512x32xf32>
    %add3A_768 = arith.addf %add3A_766, %add3A_767 : vector<512x32xf32>
    %dot_general3A_769 = arith.constant dense<0.000000e+00> : vector<512x64xf32>
    %dot_general3A_770 = tpu.matmul %add3A_729, %concatenate3A, %dot_general3A_769 {dimension_numbers = #tpu.dot_dimension_numbers<[1], [0], [0], [1], [0, 0, 1, 1], [], []>, transpose_lhs_hint = false} : vector<512x32xf32>, vector<32x64xf32>, vector<512x64xf32> -> vector<512x64xf32>
    %slice3A_771 = vector.extract_strided_slice %dot_general3A_770 {offsets = [0, 0], sizes = [512, 32], strides = [1, 1]} : vector<512x64xf32> to vector<512x32xf32>
    %add3A_772 = arith.addf %slice3A_771, %add3A_746 : vector<512x32xf32>
    %logistic3A_773 = arith.negf %add3A_772 : vector<512x32xf32>
    %logistic3A_774 = math.exp %logistic3A_773 : vector<512x32xf32>
    %logistic3A_775 = arith.constant 1.000000e+00 : f32
    %logistic3A_776 = vector.broadcast %logistic3A_775 : f32 to vector<512x32xf32>
    %logistic3A_777 = arith.addf %logistic3A_776, %logistic3A_774 : vector<512x32xf32>
    %logistic3A_778 = arith.divf %logistic3A_776, %logistic3A_777 : vector<512x32xf32>
    %slice3A_779 = vector.extract_strided_slice %dot_general3A_770 {offsets = [0, 32], sizes = [512, 32], strides = [1, 1]} : vector<512x64xf32> to vector<512x32xf32>
    %add3A_780 = arith.addf %slice3A_779, %add3A_757 : vector<512x32xf32>
    %logistic3A_781 = arith.negf %add3A_780 : vector<512x32xf32>
    %logistic3A_782 = math.exp %logistic3A_781 : vector<512x32xf32>
    %logistic3A_783 = arith.constant 1.000000e+00 : f32
    %logistic3A_784 = vector.broadcast %logistic3A_783 : f32 to vector<512x32xf32>
    %logistic3A_785 = arith.addf %logistic3A_784, %logistic3A_782 : vector<512x32xf32>
    %logistic3A_786 = arith.divf %logistic3A_784, %logistic3A_785 : vector<512x32xf32>
    %mul3A_787 = arith.mulf %add3A_729, %logistic3A_786 : vector<512x32xf32>
    %dot_general3A_788 = arith.constant dense<0.000000e+00> : vector<512x32xf32>
    %dot_general3A_789 = tpu.matmul %mul3A_787, %get3A_121, %dot_general3A_788 {dimension_numbers = #tpu.dot_dimension_numbers<[1], [0], [0], [1], [0, 0, 1, 1], [], []>, transpose_lhs_hint = false} : vector<512x32xf32>, vector<32x32xf32>, vector<512x32xf32> -> vector<512x32xf32>
    %add3A_790 = arith.addf %dot_general3A_789, %add3A_768 : vector<512x32xf32>
    %tanh3A_791 = math.tanh %add3A_790 : vector<512x32xf32>
    %mul3A_792 = arith.mulf %logistic3A_778, %add3A_729 : vector<512x32xf32>
    %sub3A_793 = arith.constant 1.000000e+00 : f32
    %sub3A_794 = vector.broadcast %sub3A_793 : f32 to vector<512x32xf32>
    %sub3A_795 = arith.subf %sub3A_794, %logistic3A_778 : vector<512x32xf32>
    %mul3A_796 = arith.mulf %sub3A_795, %tanh3A_791 : vector<512x32xf32>
    %add3A_797 = arith.addf %mul3A_792, %mul3A_796 : vector<512x32xf32>
    %slice3A_798 = vector.extract_strided_slice %div3A_29 {offsets = [0, 9], sizes = [1, 1], strides = [1, 1]} : vector<1x12xf32> to vector<1x1xf32>
    %mul3A_799 = vector.broadcast %slice3A_798 : vector<1x1xf32> to vector<512x32xf32>
    %mul3A_800 = arith.mulf %mul3A_799, %add3A_797 : vector<512x32xf32>
    %add3A_801 = arith.addf %add3A_733, %mul3A_800 : vector<512x32xf32>
    %slice3A_802 = vector.extract_strided_slice %mul3A_16 {offsets = [0, 10], sizes = [512, 1], strides = [1, 1]} : vector<512x24xf32> to vector<512x1xf32>
    %slice3A_803 = vector.extract_strided_slice %mul3A_16 {offsets = [0, 22], sizes = [512, 1], strides = [1, 1]} : vector<512x24xf32> to vector<512x1xf32>
    %slice3A_804 = vector.extract_strided_slice %dot_general3A_40 {offsets = [0, 0], sizes = [1, 32], strides = [1, 1]} : vector<2x32xf32> to vector<1x32xf32>
    %mul3A_805 = vector.broadcast %slice3A_802 : vector<512x1xf32> to vector<512x32xf32>
    %mul3A_806 = vector.broadcast %slice3A_804 : vector<1x32xf32> to vector<512x32xf32>
    %mul3A_807 = arith.mulf %mul3A_805, %mul3A_806 : vector<512x32xf32>
    %slice3A_808 = vector.extract_strided_slice %dot_general3A_40 {offsets = [1, 0], sizes = [1, 32], strides = [1, 1]} : vector<2x32xf32> to vector<1x32xf32>
    %mul3A_809 = vector.broadcast %slice3A_803 : vector<512x1xf32> to vector<512x32xf32>
    %mul3A_810 = vector.broadcast %slice3A_808 : vector<1x32xf32> to vector<512x32xf32>
    %mul3A_811 = arith.mulf %mul3A_809, %mul3A_810 : vector<512x32xf32>
    %add3A_812 = arith.addf %mul3A_807, %mul3A_811 : vector<512x32xf32>
    %add3A_813 = vector.broadcast %add3A_78 : vector<1x32xf32> to vector<512x32xf32>
    %add3A_814 = arith.addf %add3A_812, %add3A_813 : vector<512x32xf32>
    %slice3A_815 = vector.extract_strided_slice %dot_general3A_52 {offsets = [0, 0], sizes = [1, 32], strides = [1, 1]} : vector<2x32xf32> to vector<1x32xf32>
    %mul3A_816 = vector.broadcast %slice3A_802 : vector<512x1xf32> to vector<512x32xf32>
    %mul3A_817 = vector.broadcast %slice3A_815 : vector<1x32xf32> to vector<512x32xf32>
    %mul3A_818 = arith.mulf %mul3A_816, %mul3A_817 : vector<512x32xf32>
    %slice3A_819 = vector.extract_strided_slice %dot_general3A_52 {offsets = [1, 0], sizes = [1, 32], strides = [1, 1]} : vector<2x32xf32> to vector<1x32xf32>
    %mul3A_820 = vector.broadcast %slice3A_803 : vector<512x1xf32> to vector<512x32xf32>
    %mul3A_821 = vector.broadcast %slice3A_819 : vector<1x32xf32> to vector<512x32xf32>
    %mul3A_822 = arith.mulf %mul3A_820, %mul3A_821 : vector<512x32xf32>
    %add3A_823 = arith.addf %mul3A_818, %mul3A_822 : vector<512x32xf32>
    %add3A_824 = vector.broadcast %add3A_92 : vector<1x32xf32> to vector<512x32xf32>
    %add3A_825 = arith.addf %add3A_823, %add3A_824 : vector<512x32xf32>
    %slice3A_826 = vector.extract_strided_slice %dot_general3A_64 {offsets = [0, 0], sizes = [1, 32], strides = [1, 1]} : vector<2x32xf32> to vector<1x32xf32>
    %mul3A_827 = vector.broadcast %slice3A_802 : vector<512x1xf32> to vector<512x32xf32>
    %mul3A_828 = vector.broadcast %slice3A_826 : vector<1x32xf32> to vector<512x32xf32>
    %mul3A_829 = arith.mulf %mul3A_827, %mul3A_828 : vector<512x32xf32>
    %slice3A_830 = vector.extract_strided_slice %dot_general3A_64 {offsets = [1, 0], sizes = [1, 32], strides = [1, 1]} : vector<2x32xf32> to vector<1x32xf32>
    %mul3A_831 = vector.broadcast %slice3A_803 : vector<512x1xf32> to vector<512x32xf32>
    %mul3A_832 = vector.broadcast %slice3A_830 : vector<1x32xf32> to vector<512x32xf32>
    %mul3A_833 = arith.mulf %mul3A_831, %mul3A_832 : vector<512x32xf32>
    %add3A_834 = arith.addf %mul3A_829, %mul3A_833 : vector<512x32xf32>
    %add3A_835 = vector.broadcast %add3A_106 : vector<1x32xf32> to vector<512x32xf32>
    %add3A_836 = arith.addf %add3A_834, %add3A_835 : vector<512x32xf32>
    %dot_general3A_837 = arith.constant dense<0.000000e+00> : vector<512x64xf32>
    %dot_general3A_838 = tpu.matmul %add3A_797, %concatenate3A, %dot_general3A_837 {dimension_numbers = #tpu.dot_dimension_numbers<[1], [0], [0], [1], [0, 0, 1, 1], [], []>, transpose_lhs_hint = false} : vector<512x32xf32>, vector<32x64xf32>, vector<512x64xf32> -> vector<512x64xf32>
    %slice3A_839 = vector.extract_strided_slice %dot_general3A_838 {offsets = [0, 0], sizes = [512, 32], strides = [1, 1]} : vector<512x64xf32> to vector<512x32xf32>
    %add3A_840 = arith.addf %slice3A_839, %add3A_814 : vector<512x32xf32>
    %logistic3A_841 = arith.negf %add3A_840 : vector<512x32xf32>
    %logistic3A_842 = math.exp %logistic3A_841 : vector<512x32xf32>
    %logistic3A_843 = arith.constant 1.000000e+00 : f32
    %logistic3A_844 = vector.broadcast %logistic3A_843 : f32 to vector<512x32xf32>
    %logistic3A_845 = arith.addf %logistic3A_844, %logistic3A_842 : vector<512x32xf32>
    %logistic3A_846 = arith.divf %logistic3A_844, %logistic3A_845 : vector<512x32xf32>
    %slice3A_847 = vector.extract_strided_slice %dot_general3A_838 {offsets = [0, 32], sizes = [512, 32], strides = [1, 1]} : vector<512x64xf32> to vector<512x32xf32>
    %add3A_848 = arith.addf %slice3A_847, %add3A_825 : vector<512x32xf32>
    %logistic3A_849 = arith.negf %add3A_848 : vector<512x32xf32>
    %logistic3A_850 = math.exp %logistic3A_849 : vector<512x32xf32>
    %logistic3A_851 = arith.constant 1.000000e+00 : f32
    %logistic3A_852 = vector.broadcast %logistic3A_851 : f32 to vector<512x32xf32>
    %logistic3A_853 = arith.addf %logistic3A_852, %logistic3A_850 : vector<512x32xf32>
    %logistic3A_854 = arith.divf %logistic3A_852, %logistic3A_853 : vector<512x32xf32>
    %mul3A_855 = arith.mulf %add3A_797, %logistic3A_854 : vector<512x32xf32>
    %dot_general3A_856 = arith.constant dense<0.000000e+00> : vector<512x32xf32>
    %dot_general3A_857 = tpu.matmul %mul3A_855, %get3A_121, %dot_general3A_856 {dimension_numbers = #tpu.dot_dimension_numbers<[1], [0], [0], [1], [0, 0, 1, 1], [], []>, transpose_lhs_hint = false} : vector<512x32xf32>, vector<32x32xf32>, vector<512x32xf32> -> vector<512x32xf32>
    %add3A_858 = arith.addf %dot_general3A_857, %add3A_836 : vector<512x32xf32>
    %tanh3A_859 = math.tanh %add3A_858 : vector<512x32xf32>
    %mul3A_860 = arith.mulf %logistic3A_846, %add3A_797 : vector<512x32xf32>
    %sub3A_861 = arith.constant 1.000000e+00 : f32
    %sub3A_862 = vector.broadcast %sub3A_861 : f32 to vector<512x32xf32>
    %sub3A_863 = arith.subf %sub3A_862, %logistic3A_846 : vector<512x32xf32>
    %mul3A_864 = arith.mulf %sub3A_863, %tanh3A_859 : vector<512x32xf32>
    %add3A_865 = arith.addf %mul3A_860, %mul3A_864 : vector<512x32xf32>
    %slice3A_866 = vector.extract_strided_slice %div3A_29 {offsets = [0, 10], sizes = [1, 1], strides = [1, 1]} : vector<1x12xf32> to vector<1x1xf32>
    %mul3A_867 = vector.broadcast %slice3A_866 : vector<1x1xf32> to vector<512x32xf32>
    %mul3A_868 = arith.mulf %mul3A_867, %add3A_865 : vector<512x32xf32>
    %add3A_869 = arith.addf %add3A_801, %mul3A_868 : vector<512x32xf32>
    %slice3A_870 = vector.extract_strided_slice %mul3A_16 {offsets = [0, 11], sizes = [512, 1], strides = [1, 1]} : vector<512x24xf32> to vector<512x1xf32>
    %slice3A_871 = vector.extract_strided_slice %mul3A_16 {offsets = [0, 23], sizes = [512, 1], strides = [1, 1]} : vector<512x24xf32> to vector<512x1xf32>
    %slice3A_872 = vector.extract_strided_slice %dot_general3A_40 {offsets = [0, 0], sizes = [1, 32], strides = [1, 1]} : vector<2x32xf32> to vector<1x32xf32>
    %mul3A_873 = vector.broadcast %slice3A_870 : vector<512x1xf32> to vector<512x32xf32>
    %mul3A_874 = vector.broadcast %slice3A_872 : vector<1x32xf32> to vector<512x32xf32>
    %mul3A_875 = arith.mulf %mul3A_873, %mul3A_874 : vector<512x32xf32>
    %slice3A_876 = vector.extract_strided_slice %dot_general3A_40 {offsets = [1, 0], sizes = [1, 32], strides = [1, 1]} : vector<2x32xf32> to vector<1x32xf32>
    %mul3A_877 = vector.broadcast %slice3A_871 : vector<512x1xf32> to vector<512x32xf32>
    %mul3A_878 = vector.broadcast %slice3A_876 : vector<1x32xf32> to vector<512x32xf32>
    %mul3A_879 = arith.mulf %mul3A_877, %mul3A_878 : vector<512x32xf32>
    %add3A_880 = arith.addf %mul3A_875, %mul3A_879 : vector<512x32xf32>
    %add3A_881 = vector.broadcast %add3A_78 : vector<1x32xf32> to vector<512x32xf32>
    %add3A_882 = arith.addf %add3A_880, %add3A_881 : vector<512x32xf32>
    %slice3A_883 = vector.extract_strided_slice %dot_general3A_52 {offsets = [0, 0], sizes = [1, 32], strides = [1, 1]} : vector<2x32xf32> to vector<1x32xf32>
    %mul3A_884 = vector.broadcast %slice3A_870 : vector<512x1xf32> to vector<512x32xf32>
    %mul3A_885 = vector.broadcast %slice3A_883 : vector<1x32xf32> to vector<512x32xf32>
    %mul3A_886 = arith.mulf %mul3A_884, %mul3A_885 : vector<512x32xf32>
    %slice3A_887 = vector.extract_strided_slice %dot_general3A_52 {offsets = [1, 0], sizes = [1, 32], strides = [1, 1]} : vector<2x32xf32> to vector<1x32xf32>
    %mul3A_888 = vector.broadcast %slice3A_871 : vector<512x1xf32> to vector<512x32xf32>
    %mul3A_889 = vector.broadcast %slice3A_887 : vector<1x32xf32> to vector<512x32xf32>
    %mul3A_890 = arith.mulf %mul3A_888, %mul3A_889 : vector<512x32xf32>
    %add3A_891 = arith.addf %mul3A_886, %mul3A_890 : vector<512x32xf32>
    %add3A_892 = vector.broadcast %add3A_92 : vector<1x32xf32> to vector<512x32xf32>
    %add3A_893 = arith.addf %add3A_891, %add3A_892 : vector<512x32xf32>
    %slice3A_894 = vector.extract_strided_slice %dot_general3A_64 {offsets = [0, 0], sizes = [1, 32], strides = [1, 1]} : vector<2x32xf32> to vector<1x32xf32>
    %mul3A_895 = vector.broadcast %slice3A_870 : vector<512x1xf32> to vector<512x32xf32>
    %mul3A_896 = vector.broadcast %slice3A_894 : vector<1x32xf32> to vector<512x32xf32>
    %mul3A_897 = arith.mulf %mul3A_895, %mul3A_896 : vector<512x32xf32>
    %slice3A_898 = vector.extract_strided_slice %dot_general3A_64 {offsets = [1, 0], sizes = [1, 32], strides = [1, 1]} : vector<2x32xf32> to vector<1x32xf32>
    %mul3A_899 = vector.broadcast %slice3A_871 : vector<512x1xf32> to vector<512x32xf32>
    %mul3A_900 = vector.broadcast %slice3A_898 : vector<1x32xf32> to vector<512x32xf32>
    %mul3A_901 = arith.mulf %mul3A_899, %mul3A_900 : vector<512x32xf32>
    %add3A_902 = arith.addf %mul3A_897, %mul3A_901 : vector<512x32xf32>
    %add3A_903 = vector.broadcast %add3A_106 : vector<1x32xf32> to vector<512x32xf32>
    %add3A_904 = arith.addf %add3A_902, %add3A_903 : vector<512x32xf32>
    %dot_general3A_905 = arith.constant dense<0.000000e+00> : vector<512x64xf32>
    %dot_general3A_906 = tpu.matmul %add3A_865, %concatenate3A, %dot_general3A_905 {dimension_numbers = #tpu.dot_dimension_numbers<[1], [0], [0], [1], [0, 0, 1, 1], [], []>, transpose_lhs_hint = false} : vector<512x32xf32>, vector<32x64xf32>, vector<512x64xf32> -> vector<512x64xf32>
    %slice3A_907 = vector.extract_strided_slice %dot_general3A_906 {offsets = [0, 0], sizes = [512, 32], strides = [1, 1]} : vector<512x64xf32> to vector<512x32xf32>
    %add3A_908 = arith.addf %slice3A_907, %add3A_882 : vector<512x32xf32>
    %logistic3A_909 = arith.negf %add3A_908 : vector<512x32xf32>
    %logistic3A_910 = math.exp %logistic3A_909 : vector<512x32xf32>
    %logistic3A_911 = arith.constant 1.000000e+00 : f32
    %logistic3A_912 = vector.broadcast %logistic3A_911 : f32 to vector<512x32xf32>
    %logistic3A_913 = arith.addf %logistic3A_912, %logistic3A_910 : vector<512x32xf32>
    %logistic3A_914 = arith.divf %logistic3A_912, %logistic3A_913 : vector<512x32xf32>
    %slice3A_915 = vector.extract_strided_slice %dot_general3A_906 {offsets = [0, 32], sizes = [512, 32], strides = [1, 1]} : vector<512x64xf32> to vector<512x32xf32>
    %add3A_916 = arith.addf %slice3A_915, %add3A_893 : vector<512x32xf32>
    %logistic3A_917 = arith.negf %add3A_916 : vector<512x32xf32>
    %logistic3A_918 = math.exp %logistic3A_917 : vector<512x32xf32>
    %logistic3A_919 = arith.constant 1.000000e+00 : f32
    %logistic3A_920 = vector.broadcast %logistic3A_919 : f32 to vector<512x32xf32>
    %logistic3A_921 = arith.addf %logistic3A_920, %logistic3A_918 : vector<512x32xf32>
    %logistic3A_922 = arith.divf %logistic3A_920, %logistic3A_921 : vector<512x32xf32>
    %mul3A_923 = arith.mulf %add3A_865, %logistic3A_922 : vector<512x32xf32>
    %dot_general3A_924 = arith.constant dense<0.000000e+00> : vector<512x32xf32>
    %dot_general3A_925 = tpu.matmul %mul3A_923, %get3A_121, %dot_general3A_924 {dimension_numbers = #tpu.dot_dimension_numbers<[1], [0], [0], [1], [0, 0, 1, 1], [], []>, transpose_lhs_hint = false} : vector<512x32xf32>, vector<32x32xf32>, vector<512x32xf32> -> vector<512x32xf32>
    %add3A_926 = arith.addf %dot_general3A_925, %add3A_904 : vector<512x32xf32>
    %tanh3A_927 = math.tanh %add3A_926 : vector<512x32xf32>
    %mul3A_928 = arith.mulf %logistic3A_914, %add3A_865 : vector<512x32xf32>
    %sub3A_929 = arith.constant 1.000000e+00 : f32
    %sub3A_930 = vector.broadcast %sub3A_929 : f32 to vector<512x32xf32>
    %sub3A_931 = arith.subf %sub3A_930, %logistic3A_914 : vector<512x32xf32>
    %mul3A_932 = arith.mulf %sub3A_931, %tanh3A_927 : vector<512x32xf32>
    %add3A_933 = arith.addf %mul3A_928, %mul3A_932 : vector<512x32xf32>
    %slice3A_934 = vector.extract_strided_slice %div3A_29 {offsets = [0, 11], sizes = [1, 1], strides = [1, 1]} : vector<1x12xf32> to vector<1x1xf32>
    %mul3A_935 = vector.broadcast %slice3A_934 : vector<1x1xf32> to vector<512x32xf32>
    %mul3A_936 = arith.mulf %mul3A_935, %add3A_933 : vector<512x32xf32>
    %add3A_937 = arith.addf %add3A_869, %mul3A_936 : vector<512x32xf32>
    %max3A = arith.constant 0.000000e+00 : f32
    %max3A_938 = vector.broadcast %max3A : f32 to vector<512x32xf32>
    %max3A_939 = arith.maximumf %add3A_937, %max3A_938 : vector<512x32xf32>
    %get3A_940 = arith.constant 0 : index
    %get3A_941 = arith.constant 0 : index
    %get3A_942 = vector.load %arg9[%get3A_940, %get3A_941] : memref<32x12xf32, #tpu.memory_space<vmem>>, vector<32x12xf32>
    %dot_general3A_943 = arith.constant dense<0.000000e+00> : vector<512x12xf32>
    %dot_general3A_944 = tpu.matmul %max3A_939, %get3A_942, %dot_general3A_943 {dimension_numbers = #tpu.dot_dimension_numbers<[1], [0], [0], [1], [0, 0, 1, 1], [], []>, transpose_lhs_hint = false} : vector<512x32xf32>, vector<32x12xf32>, vector<512x12xf32> -> vector<512x12xf32>
    %get3A_945 = arith.constant 0 : index
    %get3A_946 = arith.constant 0 : index
    %get3A_947 = vector.load %arg10[%get3A_945, %get3A_946] : memref<1x12xf32, #tpu.memory_space<vmem>>, vector<1x12xf32>
    %add3A_948 = vector.broadcast %get3A_947 : vector<1x12xf32> to vector<512x12xf32>
    %add3A_949 = arith.addf %dot_general3A_944, %add3A_948 : vector<512x12xf32>
    %swap3A = arith.constant 0 : index
    %swap3A_950 = arith.constant 0 : index
    %swap3A_951 = vector.load %arg11[%swap3A, %swap3A_950] : memref<512x12xf32, #tpu.memory_space<vmem>>, vector<512x12xf32>
    tpu.vector_store %arg11[%swap3A, %swap3A_950], %add3A_949 {strides = array<i32>} : memref<512x12xf32, #tpu.memory_space<vmem>>, vector<512x12xf32>,
    return
  }
  func.func @transform_0(%arg0: i32) -> (i32, i32, i32) {
    %c0_i32 = arith.constant 0 : i32
    %c0_i32_0 = arith.constant 0 : i32
    %c0_i32_1 = arith.constant 0 : i32
    return %c0_i32, %arg0, %c0_i32_0 : i32, i32, i32
  }
  func.func @transform_1(%arg0: i32) -> (i32, i32) {
    %c0_i32 = arith.constant 0 : i32
    %c0_i32_0 = arith.constant 0 : i32
    return %arg0, %c0_i32 : i32, i32
  }
  func.func @transform_2(%arg0: i32) -> (i32, i32) {
    %c0_i32 = arith.constant 0 : i32
    %c0_i32_0 = arith.constant 0 : i32
    return %arg0, %c0_i32 : i32, i32
  }
  func.func @transform_3(%arg0: i32) -> (i32, i32, i32) {
    %c0_i32 = arith.constant 0 : i32
    %c0_i32_0 = arith.constant 0 : i32
    %c0_i32_1 = arith.constant 0 : i32
    %c0_i32_2 = arith.constant 0 : i32
    return %c0_i32, %c0_i32_0, %c0_i32_1 : i32, i32, i32
  }
  func.func @transform_4(%arg0: i32) -> (i32, i32, i32) {
    %c0_i32 = arith.constant 0 : i32
    %c0_i32_0 = arith.constant 0 : i32
    %c0_i32_1 = arith.constant 0 : i32
    %c0_i32_2 = arith.constant 0 : i32
    return %c0_i32, %c0_i32_0, %c0_i32_1 : i32, i32, i32
  }
  func.func @transform_5(%arg0: i32) -> (i32, i32) {
    %c0_i32 = arith.constant 0 : i32
    %c0_i32_0 = arith.constant 0 : i32
    %c0_i32_1 = arith.constant 0 : i32
    return %c0_i32, %c0_i32_0 : i32, i32
  }
  func.func @transform_6(%arg0: i32) -> (i32, i32) {
    %c0_i32 = arith.constant 0 : i32
    %c0_i32_0 = arith.constant 0 : i32
    %c0_i32_1 = arith.constant 0 : i32
    return %c0_i32, %c0_i32_0 : i32, i32
  }
  func.func @transform_7(%arg0: i32) -> (i32, i32) {
    %c0_i32 = arith.constant 0 : i32
    %c0_i32_0 = arith.constant 0 : i32
    %c0_i32_1 = arith.constant 0 : i32
    return %c0_i32, %c0_i32_0 : i32, i32
  }
  func.func @transform_8(%arg0: i32) -> (i32, i32) {
    %c0_i32 = arith.constant 0 : i32
    %c0_i32_0 = arith.constant 0 : i32
    %c0_i32_1 = arith.constant 0 : i32
    return %c0_i32, %c0_i32_0 : i32, i32
  }
  func.func @transform_9(%arg0: i32) -> (i32, i32) {
    %c0_i32 = arith.constant 0 : i32
    %c0_i32_0 = arith.constant 0 : i32
    %c0_i32_1 = arith.constant 0 : i32
    return %c0_i32, %c0_i32_0 : i32, i32
  }
  func.func @transform_10(%arg0: i32) -> (i32, i32) {
    %c0_i32 = arith.constant 0 : i32
    %c0_i32_0 = arith.constant 0 : i32
    return %arg0, %c0_i32 : i32, i32
  }
}

</mosaic_0001>

<sc_bundles>
// kernel: kernel.6.cloned.1.call-start
scs
__scs_entry_jumppad:
0x0: {  	(pc) =	sbr.rel $0x88, $3  }
0x1: {  	(tag) =	ssettag $0x0;
	lr =	simm.s32 $0x1  }
0x2: {  	[smem:$0x3F90] =	sst lr;
	_ =	strace $0xD0000000  }
0x3: {  	_ = 	snop  }
0x4: {  	_ = 	snop  }
0x5: {  	_ = 	snop  }
0x6: {  	_ = 	snop  }
0x7: {  	_ = 	snop  }
__scs_overlays_trampoline_lowered:
0x8: {  	[smem:$0x3F9F] =	sst s0  }
0x9: {  	[smem:$0x3FA0] =	sst s1  }
0xa: {  	[smem:$0x3FA1] =	sst s2  }
0xb: {  	[smem:$0x3FA2] =	sst s3  }
0xc: {  	[smem:$0x3FA3] =	sst s4  }
0xd: {  	[smem:$0x3FA4] =	sst s5  }
0xe: {  	[smem:$0x3FA5] =	sst s6  }
0xf: {  	[smem:$0x3FA6] =	sst s7  }
0x10: {  	[smem:$0x3FA7] =	sst s8  }
0x11: {  	[smem:$0x3FA8] =	sst s9;
	s0 =	simm.s32 @!p0 $0x0  }
0x12: {  	s1 =	sld [smem:$0x3F8E];
	s0 =	simm.s32 @p0 $0x1  }
0x13: {  	[smem:$0x3FA9] =	sst s0;
	s0 =	simm.s32 @!p1 $0x0  }
0x14: {  	s2 =	sld [smem:$0x3F8D];
	s0 =	simm.s32 @p1 $0x1  }
0x15: {  	[smem:$0x3FAA] =	sst s0;
	s0 =	simm.s32 @!p2 $0x0  }
0x16: {  	s3 =	sld [smem:$0x3FDB];
	s0 =	simm.s32 @p2 $0x1  }
0x17: {  	s4 =	simm.s32 $0x1BF5;
	[smem:$0x3FAC] =	sst s0  }
0x18: {  	s0 =	sld [smem:$0x3F8F];
	_ =	swait.ge [sflag:s4], $0x0  }
0x19: {  	s7 =	sld [smem:$0x3F90]  }
0x1a: {  	s8 =	sadd.s32 $0xFFFFE003, lr  }
0x1b: {  	s9 =	sadd.s32 $0xFFFFFEF7, lr;
	s5 =	simm.s32 $0xFFFFFFFF;
	p2 =	slt.u32 s8, $0xFFFFF086  }
0x1c: {  	p1 =	slt.u32 s9, $0xF7A;
	s5 =	simm.s32 @!p2 $0x0  }
0x1d: {  	s5 =	simm.s32 @p1 $0x1;
	p0 =	seq.s32 s7, s2  }
0x1e: {  	s7 =	smul.u32 @!p0 $0xF7A, s2;
	p2 =	seq.s32 @!p0 s5, $0x0  }
0x1f: {  	s9 =	smul.u32 $0xF7A, s1;
	s8 =	simm.s32 @!p0 $0x1BF5;
	p2 =	por !p2, p0  }
0x20: {  	[sflag:s8] =	ssyncset.s32 @!p0 $0xFFFFF086;
	s6 =	sadd.s32 @!p0 s3, s7;
	s7 =	simm.s32 @!p0 $0x108  }
0x21: {  	s3 =	sadd.s32 s3, s9;
	s6 =	sadd.s32 @!p0 $0x88, s6;
	s7 =	simm.s32 @p2 $0x1082  }
0x22: {  	[simem:s7], [sflag:s8] =	dma.local @!p0 [hbm:s6], $0xF7A  }
0x23: {  	s9 =	sor.u32 $0xD0000000, s2;
	s6 =	simm.s32 $0x108;
	_ =	swait.ge @!p0 [sflag:s8], $0x0  }
0x24: {  	s3 =	sadd.s32 $0x88, s3;
	s6 =	simm.s32 @!p1 $0x1082;
	[sflag:s4] =	ssyncset.s32 $0xFFFFF086  }
0x25: {  	[simem:s6], [sflag:s4] =	dma.local [hbm:s3], $0xF7A  }
0x26: {  	[smem:$0x3F90] =	sst s1;
	(tag) =	ssettag s2;
	_ =	strace s9  }
0x27: {  	s1 =	sld [smem:$0x3FA0]  }
0x28: {  	s2 =	sld [smem:$0x3FA1]  }
0x29: {  	s4 =	sld [smem:$0x3FA3]  }
0x2a: {  	p0 =	seq.s32 s5, $0x0;
	s5 =	sld [smem:$0x3FA4]  }
0x2b: {  	s6 =	sld [smem:$0x3FA5]  }
0x2c: {  	s7 =	sld [smem:$0x3FA6]  }
0x2d: {  	s3 =	simm.s32 $0x108;
	s8 =	sld [smem:$0x3FA7]  }
0x2e: {  	s3 =	simm.s32 @!p0 $0x1082;
	s9 =	sld [smem:$0x3FA8]  }
0x2f: {  	lr =	sadd.s32 s0, s3;
	s0 =	sld [smem:$0x3F9F]  }
0x30: {  	s3 =	sld [smem:$0x3FA2]  }
0x31: {  	[smem:$0x3FAB] =	sst s10  }
0x32: {  	s10 =	sld [smem:$0x3FA9];
	_ =	sdelay $0x3  }
0x33: {  	p0 =	seq.s32 s10, $0x1;
	s10 =	sld [smem:$0x3FAB];
	_ =	sdelay $0x3  }
0x34: {  	[smem:$0x3FAB] =	sst s10  }
0x35: {  	s10 =	sld [smem:$0x3FAA];
	_ =	sdelay $0x3  }
0x36: {  	p1 =	seq.s32 s10, $0x1;
	s10 =	sld [smem:$0x3FAB];
	_ =	sdelay $0x3  }
0x37: {  	[smem:$0x3FAB] =	sst s10  }
0x38: {  	s10 =	sld [smem:$0x3FAC]  }
0x39: {  	_ = 	snop;
	(pc) =	sbr.ind lr, $3  }
0x3a: {  	_ = 	snop  }
0x3b: {  	_ = 	snop  }
0x3c: {  	p2 =	seq.s32 s10, $0x1;
	s10 =	sld [smem:$0x3FAB]  }
0x3d: {  	_ =	shalt  }
0x3e: {  	_ =	shalt  }
0x3f: {  	_ =	shalt  }
0x40: {  	_ =	shalt  }
0x41: {  	_ =	shalt  }
0x42: {  	_ =	shalt  }
0x43: {  	_ =	shalt  }
0x44: {  	_ =	shalt  }
0x45: {  	_ =	shalt  }
0x46: {  	_ =	shalt  }
0x47: {  	_ =	shalt  }
0x48: {  	_ =	shalt  }
0x49: {  	_ =	shalt  }
0x4a: {  	_ =	shalt  }
0x4b: {  	_ =	shalt  }
0x4c: {  	_ =	shalt  }
0x4d: {  	_ =	shalt  }
0x4e: {  	_ =	shalt  }
0x4f: {  	_ =	shalt  }
0x50: {  	_ =	shalt  }
0x51: {  	_ =	shalt  }
0x52: {  	_ =	shalt  }
0x53: {  	_ =	shalt  }
0x54: {  	_ =	shalt  }
0x55: {  	_ =	shalt  }
0x56: {  	_ =	shalt  }
0x57: {  	_ =	shalt  }
0x58: {  	_ =	shalt  }
0x59: {  	_ =	shalt  }
0x5a: {  	_ =	shalt  }
0x5b: {  	_ =	shalt  }
0x5c: {  	_ =	shalt  }
0x5d: {  	_ =	shalt  }
0x5e: {  	_ =	shalt  }
0x5f: {  	_ =	shalt  }
0x60: {  	_ =	shalt  }
0x61: {  	_ =	shalt  }
0x62: {  	_ =	shalt  }
0x63: {  	_ =	shalt  }
0x64: {  	_ =	shalt  }
0x65: {  	_ =	shalt  }
0x66: {  	_ =	shalt  }
0x67: {  	_ =	shalt  }
0x68: {  	_ =	shalt  }
0x69: {  	_ =	shalt  }
0x6a: {  	_ =	shalt  }
0x6b: {  	_ =	shalt  }
0x6c: {  	_ =	shalt  }
0x6d: {  	_ =	shalt  }
0x6e: {  	_ =	shalt  }
0x6f: {  	_ =	shalt  }
0x70: {  	_ =	shalt  }
0x71: {  	_ =	shalt  }
0x72: {  	_ =	shalt  }
0x73: {  	_ =	shalt  }
0x74: {  	_ =	shalt  }
0x75: {  	_ =	shalt  }
0x76: {  	_ =	shalt  }
0x77: {  	_ =	shalt  }
0x78: {  	_ =	shalt  }
0x79: {  	_ =	shalt  }
0x7a: {  	_ =	shalt  }
0x7b: {  	_ =	shalt  }
0x7c: {  	_ =	shalt  }
0x7d: {  	_ =	shalt  }
0x7e: {  	_ =	shalt  }
0x7f: {  	_ =	shalt  }
0x80: {  	_ =	shalt  }
0x81: {  	_ =	shalt  }
0x82: {  	_ =	shalt  }
0x83: {  	_ =	shalt  }
0x84: {  	_ =	shalt  }
0x85: {  	_ =	shalt  }
0x86: {  	_ =	shalt  }
0x87: {  	_ =	shalt  }
.Lfunc_end0:
.L_simem_size_0:
called_computation_lowered:
.L_overlay_start_0:
0x88: {  	s2 =	sld [smem:$0x3FD9]  }
0x89: {  	s3 =	sld [smem:$0x3FFE];
	_ =	sdelay $0x1  }
0x8a: {  	s1 =	srdreg.scid  }
0x8b: {  	s0 =	sand.u32 $0x1, s1  }
0x8c: {  	s17 =	sshll.u32 s0, $0xA;
	s2 =	sadd.s32 s3, s2  }
0x8d: {  	s2 =	sadd.s32 s2, s17  }
0x8e: {  	[smem:$0x3FB7] =	sst s2  }
0x8f: {  	_ = 	snop  }
0x90: {  	s2 =	sld [smem:$0x3FD0];
	(tm) =	ssettm $0x1  }
0x91: {  	s18 =	sld [smem:$0x3FFB];
	_ =	sdelay $0x3  }
0x92: {  	_ =	strace s18  }
0x93: {  	s3 =	sld [smem:$0x3FFC];
	_ =	sdelay $0x3  }
0x94: {  	_ =	strace s3  }
0x95: {  	s3 =	sld [smem:$0x3FFD];
	_ =	sdelay $0x3  }
0x96: {  	_ =	strace s3  }
0x97: {  	_ =	strace $0x8FFFFFFF  }
0x98: {  	s19 =	sld [smem:$0x3FDB];
	_ =	sdelay $0x1  }
0x99: {  	s4 =	simm.s32 $_scs_section_size  }
0x9a: {  	s5 =	simm.s32 $_size__tile_overlayer_lowered;
	s6 =	simm.s32 $_tile_overlayer_lowered  }
0x9b: {  	s22 =	simm.s32 $0x1BFF;
	s21 =	sshll.u32 s6, $0x1;
	s3 =	sadd.s32 s4, s19  }
0x9c: {  	s7 =	simm.s32 $0x0;
	s20 =	sshll.u32 s5, $0x1;
	s5 =	sadd.s32 s21, s3  }
0x9d: {  	[timem:s7], [sflag:s22] =	dma.local [hbm:s5], s20  }
0x9e: {  	_ =	swait.ge [sflag:s22], s20  }
0x9f: {  	s4 =	ssub.s32 $0x0, s20;
	[sflag:s22] =	ssyncset.done $0x0  }
0xa0: {  	[sflag:s22] =	ssyncadd.s32 s4;
	_ =	sdelay $0x1  }
0xa1: {  	s23 =	simm.s32 $0x1B8B  }
0xa2: {  	_ =	swait.ge [sflag:s23], $0x1  }
0xa3: {  	[sflag:s23] =	ssyncset.done $0x0  }
0xa4: {  	s25 =	simm.s32 $0x1B8E;
	s24 =	sld [smem:$0x3FFE];
	[sflag:s23] =	ssyncadd.s32 $0xFFFFFFFF  }
0xa5: {  	s26 =	simm.s32 $execute0_lowered;
	[smem:$0x3FD2] =	sst s25  }
0xa6: {  	s5 =	sshll.u32 s26, $0x1;
	_ =	strace $0x80000046;
	[dreg:$0x1] =	wrdreg $0xFFFFFFFF  }
0xa7: {  	s28 =	simm.s32 $_size_execute0_lowered;
	s3 =	sadd.s32 s3, s5;
	[dreg:$0x0] =	wrdreg $0x0  }
0xa8: {  	s5 =	sshll.u32 s28, $0x1;
	[dreg:$0x2] =	wrdreg s3  }
0xa9: {  	[dreg:$0x3] =	wrdreg s5  }
0xaa: {  	[dreg:$0x4] =	wrdreg $0xC0  }
0xab: {  	_ =	task [dreg:s7], $0x5FFFF  }
0xac: {  	[dreg:$0x1] =	wrdreg $0xFFFFFFFF  }
0xad: {  	[dreg:$0x0] =	wrdreg $0x60  }
0xae: {  	[dreg:$0x2] =	wrdreg s24  }
0xaf: {  	[dreg:$0x3] =	wrdreg s2  }
0xb0: {  	[dreg:$0x4] =	wrdreg $0x64800  }
0xb1: {  	[dreg:$0x5] =	wrdreg $0x9  }
0xb2: {  	_ =	task.clear_ibuf [dreg:s7], $0x6FFFF;
	_ =	strace $0x90000046  }
0xb3: {  	s29 =	simm.s32 $0x9;
	_ =	strace $0x80000048  }
0xb4: {  	_ =	swait.ge [sflag:s29], $0x1  }
0xb5: {  	[sflag:s29] =	ssyncadd.s32 $0xFFFFFFFF  }
0xb6: {  	_ =	strace $0x90000048  }
0xb7: {  	_ =	sfence  }
0xb8: {  	s30 =	sld [smem:$0x0];
	_ =	sdelay $0x2  }
0xb9: {  	s31 =	sshll.u32 s1, $0xD;
	s1 =	sshrl.u32 s1, $0x2  }
0xba: {  	s3 =	sand.u32 $0x4000, s31;
	s1 =	sadd.s32 s1, s30  }
0xbb: {  	s0 =	sor.u32 s3, s0;
	s1 =	sshll.u32 s1, $0x11  }
0xbc: {  	s0 =	sor.u32 s1, s0  }
0xbd: {  	s0 =	sadd.s32 $0x8F2B, s0  }
0xbe: {  	[sflag:s0] =	ssyncadd.remote.s32 $0x1  }
0xbf: {  	_ =	sfence.sel $0xFFFF  }
0xc0: {  	[dreg:$0x0] =	wrdreg $0xFFFFFFFF;
	(pc) =	sbr.abs _section_cstart, $3  }
0xc1: {  	[dreg:$0x1] =	wrdreg $0xFFFFFFFF  }
0xc2: {  	_ =	task.clear_ibuf [dreg:s7], $0x2FFFF;
	_ =	strace $0x9FFFFFFF  }
0xc3: {  	(tm) =	ssettm $0x7FFFFFFF  }
tec
execute0_lowered:
.L_overlay_start_1:
0x0: {  	(tag) =	ssettag $0x1  }
0x1: {  	s4 =	rddreg [dreg:$0x0]  }
0x2: {  	s0 =	srdreg.scid;
	s7 =	rddreg [dreg:$0x1]  }
0x3: {  	s2 =	rddreg [dreg:$0x2];
	s1 =	stileid.u32  }
0x4: {  	s3 =	simm.s32 $0x0;
	s5 =	sand.u32 $0x1, s0;
	s0 =	rddreg [dreg:$0x3]  }
0x5: {  	s12 =	simm.s32 $0x6400;
	s13 =	simm.s32 $0x0;
	[smem:$0x7FF] =	sst s3  }
0x6: {  	s9 =	smul.u32 $0x3200, s1;
	s31 =	sshll.u32 s1, $0x6;
	s6 =	sshll.u32 s5, $0x4  }
0x7: {  	_ =	strace $0x80000047;
	s5 =	ssub.s32 $0x2, s5;
	s6 =	sor.u32 s1, s6  }
0x8: {  	s10 =	sshrl.u32 s5, $0x1;
	s9 =	sshrl.u32 s9, $0x2;
	s8 =	smul.u32 $0xC80, s6  }
0x9: {  	s11 =	smul.u32 $0x190, s6;
	s10 =	ssub.s32 s5, s10;
	s9 =	sadd.s32 s9, s2  }
0xa: {  	s5 =	sor.u32 $0x1C01, s31;
	s9 =	sshrl.u32 s9, $0x3;
	s8 =	sadd.s32 s8, s4  }
0xb: {  	s4 =	sadd.s32 $0x34800, s4;
	s7 =	sadd.s32 s7, s11;
	s11 =	simm.s32 $0x80  }
0xc: {  	v0 =	vimm.f32 $1.000000000e+00;
	s6 =	sadd.s32 $0x1B800, s8;
	s8 =	smax.u32 s10, $0x1;
	s10 =	simm.s32 $0x1  }
.LBB2_1:
0xd: {  	[spmem:s9], [sflag:s5] =	dma.local [hbm:s4], $0x190  }
0xe: {  	_ =	swait.ge [sflag:s10], $0x190  }
0xf: {  	[sflag:s10] =	ssyncset.done $0x0  }
0x10: {  	[sflag:s10] =	ssyncadd.s32 $0xFFFFFE70  }
0x11: {  	[tilespmem:s3], [sflag:$0x1] =	stream.linear.gather [hbm4b:s6+s3], $0x6200, $0x38;
	[tilespmem:$0x7100] =	vst v63  }
0x12: {  	_ =	swait.ge [sflag:s10], $0x6200  }
0x13: {  	[sflag:s10] =	ssyncset.done $0x0  }
0x14: {  	[sflag:s10] =	ssyncadd.s32 $0xFFFF9E00  }
0x15: {  	[tilespmem:$0x6400] =	vst v0  }
0x16: {  	[tilespmem:$0x6410] =	vst v0  }
0x17: {  	[tilespmem:$0x6420] =	vst v0  }
0x18: {  	[tilespmem:$0x6430] =	vst v0  }
0x19: {  	[tilespmem:$0x6440] =	vst v0  }
0x1a: {  	[tilespmem:$0x6450] =	vst v0  }
0x1b: {  	[tilespmem:$0x6460] =	vst v0  }
0x1c: {  	[tilespmem:$0x6470] =	vst v0  }
0x1d: {  	s14 =	simm.s32 $0x0;
	[bflag:$0x0] =	sbarrier.arrive $0xFFFF  }
0x1e: {  	[spmem:s2] =	stream.indirect.scatter.add.f32 [tilespmem:s12], [sflag:$0x1], $0x1, s14, s11, $0xb8;
	[tilespmem:$0x7100] =	vst v63  }
0x1f: {  	_ =	swait.ge [sflag:s10], $0x80  }
0x20: {  	s14 =	simm.s32 $0x200;
	[sflag:s10] =	ssyncset.done $0x0  }
.LBB2_2:
0x21: {  	s15 =	sshra.s32 s14, $0x2;
	[sflag:s10] =	ssyncadd.s32 $0xFFFFFF80;
	p0 =	sne.s32 s14, $0x18600  }
0x22: {  	[spmem:s2] =	stream.indirect.scatter.add.f32 [tilespmem:s12], [sflag:$0x1], $0x1, s15, s11, $0xb8;
	[tilespmem:$0x7100] =	vst v63  }
.Ltmp0:
0x23: {  	_ = 	snop;
	(pc) =	sbr.rel @p0 .LBB2_2-.Ltmp0, $4  }
0x24: {  	_ = 	snop  }
0x25: {  	s14 =	sadd.s32 $0x200, s14  }
0x26: {  	_ =	swait.ge [sflag:s10], $0x80  }
0x27: {  	[sflag:s10] =	ssyncset.done $0x0  }
0x28: {  	s13 =	sadd.s32 $0x1, s13  }
0x29: {  	[sflag:s10] =	ssyncadd.s32 $0xFFFFFF80;
	p0 =	sne.s32 s13, s8  }
.Ltmp1:
0x2a: {  	[bflag:$0x0] =	sbarrier.arrive $0xFFFF;
	(pc) =	sbr.rel @p0 .LBB2_1-.Ltmp1, $4  }
0x2b: {  	[hbm:s7], [sflag:s5] =	dma.local [spmem:s9], $0x190  }
0x2c: {  	_ =	swait.ge [sflag:s10], $0x190  }
0x2d: {  	[sflag:s10] =	ssyncset.done $0x0  }
0x2e: {  	[sflag:s10] =	ssyncadd.s32 $0xFFFFFE70  }
0x2f: {  	_ =	sfence.sel $0x180000  }
0x30: {  	[bflag:$0x0] =	sbarrier.arrive $0xFFFF  }
0x31: {  	p0 =	sne.s32 s1, $0x0;
	_ =	strace $0x90000047  }
0x32: {  	s0 =	sadd.s32 @!p0 $0x100000, s0;
	[bflag:$0x2] =	sbarrier.arrive $0xFFFF  }
0x33: {  	[sflag:s0] =	ssyncadd.tile.s32 @!p0 $0x1;
	_ =	shalt  }
.Lfunc_end2:
_tile_overlayer_lowered:
.L_overlay_start_2:
0x34: {  	(tag) =	ssettag $0x2  }
0x35: {  	s0 =	rddreg [dreg:$0x0];
	s2 =	stileid.u32  }
0x36: {  	s1 =	rddreg [dreg:$0x1];
	p0 =	sne.s32 s2, $0x0  }
0x37: {  	s3 =	rddreg [dreg:$0x2];
	[bflag:$0x3] =	sbarrier.arrive $0xFFFF;
	s2 =	simm.s32 @!p0 $0x1C01  }
0x38: {  	[timem:s3], [sflag:s2] =	dma.local @!p0 [hbm:s0], s1  }
0x39: {  	s0 =	simm.s32 @!p0 $0x1  }
0x3a: {  	_ =	swait.ge @!p0 [sflag:s0], s1  }
0x3b: {  	s1 =	ssub.s32 @!p0 $0x0, s1;
	[sflag:s0] =	ssyncset.done @!p0 $0x0  }
0x3c: {  	[sflag:s0] =	ssyncadd.s32 @!p0 s1  }
0x3d: {  	[bflag:$0x3] =	sbarrier.arrive $0xFFFF  }
0x3e: {  	_ =	shalt  }

// kernel: kernel.9.cloned.1.call-start
scs
__scs_entry_jumppad:
0x0: {  	(pc) =	sbr.rel $0x88, $3  }
0x1: {  	(tag) =	ssettag $0x0;
	lr =	simm.s32 $0x1  }
0x2: {  	[smem:$0x3F90] =	sst lr;
	_ =	strace $0xD0000000  }
0x3: {  	_ = 	snop  }
0x4: {  	_ = 	snop  }
0x5: {  	_ = 	snop  }
0x6: {  	_ = 	snop  }
0x7: {  	_ = 	snop  }
__scs_overlays_trampoline_lowered:
0x8: {  	[smem:$0x3F9F] =	sst s0  }
0x9: {  	[smem:$0x3FA0] =	sst s1  }
0xa: {  	[smem:$0x3FA1] =	sst s2  }
0xb: {  	[smem:$0x3FA2] =	sst s3  }
0xc: {  	[smem:$0x3FA3] =	sst s4  }
0xd: {  	[smem:$0x3FA4] =	sst s5  }
0xe: {  	[smem:$0x3FA5] =	sst s6  }
0xf: {  	[smem:$0x3FA6] =	sst s7  }
0x10: {  	[smem:$0x3FA7] =	sst s8  }
0x11: {  	[smem:$0x3FA8] =	sst s9;
	s0 =	simm.s32 @!p0 $0x0  }
0x12: {  	s1 =	sld [smem:$0x3F8E];
	s0 =	simm.s32 @p0 $0x1  }
0x13: {  	[smem:$0x3FA9] =	sst s0;
	s0 =	simm.s32 @!p1 $0x0  }
0x14: {  	s2 =	sld [smem:$0x3F8D];
	s0 =	simm.s32 @p1 $0x1  }
0x15: {  	[smem:$0x3FAA] =	sst s0;
	s0 =	simm.s32 @!p2 $0x0  }
0x16: {  	s3 =	sld [smem:$0x3FDB];
	s0 =	simm.s32 @p2 $0x1  }
0x17: {  	s4 =	simm.s32 $0x1BF5;
	[smem:$0x3FAC] =	sst s0  }
0x18: {  	s0 =	sld [smem:$0x3F8F];
	_ =	swait.ge [sflag:s4], $0x0  }
0x19: {  	s7 =	sld [smem:$0x3F90]  }
0x1a: {  	s8 =	sadd.s32 $0xFFFFE003, lr  }
0x1b: {  	s9 =	sadd.s32 $0xFFFFFEF7, lr;
	s5 =	simm.s32 $0xFFFFFFFF;
	p2 =	slt.u32 s8, $0xFFFFF086  }
0x1c: {  	p1 =	slt.u32 s9, $0xF7A;
	s5 =	simm.s32 @!p2 $0x0  }
0x1d: {  	s5 =	simm.s32 @p1 $0x1;
	p0 =	seq.s32 s7, s2  }
0x1e: {  	s7 =	smul.u32 @!p0 $0xF7A, s2;
	p2 =	seq.s32 @!p0 s5, $0x0  }
0x1f: {  	s9 =	smul.u32 $0xF7A, s1;
	s8 =	simm.s32 @!p0 $0x1BF5;
	p2 =	por !p2, p0  }
0x20: {  	[sflag:s8] =	ssyncset.s32 @!p0 $0xFFFFF086;
	s6 =	sadd.s32 @!p0 s3, s7;
	s7 =	simm.s32 @!p0 $0x108  }
0x21: {  	s3 =	sadd.s32 s3, s9;
	s6 =	sadd.s32 @!p0 $0x88, s6;
	s7 =	simm.s32 @p2 $0x1082  }
0x22: {  	[simem:s7], [sflag:s8] =	dma.local @!p0 [hbm:s6], $0xF7A  }
0x23: {  	s9 =	sor.u32 $0xD0000000, s2;
	s6 =	simm.s32 $0x108;
	_ =	swait.ge @!p0 [sflag:s8], $0x0  }
0x24: {  	s3 =	sadd.s32 $0x88, s3;
	s6 =	simm.s32 @!p1 $0x1082;
	[sflag:s4] =	ssyncset.s32 $0xFFFFF086  }
0x25: {  	[simem:s6], [sflag:s4] =	dma.local [hbm:s3], $0xF7A  }
0x26: {  	[smem:$0x3F90] =	sst s1;
	(tag) =	ssettag s2;
	_ =	strace s9  }
0x27: {  	s1 =	sld [smem:$0x3FA0]  }
0x28: {  	s2 =	sld [smem:$0x3FA1]  }
0x29: {  	s4 =	sld [smem:$0x3FA3]  }
0x2a: {  	p0 =	seq.s32 s5, $0x0;
	s5 =	sld [smem:$0x3FA4]  }
0x2b: {  	s6 =	sld [smem:$0x3FA5]  }
0x2c: {  	s7 =	sld [smem:$0x3FA6]  }
0x2d: {  	s3 =	simm.s32 $0x108;
	s8 =	sld [smem:$0x3FA7]  }
0x2e: {  	s3 =	simm.s32 @!p0 $0x1082;
	s9 =	sld [smem:$0x3FA8]  }
0x2f: {  	lr =	sadd.s32 s0, s3;
	s0 =	sld [smem:$0x3F9F]  }
0x30: {  	s3 =	sld [smem:$0x3FA2]  }
0x31: {  	[smem:$0x3FAB] =	sst s10  }
0x32: {  	s10 =	sld [smem:$0x3FA9];
	_ =	sdelay $0x3  }
0x33: {  	p0 =	seq.s32 s10, $0x1;
	s10 =	sld [smem:$0x3FAB];
	_ =	sdelay $0x3  }
0x34: {  	[smem:$0x3FAB] =	sst s10  }
0x35: {  	s10 =	sld [smem:$0x3FAA];
	_ =	sdelay $0x3  }
0x36: {  	p1 =	seq.s32 s10, $0x1;
	s10 =	sld [smem:$0x3FAB];
	_ =	sdelay $0x3  }
0x37: {  	[smem:$0x3FAB] =	sst s10  }
0x38: {  	s10 =	sld [smem:$0x3FAC]  }
0x39: {  	_ = 	snop;
	(pc) =	sbr.ind lr, $3  }
0x3a: {  	_ = 	snop  }
0x3b: {  	_ = 	snop  }
0x3c: {  	p2 =	seq.s32 s10, $0x1;
	s10 =	sld [smem:$0x3FAB]  }
0x3d: {  	_ =	shalt  }
0x3e: {  	_ =	shalt  }
0x3f: {  	_ =	shalt  }
0x40: {  	_ =	shalt  }
0x41: {  	_ =	shalt  }
0x42: {  	_ =	shalt  }
0x43: {  	_ =	shalt  }
0x44: {  	_ =	shalt  }
0x45: {  	_ =	shalt  }
0x46: {  	_ =	shalt  }
0x47: {  	_ =	shalt  }
0x48: {  	_ =	shalt  }
0x49: {  	_ =	shalt  }
0x4a: {  	_ =	shalt  }
0x4b: {  	_ =	shalt  }
0x4c: {  	_ =	shalt  }
0x4d: {  	_ =	shalt  }
0x4e: {  	_ =	shalt  }
0x4f: {  	_ =	shalt  }
0x50: {  	_ =	shalt  }
0x51: {  	_ =	shalt  }
0x52: {  	_ =	shalt  }
0x53: {  	_ =	shalt  }
0x54: {  	_ =	shalt  }
0x55: {  	_ =	shalt  }
0x56: {  	_ =	shalt  }
0x57: {  	_ =	shalt  }
0x58: {  	_ =	shalt  }
0x59: {  	_ =	shalt  }
0x5a: {  	_ =	shalt  }
0x5b: {  	_ =	shalt  }
0x5c: {  	_ =	shalt  }
0x5d: {  	_ =	shalt  }
0x5e: {  	_ =	shalt  }
0x5f: {  	_ =	shalt  }
0x60: {  	_ =	shalt  }
0x61: {  	_ =	shalt  }
0x62: {  	_ =	shalt  }
0x63: {  	_ =	shalt  }
0x64: {  	_ =	shalt  }
0x65: {  	_ =	shalt  }
0x66: {  	_ =	shalt  }
0x67: {  	_ =	shalt  }
0x68: {  	_ =	shalt  }
0x69: {  	_ =	shalt  }
0x6a: {  	_ =	shalt  }
0x6b: {  	_ =	shalt  }
0x6c: {  	_ =	shalt  }
0x6d: {  	_ =	shalt  }
0x6e: {  	_ =	shalt  }
0x6f: {  	_ =	shalt  }
0x70: {  	_ =	shalt  }
0x71: {  	_ =	shalt  }
0x72: {  	_ =	shalt  }
0x73: {  	_ =	shalt  }
0x74: {  	_ =	shalt  }
0x75: {  	_ =	shalt  }
0x76: {  	_ =	shalt  }
0x77: {  	_ =	shalt  }
0x78: {  	_ =	shalt  }
0x79: {  	_ =	shalt  }
0x7a: {  	_ =	shalt  }
0x7b: {  	_ =	shalt  }
0x7c: {  	_ =	shalt  }
0x7d: {  	_ =	shalt  }
0x7e: {  	_ =	shalt  }
0x7f: {  	_ =	shalt  }
0x80: {  	_ =	shalt  }
0x81: {  	_ =	shalt  }
0x82: {  	_ =	shalt  }
0x83: {  	_ =	shalt  }
0x84: {  	_ =	shalt  }
0x85: {  	_ =	shalt  }
0x86: {  	_ =	shalt  }
0x87: {  	_ =	shalt  }
.Lfunc_end0:
.L_simem_size_0:
called_computation.1_lowered:
.L_overlay_start_0:
0x88: {  	s2 =	sld [smem:$0x3FD9]  }
0x89: {  	s3 =	sld [smem:$0x3FFE];
	_ =	sdelay $0x1  }
0x8a: {  	s1 =	srdreg.scid  }
0x8b: {  	s0 =	sand.u32 $0x1, s1  }
0x8c: {  	s17 =	sshll.u32 s0, $0xA;
	s2 =	sadd.s32 s3, s2  }
0x8d: {  	s2 =	sadd.s32 s2, s17  }
0x8e: {  	[smem:$0x3FB7] =	sst s2  }
0x8f: {  	_ = 	snop  }
0x90: {  	s2 =	sld [smem:$0x3FD0];
	(tm) =	ssettm $0x1  }
0x91: {  	s18 =	sld [smem:$0x3FFB];
	_ =	sdelay $0x3  }
0x92: {  	_ =	strace s18  }
0x93: {  	s3 =	sld [smem:$0x3FFC];
	_ =	sdelay $0x3  }
0x94: {  	_ =	strace s3  }
0x95: {  	s3 =	sld [smem:$0x3FFD];
	_ =	sdelay $0x3  }
0x96: {  	_ =	strace s3  }
0x97: {  	_ =	strace $0x8FFFFFFF  }
0x98: {  	s19 =	sld [smem:$0x3FDB];
	_ =	sdelay $0x1  }
0x99: {  	s4 =	simm.s32 $_scs_section_size  }
0x9a: {  	s5 =	simm.s32 $_size__tile_overlayer_lowered;
	s6 =	simm.s32 $_tile_overlayer_lowered  }
0x9b: {  	s22 =	simm.s32 $0x1BFF;
	s21 =	sshll.u32 s6, $0x1;
	s3 =	sadd.s32 s4, s19  }
0x9c: {  	s7 =	simm.s32 $0x0;
	s20 =	sshll.u32 s5, $0x1;
	s5 =	sadd.s32 s21, s3  }
0x9d: {  	[timem:s7], [sflag:s22] =	dma.local [hbm:s5], s20  }
0x9e: {  	_ =	swait.ge [sflag:s22], s20  }
0x9f: {  	s4 =	ssub.s32 $0x0, s20;
	[sflag:s22] =	ssyncset.done $0x0  }
0xa0: {  	[sflag:s22] =	ssyncadd.s32 s4;
	_ =	sdelay $0x1  }
0xa1: {  	s23 =	simm.s32 $0x1B8B  }
0xa2: {  	_ =	swait.ge [sflag:s23], $0x1  }
0xa3: {  	[sflag:s23] =	ssyncset.done $0x0  }
0xa4: {  	s25 =	simm.s32 $0x1B8E;
	s24 =	sld [smem:$0x3FFE];
	[sflag:s23] =	ssyncadd.s32 $0xFFFFFFFF  }
0xa5: {  	s26 =	simm.s32 $execute0_lowered;
	[smem:$0x3FD2] =	sst s25  }
0xa6: {  	s5 =	sshll.u32 s26, $0x1;
	_ =	strace $0x80000049;
	[dreg:$0x1] =	wrdreg $0xFFFFFFFF  }
0xa7: {  	s28 =	simm.s32 $_size_execute0_lowered;
	s3 =	sadd.s32 s3, s5;
	[dreg:$0x0] =	wrdreg $0x0  }
0xa8: {  	s5 =	sshll.u32 s28, $0x1;
	[dreg:$0x2] =	wrdreg s3  }
0xa9: {  	[dreg:$0x3] =	wrdreg s5  }
0xaa: {  	[dreg:$0x4] =	wrdreg $0xC0  }
0xab: {  	_ =	task [dreg:s7], $0x5FFFF  }
0xac: {  	[dreg:$0x1] =	wrdreg $0xFFFFFFFF  }
0xad: {  	[dreg:$0x0] =	wrdreg $0x60  }
0xae: {  	[dreg:$0x2] =	wrdreg s24  }
0xaf: {  	[dreg:$0x3] =	wrdreg s2  }
0xb0: {  	[dreg:$0x4] =	wrdreg $0x34000  }
0xb1: {  	[dreg:$0x5] =	wrdreg $0x9  }
0xb2: {  	_ =	task.clear_ibuf [dreg:s7], $0x6FFFF;
	_ =	strace $0x90000049  }
0xb3: {  	s29 =	simm.s32 $0x9;
	_ =	strace $0x8000004B  }
0xb4: {  	_ =	swait.ge [sflag:s29], $0x1  }
0xb5: {  	[sflag:s29] =	ssyncadd.s32 $0xFFFFFFFF  }
0xb6: {  	_ =	strace $0x9000004B  }
0xb7: {  	_ =	sfence  }
0xb8: {  	s30 =	sld [smem:$0x0];
	_ =	sdelay $0x2  }
0xb9: {  	s31 =	sshll.u32 s1, $0xD;
	s1 =	sshrl.u32 s1, $0x2  }
0xba: {  	s3 =	sand.u32 $0x4000, s31;
	s1 =	sadd.s32 s1, s30  }
0xbb: {  	s0 =	sor.u32 s3, s0;
	s1 =	sshll.u32 s1, $0x11  }
0xbc: {  	s0 =	sor.u32 s1, s0  }
0xbd: {  	s0 =	sadd.s32 $0x8F2B, s0  }
0xbe: {  	[sflag:s0] =	ssyncadd.remote.s32 $0x1  }
0xbf: {  	_ =	sfence.sel $0xFFFF  }
0xc0: {  	[dreg:$0x0] =	wrdreg $0xFFFFFFFF;
	(pc) =	sbr.abs _section_cstart, $3  }
0xc1: {  	[dreg:$0x1] =	wrdreg $0xFFFFFFFF  }
0xc2: {  	_ =	task.clear_ibuf [dreg:s7], $0x2FFFF;
	_ =	strace $0x9FFFFFFF  }
0xc3: {  	(tm) =	ssettm $0x7FFFFFFF  }
tec
execute0_lowered:
.L_overlay_start_1:
0x0: {  	(tag) =	ssettag $0x1  }
0x1: {  	s0 =	srdreg.scid;
	s8 =	stileid.u32  }
0x2: {  	s0 =	sand.u32 $0x1, s0;
	s4 =	smul.u32 $0x6200, s8  }
0x3: {  	s1 =	smul.u32 $0x62000, s0  }
0x4: {  	s2 =	rddreg [dreg:$0x0]  }
0x5: {  	s3 =	rddreg [dreg:$0x2];
	s1 =	sadd.s32 s4, s1;
	s4 =	simm.s32 $0x0  }
0x6: {  	s6 =	simm.s32 $0x100;
	[smem:$0x7FF] =	sst s4  }
0x7: {  	s7 =	simm.s32 $0xE80;
	_ =	strace $0x8000004A;
	[dreg:$0x6] =	wrdreg s6  }
0x8: {  	s9 =	simm.s32 $0x180;
	[dreg:$0x7] =	wrdreg s7  }
0x9: {  	s10 =	simm.s32 $0xF00;
	[dreg:$0x8] =	wrdreg s9  }
0xa: {  	s11 =	simm.s32 $0x200;
	[dreg:$0x9] =	wrdreg s10  }
0xb: {  	s12 =	simm.s32 $0xF80;
	[dreg:$0xa] =	wrdreg s11  }
0xc: {  	s13 =	simm.s32 $0x280;
	[dreg:$0xb] =	wrdreg s12  }
0xd: {  	s14 =	simm.s32 $0x1000;
	[dreg:$0xc] =	wrdreg s13  }
0xe: {  	s15 =	simm.s32 $0x300;
	[dreg:$0xd] =	wrdreg s14  }
0xf: {  	s16 =	simm.s32 $0x1080;
	[dreg:$0xe] =	wrdreg s15  }
0x10: {  	s17 =	simm.s32 $0x380;
	[dreg:$0xf] =	wrdreg s16  }
0x11: {  	s18 =	simm.s32 $0x1100;
	[dreg:$0x10] =	wrdreg s17  }
0x12: {  	s19 =	simm.s32 $0x400;
	[dreg:$0x11] =	wrdreg s18  }
0x13: {  	s20 =	simm.s32 $0x1180;
	[dreg:$0x12] =	wrdreg s19  }
0x14: {  	s21 =	simm.s32 $0x480;
	[dreg:$0x13] =	wrdreg s20  }
0x15: {  	s23 =	simm.s32 $0x1200;
	[dreg:$0x14] =	wrdreg s21  }
0x16: {  	s24 =	simm.s32 $0x500;
	[dreg:$0x15] =	wrdreg s23  }
0x17: {  	s25 =	simm.s32 $0x1280;
	s26 =	simm.s32 $0x580;
	[dreg:$0x16] =	wrdreg s24  }
0x18: {  	s28 =	simm.s32 $0xC80;
	s29 =	simm.s32 $0x1A00;
	[dreg:$0x17] =	wrdreg s25  }
0x19: {  	s30 =	simm.s32 $0xD00;
	[dreg:$0x18] =	wrdreg s26;
	s7 =	simm.s32 $0x600  }
0x1a: {  	s31 =	simm.s32 $0x1A80;
	s10 =	simm.s32 $0x1380;
	[dreg:$0x1a] =	wrdreg s7  }
0x1b: {  	s22 =	sshll.u32 s0, $0x4;
	s11 =	simm.s32 $0x680;
	[dreg:$0x1b] =	wrdreg s10  }
0x1c: {  	s0 =	ssub.s32 $0x2, s0;
	s12 =	simm.s32 $0x1400;
	[dreg:$0x1c] =	wrdreg s11  }
0x1d: {  	s1 =	sshrl.u32 s1, $0x3;
	s14 =	simm.s32 $0x700;
	[dreg:$0x1d] =	wrdreg s12  }
0x1e: {  	s1 =	sadd.s32 s1, s2;
	s15 =	simm.s32 $0x1480;
	[dreg:$0x1e] =	wrdreg s14  }
0x1f: {  	s9 =	sshrl.u32 s0, $0x1;
	s17 =	simm.s32 $0x780;
	[dreg:$0x1f] =	wrdreg s15  }
0x20: {  	s16 =	sshll.u32 s8, $0x6;
	s18 =	simm.s32 $0x1500;
	[smem:$0x7F0] =	sst s17  }
0x21: {  	s19 =	simm.s32 $0x800;
	s20 =	simm.s32 $0x1580;
	[smem:$0x7F2] =	sst s18  }
0x22: {  	s21 =	simm.s32 $0x880;
	s23 =	simm.s32 $0x900;
	[smem:$0x7F4] =	sst s19  }
0x23: {  	s24 =	simm.s32 $0x1680;
	s25 =	simm.s32 $0x980;
	[smem:$0x7F5] =	sst s20  }
0x24: {  	s26 =	simm.s32 $0x1700;
	s5 =	sadd.s32 $0x3000, s1;
	[smem:$0x7F6] =	sst s21  }
0x25: {  	s1 =	sadd.s32 $0x34A00, s1;
	s7 =	smul.u32 $0x4B000, s8;
	[smem:$0x7F8] =	sst s23  }
0x26: {  	s0 =	ssub.s32 s0, s9;
	s10 =	simm.s32 $0x3;
	[smem:$0x7F9] =	sst s24  }
0x27: {  	s11 =	simm.s32 $0xE00;
	s12 =	simm.s32 $0x80;
	[smem:$0x7FA] =	sst s25  }
0x28: {  	s14 =	simm.s32 $0x2800;
	s15 =	simm.s32 $0x1;
	[smem:$0x7FB] =	sst s26  }
0x29: {  	s17 =	simm.s32 $0xA00;
	s18 =	simm.s32 $0x1780;
	s19 =	simm.s32 $0xA80  }
0x2a: {  	s20 =	simm.s32 $0x1800;
	s21 =	simm.s32 $0xB00;
	s23 =	simm.s32 $0xB80  }
0x2b: {  	s24 =	simm.s32 $0x1900;
	s25 =	simm.s32 $0xC00;
	[dreg:$0x4] =	wrdreg s5  }
0x2c: {  	s26 =	simm.s32 $0x1980;
	s9 =	simm.s32 $0x0;
	[dreg:$0x5] =	wrdreg s1  }
0x2d: {  	s5 =	sor.u32 s8, s22;
	s0 =	smax.u32 s0, $0x1;
	s22 =	simm.s32 $0x1600  }
0x2e: {  	s1 =	simm.s32 $0xD80;
	s6 =	smul.u32 $0x2580, s5;
	s5 =	sadd.s32 $0x4D200, s2  }
0x2f: {  	s13 =	sshrl.u32 s7, $0x2;
	s7 =	sor.u32 $0x1C03, s16;
	[smem:$0x7F3] =	sst s0  }
0x30: {  	[smem:$0x7F7] =	sst s22;
	s16 =	simm.s32 $0x2;
	s22 =	simm.s32 $0x1880  }
0x31: {  	[smem:$0x7FC] =	sst s7;
	s2 =	sadd.s32 s6, s2;
	s6 =	simm.s32 $0x1300  }
0x32: {  	[dreg:$0x19] =	wrdreg s6;
	s6 =	sadd.s32 s13, s3;
	s2 =	sadd.s32 $0x72A00, s2  }
0x33: {  	s0 =	simm.s32 $0x1B00;
	[smem:$0x7F1] =	sst s2;
	s8 =	sshrl.u32 s6, $0x3  }
0x34: {  	s13 =	simm.s32 $0x1C00;
	s2 =	simm.s32 $0x1B80;
	[smem:$0x7FD] =	sst s8  }
.LBB2_1:
0x35: {  	[smem:$0x7EF] =	sst s9  }
0x36: {  	s6 =	rddreg [dreg:$0x1]  }
0x37: {  	[spmem:s8], [sflag:s7] =	dma.local [hbm:s6], $0x2580  }
0x38: {  	_ =	swait.ge [sflag:s10], $0x2580  }
0x39: {  	[sflag:s10] =	ssyncset.done $0x0  }
0x3a: {  	[sflag:s10] =	ssyncadd.s32 $0xFFFFDA80  }
0x3b: {  	[bflag:$0x0] =	sbarrier.arrive $0xFFFF  }
0x3c: {  	s8 =	rddreg [dreg:$0x5]  }
0x3d: {  	s6 =	sadd.s32 $0x0, s8  }
0x3e: {  	[tilespmem:s4], [sflag:$0x3] =	stream.linear.gather [hbm4b:s6+s4], $0xE00, $0x38;
	[tilespmem:$0x16000] =	vst v63  }
0x3f: {  	_ =	swait.ge [sflag:s10], $0xE00  }
0x40: {  	s9 =	rddreg [dreg:$0x4];
	[sflag:s10] =	ssyncset.done $0x0  }
0x41: {  	[sflag:s10] =	ssyncadd.s32 $0xFFFFF200;
	s6 =	sadd.s32 $0x0, s9  }
0x42: {  	[tilespmem:s11], [sflag:$0x3] =	stream.linear.gather [hbm4b:s6+s4], $0xE00, $0x38;
	[tilespmem:$0x16000] =	vst v63  }
0x43: {  	_ =	swait.ge [sflag:s10], $0xE00  }
0x44: {  	[sflag:s10] =	ssyncset.done $0x0  }
0x45: {  	[sflag:s10] =	ssyncadd.s32 $0xFFFFF200  }
0x46: {  	[tilespmem:s13], [sflag:$0x1] =	stream.indirect.gather [hbm4b:s5+s12], $0x18, s4, s12, $0xb8;
	[tilespmem:$0x16000] =	vst v63  }
0x47: {  	_ = 	snop  }
0x48: {  	[tilespmem:s14], [sflag:$0x2] =	stream.indirect.gather [hbm4b:s5+s12], $0x18, s12, s12, $0xb8;
	[tilespmem:$0x16000] =	vst v63  }
0x49: {  	_ =	swait.ge [sflag:s15], $0xC00  }
0x4a: {  	[sflag:s15] =	ssyncset.done $0x0  }
0x4b: {  	[sflag:s15] =	ssyncadd.s32 $0xFFFFF400  }
0x4c: {  	[spmem:s3] =	stream.indirect.scatter.add.f32 [tilespmem:s13], [sflag:$0x3], $0x18, s11, s12, $0xb8;
	[tilespmem:$0x16000] =	vst v63  }
0x4d: {  	_ =	swait.ge [sflag:s10], $0xC00  }
0x4e: {  	[sflag:s10] =	ssyncset.done $0x0  }
0x4f: {  	s7 =	rddreg [dreg:$0x6];
	[sflag:s10] =	ssyncadd.s32 $0xFFFFF400  }
0x50: {  	[tilespmem:s13], [sflag:$0x1] =	stream.indirect.gather [hbm4b:s5+s12], $0x18, s7, s12, $0xb8;
	[tilespmem:$0x16000] =	vst v63  }
0x51: {  	_ =	swait.ge [sflag:s16], $0xC00  }
0x52: {  	[sflag:s16] =	ssyncset.done $0x0  }
0x53: {  	s8 =	rddreg [dreg:$0x7];
	[sflag:s16] =	ssyncadd.s32 $0xFFFFF400  }
0x54: {  	[spmem:s3] =	stream.indirect.scatter.add.f32 [tilespmem:s14], [sflag:$0x3], $0x18, s8, s12, $0xb8;
	[tilespmem:$0x16000] =	vst v63  }
0x55: {  	_ =	swait.ge [sflag:s10], $0xC00  }
0x56: {  	[sflag:s10] =	ssyncset.done $0x0  }
0x57: {  	s9 =	rddreg [dreg:$0x8];
	[sflag:s10] =	ssyncadd.s32 $0xFFFFF400  }
0x58: {  	[tilespmem:s14], [sflag:$0x2] =	stream.indirect.gather [hbm4b:s5+s12], $0x18, s9, s12, $0xb8;
	[tilespmem:$0x16000] =	vst v63  }
0x59: {  	_ =	swait.ge [sflag:s15], $0xC00  }
0x5a: {  	[sflag:s15] =	ssyncset.done $0x0  }
0x5b: {  	s7 =	rddreg [dreg:$0x9];
	[sflag:s15] =	ssyncadd.s32 $0xFFFFF400  }
0x5c: {  	[spmem:s3] =	stream.indirect.scatter.add.f32 [tilespmem:s13], [sflag:$0x3], $0x18, s7, s12, $0xb8;
	[tilespmem:$0x16000] =	vst v63  }
0x5d: {  	_ =	swait.ge [sflag:s10], $0xC00  }
0x5e: {  	[sflag:s10] =	ssyncset.done $0x0  }
0x5f: {  	s8 =	rddreg [dreg:$0xa];
	[sflag:s10] =	ssyncadd.s32 $0xFFFFF400  }
0x60: {  	[tilespmem:s13], [sflag:$0x1] =	stream.indirect.gather [hbm4b:s5+s12], $0x18, s8, s12, $0xb8;
	[tilespmem:$0x16000] =	vst v63  }
0x61: {  	_ =	swait.ge [sflag:s16], $0xC00  }
0x62: {  	[sflag:s16] =	ssyncset.done $0x0  }
0x63: {  	s9 =	rddreg [dreg:$0xb];
	[sflag:s16] =	ssyncadd.s32 $0xFFFFF400  }
0x64: {  	[spmem:s3] =	stream.indirect.scatter.add.f32 [tilespmem:s14], [sflag:$0x3], $0x18, s9, s12, $0xb8;
	[tilespmem:$0x16000] =	vst v63  }
0x65: {  	_ =	swait.ge [sflag:s10], $0xC00  }
0x66: {  	[sflag:s10] =	ssyncset.done $0x0  }
0x67: {  	s7 =	rddreg [dreg:$0xc];
	[sflag:s10] =	ssyncadd.s32 $0xFFFFF400  }
0x68: {  	[tilespmem:s14], [sflag:$0x2] =	stream.indirect.gather [hbm4b:s5+s12], $0x18, s7, s12, $0xb8;
	[tilespmem:$0x16000] =	vst v63  }
0x69: {  	_ =	swait.ge [sflag:s15], $0xC00  }
0x6a: {  	[sflag:s15] =	ssyncset.done $0x0  }
0x6b: {  	s8 =	rddreg [dreg:$0xd];
	[sflag:s15] =	ssyncadd.s32 $0xFFFFF400  }
0x6c: {  	[spmem:s3] =	stream.indirect.scatter.add.f32 [tilespmem:s13], [sflag:$0x3], $0x18, s8, s12, $0xb8;
	[tilespmem:$0x16000] =	vst v63  }
0x6d: {  	_ =	swait.ge [sflag:s10], $0xC00  }
0x6e: {  	[sflag:s10] =	ssyncset.done $0x0  }
0x6f: {  	s9 =	rddreg [dreg:$0xe];
	[sflag:s10] =	ssyncadd.s32 $0xFFFFF400  }
0x70: {  	[tilespmem:s13], [sflag:$0x1] =	stream.indirect.gather [hbm4b:s5+s12], $0x18, s9, s12, $0xb8;
	[tilespmem:$0x16000] =	vst v63  }
0x71: {  	_ =	swait.ge [sflag:s16], $0xC00  }
0x72: {  	[sflag:s16] =	ssyncset.done $0x0  }
0x73: {  	s7 =	rddreg [dreg:$0xf];
	[sflag:s16] =	ssyncadd.s32 $0xFFFFF400  }
0x74: {  	[spmem:s3] =	stream.indirect.scatter.add.f32 [tilespmem:s14], [sflag:$0x3], $0x18, s7, s12, $0xb8;
	[tilespmem:$0x16000] =	vst v63  }
0x75: {  	_ =	swait.ge [sflag:s10], $0xC00  }
0x76: {  	[sflag:s10] =	ssyncset.done $0x0  }
0x77: {  	s8 =	rddreg [dreg:$0x10];
	[sflag:s10] =	ssyncadd.s32 $0xFFFFF400  }
0x78: {  	[tilespmem:s14], [sflag:$0x2] =	stream.indirect.gather [hbm4b:s5+s12], $0x18, s8, s12, $0xb8;
	[tilespmem:$0x16000] =	vst v63  }
0x79: {  	_ =	swait.ge [sflag:s15], $0xC00  }
0x7a: {  	[sflag:s15] =	ssyncset.done $0x0  }
0x7b: {  	s9 =	rddreg [dreg:$0x11];
	[sflag:s15] =	ssyncadd.s32 $0xFFFFF400  }
0x7c: {  	[spmem:s3] =	stream.indirect.scatter.add.f32 [tilespmem:s13], [sflag:$0x3], $0x18, s9, s12, $0xb8;
	[tilespmem:$0x16000] =	vst v63  }
0x7d: {  	_ =	swait.ge [sflag:s10], $0xC00  }
0x7e: {  	[sflag:s10] =	ssyncset.done $0x0  }
0x7f: {  	s7 =	rddreg [dreg:$0x12];
	[sflag:s10] =	ssyncadd.s32 $0xFFFFF400  }
0x80: {  	[tilespmem:s13], [sflag:$0x1] =	stream.indirect.gather [hbm4b:s5+s12], $0x18, s7, s12, $0xb8;
	[tilespmem:$0x16000] =	vst v63  }
0x81: {  	_ =	swait.ge [sflag:s16], $0xC00  }
0x82: {  	[sflag:s16] =	ssyncset.done $0x0  }
0x83: {  	s8 =	rddreg [dreg:$0x13];
	[sflag:s16] =	ssyncadd.s32 $0xFFFFF400  }
0x84: {  	[spmem:s3] =	stream.indirect.scatter.add.f32 [tilespmem:s14], [sflag:$0x3], $0x18, s8, s12, $0xb8;
	[tilespmem:$0x16000] =	vst v63  }
0x85: {  	_ =	swait.ge [sflag:s10], $0xC00  }
0x86: {  	[sflag:s10] =	ssyncset.done $0x0  }
0x87: {  	s9 =	rddreg [dreg:$0x14];
	[sflag:s10] =	ssyncadd.s32 $0xFFFFF400  }
0x88: {  	[tilespmem:s14], [sflag:$0x2] =	stream.indirect.gather [hbm4b:s5+s12], $0x18, s9, s12, $0xb8;
	[tilespmem:$0x16000] =	vst v63  }
0x89: {  	_ =	swait.ge [sflag:s15], $0xC00  }
0x8a: {  	[sflag:s15] =	ssyncset.done $0x0  }
0x8b: {  	s7 =	rddreg [dreg:$0x15];
	[sflag:s15] =	ssyncadd.s32 $0xFFFFF400  }
0x8c: {  	[spmem:s3] =	stream.indirect.scatter.add.f32 [tilespmem:s13], [sflag:$0x3], $0x18, s7, s12, $0xb8;
	[tilespmem:$0x16000] =	vst v63  }
0x8d: {  	_ =	swait.ge [sflag:s10], $0xC00  }
0x8e: {  	[sflag:s10] =	ssyncset.done $0x0  }
0x8f: {  	s8 =	rddreg [dreg:$0x16];
	[sflag:s10] =	ssyncadd.s32 $0xFFFFF400  }
0x90: {  	[tilespmem:s13], [sflag:$0x1] =	stream.indirect.gather [hbm4b:s5+s12], $0x18, s8, s12, $0xb8;
	[tilespmem:$0x16000] =	vst v63  }
0x91: {  	_ =	swait.ge [sflag:s16], $0xC00  }
0x92: {  	[sflag:s16] =	ssyncset.done $0x0  }
0x93: {  	s9 =	rddreg [dreg:$0x17];
	[sflag:s16] =	ssyncadd.s32 $0xFFFFF400  }
0x94: {  	[spmem:s3] =	stream.indirect.scatter.add.f32 [tilespmem:s14], [sflag:$0x3], $0x18, s9, s12, $0xb8;
	[tilespmem:$0x16000] =	vst v63  }
0x95: {  	_ =	swait.ge [sflag:s10], $0xC00  }
0x96: {  	[sflag:s10] =	ssyncset.done $0x0  }
0x97: {  	s7 =	rddreg [dreg:$0x18];
	[sflag:s10] =	ssyncadd.s32 $0xFFFFF400  }
0x98: {  	[tilespmem:s14], [sflag:$0x2] =	stream.indirect.gather [hbm4b:s5+s12], $0x18, s7, s12, $0xb8;
	[tilespmem:$0x16000] =	vst v63  }
0x99: {  	_ =	swait.ge [sflag:s15], $0xC00  }
0x9a: {  	[sflag:s15] =	ssyncset.done $0x0  }
0x9b: {  	s8 =	rddreg [dreg:$0x19];
	[sflag:s15] =	ssyncadd.s32 $0xFFFFF400  }
0x9c: {  	[spmem:s3] =	stream.indirect.scatter.add.f32 [tilespmem:s13], [sflag:$0x3], $0x18, s8, s12, $0xb8;
	[tilespmem:$0x16000] =	vst v63  }
0x9d: {  	_ =	swait.ge [sflag:s10], $0xC00  }
0x9e: {  	[sflag:s10] =	ssyncset.done $0x0  }
0x9f: {  	s9 =	rddreg [dreg:$0x1a];
	[sflag:s10] =	ssyncadd.s32 $0xFFFFF400  }
0xa0: {  	[tilespmem:s13], [sflag:$0x1] =	stream.indirect.gather [hbm4b:s5+s12], $0x18, s9, s12, $0xb8;
	[tilespmem:$0x16000] =	vst v63  }
0xa1: {  	_ =	swait.ge [sflag:s16], $0xC00  }
0xa2: {  	[sflag:s16] =	ssyncset.done $0x0  }
0xa3: {  	s7 =	rddreg [dreg:$0x1b];
	[sflag:s16] =	ssyncadd.s32 $0xFFFFF400  }
0xa4: {  	[spmem:s3] =	stream.indirect.scatter.add.f32 [tilespmem:s14], [sflag:$0x3], $0x18, s7, s12, $0xb8;
	[tilespmem:$0x16000] =	vst v63  }
0xa5: {  	_ =	swait.ge [sflag:s10], $0xC00  }
0xa6: {  	[sflag:s10] =	ssyncset.done $0x0  }
0xa7: {  	s8 =	rddreg [dreg:$0x1c];
	[sflag:s10] =	ssyncadd.s32 $0xFFFFF400  }
0xa8: {  	[tilespmem:s14], [sflag:$0x2] =	stream.indirect.gather [hbm4b:s5+s12], $0x18, s8, s12, $0xb8;
	[tilespmem:$0x16000] =	vst v63  }
0xa9: {  	_ =	swait.ge [sflag:s15], $0xC00  }
0xaa: {  	[sflag:s15] =	ssyncset.done $0x0  }
0xab: {  	s9 =	rddreg [dreg:$0x1d];
	[sflag:s15] =	ssyncadd.s32 $0xFFFFF400  }
0xac: {  	[spmem:s3] =	stream.indirect.scatter.add.f32 [tilespmem:s13], [sflag:$0x3], $0x18, s9, s12, $0xb8;
	[tilespmem:$0x16000] =	vst v63  }
0xad: {  	_ =	swait.ge [sflag:s10], $0xC00  }
0xae: {  	[sflag:s10] =	ssyncset.done $0x0  }
0xaf: {  	s7 =	rddreg [dreg:$0x1e];
	[sflag:s10] =	ssyncadd.s32 $0xFFFFF400  }
0xb0: {  	[tilespmem:s13], [sflag:$0x1] =	stream.indirect.gather [hbm4b:s5+s12], $0x18, s7, s12, $0xb8;
	[tilespmem:$0x16000] =	vst v63  }
0xb1: {  	_ =	swait.ge [sflag:s16], $0xC00  }
0xb2: {  	[sflag:s16] =	ssyncset.done $0x0  }
0xb3: {  	s8 =	rddreg [dreg:$0x1f];
	[sflag:s16] =	ssyncadd.s32 $0xFFFFF400  }
0xb4: {  	[spmem:s3] =	stream.indirect.scatter.add.f32 [tilespmem:s14], [sflag:$0x3], $0x18, s8, s12, $0xb8;
	[tilespmem:$0x16000] =	vst v63  }
0xb5: {  	_ =	swait.ge [sflag:s10], $0xC00  }
0xb6: {  	s9 =	sld [smem:$0x7F0]  }
0xb7: {  	[sflag:s10] =	ssyncset.done $0x0  }
0xb8: {  	[sflag:s10] =	ssyncadd.s32 $0xFFFFF400  }
0xb9: {  	[tilespmem:s14], [sflag:$0x2] =	stream.indirect.gather [hbm4b:s5+s12], $0x18, s9, s12, $0xb8;
	[tilespmem:$0x16000] =	vst v63  }
0xba: {  	_ =	swait.ge [sflag:s15], $0xC00  }
0xbb: {  	s7 =	sld [smem:$0x7F2]  }
0xbc: {  	[sflag:s15] =	ssyncset.done $0x0  }
0xbd: {  	[sflag:s15] =	ssyncadd.s32 $0xFFFFF400  }
0xbe: {  	[spmem:s3] =	stream.indirect.scatter.add.f32 [tilespmem:s13], [sflag:$0x3], $0x18, s7, s12, $0xb8;
	[tilespmem:$0x16000] =	vst v63  }
0xbf: {  	_ =	swait.ge [sflag:s10], $0xC00  }
0xc0: {  	s8 =	sld [smem:$0x7F4]  }
0xc1: {  	[sflag:s10] =	ssyncset.done $0x0  }
0xc2: {  	[sflag:s10] =	ssyncadd.s32 $0xFFFFF400  }
0xc3: {  	[tilespmem:s13], [sflag:$0x1] =	stream.indirect.gather [hbm4b:s5+s12], $0x18, s8, s12, $0xb8;
	[tilespmem:$0x16000] =	vst v63  }
0xc4: {  	_ =	swait.ge [sflag:s16], $0xC00  }
0xc5: {  	s9 =	sld [smem:$0x7F5]  }
0xc6: {  	[sflag:s16] =	ssyncset.done $0x0  }
0xc7: {  	[sflag:s16] =	ssyncadd.s32 $0xFFFFF400  }
0xc8: {  	[spmem:s3] =	stream.indirect.scatter.add.f32 [tilespmem:s14], [sflag:$0x3], $0x18, s9, s12, $0xb8;
	[tilespmem:$0x16000] =	vst v63  }
0xc9: {  	_ =	swait.ge [sflag:s10], $0xC00  }
0xca: {  	s7 =	sld [smem:$0x7F6]  }
0xcb: {  	[sflag:s10] =	ssyncset.done $0x0  }
0xcc: {  	[sflag:s10] =	ssyncadd.s32 $0xFFFFF400  }
0xcd: {  	[tilespmem:s14], [sflag:$0x2] =	stream.indirect.gather [hbm4b:s5+s12], $0x18, s7, s12, $0xb8;
	[tilespmem:$0x16000] =	vst v63  }
0xce: {  	_ =	swait.ge [sflag:s15], $0xC00  }
0xcf: {  	s8 =	sld [smem:$0x7F7]  }
0xd0: {  	[sflag:s15] =	ssyncset.done $0x0  }
0xd1: {  	[sflag:s15] =	ssyncadd.s32 $0xFFFFF400  }
0xd2: {  	[spmem:s3] =	stream.indirect.scatter.add.f32 [tilespmem:s13], [sflag:$0x3], $0x18, s8, s12, $0xb8;
	[tilespmem:$0x16000] =	vst v63  }
0xd3: {  	_ =	swait.ge [sflag:s10], $0xC00  }
0xd4: {  	s9 =	sld [smem:$0x7F8]  }
0xd5: {  	[sflag:s10] =	ssyncset.done $0x0  }
0xd6: {  	[sflag:s10] =	ssyncadd.s32 $0xFFFFF400  }
0xd7: {  	[tilespmem:s13], [sflag:$0x1] =	stream.indirect.gather [hbm4b:s5+s12], $0x18, s9, s12, $0xb8;
	[tilespmem:$0x16000] =	vst v63  }
0xd8: {  	_ =	swait.ge [sflag:s16], $0xC00  }
0xd9: {  	s7 =	sld [smem:$0x7F9]  }
0xda: {  	[sflag:s16] =	ssyncset.done $0x0  }
0xdb: {  	[sflag:s16] =	ssyncadd.s32 $0xFFFFF400  }
0xdc: {  	[spmem:s3] =	stream.indirect.scatter.add.f32 [tilespmem:s14], [sflag:$0x3], $0x18, s7, s12, $0xb8;
	[tilespmem:$0x16000] =	vst v63  }
0xdd: {  	_ =	swait.ge [sflag:s10], $0xC00  }
0xde: {  	s8 =	sld [smem:$0x7FA]  }
0xdf: {  	[sflag:s10] =	ssyncset.done $0x0  }
0xe0: {  	[sflag:s10] =	ssyncadd.s32 $0xFFFFF400  }
0xe1: {  	[tilespmem:s14], [sflag:$0x2] =	stream.indirect.gather [hbm4b:s5+s12], $0x18, s8, s12, $0xb8;
	[tilespmem:$0x16000] =	vst v63  }
0xe2: {  	_ =	swait.ge [sflag:s15], $0xC00  }
0xe3: {  	s9 =	sld [smem:$0x7FB]  }
0xe4: {  	[sflag:s15] =	ssyncset.done $0x0  }
0xe5: {  	[sflag:s15] =	ssyncadd.s32 $0xFFFFF400  }
0xe6: {  	[spmem:s3] =	stream.indirect.scatter.add.f32 [tilespmem:s13], [sflag:$0x3], $0x18, s9, s12, $0xb8;
	[tilespmem:$0x16000] =	vst v63  }
0xe7: {  	_ =	swait.ge [sflag:s10], $0xC00  }
0xe8: {  	[sflag:s10] =	ssyncset.done $0x0  }
0xe9: {  	[sflag:s10] =	ssyncadd.s32 $0xFFFFF400  }
0xea: {  	[tilespmem:s13], [sflag:$0x1] =	stream.indirect.gather [hbm4b:s5+s12], $0x18, s17, s12, $0xb8;
	[tilespmem:$0x16000] =	vst v63  }
0xeb: {  	_ =	swait.ge [sflag:s16], $0xC00  }
0xec: {  	[sflag:s16] =	ssyncset.done $0x0  }
0xed: {  	[sflag:s16] =	ssyncadd.s32 $0xFFFFF400  }
0xee: {  	[spmem:s3] =	stream.indirect.scatter.add.f32 [tilespmem:s14], [sflag:$0x3], $0x18, s18, s12, $0xb8;
	[tilespmem:$0x16000] =	vst v63  }
0xef: {  	_ =	swait.ge [sflag:s10], $0xC00  }
0xf0: {  	[sflag:s10] =	ssyncset.done $0x0  }
0xf1: {  	[sflag:s10] =	ssyncadd.s32 $0xFFFFF400  }
0xf2: {  	[tilespmem:s14], [sflag:$0x2] =	stream.indirect.gather [hbm4b:s5+s12], $0x18, s19, s12, $0xb8;
	[tilespmem:$0x16000] =	vst v63  }
0xf3: {  	_ =	swait.ge [sflag:s15], $0xC00  }
0xf4: {  	[sflag:s15] =	ssyncset.done $0x0  }
0xf5: {  	[sflag:s15] =	ssyncadd.s32 $0xFFFFF400  }
0xf6: {  	[spmem:s3] =	stream.indirect.scatter.add.f32 [tilespmem:s13], [sflag:$0x3], $0x18, s20, s12, $0xb8;
	[tilespmem:$0x16000] =	vst v63  }
0xf7: {  	_ =	swait.ge [sflag:s10], $0xC00  }
0xf8: {  	[sflag:s10] =	ssyncset.done $0x0  }
0xf9: {  	[sflag:s10] =	ssyncadd.s32 $0xFFFFF400  }
0xfa: {  	[tilespmem:s13], [sflag:$0x1] =	stream.indirect.gather [hbm4b:s5+s12], $0x18, s21, s12, $0xb8;
	[tilespmem:$0x16000] =	vst v63  }
0xfb: {  	_ =	swait.ge [sflag:s16], $0xC00  }
0xfc: {  	[sflag:s16] =	ssyncset.done $0x0  }
0xfd: {  	[sflag:s16] =	ssyncadd.s32 $0xFFFFF400  }
0xfe: {  	[spmem:s3] =	stream.indirect.scatter.add.f32 [tilespmem:s14], [sflag:$0x3], $0x18, s22, s12, $0xb8;
	[tilespmem:$0x16000] =	vst v63  }
0xff: {  	_ =	swait.ge [sflag:s10], $0xC00  }
0x100: {  	[sflag:s10] =	ssyncset.done $0x0  }
0x101: {  	[sflag:s10] =	ssyncadd.s32 $0xFFFFF400  }
0x102: {  	[tilespmem:s14], [sflag:$0x2] =	stream.indirect.gather [hbm4b:s5+s12], $0x18, s23, s12, $0xb8;
	[tilespmem:$0x16000] =	vst v63  }
0x103: {  	_ =	swait.ge [sflag:s15], $0xC00  }
0x104: {  	[sflag:s15] =	ssyncset.done $0x0  }
0x105: {  	[sflag:s15] =	ssyncadd.s32 $0xFFFFF400  }
0x106: {  	[spmem:s3] =	stream.indirect.scatter.add.f32 [tilespmem:s13], [sflag:$0x3], $0x18, s24, s12, $0xb8;
	[tilespmem:$0x16000] =	vst v63  }
0x107: {  	_ =	swait.ge [sflag:s10], $0xC00  }
0x108: {  	[sflag:s10] =	ssyncset.done $0x0  }
0x109: {  	[sflag:s10] =	ssyncadd.s32 $0xFFFFF400  }
0x10a: {  	[tilespmem:s13], [sflag:$0x1] =	stream.indirect.gather [hbm4b:s5+s12], $0x18, s25, s12, $0xb8;
	[tilespmem:$0x16000] =	vst v63  }
0x10b: {  	_ =	swait.ge [sflag:s16], $0xC00  }
0x10c: {  	[sflag:s16] =	ssyncset.done $0x0  }
0x10d: {  	[sflag:s16] =	ssyncadd.s32 $0xFFFFF400  }
0x10e: {  	[spmem:s3] =	stream.indirect.scatter.add.f32 [tilespmem:s14], [sflag:$0x3], $0x18, s26, s12, $0xb8;
	[tilespmem:$0x16000] =	vst v63  }
0x10f: {  	_ =	swait.ge [sflag:s10], $0xC00  }
0x110: {  	[sflag:s10] =	ssyncset.done $0x0  }
0x111: {  	[sflag:s10] =	ssyncadd.s32 $0xFFFFF400  }
0x112: {  	[tilespmem:s14], [sflag:$0x2] =	stream.indirect.gather [hbm4b:s5+s12], $0x18, s28, s12, $0xb8;
	[tilespmem:$0x16000] =	vst v63  }
0x113: {  	_ =	swait.ge [sflag:s15], $0xC00  }
0x114: {  	[sflag:s15] =	ssyncset.done $0x0  }
0x115: {  	[sflag:s15] =	ssyncadd.s32 $0xFFFFF400  }
0x116: {  	[spmem:s3] =	stream.indirect.scatter.add.f32 [tilespmem:s13], [sflag:$0x3], $0x18, s29, s12, $0xb8;
	[tilespmem:$0x16000] =	vst v63  }
0x117: {  	_ =	swait.ge [sflag:s10], $0xC00  }
0x118: {  	[sflag:s10] =	ssyncset.done $0x0  }
0x119: {  	[sflag:s10] =	ssyncadd.s32 $0xFFFFF400  }
0x11a: {  	[tilespmem:s13], [sflag:$0x1] =	stream.indirect.gather [hbm4b:s5+s12], $0x18, s30, s12, $0xb8;
	[tilespmem:$0x16000] =	vst v63  }
0x11b: {  	_ =	swait.ge [sflag:s16], $0xC00  }
0x11c: {  	[sflag:s16] =	ssyncset.done $0x0  }
0x11d: {  	[sflag:s16] =	ssyncadd.s32 $0xFFFFF400  }
0x11e: {  	[spmem:s3] =	stream.indirect.scatter.add.f32 [tilespmem:s14], [sflag:$0x3], $0x18, s31, s12, $0xb8;
	[tilespmem:$0x16000] =	vst v63  }
0x11f: {  	_ =	swait.ge [sflag:s10], $0xC00  }
0x120: {  	[sflag:s10] =	ssyncset.done $0x0  }
0x121: {  	[sflag:s10] =	ssyncadd.s32 $0xFFFFF400  }
0x122: {  	[tilespmem:s14], [sflag:$0x2] =	stream.indirect.gather [hbm4b:s5+s12], $0x18, s1, s12, $0xb8;
	[tilespmem:$0x16000] =	vst v63  }
0x123: {  	_ =	swait.ge [sflag:s15], $0xC00  }
0x124: {  	[sflag:s15] =	ssyncset.done $0x0  }
0x125: {  	[sflag:s15] =	ssyncadd.s32 $0xFFFFF400  }
0x126: {  	[spmem:s3] =	stream.indirect.scatter.add.f32 [tilespmem:s13], [sflag:$0x3], $0x18, s0, s12, $0xb8;
	[tilespmem:$0x16000] =	vst v63  }
0x127: {  	_ =	swait.ge [sflag:s10], $0xC00  }
0x128: {  	[sflag:s10] =	ssyncset.done $0x0  }
0x129: {  	[sflag:s10] =	ssyncadd.s32 $0xFFFFF400  }
0x12a: {  	_ =	swait.ge [sflag:s16], $0xC00  }
0x12b: {  	[sflag:s16] =	ssyncset.done $0x0  }
0x12c: {  	[sflag:s16] =	ssyncadd.s32 $0xFFFFF400  }
0x12d: {  	[spmem:s3] =	stream.indirect.scatter.add.f32 [tilespmem:s14], [sflag:$0x3], $0x18, s2, s12, $0xb8;
	[tilespmem:$0x16000] =	vst v63  }
0x12e: {  	s6 =	simm.s32 $0x380;
	_ =	swait.ge [sflag:s10], $0xC00  }
0x12f: {  	s8 =	simm.s32 $0x1C0;
	s9 =	rddreg [dreg:$0x5];
	[sflag:s10] =	ssyncset.done $0x0  }
.LBB2_2:
0x130: {  	[sflag:s10] =	ssyncadd.s32 $0xFFFFF400;
	s9 =	sadd.s32 s8, s9  }
0x131: {  	[tilespmem:s4], [sflag:$0x3] =	stream.linear.gather [hbm4b:s9+s4], $0xE00, $0x38;
	[tilespmem:$0x16000] =	vst v63  }
0x132: {  	_ =	swait.ge [sflag:s10], $0xE00  }
0x133: {  	s9 =	rddreg [dreg:$0x4];
	[sflag:s10] =	ssyncset.done $0x0  }
0x134: {  	[sflag:s10] =	ssyncadd.s32 $0xFFFFF200;
	s9 =	sadd.s32 s8, s9  }
0x135: {  	[tilespmem:s11], [sflag:$0x3] =	stream.linear.gather [hbm4b:s9+s4], $0xE00, $0x38;
	[tilespmem:$0x16000] =	vst v63  }
0x136: {  	_ =	swait.ge [sflag:s10], $0xE00  }
0x137: {  	[sflag:s10] =	ssyncset.done $0x0  }
0x138: {  	[sflag:s10] =	ssyncadd.s32 $0xFFFFF200  }
0x139: {  	[tilespmem:s13], [sflag:$0x1] =	stream.indirect.gather [hbm4b:s5+s12], $0x18, s4, s12, $0xb8;
	[tilespmem:$0x16000] =	vst v63  }
0x13a: {  	_ = 	snop  }
0x13b: {  	[tilespmem:s14], [sflag:$0x2] =	stream.indirect.gather [hbm4b:s5+s12], $0x18, s12, s12, $0xb8;
	[tilespmem:$0x16000] =	vst v63  }
0x13c: {  	_ =	swait.ge [sflag:s15], $0xC00  }
0x13d: {  	[sflag:s15] =	ssyncset.done $0x0  }
0x13e: {  	[sflag:s15] =	ssyncadd.s32 $0xFFFFF400  }
0x13f: {  	[spmem:s3] =	stream.indirect.scatter.add.f32 [tilespmem:s13], [sflag:$0x3], $0x18, s11, s12, $0xb8;
	[tilespmem:$0x16000] =	vst v63  }
0x140: {  	_ =	swait.ge [sflag:s10], $0xC00  }
0x141: {  	[sflag:s10] =	ssyncset.done $0x0  }
0x142: {  	s9 =	rddreg [dreg:$0x6];
	[sflag:s10] =	ssyncadd.s32 $0xFFFFF400  }
0x143: {  	[tilespmem:s13], [sflag:$0x1] =	stream.indirect.gather [hbm4b:s5+s12], $0x18, s9, s12, $0xb8;
	[tilespmem:$0x16000] =	vst v63  }
0x144: {  	_ =	swait.ge [sflag:s16], $0xC00  }
0x145: {  	[sflag:s16] =	ssyncset.done $0x0  }
0x146: {  	s9 =	rddreg [dreg:$0x7];
	[sflag:s16] =	ssyncadd.s32 $0xFFFFF400  }
0x147: {  	[spmem:s3] =	stream.indirect.scatter.add.f32 [tilespmem:s14], [sflag:$0x3], $0x18, s9, s12, $0xb8;
	[tilespmem:$0x16000] =	vst v63  }
0x148: {  	_ =	swait.ge [sflag:s10], $0xC00  }
0x149: {  	[sflag:s10] =	ssyncset.done $0x0  }
0x14a: {  	s9 =	rddreg [dreg:$0x8];
	[sflag:s10] =	ssyncadd.s32 $0xFFFFF400  }
0x14b: {  	[tilespmem:s14], [sflag:$0x2] =	stream.indirect.gather [hbm4b:s5+s12], $0x18, s9, s12, $0xb8;
	[tilespmem:$0x16000] =	vst v63  }
0x14c: {  	_ =	swait.ge [sflag:s15], $0xC00  }
0x14d: {  	[sflag:s15] =	ssyncset.done $0x0  }
0x14e: {  	s9 =	rddreg [dreg:$0x9];
	[sflag:s15] =	ssyncadd.s32 $0xFFFFF400  }
0x14f: {  	[spmem:s3] =	stream.indirect.scatter.add.f32 [tilespmem:s13], [sflag:$0x3], $0x18, s9, s12, $0xb8;
	[tilespmem:$0x16000] =	vst v63  }
0x150: {  	_ =	swait.ge [sflag:s10], $0xC00  }
0x151: {  	[sflag:s10] =	ssyncset.done $0x0  }
0x152: {  	s9 =	rddreg [dreg:$0xa];
	[sflag:s10] =	ssyncadd.s32 $0xFFFFF400  }
0x153: {  	[tilespmem:s13], [sflag:$0x1] =	stream.indirect.gather [hbm4b:s5+s12], $0x18, s9, s12, $0xb8;
	[tilespmem:$0x16000] =	vst v63  }
0x154: {  	_ =	swait.ge [sflag:s16], $0xC00  }
0x155: {  	[sflag:s16] =	ssyncset.done $0x0  }
0x156: {  	s9 =	rddreg [dreg:$0xb];
	[sflag:s16] =	ssyncadd.s32 $0xFFFFF400  }
0x157: {  	[spmem:s3] =	stream.indirect.scatter.add.f32 [tilespmem:s14], [sflag:$0x3], $0x18, s9, s12, $0xb8;
	[tilespmem:$0x16000] =	vst v63  }
0x158: {  	_ =	swait.ge [sflag:s10], $0xC00  }
0x159: {  	[sflag:s10] =	ssyncset.done $0x0  }
0x15a: {  	s9 =	rddreg [dreg:$0xc];
	[sflag:s10] =	ssyncadd.s32 $0xFFFFF400  }
0x15b: {  	[tilespmem:s14], [sflag:$0x2] =	stream.indirect.gather [hbm4b:s5+s12], $0x18, s9, s12, $0xb8;
	[tilespmem:$0x16000] =	vst v63  }
0x15c: {  	_ =	swait.ge [sflag:s15], $0xC00  }
0x15d: {  	[sflag:s15] =	ssyncset.done $0x0  }
0x15e: {  	s9 =	rddreg [dreg:$0xd];
	[sflag:s15] =	ssyncadd.s32 $0xFFFFF400  }
0x15f: {  	[spmem:s3] =	stream.indirect.scatter.add.f32 [tilespmem:s13], [sflag:$0x3], $0x18, s9, s12, $0xb8;
	[tilespmem:$0x16000] =	vst v63  }
0x160: {  	_ =	swait.ge [sflag:s10], $0xC00  }
0x161: {  	[sflag:s10] =	ssyncset.done $0x0  }
0x162: {  	s9 =	rddreg [dreg:$0xe];
	[sflag:s10] =	ssyncadd.s32 $0xFFFFF400  }
0x163: {  	[tilespmem:s13], [sflag:$0x1] =	stream.indirect.gather [hbm4b:s5+s12], $0x18, s9, s12, $0xb8;
	[tilespmem:$0x16000] =	vst v63  }
0x164: {  	_ =	swait.ge [sflag:s16], $0xC00  }
0x165: {  	[sflag:s16] =	ssyncset.done $0x0  }
0x166: {  	s9 =	rddreg [dreg:$0xf];
	[sflag:s16] =	ssyncadd.s32 $0xFFFFF400  }
0x167: {  	[spmem:s3] =	stream.indirect.scatter.add.f32 [tilespmem:s14], [sflag:$0x3], $0x18, s9, s12, $0xb8;
	[tilespmem:$0x16000] =	vst v63  }
0x168: {  	_ =	swait.ge [sflag:s10], $0xC00  }
0x169: {  	[sflag:s10] =	ssyncset.done $0x0  }
0x16a: {  	s9 =	rddreg [dreg:$0x10];
	[sflag:s10] =	ssyncadd.s32 $0xFFFFF400  }
0x16b: {  	[tilespmem:s14], [sflag:$0x2] =	stream.indirect.gather [hbm4b:s5+s12], $0x18, s9, s12, $0xb8;
	[tilespmem:$0x16000] =	vst v63  }
0x16c: {  	_ =	swait.ge [sflag:s15], $0xC00  }
0x16d: {  	[sflag:s15] =	ssyncset.done $0x0  }
0x16e: {  	s9 =	rddreg [dreg:$0x11];
	[sflag:s15] =	ssyncadd.s32 $0xFFFFF400  }
0x16f: {  	[spmem:s3] =	stream.indirect.scatter.add.f32 [tilespmem:s13], [sflag:$0x3], $0x18, s9, s12, $0xb8;
	[tilespmem:$0x16000] =	vst v63  }
0x170: {  	_ =	swait.ge [sflag:s10], $0xC00  }
0x171: {  	[sflag:s10] =	ssyncset.done $0x0  }
0x172: {  	s9 =	rddreg [dreg:$0x12];
	[sflag:s10] =	ssyncadd.s32 $0xFFFFF400  }
0x173: {  	[tilespmem:s13], [sflag:$0x1] =	stream.indirect.gather [hbm4b:s5+s12], $0x18, s9, s12, $0xb8;
	[tilespmem:$0x16000] =	vst v63  }
0x174: {  	_ =	swait.ge [sflag:s16], $0xC00  }
0x175: {  	[sflag:s16] =	ssyncset.done $0x0  }
0x176: {  	s9 =	rddreg [dreg:$0x13];
	[sflag:s16] =	ssyncadd.s32 $0xFFFFF400  }
0x177: {  	[spmem:s3] =	stream.indirect.scatter.add.f32 [tilespmem:s14], [sflag:$0x3], $0x18, s9, s12, $0xb8;
	[tilespmem:$0x16000] =	vst v63  }
0x178: {  	_ =	swait.ge [sflag:s10], $0xC00  }
0x179: {  	[sflag:s10] =	ssyncset.done $0x0  }
0x17a: {  	s9 =	rddreg [dreg:$0x14];
	[sflag:s10] =	ssyncadd.s32 $0xFFFFF400  }
0x17b: {  	[tilespmem:s14], [sflag:$0x2] =	stream.indirect.gather [hbm4b:s5+s12], $0x18, s9, s12, $0xb8;
	[tilespmem:$0x16000] =	vst v63  }
0x17c: {  	_ =	swait.ge [sflag:s15], $0xC00  }
0x17d: {  	[sflag:s15] =	ssyncset.done $0x0  }
0x17e: {  	s9 =	rddreg [dreg:$0x15];
	[sflag:s15] =	ssyncadd.s32 $0xFFFFF400  }
0x17f: {  	[spmem:s3] =	stream.indirect.scatter.add.f32 [tilespmem:s13], [sflag:$0x3], $0x18, s9, s12, $0xb8;
	[tilespmem:$0x16000] =	vst v63  }
0x180: {  	_ =	swait.ge [sflag:s10], $0xC00  }
0x181: {  	[sflag:s10] =	ssyncset.done $0x0  }
0x182: {  	s9 =	rddreg [dreg:$0x16];
	[sflag:s10] =	ssyncadd.s32 $0xFFFFF400  }
0x183: {  	[tilespmem:s13], [sflag:$0x1] =	stream.indirect.gather [hbm4b:s5+s12], $0x18, s9, s12, $0xb8;
	[tilespmem:$0x16000] =	vst v63  }
0x184: {  	_ =	swait.ge [sflag:s16], $0xC00  }
0x185: {  	[sflag:s16] =	ssyncset.done $0x0  }
0x186: {  	s9 =	rddreg [dreg:$0x17];
	[sflag:s16] =	ssyncadd.s32 $0xFFFFF400  }
0x187: {  	[spmem:s3] =	stream.indirect.scatter.add.f32 [tilespmem:s14], [sflag:$0x3], $0x18, s9, s12, $0xb8;
	[tilespmem:$0x16000] =	vst v63  }
0x188: {  	_ =	swait.ge [sflag:s10], $0xC00  }
0x189: {  	[sflag:s10] =	ssyncset.done $0x0  }
0x18a: {  	s9 =	rddreg [dreg:$0x18];
	[sflag:s10] =	ssyncadd.s32 $0xFFFFF400  }
0x18b: {  	[tilespmem:s14], [sflag:$0x2] =	stream.indirect.gather [hbm4b:s5+s12], $0x18, s9, s12, $0xb8;
	[tilespmem:$0x16000] =	vst v63  }
0x18c: {  	_ =	swait.ge [sflag:s15], $0xC00  }
0x18d: {  	[sflag:s15] =	ssyncset.done $0x0  }
0x18e: {  	s9 =	rddreg [dreg:$0x19];
	[sflag:s15] =	ssyncadd.s32 $0xFFFFF400  }
0x18f: {  	[spmem:s3] =	stream.indirect.scatter.add.f32 [tilespmem:s13], [sflag:$0x3], $0x18, s9, s12, $0xb8;
	[tilespmem:$0x16000] =	vst v63  }
0x190: {  	_ =	swait.ge [sflag:s10], $0xC00  }
0x191: {  	[sflag:s10] =	ssyncset.done $0x0  }
0x192: {  	s9 =	rddreg [dreg:$0x1a];
	[sflag:s10] =	ssyncadd.s32 $0xFFFFF400  }
0x193: {  	[tilespmem:s13], [sflag:$0x1] =	stream.indirect.gather [hbm4b:s5+s12], $0x18, s9, s12, $0xb8;
	[tilespmem:$0x16000] =	vst v63  }
0x194: {  	_ =	swait.ge [sflag:s16], $0xC00  }
0x195: {  	[sflag:s16] =	ssyncset.done $0x0  }
0x196: {  	s9 =	rddreg [dreg:$0x1b];
	[sflag:s16] =	ssyncadd.s32 $0xFFFFF400  }
0x197: {  	[spmem:s3] =	stream.indirect.scatter.add.f32 [tilespmem:s14], [sflag:$0x3], $0x18, s9, s12, $0xb8;
	[tilespmem:$0x16000] =	vst v63  }
0x198: {  	_ =	swait.ge [sflag:s10], $0xC00  }
0x199: {  	[sflag:s10] =	ssyncset.done $0x0  }
0x19a: {  	s9 =	rddreg [dreg:$0x1c];
	[sflag:s10] =	ssyncadd.s32 $0xFFFFF400  }
0x19b: {  	[tilespmem:s14], [sflag:$0x2] =	stream.indirect.gather [hbm4b:s5+s12], $0x18, s9, s12, $0xb8;
	[tilespmem:$0x16000] =	vst v63  }
0x19c: {  	_ =	swait.ge [sflag:s15], $0xC00  }
0x19d: {  	[sflag:s15] =	ssyncset.done $0x0  }
0x19e: {  	s9 =	rddreg [dreg:$0x1d];
	[sflag:s15] =	ssyncadd.s32 $0xFFFFF400  }
0x19f: {  	[spmem:s3] =	stream.indirect.scatter.add.f32 [tilespmem:s13], [sflag:$0x3], $0x18, s9, s12, $0xb8;
	[tilespmem:$0x16000] =	vst v63  }
0x1a0: {  	_ =	swait.ge [sflag:s10], $0xC00  }
0x1a1: {  	[sflag:s10] =	ssyncset.done $0x0  }
0x1a2: {  	s9 =	rddreg [dreg:$0x1e];
	[sflag:s10] =	ssyncadd.s32 $0xFFFFF400  }
0x1a3: {  	[tilespmem:s13], [sflag:$0x1] =	stream.indirect.gather [hbm4b:s5+s12], $0x18, s9, s12, $0xb8;
	[tilespmem:$0x16000] =	vst v63  }
0x1a4: {  	_ =	swait.ge [sflag:s16], $0xC00  }
0x1a5: {  	[sflag:s16] =	ssyncset.done $0x0  }
0x1a6: {  	s9 =	rddreg [dreg:$0x1f];
	[sflag:s16] =	ssyncadd.s32 $0xFFFFF400  }
0x1a7: {  	[spmem:s3] =	stream.indirect.scatter.add.f32 [tilespmem:s14], [sflag:$0x3], $0x18, s9, s12, $0xb8;
	[tilespmem:$0x16000] =	vst v63  }
0x1a8: {  	_ =	swait.ge [sflag:s10], $0xC00  }
0x1a9: {  	s9 =	sld [smem:$0x7F0]  }
0x1aa: {  	[sflag:s10] =	ssyncset.done $0x0  }
0x1ab: {  	[sflag:s10] =	ssyncadd.s32 $0xFFFFF400  }
0x1ac: {  	[tilespmem:s14], [sflag:$0x2] =	stream.indirect.gather [hbm4b:s5+s12], $0x18, s9, s12, $0xb8;
	[tilespmem:$0x16000] =	vst v63  }
0x1ad: {  	_ =	swait.ge [sflag:s15], $0xC00  }
0x1ae: {  	s9 =	sld [smem:$0x7F2]  }
0x1af: {  	[sflag:s15] =	ssyncset.done $0x0  }
0x1b0: {  	[sflag:s15] =	ssyncadd.s32 $0xFFFFF400  }
0x1b1: {  	[spmem:s3] =	stream.indirect.scatter.add.f32 [tilespmem:s13], [sflag:$0x3], $0x18, s9, s12, $0xb8;
	[tilespmem:$0x16000] =	vst v63  }
0x1b2: {  	_ =	swait.ge [sflag:s10], $0xC00  }
0x1b3: {  	s9 =	sld [smem:$0x7F4]  }
0x1b4: {  	[sflag:s10] =	ssyncset.done $0x0  }
0x1b5: {  	[sflag:s10] =	ssyncadd.s32 $0xFFFFF400  }
0x1b6: {  	[tilespmem:s13], [sflag:$0x1] =	stream.indirect.gather [hbm4b:s5+s12], $0x18, s9, s12, $0xb8;
	[tilespmem:$0x16000] =	vst v63  }
0x1b7: {  	_ =	swait.ge [sflag:s16], $0xC00  }
0x1b8: {  	s9 =	sld [smem:$0x7F5]  }
0x1b9: {  	[sflag:s16] =	ssyncset.done $0x0  }
0x1ba: {  	[sflag:s16] =	ssyncadd.s32 $0xFFFFF400  }
0x1bb: {  	[spmem:s3] =	stream.indirect.scatter.add.f32 [tilespmem:s14], [sflag:$0x3], $0x18, s9, s12, $0xb8;
	[tilespmem:$0x16000] =	vst v63  }
0x1bc: {  	_ =	swait.ge [sflag:s10], $0xC00  }
0x1bd: {  	s9 =	sld [smem:$0x7F6]  }
0x1be: {  	[sflag:s10] =	ssyncset.done $0x0  }
0x1bf: {  	[sflag:s10] =	ssyncadd.s32 $0xFFFFF400  }
0x1c0: {  	[tilespmem:s14], [sflag:$0x2] =	stream.indirect.gather [hbm4b:s5+s12], $0x18, s9, s12, $0xb8;
	[tilespmem:$0x16000] =	vst v63  }
0x1c1: {  	_ =	swait.ge [sflag:s15], $0xC00  }
0x1c2: {  	s9 =	sld [smem:$0x7F7]  }
0x1c3: {  	[sflag:s15] =	ssyncset.done $0x0  }
0x1c4: {  	[sflag:s15] =	ssyncadd.s32 $0xFFFFF400  }
0x1c5: {  	[spmem:s3] =	stream.indirect.scatter.add.f32 [tilespmem:s13], [sflag:$0x3], $0x18, s9, s12, $0xb8;
	[tilespmem:$0x16000] =	vst v63  }
0x1c6: {  	_ =	swait.ge [sflag:s10], $0xC00  }
0x1c7: {  	s9 =	sld [smem:$0x7F8]  }
0x1c8: {  	[sflag:s10] =	ssyncset.done $0x0  }
0x1c9: {  	[sflag:s10] =	ssyncadd.s32 $0xFFFFF400  }
0x1ca: {  	[tilespmem:s13], [sflag:$0x1] =	stream.indirect.gather [hbm4b:s5+s12], $0x18, s9, s12, $0xb8;
	[tilespmem:$0x16000] =	vst v63  }
0x1cb: {  	_ =	swait.ge [sflag:s16], $0xC00  }
0x1cc: {  	s9 =	sld [smem:$0x7F9]  }
0x1cd: {  	[sflag:s16] =	ssyncset.done $0x0  }
0x1ce: {  	[sflag:s16] =	ssyncadd.s32 $0xFFFFF400  }
0x1cf: {  	[spmem:s3] =	stream.indirect.scatter.add.f32 [tilespmem:s14], [sflag:$0x3], $0x18, s9, s12, $0xb8;
	[tilespmem:$0x16000] =	vst v63  }
0x1d0: {  	_ =	swait.ge [sflag:s10], $0xC00  }
0x1d1: {  	s9 =	sld [smem:$0x7FA]  }
0x1d2: {  	[sflag:s10] =	ssyncset.done $0x0  }
0x1d3: {  	[sflag:s10] =	ssyncadd.s32 $0xFFFFF400  }
0x1d4: {  	[tilespmem:s14], [sflag:$0x2] =	stream.indirect.gather [hbm4b:s5+s12], $0x18, s9, s12, $0xb8;
	[tilespmem:$0x16000] =	vst v63  }
0x1d5: {  	_ =	swait.ge [sflag:s15], $0xC00  }
0x1d6: {  	s9 =	sld [smem:$0x7FB]  }
0x1d7: {  	[sflag:s15] =	ssyncset.done $0x0  }
0x1d8: {  	[sflag:s15] =	ssyncadd.s32 $0xFFFFF400  }
0x1d9: {  	[spmem:s3] =	stream.indirect.scatter.add.f32 [tilespmem:s13], [sflag:$0x3], $0x18, s9, s12, $0xb8;
	[tilespmem:$0x16000] =	vst v63  }
0x1da: {  	_ =	swait.ge [sflag:s10], $0xC00  }
0x1db: {  	[sflag:s10] =	ssyncset.done $0x0  }
0x1dc: {  	[sflag:s10] =	ssyncadd.s32 $0xFFFFF400  }
0x1dd: {  	[tilespmem:s13], [sflag:$0x1] =	stream.indirect.gather [hbm4b:s5+s12], $0x18, s17, s12, $0xb8;
	[tilespmem:$0x16000] =	vst v63  }
0x1de: {  	_ =	swait.ge [sflag:s16], $0xC00  }
0x1df: {  	[sflag:s16] =	ssyncset.done $0x0  }
0x1e0: {  	[sflag:s16] =	ssyncadd.s32 $0xFFFFF400  }
0x1e1: {  	[spmem:s3] =	stream.indirect.scatter.add.f32 [tilespmem:s14], [sflag:$0x3], $0x18, s18, s12, $0xb8;
	[tilespmem:$0x16000] =	vst v63  }
0x1e2: {  	_ =	swait.ge [sflag:s10], $0xC00  }
0x1e3: {  	[sflag:s10] =	ssyncset.done $0x0  }
0x1e4: {  	[sflag:s10] =	ssyncadd.s32 $0xFFFFF400  }
0x1e5: {  	[tilespmem:s14], [sflag:$0x2] =	stream.indirect.gather [hbm4b:s5+s12], $0x18, s19, s12, $0xb8;
	[tilespmem:$0x16000] =	vst v63  }
0x1e6: {  	_ =	swait.ge [sflag:s15], $0xC00  }
0x1e7: {  	[sflag:s15] =	ssyncset.done $0x0  }
0x1e8: {  	[sflag:s15] =	ssyncadd.s32 $0xFFFFF400  }
0x1e9: {  	[spmem:s3] =	stream.indirect.scatter.add.f32 [tilespmem:s13], [sflag:$0x3], $0x18, s20, s12, $0xb8;
	[tilespmem:$0x16000] =	vst v63  }
0x1ea: {  	_ =	swait.ge [sflag:s10], $0xC00  }
0x1eb: {  	[sflag:s10] =	ssyncset.done $0x0  }
0x1ec: {  	[sflag:s10] =	ssyncadd.s32 $0xFFFFF400  }
0x1ed: {  	[tilespmem:s13], [sflag:$0x1] =	stream.indirect.gather [hbm4b:s5+s12], $0x18, s21, s12, $0xb8;
	[tilespmem:$0x16000] =	vst v63  }
0x1ee: {  	_ =	swait.ge [sflag:s16], $0xC00  }
0x1ef: {  	[sflag:s16] =	ssyncset.done $0x0  }
0x1f0: {  	[sflag:s16] =	ssyncadd.s32 $0xFFFFF400  }
0x1f1: {  	[spmem:s3] =	stream.indirect.scatter.add.f32 [tilespmem:s14], [sflag:$0x3], $0x18, s22, s12, $0xb8;
	[tilespmem:$0x16000] =	vst v63  }
0x1f2: {  	_ =	swait.ge [sflag:s10], $0xC00  }
0x1f3: {  	[sflag:s10] =	ssyncset.done $0x0  }
0x1f4: {  	[sflag:s10] =	ssyncadd.s32 $0xFFFFF400  }
0x1f5: {  	[tilespmem:s14], [sflag:$0x2] =	stream.indirect.gather [hbm4b:s5+s12], $0x18, s23, s12, $0xb8;
	[tilespmem:$0x16000] =	vst v63  }
0x1f6: {  	_ =	swait.ge [sflag:s15], $0xC00  }
0x1f7: {  	[sflag:s15] =	ssyncset.done $0x0  }
0x1f8: {  	[sflag:s15] =	ssyncadd.s32 $0xFFFFF400  }
0x1f9: {  	[spmem:s3] =	stream.indirect.scatter.add.f32 [tilespmem:s13], [sflag:$0x3], $0x18, s24, s12, $0xb8;
	[tilespmem:$0x16000] =	vst v63  }
0x1fa: {  	_ =	swait.ge [sflag:s10], $0xC00  }
0x1fb: {  	[sflag:s10] =	ssyncset.done $0x0  }
0x1fc: {  	[sflag:s10] =	ssyncadd.s32 $0xFFFFF400  }
0x1fd: {  	[tilespmem:s13], [sflag:$0x1] =	stream.indirect.gather [hbm4b:s5+s12], $0x18, s25, s12, $0xb8;
	[tilespmem:$0x16000] =	vst v63  }
0x1fe: {  	_ =	swait.ge [sflag:s16], $0xC00  }
0x1ff: {  	[sflag:s16] =	ssyncset.done $0x0  }
0x200: {  	[sflag:s16] =	ssyncadd.s32 $0xFFFFF400  }
0x201: {  	[spmem:s3] =	stream.indirect.scatter.add.f32 [tilespmem:s14], [sflag:$0x3], $0x18, s26, s12, $0xb8;
	[tilespmem:$0x16000] =	vst v63  }
0x202: {  	_ =	swait.ge [sflag:s10], $0xC00  }
0x203: {  	[sflag:s10] =	ssyncset.done $0x0  }
0x204: {  	[sflag:s10] =	ssyncadd.s32 $0xFFFFF400  }
0x205: {  	[tilespmem:s14], [sflag:$0x2] =	stream.indirect.gather [hbm4b:s5+s12], $0x18, s28, s12, $0xb8;
	[tilespmem:$0x16000] =	vst v63  }
0x206: {  	_ =	swait.ge [sflag:s15], $0xC00  }
0x207: {  	[sflag:s15] =	ssyncset.done $0x0  }
0x208: {  	[sflag:s15] =	ssyncadd.s32 $0xFFFFF400  }
0x209: {  	[spmem:s3] =	stream.indirect.scatter.add.f32 [tilespmem:s13], [sflag:$0x3], $0x18, s29, s12, $0xb8;
	[tilespmem:$0x16000] =	vst v63  }
0x20a: {  	_ =	swait.ge [sflag:s10], $0xC00  }
0x20b: {  	[sflag:s10] =	ssyncset.done $0x0  }
0x20c: {  	[sflag:s10] =	ssyncadd.s32 $0xFFFFF400  }
0x20d: {  	[tilespmem:s13], [sflag:$0x1] =	stream.indirect.gather [hbm4b:s5+s12], $0x18, s30, s12, $0xb8;
	[tilespmem:$0x16000] =	vst v63  }
0x20e: {  	_ =	swait.ge [sflag:s16], $0xC00  }
0x20f: {  	[sflag:s16] =	ssyncset.done $0x0  }
0x210: {  	[sflag:s16] =	ssyncadd.s32 $0xFFFFF400  }
0x211: {  	[spmem:s3] =	stream.indirect.scatter.add.f32 [tilespmem:s14], [sflag:$0x3], $0x18, s31, s12, $0xb8;
	[tilespmem:$0x16000] =	vst v63  }
0x212: {  	_ =	swait.ge [sflag:s10], $0xC00  }
0x213: {  	[sflag:s10] =	ssyncset.done $0x0  }
0x214: {  	[sflag:s10] =	ssyncadd.s32 $0xFFFFF400  }
0x215: {  	[tilespmem:s14], [sflag:$0x2] =	stream.indirect.gather [hbm4b:s5+s12], $0x18, s1, s12, $0xb8;
	[tilespmem:$0x16000] =	vst v63  }
0x216: {  	_ =	swait.ge [sflag:s15], $0xC00  }
0x217: {  	[sflag:s15] =	ssyncset.done $0x0  }
0x218: {  	[sflag:s15] =	ssyncadd.s32 $0xFFFFF400  }
0x219: {  	[spmem:s3] =	stream.indirect.scatter.add.f32 [tilespmem:s13], [sflag:$0x3], $0x18, s0, s12, $0xb8;
	[tilespmem:$0x16000] =	vst v63  }
0x21a: {  	_ =	swait.ge [sflag:s10], $0xC00  }
0x21b: {  	[sflag:s10] =	ssyncset.done $0x0  }
0x21c: {  	[sflag:s10] =	ssyncadd.s32 $0xFFFFF400  }
0x21d: {  	p0 =	sne.s32 s6, $0xA80;
	_ =	swait.ge [sflag:s16], $0xC00  }
.Ltmp0:
0x21e: {  	[sflag:s16] =	ssyncset.done $0x0;
	(pc) =	sbr.rel @p0 .LBB2_2-.Ltmp0, $4  }
0x21f: {  	[sflag:s16] =	ssyncadd.s32 $0xFFFFF400  }
0x220: {  	[spmem:s3] =	stream.indirect.scatter.add.f32 [tilespmem:s14], [sflag:$0x3], $0x18, s2, s12, $0xb8;
	[tilespmem:$0x16000] =	vst v63  }
0x221: {  	s7 =	smov.u32 s6;
	s6 =	sadd.s32 $0x1C0, s6;
	_ =	swait.ge [sflag:s10], $0xC00  }
0x222: {  	s8 =	smov.u32 s7;
	s9 =	rddreg [dreg:$0x5];
	[sflag:s10] =	ssyncset.done $0x0  }
0x223: {  	[sflag:s10] =	ssyncadd.s32 $0xFFFFF400;
	s6 =	sadd.s32 s8, s9  }
0x224: {  	[tilespmem:s4], [sflag:$0x3] =	stream.linear.gather [hbm4b:s6+s4], $0xE00, $0x38;
	[tilespmem:$0x16000] =	vst v63  }
0x225: {  	_ =	swait.ge [sflag:s10], $0xE00  }
0x226: {  	s7 =	rddreg [dreg:$0x4];
	[sflag:s10] =	ssyncset.done $0x0  }
0x227: {  	s6 =	sadd.s32 s8, s7;
	[sflag:s10] =	ssyncadd.s32 $0xFFFFF200  }
0x228: {  	[tilespmem:s11], [sflag:$0x3] =	stream.linear.gather [hbm4b:s6+s4], $0xE00, $0x38;
	[tilespmem:$0x16000] =	vst v63  }
0x229: {  	_ =	swait.ge [sflag:s10], $0xE00  }
0x22a: {  	[sflag:s10] =	ssyncset.done $0x0  }
0x22b: {  	[sflag:s10] =	ssyncadd.s32 $0xFFFFF200  }
0x22c: {  	[tilespmem:s13], [sflag:$0x1] =	stream.indirect.gather [hbm4b:s5+s12], $0x18, s4, s12, $0xb8;
	[tilespmem:$0x16000] =	vst v63  }
0x22d: {  	_ = 	snop  }
0x22e: {  	[tilespmem:s14], [sflag:$0x2] =	stream.indirect.gather [hbm4b:s5+s12], $0x18, s12, s12, $0xb8;
	[tilespmem:$0x16000] =	vst v63  }
0x22f: {  	_ =	swait.ge [sflag:s15], $0xC00  }
0x230: {  	[sflag:s15] =	ssyncset.done $0x0  }
0x231: {  	[sflag:s15] =	ssyncadd.s32 $0xFFFFF400  }
0x232: {  	[spmem:s3] =	stream.indirect.scatter.add.f32 [tilespmem:s13], [sflag:$0x3], $0x18, s11, s12, $0xb8;
	[tilespmem:$0x16000] =	vst v63  }
0x233: {  	_ =	swait.ge [sflag:s10], $0xC00  }
0x234: {  	[sflag:s10] =	ssyncset.done $0x0  }
0x235: {  	s9 =	rddreg [dreg:$0x6];
	[sflag:s10] =	ssyncadd.s32 $0xFFFFF400  }
0x236: {  	[tilespmem:s13], [sflag:$0x1] =	stream.indirect.gather [hbm4b:s5+s12], $0x18, s9, s12, $0xb8;
	[tilespmem:$0x16000] =	vst v63  }
0x237: {  	_ =	swait.ge [sflag:s16], $0xC00  }
0x238: {  	[sflag:s16] =	ssyncset.done $0x0  }
0x239: {  	s7 =	rddreg [dreg:$0x7];
	[sflag:s16] =	ssyncadd.s32 $0xFFFFF400  }
0x23a: {  	[spmem:s3] =	stream.indirect.scatter.add.f32 [tilespmem:s14], [sflag:$0x3], $0x18, s7, s12, $0xb8;
	[tilespmem:$0x16000] =	vst v63  }
0x23b: {  	_ =	swait.ge [sflag:s10], $0xC00  }
0x23c: {  	[sflag:s10] =	ssyncset.done $0x0  }
0x23d: {  	s8 =	rddreg [dreg:$0x8];
	[sflag:s10] =	ssyncadd.s32 $0xFFFFF400  }
0x23e: {  	[tilespmem:s14], [sflag:$0x2] =	stream.indirect.gather [hbm4b:s5+s12], $0x18, s8, s12, $0xb8;
	[tilespmem:$0x16000] =	vst v63  }
0x23f: {  	_ =	swait.ge [sflag:s15], $0xC00  }
0x240: {  	[sflag:s15] =	ssyncset.done $0x0  }
0x241: {  	s9 =	rddreg [dreg:$0x9];
	[sflag:s15] =	ssyncadd.s32 $0xFFFFF400  }
0x242: {  	[spmem:s3] =	stream.indirect.scatter.add.f32 [tilespmem:s13], [sflag:$0x3], $0x18, s9, s12, $0xb8;
	[tilespmem:$0x16000] =	vst v63  }
0x243: {  	_ =	swait.ge [sflag:s10], $0xC00  }
0x244: {  	[sflag:s10] =	ssyncset.done $0x0  }
0x245: {  	s7 =	rddreg [dreg:$0xa];
	[sflag:s10] =	ssyncadd.s32 $0xFFFFF400  }
0x246: {  	[tilespmem:s13], [sflag:$0x1] =	stream.indirect.gather [hbm4b:s5+s12], $0x18, s7, s12, $0xb8;
	[tilespmem:$0x16000] =	vst v63  }
0x247: {  	_ =	swait.ge [sflag:s16], $0xC00  }
0x248: {  	[sflag:s16] =	ssyncset.done $0x0  }
0x249: {  	s8 =	rddreg [dreg:$0xb];
	[sflag:s16] =	ssyncadd.s32 $0xFFFFF400  }
0x24a: {  	[spmem:s3] =	stream.indirect.scatter.add.f32 [tilespmem:s14], [sflag:$0x3], $0x18, s8, s12, $0xb8;
	[tilespmem:$0x16000] =	vst v63  }
0x24b: {  	_ =	swait.ge [sflag:s10], $0xC00  }
0x24c: {  	[sflag:s10] =	ssyncset.done $0x0  }
0x24d: {  	s9 =	rddreg [dreg:$0xc];
	[sflag:s10] =	ssyncadd.s32 $0xFFFFF400  }
0x24e: {  	[tilespmem:s14], [sflag:$0x2] =	stream.indirect.gather [hbm4b:s5+s12], $0x18, s9, s12, $0xb8;
	[tilespmem:$0x16000] =	vst v63  }
0x24f: {  	_ =	swait.ge [sflag:s15], $0xC00  }
0x250: {  	[sflag:s15] =	ssyncset.done $0x0  }
0x251: {  	s7 =	rddreg [dreg:$0xd];
	[sflag:s15] =	ssyncadd.s32 $0xFFFFF400  }
0x252: {  	[spmem:s3] =	stream.indirect.scatter.add.f32 [tilespmem:s13], [sflag:$0x3], $0x18, s7, s12, $0xb8;
	[tilespmem:$0x16000] =	vst v63  }
0x253: {  	_ =	swait.ge [sflag:s10], $0xC00  }
0x254: {  	[sflag:s10] =	ssyncset.done $0x0  }
0x255: {  	s8 =	rddreg [dreg:$0xe];
	[sflag:s10] =	ssyncadd.s32 $0xFFFFF400  }
0x256: {  	[tilespmem:s13], [sflag:$0x1] =	stream.indirect.gather [hbm4b:s5+s12], $0x18, s8, s12, $0xb8;
	[tilespmem:$0x16000] =	vst v63  }
0x257: {  	_ =	swait.ge [sflag:s16], $0xC00  }
0x258: {  	[sflag:s16] =	ssyncset.done $0x0  }
0x259: {  	s9 =	rddreg [dreg:$0xf];
	[sflag:s16] =	ssyncadd.s32 $0xFFFFF400  }
0x25a: {  	[spmem:s3] =	stream.indirect.scatter.add.f32 [tilespmem:s14], [sflag:$0x3], $0x18, s9, s12, $0xb8;
	[tilespmem:$0x16000] =	vst v63  }
0x25b: {  	_ =	swait.ge [sflag:s10], $0xC00  }
0x25c: {  	[sflag:s10] =	ssyncset.done $0x0  }
0x25d: {  	s7 =	rddreg [dreg:$0x10];
	[sflag:s10] =	ssyncadd.s32 $0xFFFFF400  }
0x25e: {  	[tilespmem:s14], [sflag:$0x2] =	stream.indirect.gather [hbm4b:s5+s12], $0x18, s7, s12, $0xb8;
	[tilespmem:$0x16000] =	vst v63  }
0x25f: {  	_ =	swait.ge [sflag:s15], $0xC00  }
0x260: {  	[sflag:s15] =	ssyncset.done $0x0  }
0x261: {  	s8 =	rddreg [dreg:$0x11];
	[sflag:s15] =	ssyncadd.s32 $0xFFFFF400  }
0x262: {  	[spmem:s3] =	stream.indirect.scatter.add.f32 [tilespmem:s13], [sflag:$0x3], $0x18, s8, s12, $0xb8;
	[tilespmem:$0x16000] =	vst v63  }
0x263: {  	_ =	swait.ge [sflag:s10], $0xC00  }
0x264: {  	[sflag:s10] =	ssyncset.done $0x0  }
0x265: {  	s9 =	rddreg [dreg:$0x12];
	[sflag:s10] =	ssyncadd.s32 $0xFFFFF400  }
0x266: {  	[tilespmem:s13], [sflag:$0x1] =	stream.indirect.gather [hbm4b:s5+s12], $0x18, s9, s12, $0xb8;
	[tilespmem:$0x16000] =	vst v63  }
0x267: {  	_ =	swait.ge [sflag:s16], $0xC00  }
0x268: {  	[sflag:s16] =	ssyncset.done $0x0  }
0x269: {  	s7 =	rddreg [dreg:$0x13];
	[sflag:s16] =	ssyncadd.s32 $0xFFFFF400  }
0x26a: {  	[spmem:s3] =	stream.indirect.scatter.add.f32 [tilespmem:s14], [sflag:$0x3], $0x18, s7, s12, $0xb8;
	[tilespmem:$0x16000] =	vst v63  }
0x26b: {  	_ =	swait.ge [sflag:s10], $0xC00  }
0x26c: {  	[sflag:s10] =	ssyncset.done $0x0  }
0x26d: {  	s8 =	rddreg [dreg:$0x14];
	[sflag:s10] =	ssyncadd.s32 $0xFFFFF400  }
0x26e: {  	[tilespmem:s14], [sflag:$0x2] =	stream.indirect.gather [hbm4b:s5+s12], $0x18, s8, s12, $0xb8;
	[tilespmem:$0x16000] =	vst v63  }
0x26f: {  	_ =	swait.ge [sflag:s15], $0xC00  }
0x270: {  	[sflag:s15] =	ssyncset.done $0x0  }
0x271: {  	s9 =	rddreg [dreg:$0x15];
	[sflag:s15] =	ssyncadd.s32 $0xFFFFF400  }
0x272: {  	[spmem:s3] =	stream.indirect.scatter.add.f32 [tilespmem:s13], [sflag:$0x3], $0x18, s9, s12, $0xb8;
	[tilespmem:$0x16000] =	vst v63  }
0x273: {  	_ =	swait.ge [sflag:s10], $0xC00  }
0x274: {  	[sflag:s10] =	ssyncset.done $0x0  }
0x275: {  	s7 =	rddreg [dreg:$0x16];
	[sflag:s10] =	ssyncadd.s32 $0xFFFFF400  }
0x276: {  	[tilespmem:s13], [sflag:$0x1] =	stream.indirect.gather [hbm4b:s5+s12], $0x18, s7, s12, $0xb8;
	[tilespmem:$0x16000] =	vst v63  }
0x277: {  	_ =	swait.ge [sflag:s16], $0xC00  }
0x278: {  	[sflag:s16] =	ssyncset.done $0x0  }
0x279: {  	s8 =	rddreg [dreg:$0x17];
	[sflag:s16] =	ssyncadd.s32 $0xFFFFF400  }
0x27a: {  	[spmem:s3] =	stream.indirect.scatter.add.f32 [tilespmem:s14], [sflag:$0x3], $0x18, s8, s12, $0xb8;
	[tilespmem:$0x16000] =	vst v63  }
0x27b: {  	_ =	swait.ge [sflag:s10], $0xC00  }
0x27c: {  	[sflag:s10] =	ssyncset.done $0x0  }
0x27d: {  	s9 =	rddreg [dreg:$0x18];
	[sflag:s10] =	ssyncadd.s32 $0xFFFFF400  }
0x27e: {  	[tilespmem:s14], [sflag:$0x2] =	stream.indirect.gather [hbm4b:s5+s12], $0x18, s9, s12, $0xb8;
	[tilespmem:$0x16000] =	vst v63  }
0x27f: {  	_ =	swait.ge [sflag:s15], $0xC00  }
0x280: {  	[sflag:s15] =	ssyncset.done $0x0  }
0x281: {  	s7 =	rddreg [dreg:$0x19];
	[sflag:s15] =	ssyncadd.s32 $0xFFFFF400  }
0x282: {  	[spmem:s3] =	stream.indirect.scatter.add.f32 [tilespmem:s13], [sflag:$0x3], $0x18, s7, s12, $0xb8;
	[tilespmem:$0x16000] =	vst v63  }
0x283: {  	_ =	swait.ge [sflag:s10], $0xC00  }
0x284: {  	[sflag:s10] =	ssyncset.done $0x0  }
0x285: {  	s8 =	rddreg [dreg:$0x1a];
	[sflag:s10] =	ssyncadd.s32 $0xFFFFF400  }
0x286: {  	[tilespmem:s13], [sflag:$0x1] =	stream.indirect.gather [hbm4b:s5+s12], $0x18, s8, s12, $0xb8;
	[tilespmem:$0x16000] =	vst v63  }
0x287: {  	_ =	swait.ge [sflag:s16], $0xC00  }
0x288: {  	[sflag:s16] =	ssyncset.done $0x0  }
0x289: {  	s9 =	rddreg [dreg:$0x1b];
	[sflag:s16] =	ssyncadd.s32 $0xFFFFF400  }
0x28a: {  	[spmem:s3] =	stream.indirect.scatter.add.f32 [tilespmem:s14], [sflag:$0x3], $0x18, s9, s12, $0xb8;
	[tilespmem:$0x16000] =	vst v63  }
0x28b: {  	_ =	swait.ge [sflag:s10], $0xC00  }
0x28c: {  	[sflag:s10] =	ssyncset.done $0x0  }
0x28d: {  	s7 =	rddreg [dreg:$0x1c];
	[sflag:s10] =	ssyncadd.s32 $0xFFFFF400  }
0x28e: {  	[tilespmem:s14], [sflag:$0x2] =	stream.indirect.gather [hbm4b:s5+s12], $0x18, s7, s12, $0xb8;
	[tilespmem:$0x16000] =	vst v63  }
0x28f: {  	_ =	swait.ge [sflag:s15], $0xC00  }
0x290: {  	[sflag:s15] =	ssyncset.done $0x0  }
0x291: {  	s8 =	rddreg [dreg:$0x1d];
	[sflag:s15] =	ssyncadd.s32 $0xFFFFF400  }
0x292: {  	[spmem:s3] =	stream.indirect.scatter.add.f32 [tilespmem:s13], [sflag:$0x3], $0x18, s8, s12, $0xb8;
	[tilespmem:$0x16000] =	vst v63  }
0x293: {  	_ =	swait.ge [sflag:s10], $0xC00  }
0x294: {  	[sflag:s10] =	ssyncset.done $0x0  }
0x295: {  	s9 =	rddreg [dreg:$0x1e];
	[sflag:s10] =	ssyncadd.s32 $0xFFFFF400  }
0x296: {  	[tilespmem:s13], [sflag:$0x1] =	stream.indirect.gather [hbm4b:s5+s12], $0x18, s9, s12, $0xb8;
	[tilespmem:$0x16000] =	vst v63  }
0x297: {  	_ =	swait.ge [sflag:s16], $0xC00  }
0x298: {  	[sflag:s16] =	ssyncset.done $0x0  }
0x299: {  	s7 =	rddreg [dreg:$0x1f];
	[sflag:s16] =	ssyncadd.s32 $0xFFFFF400  }
0x29a: {  	[spmem:s3] =	stream.indirect.scatter.add.f32 [tilespmem:s14], [sflag:$0x3], $0x18, s7, s12, $0xb8;
	[tilespmem:$0x16000] =	vst v63  }
0x29b: {  	_ =	swait.ge [sflag:s10], $0xC00  }
0x29c: {  	s8 =	sld [smem:$0x7F0]  }
0x29d: {  	[sflag:s10] =	ssyncset.done $0x0  }
0x29e: {  	[sflag:s10] =	ssyncadd.s32 $0xFFFFF400  }
0x29f: {  	[tilespmem:s14], [sflag:$0x2] =	stream.indirect.gather [hbm4b:s5+s12], $0x18, s8, s12, $0xb8;
	[tilespmem:$0x16000] =	vst v63  }
0x2a0: {  	_ =	swait.ge [sflag:s15], $0xC00  }
0x2a1: {  	s9 =	sld [smem:$0x7F2]  }
0x2a2: {  	[sflag:s15] =	ssyncset.done $0x0  }
0x2a3: {  	[sflag:s15] =	ssyncadd.s32 $0xFFFFF400  }
0x2a4: {  	[spmem:s3] =	stream.indirect.scatter.add.f32 [tilespmem:s13], [sflag:$0x3], $0x18, s9, s12, $0xb8;
	[tilespmem:$0x16000] =	vst v63  }
0x2a5: {  	_ =	swait.ge [sflag:s10], $0xC00  }
0x2a6: {  	s7 =	sld [smem:$0x7F4]  }
0x2a7: {  	[sflag:s10] =	ssyncset.done $0x0  }
0x2a8: {  	[sflag:s10] =	ssyncadd.s32 $0xFFFFF400  }
0x2a9: {  	[tilespmem:s13], [sflag:$0x1] =	stream.indirect.gather [hbm4b:s5+s12], $0x18, s7, s12, $0xb8;
	[tilespmem:$0x16000] =	vst v63  }
0x2aa: {  	_ =	swait.ge [sflag:s16], $0xC00  }
0x2ab: {  	s8 =	sld [smem:$0x7F5]  }
0x2ac: {  	[sflag:s16] =	ssyncset.done $0x0  }
0x2ad: {  	[sflag:s16] =	ssyncadd.s32 $0xFFFFF400  }
0x2ae: {  	[spmem:s3] =	stream.indirect.scatter.add.f32 [tilespmem:s14], [sflag:$0x3], $0x18, s8, s12, $0xb8;
	[tilespmem:$0x16000] =	vst v63  }
0x2af: {  	_ =	swait.ge [sflag:s10], $0xC00  }
0x2b0: {  	s9 =	sld [smem:$0x7F6]  }
0x2b1: {  	[sflag:s10] =	ssyncset.done $0x0  }
0x2b2: {  	[sflag:s10] =	ssyncadd.s32 $0xFFFFF400  }
0x2b3: {  	[tilespmem:s14], [sflag:$0x2] =	stream.indirect.gather [hbm4b:s5+s12], $0x18, s9, s12, $0xb8;
	[tilespmem:$0x16000] =	vst v63  }
0x2b4: {  	_ =	swait.ge [sflag:s15], $0xC00  }
0x2b5: {  	s7 =	sld [smem:$0x7F7]  }
0x2b6: {  	[sflag:s15] =	ssyncset.done $0x0  }
0x2b7: {  	[sflag:s15] =	ssyncadd.s32 $0xFFFFF400  }
0x2b8: {  	[spmem:s3] =	stream.indirect.scatter.add.f32 [tilespmem:s13], [sflag:$0x3], $0x18, s7, s12, $0xb8;
	[tilespmem:$0x16000] =	vst v63  }
0x2b9: {  	_ =	swait.ge [sflag:s10], $0xC00  }
0x2ba: {  	s8 =	sld [smem:$0x7F8]  }
0x2bb: {  	[sflag:s10] =	ssyncset.done $0x0  }
0x2bc: {  	[sflag:s10] =	ssyncadd.s32 $0xFFFFF400  }
0x2bd: {  	[tilespmem:s13], [sflag:$0x1] =	stream.indirect.gather [hbm4b:s5+s12], $0x18, s8, s12, $0xb8;
	[tilespmem:$0x16000] =	vst v63  }
0x2be: {  	_ =	swait.ge [sflag:s16], $0xC00  }
0x2bf: {  	s9 =	sld [smem:$0x7F9]  }
0x2c0: {  	[sflag:s16] =	ssyncset.done $0x0  }
0x2c1: {  	[sflag:s16] =	ssyncadd.s32 $0xFFFFF400  }
0x2c2: {  	[spmem:s3] =	stream.indirect.scatter.add.f32 [tilespmem:s14], [sflag:$0x3], $0x18, s9, s12, $0xb8;
	[tilespmem:$0x16000] =	vst v63  }
0x2c3: {  	_ =	swait.ge [sflag:s10], $0xC00  }
0x2c4: {  	s7 =	sld [smem:$0x7FA]  }
0x2c5: {  	[sflag:s10] =	ssyncset.done $0x0  }
0x2c6: {  	[sflag:s10] =	ssyncadd.s32 $0xFFFFF400  }
0x2c7: {  	[tilespmem:s14], [sflag:$0x2] =	stream.indirect.gather [hbm4b:s5+s12], $0x18, s7, s12, $0xb8;
	[tilespmem:$0x16000] =	vst v63  }
0x2c8: {  	_ =	swait.ge [sflag:s15], $0xC00  }
0x2c9: {  	s8 =	sld [smem:$0x7FB]  }
0x2ca: {  	[sflag:s15] =	ssyncset.done $0x0  }
0x2cb: {  	[sflag:s15] =	ssyncadd.s32 $0xFFFFF400  }
0x2cc: {  	[spmem:s3] =	stream.indirect.scatter.add.f32 [tilespmem:s13], [sflag:$0x3], $0x18, s8, s12, $0xb8;
	[tilespmem:$0x16000] =	vst v63  }
0x2cd: {  	_ =	swait.ge [sflag:s10], $0xC00  }
0x2ce: {  	[sflag:s10] =	ssyncset.done $0x0  }
0x2cf: {  	[sflag:s10] =	ssyncadd.s32 $0xFFFFF400  }
0x2d0: {  	[tilespmem:s13], [sflag:$0x1] =	stream.indirect.gather [hbm4b:s5+s12], $0x18, s17, s12, $0xb8;
	[tilespmem:$0x16000] =	vst v63  }
0x2d1: {  	_ =	swait.ge [sflag:s16], $0xC00  }
0x2d2: {  	[sflag:s16] =	ssyncset.done $0x0  }
0x2d3: {  	[sflag:s16] =	ssyncadd.s32 $0xFFFFF400  }
0x2d4: {  	[spmem:s3] =	stream.indirect.scatter.add.f32 [tilespmem:s14], [sflag:$0x3], $0x18, s18, s12, $0xb8;
	[tilespmem:$0x16000] =	vst v63  }
0x2d5: {  	_ =	swait.ge [sflag:s10], $0xC00  }
0x2d6: {  	[sflag:s10] =	ssyncset.done $0x0  }
0x2d7: {  	[sflag:s10] =	ssyncadd.s32 $0xFFFFF400  }
0x2d8: {  	[tilespmem:s14], [sflag:$0x2] =	stream.indirect.gather [hbm4b:s5+s12], $0x18, s19, s12, $0xb8;
	[tilespmem:$0x16000] =	vst v63  }
0x2d9: {  	_ =	swait.ge [sflag:s15], $0xC00  }
0x2da: {  	[sflag:s15] =	ssyncset.done $0x0  }
0x2db: {  	[sflag:s15] =	ssyncadd.s32 $0xFFFFF400  }
0x2dc: {  	[spmem:s3] =	stream.indirect.scatter.add.f32 [tilespmem:s13], [sflag:$0x3], $0x18, s20, s12, $0xb8;
	[tilespmem:$0x16000] =	vst v63  }
0x2dd: {  	_ =	swait.ge [sflag:s10], $0xC00  }
0x2de: {  	[sflag:s10] =	ssyncset.done $0x0  }
0x2df: {  	[sflag:s10] =	ssyncadd.s32 $0xFFFFF400  }
0x2e0: {  	[tilespmem:s13], [sflag:$0x1] =	stream.indirect.gather [hbm4b:s5+s12], $0x18, s21, s12, $0xb8;
	[tilespmem:$0x16000] =	vst v63  }
0x2e1: {  	_ =	swait.ge [sflag:s16], $0xC00  }
0x2e2: {  	[sflag:s16] =	ssyncset.done $0x0  }
0x2e3: {  	[sflag:s16] =	ssyncadd.s32 $0xFFFFF400  }
0x2e4: {  	[spmem:s3] =	stream.indirect.scatter.add.f32 [tilespmem:s14], [sflag:$0x3], $0x18, s22, s12, $0xb8;
	[tilespmem:$0x16000] =	vst v63  }
0x2e5: {  	_ =	swait.ge [sflag:s10], $0xC00  }
0x2e6: {  	[sflag:s10] =	ssyncset.done $0x0  }
0x2e7: {  	[sflag:s10] =	ssyncadd.s32 $0xFFFFF400  }
0x2e8: {  	[tilespmem:s14], [sflag:$0x2] =	stream.indirect.gather [hbm4b:s5+s12], $0x18, s23, s12, $0xb8;
	[tilespmem:$0x16000] =	vst v63  }
0x2e9: {  	_ =	swait.ge [sflag:s15], $0xC00  }
0x2ea: {  	[sflag:s15] =	ssyncset.done $0x0  }
0x2eb: {  	[sflag:s15] =	ssyncadd.s32 $0xFFFFF400  }
0x2ec: {  	[spmem:s3] =	stream.indirect.scatter.add.f32 [tilespmem:s13], [sflag:$0x3], $0x18, s24, s12, $0xb8;
	[tilespmem:$0x16000] =	vst v63  }
0x2ed: {  	_ =	swait.ge [sflag:s10], $0xC00  }
0x2ee: {  	[sflag:s10] =	ssyncset.done $0x0  }
0x2ef: {  	[sflag:s10] =	ssyncadd.s32 $0xFFFFF400  }
0x2f0: {  	[tilespmem:s13], [sflag:$0x1] =	stream.indirect.gather [hbm4b:s5+s12], $0x18, s25, s12, $0xb8;
	[tilespmem:$0x16000] =	vst v63  }
0x2f1: {  	_ =	swait.ge [sflag:s16], $0xC00  }
0x2f2: {  	[sflag:s16] =	ssyncset.done $0x0  }
0x2f3: {  	[sflag:s16] =	ssyncadd.s32 $0xFFFFF400  }
0x2f4: {  	[spmem:s3] =	stream.indirect.scatter.add.f32 [tilespmem:s14], [sflag:$0x3], $0x18, s26, s12, $0xb8;
	[tilespmem:$0x16000] =	vst v63  }
0x2f5: {  	_ =	swait.ge [sflag:s10], $0xC00  }
0x2f6: {  	[sflag:s10] =	ssyncset.done $0x0  }
0x2f7: {  	[sflag:s10] =	ssyncadd.s32 $0xFFFFF400  }
0x2f8: {  	[tilespmem:s14], [sflag:$0x2] =	stream.indirect.gather [hbm4b:s5+s12], $0x18, s28, s12, $0xb8;
	[tilespmem:$0x16000] =	vst v63  }
0x2f9: {  	_ =	swait.ge [sflag:s15], $0xC00  }
0x2fa: {  	[sflag:s15] =	ssyncset.done $0x0  }
0x2fb: {  	[sflag:s15] =	ssyncadd.s32 $0xFFFFF400  }
0x2fc: {  	[spmem:s3] =	stream.indirect.scatter.add.f32 [tilespmem:s13], [sflag:$0x3], $0x18, s29, s12, $0xb8;
	[tilespmem:$0x16000] =	vst v63  }
0x2fd: {  	_ =	swait.ge [sflag:s10], $0xC00  }
0x2fe: {  	[sflag:s10] =	ssyncset.done $0x0  }
0x2ff: {  	[sflag:s10] =	ssyncadd.s32 $0xFFFFF400  }
0x300: {  	[tilespmem:s13], [sflag:$0x1] =	stream.indirect.gather [hbm4b:s5+s12], $0x18, s30, s12, $0xb8;
	[tilespmem:$0x16000] =	vst v63  }
0x301: {  	_ =	swait.ge [sflag:s16], $0xC00  }
0x302: {  	[sflag:s16] =	ssyncset.done $0x0  }
0x303: {  	[sflag:s16] =	ssyncadd.s32 $0xFFFFF400  }
0x304: {  	[spmem:s3] =	stream.indirect.scatter.add.f32 [tilespmem:s14], [sflag:$0x3], $0x18, s31, s12, $0xb8;
	[tilespmem:$0x16000] =	vst v63  }
0x305: {  	_ =	swait.ge [sflag:s10], $0xC00  }
0x306: {  	[sflag:s10] =	ssyncset.done $0x0  }
0x307: {  	[sflag:s10] =	ssyncadd.s32 $0xFFFFF400  }
0x308: {  	[tilespmem:s14], [sflag:$0x2] =	stream.indirect.gather [hbm4b:s5+s12], $0x18, s1, s12, $0xb8;
	[tilespmem:$0x16000] =	vst v63  }
0x309: {  	_ =	swait.ge [sflag:s15], $0xC00  }
0x30a: {  	[sflag:s15] =	ssyncset.done $0x0  }
0x30b: {  	[sflag:s15] =	ssyncadd.s32 $0xFFFFF400  }
0x30c: {  	[spmem:s3] =	stream.indirect.scatter.add.f32 [tilespmem:s13], [sflag:$0x3], $0x18, s0, s12, $0xb8;
	[tilespmem:$0x16000] =	vst v63  }
0x30d: {  	_ =	swait.ge [sflag:s10], $0xC00  }
0x30e: {  	[sflag:s10] =	ssyncset.done $0x0  }
0x30f: {  	[sflag:s10] =	ssyncadd.s32 $0xFFFFF400  }
0x310: {  	_ =	swait.ge [sflag:s16], $0xC00  }
0x311: {  	[sflag:s16] =	ssyncset.done $0x0  }
0x312: {  	[sflag:s16] =	ssyncadd.s32 $0xFFFFF400  }
0x313: {  	[spmem:s3] =	stream.indirect.scatter.add.f32 [tilespmem:s14], [sflag:$0x3], $0x18, s2, s12, $0xb8;
	[tilespmem:$0x16000] =	vst v63  }
0x314: {  	_ =	swait.ge [sflag:s10], $0xC00  }
0x315: {  	[sflag:s10] =	ssyncset.done $0x0  }
0x316: {  	[sflag:s10] =	ssyncadd.s32 $0xFFFFF400  }
0x317: {  	[bflag:$0x0] =	sbarrier.arrive $0xFFFF  }
0x318: {  	s7 =	sld [smem:$0x7FC]  }
0x319: {  	s9 =	sld [smem:$0x7F1]  }
0x31a: {  	s8 =	sld [smem:$0x7FD];
	_ =	sdelay $0x2  }
0x31b: {  	[hbm:s9], [sflag:s7] =	dma.local [spmem:s8], $0x2580  }
0x31c: {  	_ =	swait.ge [sflag:s10], $0x2580  }
0x31d: {  	s6 =	sld [smem:$0x7EF];
	_ =	sdelay $0x2  }
0x31e: {  	s9 =	sadd.s32 $0x1, s6;
	s6 =	sld [smem:$0x7F3];
	_ =	sdelay $0x2  }
0x31f: {  	p0 =	sne.s32 s9, s6  }
.Ltmp1:
0x320: {  	_ = 	snop;
	(pc) =	sbr.rel @p0 .LBB2_1-.Ltmp1, $3  }
0x321: {  	_ =	sdelay $0x1  }
0x322: {  	[sflag:s10] =	ssyncset.done $0x0  }
0x323: {  	[sflag:s10] =	ssyncadd.s32 $0xFFFFDA80  }
0x324: {  	_ =	sfence.sel $0x180000  }
0x325: {  	[bflag:$0x0] =	sbarrier.arrive $0xFFFF  }
0x326: {  	_ =	strace $0x9000004A  }
0x327: {  	s0 =	stileid.u32;
	[bflag:$0x2] =	sbarrier.arrive $0xFFFF  }
0x328: {  	p0 =	sne.s32 s0, $0x0;
	s0 =	rddreg [dreg:$0x3]  }
0x329: {  	s0 =	sadd.s32 @!p0 $0x100000, s0  }
0x32a: {  	[sflag:s0] =	ssyncadd.tile.s32 @!p0 $0x1;
	_ =	shalt  }
.Lfunc_end2:
_tile_overlayer_lowered:
.L_overlay_start_2:
0x32b: {  	(tag) =	ssettag $0x2  }
0x32c: {  	s0 =	rddreg [dreg:$0x0];
	s2 =	stileid.u32  }
0x32d: {  	s1 =	rddreg [dreg:$0x1];
	p0 =	sne.s32 s2, $0x0  }
0x32e: {  	s3 =	rddreg [dreg:$0x2];
	[bflag:$0x3] =	sbarrier.arrive $0xFFFF;
	s2 =	simm.s32 @!p0 $0x1C03  }
0x32f: {  	[timem:s3], [sflag:s2] =	dma.local @!p0 [hbm:s0], s1  }
0x330: {  	s0 =	simm.s32 @!p0 $0x3  }
0x331: {  	_ =	swait.ge @!p0 [sflag:s0], s1  }
0x332: {  	s1 =	ssub.s32 @!p0 $0x0, s1;
	[sflag:s0] =	ssyncset.done @!p0 $0x0  }
0x333: {  	[sflag:s0] =	ssyncadd.s32 @!p0 s1  }
0x334: {  	[bflag:$0x3] =	sbarrier.arrive $0xFFFF  }
0x335: {  	_ =	shalt  }

</sc_bundles>
